<compile_context>
chip_gen: v7x
topology: tpu7x:2x2x1
jax: 0.10.2.dev20260603
libtpu: 0.0.44.dev20260713+nightly
codegen_flags: <defaults>
</compile_context>

<pallas_src>
import functools

import numpy as np

import jax
import jax.numpy as jnp
from jax import lax
from jax.experimental import pallas as pl
from jax.experimental.pallas import tpu as pltpu
from jax.experimental.pallas import tpu_sc as plsc

_CROP = 7
_SIZES = (64, 32, 16, 8, 4)
_BASES = (0, 4096, 5120, 5376, 5440)
_ROWS_PER_BATCH = 5456
_CHUNK = 16
_NBUF = 4
_NUM_TILES = 32


def _point_indices_weights(image_shape, boxes):
    img = image_shape.astype(jnp.float32)
    x1 = boxes[..., 0]
    y1 = boxes[..., 1]
    x2 = boxes[..., 2]
    y2 = boxes[..., 3]
    w = x2 - x1
    h = y2 - y1
    size = jnp.sqrt(w * h)
    levels = jnp.clip(jnp.floor(1.0 + jnp.log2(size / 224.0 + 1e-7)), 0.0, 4.0)
    li = levels.astype(jnp.int32)
    si = jnp.int32(_SIZES[0]) >> li
    s = si.astype(jnp.float32)
    base = (jnp.int32(16384) - 4 * si * si) // 3

    y1n = y1 / img[1] * s / (s - 1.0)
    x1n = x1 / img[2] * s / (s - 1.0)
    y2n = (y2 / img[1] * s - 1.0) / (s - 1.0)
    x2n = (x2 / img[2] * s - 1.0) / (s - 1.0)
    hf = s - 1.0
    t = jnp.arange(_CROP, dtype=jnp.float32)[None, :, None] / jnp.float32(
        _CROP - 1)
    ys = (y1n[:, None, :] + t * (y2n - y1n)[:, None, :]) * hf[:, None, :]
    xs = (x1n[:, None, :] + t * (x2n - x1n)[:, None, :]) * hf[:, None, :]
    valid_y = (ys >= 0.0) & (ys <= hf[:, None, :])
    valid_x = (xs >= 0.0) & (xs <= hf[:, None, :])
    y0f = jnp.floor(ys)
    x0f = jnp.floor(xs)
    wy = ys - y0f
    wx = xs - x0f
    smax = si[:, None, :] - 1
    y0i = jnp.clip(y0f.astype(jnp.int32), 0, smax)
    y1i = jnp.clip(y0i + 1, 0, smax)
    x0i = jnp.clip(x0f.astype(jnp.int32), 0, smax)
    x1i = jnp.clip(x0i + 1, 0, smax)

    b_arange = jnp.arange(boxes.shape[0], dtype=jnp.int32)
    rowbase = (b_arange[:, None] * _ROWS_PER_BATCH + base)[:, None, None, :]
    s_bc = si[:, None, None, :]
    yy0 = y0i[:, :, None, :] * s_bc + rowbase
    yy1 = y1i[:, :, None, :] * s_bc + rowbase
    xx0 = x0i[:, None, :, :]
    xx1 = x1i[:, None, :, :]
    idx = jnp.stack(
        [yy0 + xx0, yy0 + xx1, yy1 + xx0, yy1 + xx1])

    m = (valid_y[:, :, None, :] & valid_x[:, None, :, :]).astype(jnp.float32)
    wy_p = wy[:, :, None, :]
    wx_q = wx[:, None, :, :]
    wgt = jnp.stack(
        [
            (1.0 - wy_p) * (1.0 - wx_q) * m,
            (1.0 - wy_p) * wx_q * m,
            wy_p * (1.0 - wx_q) * m,
            wy_p * wx_q * m,
        ])
    return idx, wgt


@functools.lru_cache(maxsize=None)
def _make_sc_call(n_points, n_real, n_chan):
    pts_per_tile = n_points // _NUM_TILES
    nchunks = pts_per_tile // _CHUNK
    assert nchunks % _NBUF == 0
    assert n_real % _CHUNK == 0
    npt = pts_per_tile * 4
    nv = n_chan // 16
    mesh = plsc.VectorSubcoreMesh(core_axis_name="c", subcore_axis_name="s")

    @functools.partial(
        pl.kernel,
        mesh=mesh,
        out_type=jax.ShapeDtypeStruct((n_real, n_chan), jnp.float32),
        scratch_types=(
            [pltpu.VMEM((4, pts_per_tile + 16), jnp.int32)]
            + [pltpu.VMEM((4 * pts_per_tile + 16,), jnp.float32)]
            + [pltpu.VMEM((_CHUNK * 4,), jnp.int32)] * _NBUF
            + [pltpu.VMEM((_CHUNK * 4, n_chan), jnp.float32)] * _NBUF
            + [pltpu.VMEM((_CHUNK, n_chan), jnp.float32)] * _NBUF
            + [pltpu.SemaphoreType.DMA] * (2 * _NBUF)
        ),
    )
    def roi_gather_combine(idx_hbm, wgt_hbm, table_hbm, out_hbm,
                           idx_v, wgt_v, *bufs):
        wid = lax.axis_index("s") * 2 + lax.axis_index("c")
        pt0 = wid * pts_per_tile
        idxbs = bufs[0:_NBUF]
        rows = bufs[_NBUF:2 * _NBUF]
        outs = bufs[2 * _NBUF:3 * _NBUF]
        gsems = bufs[3 * _NBUF:4 * _NBUF]
        osems = bufs[4 * _NBUF:5 * _NBUF]

        for k in range(4):
            pltpu.sync_copy(
                idx_hbm.at[pl.ds(k * n_points + pt0, pts_per_tile)],
                idx_v.at[k, pl.ds(0, pts_per_tile)])
            pltpu.sync_copy(
                wgt_hbm.at[pl.ds(k * n_points + pt0, pts_per_tile)],
                wgt_v.at[pl.ds(k * pts_per_tile, pts_per_tile)])

        def gstart(c, buf):
            for k in range(4):
                for j in range(_CHUNK // 16):
                    idxbs[buf][pl.ds(k * _CHUNK + j * 16, 16)] = (
                        idx_v[k, pl.ds(c * _CHUNK + j * 16, 16)])
            pltpu.async_copy(table_hbm.at[idxbs[buf]], rows[buf], gsems[buf])

        def gwait(c, buf):
            pltpu.make_async_copy(table_hbm.at[idxbs[buf]], rows[buf],
                                  gsems[buf]).wait()

        def ostart(c, buf):
            base = (c * _NUM_TILES + wid) * _CHUNK

            @pl.when(base < n_real)
            def _():
                pltpu.async_copy(outs[buf], out_hbm.at[pl.ds(base, _CHUNK)],
                                 osems[buf])

        def owait(c, buf):
            base = (c * _NUM_TILES + wid) * _CHUNK

            @pl.when(jnp.logical_and(c >= 0, base < n_real))
            def _():
                pltpu.make_async_copy(outs[buf],
                                      out_hbm.at[pl.ds(base, _CHUNK)],
                                      osems[buf]).wait()

        def compute(c, buf):
            rbuf = rows[buf]
            obuf = outs[buf]

            def pt_body(i, carry):
                acc = [jnp.zeros((16,), jnp.float32)] * nv
                for k in range(4):
                    wv = wgt_v[pl.ds(k * pts_per_tile + c * _CHUNK + i, 16)]
                    wk = jnp.full((16,), wv[0], jnp.float32)
                    for j in range(nv):
                        acc[j] = acc[j] + rbuf[k * _CHUNK + i,
                                               pl.ds(j * 16, 16)] * wk
                for j in range(nv):
                    obuf[i, pl.ds(j * 16, 16)] = acc[j]
                return carry

            lax.fori_loop(0, _CHUNK, pt_body, 0, unroll=False)

        for u in range(_NBUF - 1):
            gstart(u, u)

        def body(h, carry):
            for u in range(_NBUF):
                c = _NBUF * h + u

                @pl.when(c + _NBUF - 1 < nchunks)
                def _():
                    gstart(c + _NBUF - 1, (u + _NBUF - 1) % _NBUF)

                gwait(c, u)
                owait(c - _NBUF, u)
                compute(c, u)
                ostart(c, u)
            return carry

        lax.fori_loop(0, nchunks // _NBUF, body, 0, unroll=False)
        for u in range(_NBUF):
            owait(nchunks - _NBUF + u, u)

    return roi_gather_combine


def kernel(image_shape, boxes, scores, fpn0, fpn1, fpn2, fpn3, fpn4):
    del scores
    b, n = boxes.shape[:2]
    c = fpn0.shape[-1]
    fpns = (fpn0, fpn1, fpn2, fpn3, fpn4)
    table = jnp.concatenate([f.reshape(b, -1, c) for f in fpns], axis=1)
    table = table.reshape(b * _ROWS_PER_BATCH, c)

    idx, wgt = _point_indices_weights(image_shape, boxes)
    n_pts = _CROP * _CROP
    n_real = b * n * n_pts
    grain = _NUM_TILES * _CHUNK * _NBUF
    n_points = ((n_real + grain - 1) // grain) * grain
    idx = jnp.pad(idx.reshape(4, n_real), ((0, 0), (0, n_points - n_real)))
    wgt = jnp.pad(wgt.reshape(4, n_real), ((0, 0), (0, n_points - n_real)))
    gpt = n_points // (_NUM_TILES * _CHUNK)
    idx = idx.reshape(4, gpt, _NUM_TILES, _CHUNK).transpose(0, 2, 1, 3)
    wgt = wgt.reshape(4, gpt, _NUM_TILES, _CHUNK).transpose(0, 2, 1, 3)

    call = _make_sc_call(n_points, n_real, c)
    out = call(idx.reshape(4 * n_points), wgt.reshape(4 * n_points), table)
    return out.reshape(b, _CROP, _CROP, n, c).transpose(0, 3, 1, 2, 4)

# --- scband reference (transcript-rebuilt; emitter-appended) ---
"""Pipeline reference for scband-roi-align-77111842832905 (READ-ONLY COPY).

The authoritative reference and input builder live on the scoring server;
editing this copy changes nothing except your own understanding.
"""

import jax, jax.numpy as jnp
import numpy as np

CROP = (7, 7)


def _crop_and_resize(image, boxes, crop_size):
    # TF crop_and_resize semantics, single image [H, W, C], boxes [n, 4] = (y1, x1, y2, x2) normalized.
    H, W, C = image.shape
    ch, cw = crop_size
    Hf = jnp.float32(H - 1)
    Wf = jnp.float32(W - 1)
    y1 = boxes[:, 0]; x1 = boxes[:, 1]; y2 = boxes[:, 2]; x2 = boxes[:, 3]
    ty = jnp.arange(ch, dtype=jnp.float32) / jnp.float32(ch - 1)
    tx = jnp.arange(cw, dtype=jnp.float32) / jnp.float32(cw - 1)
    ys = (y1[:, None] + ty[None, :] * (y2 - y1)[:, None]) * Hf  # [n, ch]
    xs = (x1[:, None] + tx[None, :] * (x2 - x1)[:, None]) * Wf  # [n, cw]
    valid_y = (ys >= 0.0) & (ys <= Hf)
    valid_x = (xs >= 0.0) & (xs <= Wf)
    y0f = jnp.floor(ys); x0f = jnp.floor(xs)
    wy = (ys - y0f)[:, :, None, None]
    wx = (xs - x0f)[:, None, :, None]
    y0i = jnp.clip(y0f.astype(jnp.int32), 0, H - 1)
    y1i = jnp.clip(y0i + 1, 0, H - 1)
    x0i = jnp.clip(x0f.astype(jnp.int32), 0, W - 1)
    x1i = jnp.clip(x0i + 1, 0, W - 1)
    Y0 = y0i[:, :, None]; Y1 = y1i[:, :, None]
    X0 = x0i[:, None, :]; X1 = x1i[:, None, :]
    v00 = image[Y0, X0]  # [n, ch, cw, C] gathers
    v01 = image[Y0, X1]
    v10 = image[Y1, X0]
    v11 = image[Y1, X1]
    top = v00 * (1.0 - wx) + v01 * wx
    bot = v10 * (1.0 - wx) + v11 * wx
    out = top * (1.0 - wy) + bot * wy
    mask = (valid_y[:, :, None] & valid_x[:, None, :]).astype(out.dtype)[..., None]
    return out * mask  # extrapolation_value = 0


def _map_to_level(boxes, canonical_size=224.0, canonical_level=1.0, min_level=0.0, max_level=4.0):
    w = boxes[:, 2] - boxes[:, 0]
    h = boxes[:, 3] - boxes[:, 1]
    size = jnp.sqrt(w * h)
    levels = jnp.floor(canonical_level + jnp.log2(size / canonical_size + 1e-7))
    return jnp.clip(levels, min_level, max_level)


def _forward(image_shape, boxes, scores, fpns, crop_size):
    img = image_shape.astype(jnp.float32)
    boxes = jax.lax.stop_gradient(boxes)
    scores = jax.lax.stop_gradient(scores)
    fpns = [jax.lax.stop_gradient(f) for f in fpns]
    B = boxes.shape[0]
    outs = []
    for b in range(B):
        bb = boxes[b]
        levels = _map_to_level(bb)
        acc = None
        for i, f in enumerate(fpns):
            fmap = f[b]
            fh = jnp.float32(fmap.shape[0])
            fw = jnp.float32(fmap.shape[1])
            y1n = bb[:, 1] / img[1] * fh / (fh - 1.0)
            x1n = bb[:, 0] / img[2] * fw / (fw - 1.0)
            y2n = (bb[:, 3] / img[1] * fh - 1.0) / (fh - 1.0)
            x2n = (bb[:, 2] / img[2] * fw - 1.0) / (fw - 1.0)
            lb = jnp.stack([y1n, x1n, y2n, x2n], axis=1)
            crops = _crop_and_resize(fmap, lb, crop_size)
            # masked sum == per-level gather + crop + scatter_nd back to original order
            mask = (levels == jnp.float32(i)).astype(jnp.float32)[:, None, None, None]
            contrib = crops * mask
            acc = contrib if acc is None else acc + contrib
        outs.append(acc)
    return jnp.stack(outs, axis=0)  # [B, N, ch, cw, C]


def setup_inputs(seed: int = 0) -> dict:
    key = jax.random.key(seed)
    ks = jax.random.split(key, 12)
    B, N, C = 2, 1000, 256
    img_w = 512.0; img_h = 512.0
    x1 = jax.random.uniform(ks[0], (B, N), dtype=jnp.float32) * 460.0
    y1 = jax.random.uniform(ks[1], (B, N), dtype=jnp.float32) * 460.0
    w = 16.0 + jax.random.uniform(ks[2], (B, N), dtype=jnp.float32) * 300.0
    h = 16.0 + jax.random.uniform(ks[3], (B, N), dtype=jnp.float32) * 300.0
    x2 = jnp.minimum(x1 + w, img_w)
    y2 = jnp.minimum(y1 + h, img_h)
    boxes = jnp.stack([x1, y1, x2, y2], axis=2)  # (x1, y1, x2, y2) pixel coords
    scores = jax.random.uniform(ks[4], (B, N), dtype=jnp.float32)
    image_shape = jnp.array([B, 512, 512, 3], dtype=jnp.int32)
    fpn_sizes = [64, 32, 16, 8, 4]
    out = {"image_shape": image_shape, "boxes": boxes, "scores": scores}
    for i, s in enumerate(fpn_sizes):
        out[f"fpn{i}"] = jax.random.normal(ks[5 + i], (B, s, s, C), dtype=jnp.float32)
    return out


def reference(image_shape, boxes, scores, fpn0, fpn1, fpn2, fpn3, fpn4):
    return _forward(image_shape, boxes, scores, [fpn0, fpn1, fpn2, fpn3, fpn4], CROP)

if __name__ == "__main__":
    import jax
    _d = setup_inputs()
    print(jax.jit(kernel)(*tuple(_d.values())))

</pallas_src>

<mosaic_0001>
#map = affine_map<(d0, d1) -> (0)>
#map1 = affine_map<(d0, d1) -> (0, 0)>
module attributes {stable_mosaic.version = 14 : i64} {
  func.func @roi_gather_combine(%arg0: i32, %arg1: i32, %arg2: memref<393216xi32, #tpu.memory_space<hbm>>, %arg3: memref<393216xf32, #tpu.memory_space<hbm>>, %arg4: memref<10912x256xf32, #tpu.memory_space<hbm>>, %arg5: memref<98000x256xf32, #tpu.memory_space<hbm>>, %arg6: memref<4x3088xi32, #tpu.memory_space<vmem>>, %arg7: memref<12304xf32, #tpu.memory_space<vmem>>, %arg8: memref<64xi32, #tpu.memory_space<vmem>>, %arg9: memref<64xi32, #tpu.memory_space<vmem>>, %arg10: memref<64xi32, #tpu.memory_space<vmem>>, %arg11: memref<64xi32, #tpu.memory_space<vmem>>, %arg12: memref<64x256xf32, #tpu.memory_space<vmem>>, %arg13: memref<64x256xf32, #tpu.memory_space<vmem>>, %arg14: memref<64x256xf32, #tpu.memory_space<vmem>>, %arg15: memref<64x256xf32, #tpu.memory_space<vmem>>, %arg16: memref<16x256xf32, #tpu.memory_space<vmem>>, %arg17: memref<16x256xf32, #tpu.memory_space<vmem>>, %arg18: memref<16x256xf32, #tpu.memory_space<vmem>>, %arg19: memref<16x256xf32, #tpu.memory_space<vmem>>, %arg20: memref<!tpu.dma_semaphore, #tpu.memory_space<semaphore_mem>>, %arg21: memref<!tpu.dma_semaphore, #tpu.memory_space<semaphore_mem>>, %arg22: memref<!tpu.dma_semaphore, #tpu.memory_space<semaphore_mem>>, %arg23: memref<!tpu.dma_semaphore, #tpu.memory_space<semaphore_mem>>, %arg24: memref<!tpu.dma_semaphore, #tpu.memory_space<semaphore_mem>>, %arg25: memref<!tpu.dma_semaphore, #tpu.memory_space<semaphore_mem>>, %arg26: memref<!tpu.dma_semaphore, #tpu.memory_space<semaphore_mem>>, %arg27: memref<!tpu.dma_semaphore, #tpu.memory_space<semaphore_mem>>) attributes {dimension_semantics = [#tpu.dimension_semantics<core_parallel>, #tpu.dimension_semantics<subcore_parallel>], iteration_bounds = array<i64: 2, 16>, scalar_prefetch = 0 : i64, scratch_operands = 22 : i64, tpu.core_type = #tpu.core_type<sc_vector_subcore>, window_params = [{transform_indices = #map}, {transform_indices = #map}, {transform_indices = #map1}, {transform_indices = #map1}]} {
    %mul3A = arith.constant 2 : i32
    %mul3A_0 = arith.muli %arg1, %mul3A : i32
    %add3A = arith.addi %mul3A_0, %arg0 : i32
    %mul3A_1 = arith.constant 3072 : i32
    %mul3A_2 = arith.muli %add3A, %mul3A_1 : i32
    %add3A_3 = arith.constant 0 : i32
    %add3A_4 = arith.addi %add3A_3, %mul3A_2 : i32
    %run_scoped3A = arith.constant 0 : i32
    "tpu.region"() ({
      %run_scoped3A_181 = tpu.sem_alloc : memref<!tpu.dma_semaphore, #tpu.memory_space<semaphore_mem>>
      %dma_start3A_182 = arith.constant 0 : i32
      %dma_start3A_183 = tpu.memref_slice %arg6[%run_scoped3A, %dma_start3A_182] : memref<4x3088xi32, #tpu.memory_space<vmem>> -> memref<1x3072xi32, #tpu.memory_space<vmem>>
      %dma_start3A_184 = tpu.memref_squeeze %dma_start3A_183 : memref<1x3072xi32, #tpu.memory_space<vmem>> -> memref<3072xi32, #tpu.memory_space<vmem>>
      %dma_start3A_185 = tpu.memref_slice %arg2[%add3A_4] : memref<393216xi32, #tpu.memory_space<hbm>> -> memref<3072xi32, #tpu.memory_space<hbm>>
      %dma_start3A_186 = arith.constant 0 : i32
      %dma_start3A_187 = tpu.memref_slice %arg6[%run_scoped3A, %dma_start3A_186] : memref<4x3088xi32, #tpu.memory_space<vmem>> -> memref<1x3072xi32, #tpu.memory_space<vmem>>
      %dma_start3A_188 = tpu.memref_squeeze %dma_start3A_187 : memref<1x3072xi32, #tpu.memory_space<vmem>> -> memref<3072xi32, #tpu.memory_space<vmem>>
      %dma_start3A_189 = tpu.memref_slice %arg2[%add3A_4] : memref<393216xi32, #tpu.memory_space<hbm>> -> memref<3072xi32, #tpu.memory_space<hbm>>
      tpu.enqueue_dma source(%dma_start3A_189 : memref<3072xi32, #tpu.memory_space<hbm>>) target(%dma_start3A_188 : memref<3072xi32, #tpu.memory_space<vmem>>) target_semaphore(%run_scoped3A_181 : memref<!tpu.dma_semaphore, #tpu.memory_space<semaphore_mem>>)
      %dma_wait3A = arith.constant 0 : i32
      %dma_wait3A_190 = tpu.memref_slice %arg6[%run_scoped3A, %dma_wait3A] : memref<4x3088xi32, #tpu.memory_space<vmem>> -> memref<1x3072xi32, #tpu.memory_space<vmem>>
      %dma_wait3A_191 = tpu.memref_squeeze %dma_wait3A_190 : memref<1x3072xi32, #tpu.memory_space<vmem>> -> memref<3072xi32, #tpu.memory_space<vmem>>
      %dma_wait3A_192 = tpu.memref_slice %arg2[%add3A_4] : memref<393216xi32, #tpu.memory_space<hbm>> -> memref<3072xi32, #tpu.memory_space<hbm>>
      %dma_wait3A_193 = arith.constant 0 : i32
      %dma_wait3A_194 = tpu.memref_slice %arg6[%run_scoped3A, %dma_wait3A_193] : memref<4x3088xi32, #tpu.memory_space<vmem>> -> memref<1x3072xi32, #tpu.memory_space<vmem>>
      %dma_wait3A_195 = tpu.memref_squeeze %dma_wait3A_194 : memref<1x3072xi32, #tpu.memory_space<vmem>> -> memref<3072xi32, #tpu.memory_space<vmem>>
      %dma_wait3A_196 = tpu.memref_slice %arg2[%add3A_4] : memref<393216xi32, #tpu.memory_space<hbm>> -> memref<3072xi32, #tpu.memory_space<hbm>>
      tpu.wait_dma2 semaphore(%run_scoped3A_181 : memref<!tpu.dma_semaphore, #tpu.memory_space<semaphore_mem>>) src(%dma_wait3A_196 : memref<3072xi32, #tpu.memory_space<hbm>>) dst(%dma_wait3A_195 : memref<3072xi32, #tpu.memory_space<vmem>>)
      tpu.yield
    }) : () -> ()
    %add3A_5 = arith.constant 0 : i32
    %add3A_6 = arith.addi %add3A_5, %mul3A_2 : i32
    "tpu.region"() ({
      %run_scoped3A_181 = tpu.sem_alloc : memref<!tpu.dma_semaphore, #tpu.memory_space<semaphore_mem>>
      %dma_start3A_182 = arith.constant 0 : i32
      %dma_start3A_183 = tpu.memref_slice %arg7[%dma_start3A_182] : memref<12304xf32, #tpu.memory_space<vmem>> -> memref<3072xf32, #tpu.memory_space<vmem>>
      %dma_start3A_184 = tpu.memref_slice %arg3[%add3A_6] : memref<393216xf32, #tpu.memory_space<hbm>> -> memref<3072xf32, #tpu.memory_space<hbm>>
      %dma_start3A_185 = arith.constant 0 : i32
      %dma_start3A_186 = tpu.memref_slice %arg7[%dma_start3A_185] : memref<12304xf32, #tpu.memory_space<vmem>> -> memref<3072xf32, #tpu.memory_space<vmem>>
      %dma_start3A_187 = tpu.memref_slice %arg3[%add3A_6] : memref<393216xf32, #tpu.memory_space<hbm>> -> memref<3072xf32, #tpu.memory_space<hbm>>
      tpu.enqueue_dma source(%dma_start3A_187 : memref<3072xf32, #tpu.memory_space<hbm>>) target(%dma_start3A_186 : memref<3072xf32, #tpu.memory_space<vmem>>) target_semaphore(%run_scoped3A_181 : memref<!tpu.dma_semaphore, #tpu.memory_space<semaphore_mem>>)
      %dma_wait3A = arith.constant 0 : i32
      %dma_wait3A_188 = tpu.memref_slice %arg7[%dma_wait3A] : memref<12304xf32, #tpu.memory_space<vmem>> -> memref<3072xf32, #tpu.memory_space<vmem>>
      %dma_wait3A_189 = tpu.memref_slice %arg3[%add3A_6] : memref<393216xf32, #tpu.memory_space<hbm>> -> memref<3072xf32, #tpu.memory_space<hbm>>
      %dma_wait3A_190 = arith.constant 0 : i32
      %dma_wait3A_191 = tpu.memref_slice %arg7[%dma_wait3A_190] : memref<12304xf32, #tpu.memory_space<vmem>> -> memref<3072xf32, #tpu.memory_space<vmem>>
      %dma_wait3A_192 = tpu.memref_slice %arg3[%add3A_6] : memref<393216xf32, #tpu.memory_space<hbm>> -> memref<3072xf32, #tpu.memory_space<hbm>>
      tpu.wait_dma2 semaphore(%run_scoped3A_181 : memref<!tpu.dma_semaphore, #tpu.memory_space<semaphore_mem>>) src(%dma_wait3A_192 : memref<3072xf32, #tpu.memory_space<hbm>>) dst(%dma_wait3A_191 : memref<3072xf32, #tpu.memory_space<vmem>>)
      tpu.yield
    }) : () -> ()
    %add3A_7 = arith.constant 98304 : i32
    %add3A_8 = arith.addi %add3A_7, %mul3A_2 : i32
    %run_scoped3A_9 = arith.constant 1 : i32
    "tpu.region"() ({
      %run_scoped3A_181 = tpu.sem_alloc : memref<!tpu.dma_semaphore, #tpu.memory_space<semaphore_mem>>
      %dma_start3A_182 = arith.constant 0 : i32
      %dma_start3A_183 = tpu.memref_slice %arg6[%run_scoped3A_9, %dma_start3A_182] : memref<4x3088xi32, #tpu.memory_space<vmem>> -> memref<1x3072xi32, #tpu.memory_space<vmem>>
      %dma_start3A_184 = tpu.memref_squeeze %dma_start3A_183 : memref<1x3072xi32, #tpu.memory_space<vmem>> -> memref<3072xi32, #tpu.memory_space<vmem>>
      %dma_start3A_185 = tpu.memref_slice %arg2[%add3A_8] : memref<393216xi32, #tpu.memory_space<hbm>> -> memref<3072xi32, #tpu.memory_space<hbm>>
      %dma_start3A_186 = arith.constant 0 : i32
      %dma_start3A_187 = tpu.memref_slice %arg6[%run_scoped3A_9, %dma_start3A_186] : memref<4x3088xi32, #tpu.memory_space<vmem>> -> memref<1x3072xi32, #tpu.memory_space<vmem>>
      %dma_start3A_188 = tpu.memref_squeeze %dma_start3A_187 : memref<1x3072xi32, #tpu.memory_space<vmem>> -> memref<3072xi32, #tpu.memory_space<vmem>>
      %dma_start3A_189 = tpu.memref_slice %arg2[%add3A_8] : memref<393216xi32, #tpu.memory_space<hbm>> -> memref<3072xi32, #tpu.memory_space<hbm>>
      tpu.enqueue_dma source(%dma_start3A_189 : memref<3072xi32, #tpu.memory_space<hbm>>) target(%dma_start3A_188 : memref<3072xi32, #tpu.memory_space<vmem>>) target_semaphore(%run_scoped3A_181 : memref<!tpu.dma_semaphore, #tpu.memory_space<semaphore_mem>>)
      %dma_wait3A = arith.constant 0 : i32
      %dma_wait3A_190 = tpu.memref_slice %arg6[%run_scoped3A_9, %dma_wait3A] : memref<4x3088xi32, #tpu.memory_space<vmem>> -> memref<1x3072xi32, #tpu.memory_space<vmem>>
      %dma_wait3A_191 = tpu.memref_squeeze %dma_wait3A_190 : memref<1x3072xi32, #tpu.memory_space<vmem>> -> memref<3072xi32, #tpu.memory_space<vmem>>
      %dma_wait3A_192 = tpu.memref_slice %arg2[%add3A_8] : memref<393216xi32, #tpu.memory_space<hbm>> -> memref<3072xi32, #tpu.memory_space<hbm>>
      %dma_wait3A_193 = arith.constant 0 : i32
      %dma_wait3A_194 = tpu.memref_slice %arg6[%run_scoped3A_9, %dma_wait3A_193] : memref<4x3088xi32, #tpu.memory_space<vmem>> -> memref<1x3072xi32, #tpu.memory_space<vmem>>
      %dma_wait3A_195 = tpu.memref_squeeze %dma_wait3A_194 : memref<1x3072xi32, #tpu.memory_space<vmem>> -> memref<3072xi32, #tpu.memory_space<vmem>>
      %dma_wait3A_196 = tpu.memref_slice %arg2[%add3A_8] : memref<393216xi32, #tpu.memory_space<hbm>> -> memref<3072xi32, #tpu.memory_space<hbm>>
      tpu.wait_dma2 semaphore(%run_scoped3A_181 : memref<!tpu.dma_semaphore, #tpu.memory_space<semaphore_mem>>) src(%dma_wait3A_196 : memref<3072xi32, #tpu.memory_space<hbm>>) dst(%dma_wait3A_195 : memref<3072xi32, #tpu.memory_space<vmem>>)
      tpu.yield
    }) : () -> ()
    %add3A_10 = arith.constant 98304 : i32
    %add3A_11 = arith.addi %add3A_10, %mul3A_2 : i32
    "tpu.region"() ({
      %run_scoped3A_181 = tpu.sem_alloc : memref<!tpu.dma_semaphore, #tpu.memory_space<semaphore_mem>>
      %dma_start3A_182 = arith.constant 3072 : i32
      %dma_start3A_183 = tpu.memref_slice %arg7[%dma_start3A_182] : memref<12304xf32, #tpu.memory_space<vmem>> -> memref<3072xf32, #tpu.memory_space<vmem>>
      %dma_start3A_184 = tpu.memref_slice %arg3[%add3A_11] : memref<393216xf32, #tpu.memory_space<hbm>> -> memref<3072xf32, #tpu.memory_space<hbm>>
      %dma_start3A_185 = arith.constant 3072 : i32
      %dma_start3A_186 = tpu.memref_slice %arg7[%dma_start3A_185] : memref<12304xf32, #tpu.memory_space<vmem>> -> memref<3072xf32, #tpu.memory_space<vmem>>
      %dma_start3A_187 = tpu.memref_slice %arg3[%add3A_11] : memref<393216xf32, #tpu.memory_space<hbm>> -> memref<3072xf32, #tpu.memory_space<hbm>>
      tpu.enqueue_dma source(%dma_start3A_187 : memref<3072xf32, #tpu.memory_space<hbm>>) target(%dma_start3A_186 : memref<3072xf32, #tpu.memory_space<vmem>>) target_semaphore(%run_scoped3A_181 : memref<!tpu.dma_semaphore, #tpu.memory_space<semaphore_mem>>)
      %dma_wait3A = arith.constant 3072 : i32
      %dma_wait3A_188 = tpu.memref_slice %arg7[%dma_wait3A] : memref<12304xf32, #tpu.memory_space<vmem>> -> memref<3072xf32, #tpu.memory_space<vmem>>
      %dma_wait3A_189 = tpu.memref_slice %arg3[%add3A_11] : memref<393216xf32, #tpu.memory_space<hbm>> -> memref<3072xf32, #tpu.memory_space<hbm>>
      %dma_wait3A_190 = arith.constant 3072 : i32
      %dma_wait3A_191 = tpu.memref_slice %arg7[%dma_wait3A_190] : memref<12304xf32, #tpu.memory_space<vmem>> -> memref<3072xf32, #tpu.memory_space<vmem>>
      %dma_wait3A_192 = tpu.memref_slice %arg3[%add3A_11] : memref<393216xf32, #tpu.memory_space<hbm>> -> memref<3072xf32, #tpu.memory_space<hbm>>
      tpu.wait_dma2 semaphore(%run_scoped3A_181 : memref<!tpu.dma_semaphore, #tpu.memory_space<semaphore_mem>>) src(%dma_wait3A_192 : memref<3072xf32, #tpu.memory_space<hbm>>) dst(%dma_wait3A_191 : memref<3072xf32, #tpu.memory_space<vmem>>)
      tpu.yield
    }) : () -> ()
    %add3A_12 = arith.constant 196608 : i32
    %add3A_13 = arith.addi %add3A_12, %mul3A_2 : i32
    %run_scoped3A_14 = arith.constant 2 : i32
    "tpu.region"() ({
      %run_scoped3A_181 = tpu.sem_alloc : memref<!tpu.dma_semaphore, #tpu.memory_space<semaphore_mem>>
      %dma_start3A_182 = arith.constant 0 : i32
      %dma_start3A_183 = tpu.memref_slice %arg6[%run_scoped3A_14, %dma_start3A_182] : memref<4x3088xi32, #tpu.memory_space<vmem>> -> memref<1x3072xi32, #tpu.memory_space<vmem>>
      %dma_start3A_184 = tpu.memref_squeeze %dma_start3A_183 : memref<1x3072xi32, #tpu.memory_space<vmem>> -> memref<3072xi32, #tpu.memory_space<vmem>>
      %dma_start3A_185 = tpu.memref_slice %arg2[%add3A_13] : memref<393216xi32, #tpu.memory_space<hbm>> -> memref<3072xi32, #tpu.memory_space<hbm>>
      %dma_start3A_186 = arith.constant 0 : i32
      %dma_start3A_187 = tpu.memref_slice %arg6[%run_scoped3A_14, %dma_start3A_186] : memref<4x3088xi32, #tpu.memory_space<vmem>> -> memref<1x3072xi32, #tpu.memory_space<vmem>>
      %dma_start3A_188 = tpu.memref_squeeze %dma_start3A_187 : memref<1x3072xi32, #tpu.memory_space<vmem>> -> memref<3072xi32, #tpu.memory_space<vmem>>
      %dma_start3A_189 = tpu.memref_slice %arg2[%add3A_13] : memref<393216xi32, #tpu.memory_space<hbm>> -> memref<3072xi32, #tpu.memory_space<hbm>>
      tpu.enqueue_dma source(%dma_start3A_189 : memref<3072xi32, #tpu.memory_space<hbm>>) target(%dma_start3A_188 : memref<3072xi32, #tpu.memory_space<vmem>>) target_semaphore(%run_scoped3A_181 : memref<!tpu.dma_semaphore, #tpu.memory_space<semaphore_mem>>)
      %dma_wait3A = arith.constant 0 : i32
      %dma_wait3A_190 = tpu.memref_slice %arg6[%run_scoped3A_14, %dma_wait3A] : memref<4x3088xi32, #tpu.memory_space<vmem>> -> memref<1x3072xi32, #tpu.memory_space<vmem>>
      %dma_wait3A_191 = tpu.memref_squeeze %dma_wait3A_190 : memref<1x3072xi32, #tpu.memory_space<vmem>> -> memref<3072xi32, #tpu.memory_space<vmem>>
      %dma_wait3A_192 = tpu.memref_slice %arg2[%add3A_13] : memref<393216xi32, #tpu.memory_space<hbm>> -> memref<3072xi32, #tpu.memory_space<hbm>>
      %dma_wait3A_193 = arith.constant 0 : i32
      %dma_wait3A_194 = tpu.memref_slice %arg6[%run_scoped3A_14, %dma_wait3A_193] : memref<4x3088xi32, #tpu.memory_space<vmem>> -> memref<1x3072xi32, #tpu.memory_space<vmem>>
      %dma_wait3A_195 = tpu.memref_squeeze %dma_wait3A_194 : memref<1x3072xi32, #tpu.memory_space<vmem>> -> memref<3072xi32, #tpu.memory_space<vmem>>
      %dma_wait3A_196 = tpu.memref_slice %arg2[%add3A_13] : memref<393216xi32, #tpu.memory_space<hbm>> -> memref<3072xi32, #tpu.memory_space<hbm>>
      tpu.wait_dma2 semaphore(%run_scoped3A_181 : memref<!tpu.dma_semaphore, #tpu.memory_space<semaphore_mem>>) src(%dma_wait3A_196 : memref<3072xi32, #tpu.memory_space<hbm>>) dst(%dma_wait3A_195 : memref<3072xi32, #tpu.memory_space<vmem>>)
      tpu.yield
    }) : () -> ()
    %add3A_15 = arith.constant 196608 : i32
    %add3A_16 = arith.addi %add3A_15, %mul3A_2 : i32
    "tpu.region"() ({
      %run_scoped3A_181 = tpu.sem_alloc : memref<!tpu.dma_semaphore, #tpu.memory_space<semaphore_mem>>
      %dma_start3A_182 = arith.constant 6144 : i32
      %dma_start3A_183 = tpu.memref_slice %arg7[%dma_start3A_182] : memref<12304xf32, #tpu.memory_space<vmem>> -> memref<3072xf32, #tpu.memory_space<vmem>>
      %dma_start3A_184 = tpu.memref_slice %arg3[%add3A_16] : memref<393216xf32, #tpu.memory_space<hbm>> -> memref<3072xf32, #tpu.memory_space<hbm>>
      %dma_start3A_185 = arith.constant 6144 : i32
      %dma_start3A_186 = tpu.memref_slice %arg7[%dma_start3A_185] : memref<12304xf32, #tpu.memory_space<vmem>> -> memref<3072xf32, #tpu.memory_space<vmem>>
      %dma_start3A_187 = tpu.memref_slice %arg3[%add3A_16] : memref<393216xf32, #tpu.memory_space<hbm>> -> memref<3072xf32, #tpu.memory_space<hbm>>
      tpu.enqueue_dma source(%dma_start3A_187 : memref<3072xf32, #tpu.memory_space<hbm>>) target(%dma_start3A_186 : memref<3072xf32, #tpu.memory_space<vmem>>) target_semaphore(%run_scoped3A_181 : memref<!tpu.dma_semaphore, #tpu.memory_space<semaphore_mem>>)
      %dma_wait3A = arith.constant 6144 : i32
      %dma_wait3A_188 = tpu.memref_slice %arg7[%dma_wait3A] : memref<12304xf32, #tpu.memory_space<vmem>> -> memref<3072xf32, #tpu.memory_space<vmem>>
      %dma_wait3A_189 = tpu.memref_slice %arg3[%add3A_16] : memref<393216xf32, #tpu.memory_space<hbm>> -> memref<3072xf32, #tpu.memory_space<hbm>>
      %dma_wait3A_190 = arith.constant 6144 : i32
      %dma_wait3A_191 = tpu.memref_slice %arg7[%dma_wait3A_190] : memref<12304xf32, #tpu.memory_space<vmem>> -> memref<3072xf32, #tpu.memory_space<vmem>>
      %dma_wait3A_192 = tpu.memref_slice %arg3[%add3A_16] : memref<393216xf32, #tpu.memory_space<hbm>> -> memref<3072xf32, #tpu.memory_space<hbm>>
      tpu.wait_dma2 semaphore(%run_scoped3A_181 : memref<!tpu.dma_semaphore, #tpu.memory_space<semaphore_mem>>) src(%dma_wait3A_192 : memref<3072xf32, #tpu.memory_space<hbm>>) dst(%dma_wait3A_191 : memref<3072xf32, #tpu.memory_space<vmem>>)
      tpu.yield
    }) : () -> ()
    %add3A_17 = arith.constant 294912 : i32
    %add3A_18 = arith.addi %add3A_17, %mul3A_2 : i32
    %run_scoped3A_19 = arith.constant 3 : i32
    "tpu.region"() ({
      %run_scoped3A_181 = tpu.sem_alloc : memref<!tpu.dma_semaphore, #tpu.memory_space<semaphore_mem>>
      %dma_start3A_182 = arith.constant 0 : i32
      %dma_start3A_183 = tpu.memref_slice %arg6[%run_scoped3A_19, %dma_start3A_182] : memref<4x3088xi32, #tpu.memory_space<vmem>> -> memref<1x3072xi32, #tpu.memory_space<vmem>>
      %dma_start3A_184 = tpu.memref_squeeze %dma_start3A_183 : memref<1x3072xi32, #tpu.memory_space<vmem>> -> memref<3072xi32, #tpu.memory_space<vmem>>
      %dma_start3A_185 = tpu.memref_slice %arg2[%add3A_18] : memref<393216xi32, #tpu.memory_space<hbm>> -> memref<3072xi32, #tpu.memory_space<hbm>>
      %dma_start3A_186 = arith.constant 0 : i32
      %dma_start3A_187 = tpu.memref_slice %arg6[%run_scoped3A_19, %dma_start3A_186] : memref<4x3088xi32, #tpu.memory_space<vmem>> -> memref<1x3072xi32, #tpu.memory_space<vmem>>
      %dma_start3A_188 = tpu.memref_squeeze %dma_start3A_187 : memref<1x3072xi32, #tpu.memory_space<vmem>> -> memref<3072xi32, #tpu.memory_space<vmem>>
      %dma_start3A_189 = tpu.memref_slice %arg2[%add3A_18] : memref<393216xi32, #tpu.memory_space<hbm>> -> memref<3072xi32, #tpu.memory_space<hbm>>
      tpu.enqueue_dma source(%dma_start3A_189 : memref<3072xi32, #tpu.memory_space<hbm>>) target(%dma_start3A_188 : memref<3072xi32, #tpu.memory_space<vmem>>) target_semaphore(%run_scoped3A_181 : memref<!tpu.dma_semaphore, #tpu.memory_space<semaphore_mem>>)
      %dma_wait3A = arith.constant 0 : i32
      %dma_wait3A_190 = tpu.memref_slice %arg6[%run_scoped3A_19, %dma_wait3A] : memref<4x3088xi32, #tpu.memory_space<vmem>> -> memref<1x3072xi32, #tpu.memory_space<vmem>>
      %dma_wait3A_191 = tpu.memref_squeeze %dma_wait3A_190 : memref<1x3072xi32, #tpu.memory_space<vmem>> -> memref<3072xi32, #tpu.memory_space<vmem>>
      %dma_wait3A_192 = tpu.memref_slice %arg2[%add3A_18] : memref<393216xi32, #tpu.memory_space<hbm>> -> memref<3072xi32, #tpu.memory_space<hbm>>
      %dma_wait3A_193 = arith.constant 0 : i32
      %dma_wait3A_194 = tpu.memref_slice %arg6[%run_scoped3A_19, %dma_wait3A_193] : memref<4x3088xi32, #tpu.memory_space<vmem>> -> memref<1x3072xi32, #tpu.memory_space<vmem>>
      %dma_wait3A_195 = tpu.memref_squeeze %dma_wait3A_194 : memref<1x3072xi32, #tpu.memory_space<vmem>> -> memref<3072xi32, #tpu.memory_space<vmem>>
      %dma_wait3A_196 = tpu.memref_slice %arg2[%add3A_18] : memref<393216xi32, #tpu.memory_space<hbm>> -> memref<3072xi32, #tpu.memory_space<hbm>>
      tpu.wait_dma2 semaphore(%run_scoped3A_181 : memref<!tpu.dma_semaphore, #tpu.memory_space<semaphore_mem>>) src(%dma_wait3A_196 : memref<3072xi32, #tpu.memory_space<hbm>>) dst(%dma_wait3A_195 : memref<3072xi32, #tpu.memory_space<vmem>>)
      tpu.yield
    }) : () -> ()
    %add3A_20 = arith.constant 294912 : i32
    %add3A_21 = arith.addi %add3A_20, %mul3A_2 : i32
    "tpu.region"() ({
      %run_scoped3A_181 = tpu.sem_alloc : memref<!tpu.dma_semaphore, #tpu.memory_space<semaphore_mem>>
      %dma_start3A_182 = arith.constant 9216 : i32
      %dma_start3A_183 = tpu.memref_slice %arg7[%dma_start3A_182] : memref<12304xf32, #tpu.memory_space<vmem>> -> memref<3072xf32, #tpu.memory_space<vmem>>
      %dma_start3A_184 = tpu.memref_slice %arg3[%add3A_21] : memref<393216xf32, #tpu.memory_space<hbm>> -> memref<3072xf32, #tpu.memory_space<hbm>>
      %dma_start3A_185 = arith.constant 9216 : i32
      %dma_start3A_186 = tpu.memref_slice %arg7[%dma_start3A_185] : memref<12304xf32, #tpu.memory_space<vmem>> -> memref<3072xf32, #tpu.memory_space<vmem>>
      %dma_start3A_187 = tpu.memref_slice %arg3[%add3A_21] : memref<393216xf32, #tpu.memory_space<hbm>> -> memref<3072xf32, #tpu.memory_space<hbm>>
      tpu.enqueue_dma source(%dma_start3A_187 : memref<3072xf32, #tpu.memory_space<hbm>>) target(%dma_start3A_186 : memref<3072xf32, #tpu.memory_space<vmem>>) target_semaphore(%run_scoped3A_181 : memref<!tpu.dma_semaphore, #tpu.memory_space<semaphore_mem>>)
      %dma_wait3A = arith.constant 9216 : i32
      %dma_wait3A_188 = tpu.memref_slice %arg7[%dma_wait3A] : memref<12304xf32, #tpu.memory_space<vmem>> -> memref<3072xf32, #tpu.memory_space<vmem>>
      %dma_wait3A_189 = tpu.memref_slice %arg3[%add3A_21] : memref<393216xf32, #tpu.memory_space<hbm>> -> memref<3072xf32, #tpu.memory_space<hbm>>
      %dma_wait3A_190 = arith.constant 9216 : i32
      %dma_wait3A_191 = tpu.memref_slice %arg7[%dma_wait3A_190] : memref<12304xf32, #tpu.memory_space<vmem>> -> memref<3072xf32, #tpu.memory_space<vmem>>
      %dma_wait3A_192 = tpu.memref_slice %arg3[%add3A_21] : memref<393216xf32, #tpu.memory_space<hbm>> -> memref<3072xf32, #tpu.memory_space<hbm>>
      tpu.wait_dma2 semaphore(%run_scoped3A_181 : memref<!tpu.dma_semaphore, #tpu.memory_space<semaphore_mem>>) src(%dma_wait3A_192 : memref<3072xf32, #tpu.memory_space<hbm>>) dst(%dma_wait3A_191 : memref<3072xf32, #tpu.memory_space<vmem>>)
      tpu.yield
    }) : () -> ()
    %get3A = arith.constant 0 : i32
    %get3A_22 = arith.index_cast %get3A : i32 to index
    %get3A_23 = arith.constant 0 : index
    %get3A_24 = tpu.vector_load %arg6[%get3A_22, %get3A_23] {strides = array<i32>} : memref<4x3088xi32, #tpu.memory_space<vmem>>, vector<1x16xi32>,
    %get3A_25 = vector.shape_cast %get3A_24 : vector<1x16xi32> to vector<16xi32>
    %swap3A = arith.constant 0 : index
    %swap3A_26 = tpu.vector_load %arg8[%swap3A] {strides = array<i32>} : memref<64xi32, #tpu.memory_space<vmem>>, vector<16xi32>,
    %swap3A_27 = vector.shape_cast %swap3A_26 : vector<16xi32> to vector<16xi32>
    %swap3A_28 = vector.shape_cast %get3A_25 : vector<16xi32> to vector<16xi32>
    tpu.vector_store %arg8[%swap3A], %swap3A_28 {strides = array<i32>} : memref<64xi32, #tpu.memory_space<vmem>>, vector<16xi32>,
    %get3A_29 = arith.constant 1 : i32
    %get3A_30 = arith.index_cast %get3A_29 : i32 to index
    %get3A_31 = arith.constant 0 : index
    %get3A_32 = tpu.vector_load %arg6[%get3A_30, %get3A_31] {strides = array<i32>} : memref<4x3088xi32, #tpu.memory_space<vmem>>, vector<1x16xi32>,
    %get3A_33 = vector.shape_cast %get3A_32 : vector<1x16xi32> to vector<16xi32>
    %swap3A_34 = arith.constant 16 : index
    %swap3A_35 = tpu.vector_load %arg8[%swap3A_34] {strides = array<i32>} : memref<64xi32, #tpu.memory_space<vmem>>, vector<16xi32>,
    %swap3A_36 = vector.shape_cast %swap3A_35 : vector<16xi32> to vector<16xi32>
    %swap3A_37 = vector.shape_cast %get3A_33 : vector<16xi32> to vector<16xi32>
    tpu.vector_store %arg8[%swap3A_34], %swap3A_37 {strides = array<i32>} : memref<64xi32, #tpu.memory_space<vmem>>, vector<16xi32>,
    %get3A_38 = arith.constant 2 : i32
    %get3A_39 = arith.index_cast %get3A_38 : i32 to index
    %get3A_40 = arith.constant 0 : index
    %get3A_41 = tpu.vector_load %arg6[%get3A_39, %get3A_40] {strides = array<i32>} : memref<4x3088xi32, #tpu.memory_space<vmem>>, vector<1x16xi32>,
    %get3A_42 = vector.shape_cast %get3A_41 : vector<1x16xi32> to vector<16xi32>
    %swap3A_43 = arith.constant 32 : index
    %swap3A_44 = tpu.vector_load %arg8[%swap3A_43] {strides = array<i32>} : memref<64xi32, #tpu.memory_space<vmem>>, vector<16xi32>,
    %swap3A_45 = vector.shape_cast %swap3A_44 : vector<16xi32> to vector<16xi32>
    %swap3A_46 = vector.shape_cast %get3A_42 : vector<16xi32> to vector<16xi32>
    tpu.vector_store %arg8[%swap3A_43], %swap3A_46 {strides = array<i32>} : memref<64xi32, #tpu.memory_space<vmem>>, vector<16xi32>,
    %get3A_47 = arith.constant 3 : i32
    %get3A_48 = arith.index_cast %get3A_47 : i32 to index
    %get3A_49 = arith.constant 0 : index
    %get3A_50 = tpu.vector_load %arg6[%get3A_48, %get3A_49] {strides = array<i32>} : memref<4x3088xi32, #tpu.memory_space<vmem>>, vector<1x16xi32>,
    %get3A_51 = vector.shape_cast %get3A_50 : vector<1x16xi32> to vector<16xi32>
    %swap3A_52 = arith.constant 48 : index
    %swap3A_53 = tpu.vector_load %arg8[%swap3A_52] {strides = array<i32>} : memref<64xi32, #tpu.memory_space<vmem>>, vector<16xi32>,
    %swap3A_54 = vector.shape_cast %swap3A_53 : vector<16xi32> to vector<16xi32>
    %swap3A_55 = vector.shape_cast %get3A_51 : vector<16xi32> to vector<16xi32>
    tpu.vector_store %arg8[%swap3A_52], %swap3A_55 {strides = array<i32>} : memref<64xi32, #tpu.memory_space<vmem>>, vector<16xi32>,
    %dma_start3A = arith.constant 0 : i32
    %dma_start3A_56 = arith.constant 0 : i32
    %dma_start3A_57 = tpu.memref_slice %arg4[%dma_start3A, %dma_start3A_56] : memref<10912x256xf32, #tpu.memory_space<hbm>> -> memref<10912x256xf32, #tpu.memory_space<hbm>>
    tpu.enqueue_indirect_dma source(%dma_start3A_57 : memref<10912x256xf32, #tpu.memory_space<hbm>>) target(%arg12 : memref<64x256xf32, #tpu.memory_space<vmem>>) offsets(%arg8 : memref<64xi32, #tpu.memory_space<vmem>>) semaphore(%arg20 : memref<!tpu.dma_semaphore, #tpu.memory_space<semaphore_mem>>)
    %get3A_58 = arith.constant 0 : i32
    %get3A_59 = arith.index_cast %get3A_58 : i32 to index
    %get3A_60 = arith.constant 16 : index
    %get3A_61 = tpu.vector_load %arg6[%get3A_59, %get3A_60] {strides = array<i32>} : memref<4x3088xi32, #tpu.memory_space<vmem>>, vector<1x16xi32>,
    %get3A_62 = vector.shape_cast %get3A_61 : vector<1x16xi32> to vector<16xi32>
    %swap3A_63 = arith.constant 0 : index
    %swap3A_64 = tpu.vector_load %arg9[%swap3A_63] {strides = array<i32>} : memref<64xi32, #tpu.memory_space<vmem>>, vector<16xi32>,
    %swap3A_65 = vector.shape_cast %swap3A_64 : vector<16xi32> to vector<16xi32>
    %swap3A_66 = vector.shape_cast %get3A_62 : vector<16xi32> to vector<16xi32>
    tpu.vector_store %arg9[%swap3A_63], %swap3A_66 {strides = array<i32>} : memref<64xi32, #tpu.memory_space<vmem>>, vector<16xi32>,
    %get3A_67 = arith.constant 1 : i32
    %get3A_68 = arith.index_cast %get3A_67 : i32 to index
    %get3A_69 = arith.constant 16 : index
    %get3A_70 = tpu.vector_load %arg6[%get3A_68, %get3A_69] {strides = array<i32>} : memref<4x3088xi32, #tpu.memory_space<vmem>>, vector<1x16xi32>,
    %get3A_71 = vector.shape_cast %get3A_70 : vector<1x16xi32> to vector<16xi32>
    %swap3A_72 = arith.constant 16 : index
    %swap3A_73 = tpu.vector_load %arg9[%swap3A_72] {strides = array<i32>} : memref<64xi32, #tpu.memory_space<vmem>>, vector<16xi32>,
    %swap3A_74 = vector.shape_cast %swap3A_73 : vector<16xi32> to vector<16xi32>
    %swap3A_75 = vector.shape_cast %get3A_71 : vector<16xi32> to vector<16xi32>
    tpu.vector_store %arg9[%swap3A_72], %swap3A_75 {strides = array<i32>} : memref<64xi32, #tpu.memory_space<vmem>>, vector<16xi32>,
    %get3A_76 = arith.constant 2 : i32
    %get3A_77 = arith.index_cast %get3A_76 : i32 to index
    %get3A_78 = arith.constant 16 : index
    %get3A_79 = tpu.vector_load %arg6[%get3A_77, %get3A_78] {strides = array<i32>} : memref<4x3088xi32, #tpu.memory_space<vmem>>, vector<1x16xi32>,
    %get3A_80 = vector.shape_cast %get3A_79 : vector<1x16xi32> to vector<16xi32>
    %swap3A_81 = arith.constant 32 : index
    %swap3A_82 = tpu.vector_load %arg9[%swap3A_81] {strides = array<i32>} : memref<64xi32, #tpu.memory_space<vmem>>, vector<16xi32>,
    %swap3A_83 = vector.shape_cast %swap3A_82 : vector<16xi32> to vector<16xi32>
    %swap3A_84 = vector.shape_cast %get3A_80 : vector<16xi32> to vector<16xi32>
    tpu.vector_store %arg9[%swap3A_81], %swap3A_84 {strides = array<i32>} : memref<64xi32, #tpu.memory_space<vmem>>, vector<16xi32>,
    %get3A_85 = arith.constant 3 : i32
    %get3A_86 = arith.index_cast %get3A_85 : i32 to index
    %get3A_87 = arith.constant 16 : index
    %get3A_88 = tpu.vector_load %arg6[%get3A_86, %get3A_87] {strides = array<i32>} : memref<4x3088xi32, #tpu.memory_space<vmem>>, vector<1x16xi32>,
    %get3A_89 = vector.shape_cast %get3A_88 : vector<1x16xi32> to vector<16xi32>
    %swap3A_90 = arith.constant 48 : index
    %swap3A_91 = tpu.vector_load %arg9[%swap3A_90] {strides = array<i32>} : memref<64xi32, #tpu.memory_space<vmem>>, vector<16xi32>,
    %swap3A_92 = vector.shape_cast %swap3A_91 : vector<16xi32> to vector<16xi32>
    %swap3A_93 = vector.shape_cast %get3A_89 : vector<16xi32> to vector<16xi32>
    tpu.vector_store %arg9[%swap3A_90], %swap3A_93 {strides = array<i32>} : memref<64xi32, #tpu.memory_space<vmem>>, vector<16xi32>,
    %dma_start3A_94 = arith.constant 0 : i32
    %dma_start3A_95 = arith.constant 0 : i32
    %dma_start3A_96 = tpu.memref_slice %arg4[%dma_start3A_94, %dma_start3A_95] : memref<10912x256xf32, #tpu.memory_space<hbm>> -> memref<10912x256xf32, #tpu.memory_space<hbm>>
    tpu.enqueue_indirect_dma source(%dma_start3A_96 : memref<10912x256xf32, #tpu.memory_space<hbm>>) target(%arg13 : memref<64x256xf32, #tpu.memory_space<vmem>>) offsets(%arg9 : memref<64xi32, #tpu.memory_space<vmem>>) semaphore(%arg21 : memref<!tpu.dma_semaphore, #tpu.memory_space<semaphore_mem>>)
    %get3A_97 = arith.constant 0 : i32
    %get3A_98 = arith.index_cast %get3A_97 : i32 to index
    %get3A_99 = arith.constant 32 : index
    %get3A_100 = tpu.vector_load %arg6[%get3A_98, %get3A_99] {strides = array<i32>} : memref<4x3088xi32, #tpu.memory_space<vmem>>, vector<1x16xi32>,
    %get3A_101 = vector.shape_cast %get3A_100 : vector<1x16xi32> to vector<16xi32>
    %swap3A_102 = arith.constant 0 : index
    %swap3A_103 = tpu.vector_load %arg10[%swap3A_102] {strides = array<i32>} : memref<64xi32, #tpu.memory_space<vmem>>, vector<16xi32>,
    %swap3A_104 = vector.shape_cast %swap3A_103 : vector<16xi32> to vector<16xi32>
    %swap3A_105 = vector.shape_cast %get3A_101 : vector<16xi32> to vector<16xi32>
    tpu.vector_store %arg10[%swap3A_102], %swap3A_105 {strides = array<i32>} : memref<64xi32, #tpu.memory_space<vmem>>, vector<16xi32>,
    %get3A_106 = arith.constant 1 : i32
    %get3A_107 = arith.index_cast %get3A_106 : i32 to index
    %get3A_108 = arith.constant 32 : index
    %get3A_109 = tpu.vector_load %arg6[%get3A_107, %get3A_108] {strides = array<i32>} : memref<4x3088xi32, #tpu.memory_space<vmem>>, vector<1x16xi32>,
    %get3A_110 = vector.shape_cast %get3A_109 : vector<1x16xi32> to vector<16xi32>
    %swap3A_111 = arith.constant 16 : index
    %swap3A_112 = tpu.vector_load %arg10[%swap3A_111] {strides = array<i32>} : memref<64xi32, #tpu.memory_space<vmem>>, vector<16xi32>,
    %swap3A_113 = vector.shape_cast %swap3A_112 : vector<16xi32> to vector<16xi32>
    %swap3A_114 = vector.shape_cast %get3A_110 : vector<16xi32> to vector<16xi32>
    tpu.vector_store %arg10[%swap3A_111], %swap3A_114 {strides = array<i32>} : memref<64xi32, #tpu.memory_space<vmem>>, vector<16xi32>,
    %get3A_115 = arith.constant 2 : i32
    %get3A_116 = arith.index_cast %get3A_115 : i32 to index
    %get3A_117 = arith.constant 32 : index
    %get3A_118 = tpu.vector_load %arg6[%get3A_116, %get3A_117] {strides = array<i32>} : memref<4x3088xi32, #tpu.memory_space<vmem>>, vector<1x16xi32>,
    %get3A_119 = vector.shape_cast %get3A_118 : vector<1x16xi32> to vector<16xi32>
    %swap3A_120 = arith.constant 32 : index
    %swap3A_121 = tpu.vector_load %arg10[%swap3A_120] {strides = array<i32>} : memref<64xi32, #tpu.memory_space<vmem>>, vector<16xi32>,
    %swap3A_122 = vector.shape_cast %swap3A_121 : vector<16xi32> to vector<16xi32>
    %swap3A_123 = vector.shape_cast %get3A_119 : vector<16xi32> to vector<16xi32>
    tpu.vector_store %arg10[%swap3A_120], %swap3A_123 {strides = array<i32>} : memref<64xi32, #tpu.memory_space<vmem>>, vector<16xi32>,
    %get3A_124 = arith.constant 3 : i32
    %get3A_125 = arith.index_cast %get3A_124 : i32 to index
    %get3A_126 = arith.constant 32 : index
    %get3A_127 = tpu.vector_load %arg6[%get3A_125, %get3A_126] {strides = array<i32>} : memref<4x3088xi32, #tpu.memory_space<vmem>>, vector<1x16xi32>,
    %get3A_128 = vector.shape_cast %get3A_127 : vector<1x16xi32> to vector<16xi32>
    %swap3A_129 = arith.constant 48 : index
    %swap3A_130 = tpu.vector_load %arg10[%swap3A_129] {strides = array<i32>} : memref<64xi32, #tpu.memory_space<vmem>>, vector<16xi32>,
    %swap3A_131 = vector.shape_cast %swap3A_130 : vector<16xi32> to vector<16xi32>
    %swap3A_132 = vector.shape_cast %get3A_128 : vector<16xi32> to vector<16xi32>
    tpu.vector_store %arg10[%swap3A_129], %swap3A_132 {strides = array<i32>} : memref<64xi32, #tpu.memory_space<vmem>>, vector<16xi32>,
    %dma_start3A_133 = arith.constant 0 : i32
    %dma_start3A_134 = arith.constant 0 : i32
    %dma_start3A_135 = tpu.memref_slice %arg4[%dma_start3A_133, %dma_start3A_134] : memref<10912x256xf32, #tpu.memory_space<hbm>> -> memref<10912x256xf32, #tpu.memory_space<hbm>>
    tpu.enqueue_indirect_dma source(%dma_start3A_135 : memref<10912x256xf32, #tpu.memory_space<hbm>>) target(%arg14 : memref<64x256xf32, #tpu.memory_space<vmem>>) offsets(%arg10 : memref<64xi32, #tpu.memory_space<vmem>>) semaphore(%arg22 : memref<!tpu.dma_semaphore, #tpu.memory_space<semaphore_mem>>)
    %scan3A = arith.constant 0 : i32
    %scan3A_136 = arith.constant 0 : i32
    %scan3A_137 = arith.constant 48 : i32
    %scan3A_138 = arith.addi %scan3A_136, %scan3A_137 : i32
    %scan3A_139 = arith.constant 1 : i32
    scf.for %scan3A_181 = %scan3A_136 to %scan3A_138 step %scan3A_139  : i32 {
      %mul3A_182 = arith.constant 4 : i32
      %mul3A_183 = arith.muli %mul3A_182, %scan3A_181 : i32
      %add3A_184 = arith.constant 0 : i32
      %add3A_185 = arith.addi %mul3A_183, %add3A_184 : i32
      %add3A_186 = arith.constant 4 : i32
      %add3A_187 = arith.addi %add3A_185, %add3A_186 : i32
      %sub3A = arith.constant 1 : i32
      %sub3A_188 = arith.subi %add3A_187, %sub3A : i32
      %lt3A_189 = arith.constant 192 : i32
      %lt3A_190 = arith.cmpi slt, %sub3A_188, %lt3A_189 : i32
      %convert_element_type3A_191 = arith.extui %lt3A_190 : i1 to i32
      %cond3A_192 = arith.constant 0 : i32
      %cond3A_193 = arith.cmpi ne, %convert_element_type3A_191, %cond3A_192 : i32
      scf.if %cond3A_193 {
        %add3A_367 = arith.constant 4 : i32
        %add3A_368 = arith.addi %add3A_185, %add3A_367 : i32
        %sub3A_369 = arith.constant 1 : i32
        %sub3A_370 = arith.subi %add3A_368, %sub3A_369 : i32
        %mul3A_371 = arith.constant 16 : i32
        %mul3A_372 = arith.muli %sub3A_370, %mul3A_371 : i32
        %add3A_373 = arith.constant 0 : i32
        %add3A_374 = arith.addi %mul3A_372, %add3A_373 : i32
        %get3A_375 = arith.constant 0 : i32
        %get3A_376 = arith.index_cast %get3A_375 : i32 to index
        %get3A_377 = arith.index_cast %add3A_374 : i32 to index
        %get3A_378 = tpu.vector_load %arg6[%get3A_376, %get3A_377] {strides = array<i32>} : memref<4x3088xi32, #tpu.memory_space<vmem>>, vector<1x16xi32>,
        %get3A_379 = vector.shape_cast %get3A_378 : vector<1x16xi32> to vector<16xi32>
        %swap3A_380 = arith.constant 0 : index
        %swap3A_381 = tpu.vector_load %arg11[%swap3A_380] {strides = array<i32>} : memref<64xi32, #tpu.memory_space<vmem>>, vector<16xi32>,
        %swap3A_382 = vector.shape_cast %swap3A_381 : vector<16xi32> to vector<16xi32>
        %swap3A_383 = vector.shape_cast %get3A_379 : vector<16xi32> to vector<16xi32>
        tpu.vector_store %arg11[%swap3A_380], %swap3A_383 {strides = array<i32>} : memref<64xi32, #tpu.memory_space<vmem>>, vector<16xi32>,
        %mul3A_384 = arith.constant 16 : i32
        %mul3A_385 = arith.muli %sub3A_370, %mul3A_384 : i32
        %add3A_386 = arith.constant 0 : i32
        %add3A_387 = arith.addi %mul3A_385, %add3A_386 : i32
        %get3A_388 = arith.constant 1 : i32
        %get3A_389 = arith.index_cast %get3A_388 : i32 to index
        %get3A_390 = arith.index_cast %add3A_387 : i32 to index
        %get3A_391 = tpu.vector_load %arg6[%get3A_389, %get3A_390] {strides = array<i32>} : memref<4x3088xi32, #tpu.memory_space<vmem>>, vector<1x16xi32>,
        %get3A_392 = vector.shape_cast %get3A_391 : vector<1x16xi32> to vector<16xi32>
        %swap3A_393 = arith.constant 16 : index
        %swap3A_394 = tpu.vector_load %arg11[%swap3A_393] {strides = array<i32>} : memref<64xi32, #tpu.memory_space<vmem>>, vector<16xi32>,
        %swap3A_395 = vector.shape_cast %swap3A_394 : vector<16xi32> to vector<16xi32>
        %swap3A_396 = vector.shape_cast %get3A_392 : vector<16xi32> to vector<16xi32>
        tpu.vector_store %arg11[%swap3A_393], %swap3A_396 {strides = array<i32>} : memref<64xi32, #tpu.memory_space<vmem>>, vector<16xi32>,
        %mul3A_397 = arith.constant 16 : i32
        %mul3A_398 = arith.muli %sub3A_370, %mul3A_397 : i32
        %add3A_399 = arith.constant 0 : i32
        %add3A_400 = arith.addi %mul3A_398, %add3A_399 : i32
        %get3A_401 = arith.constant 2 : i32
        %get3A_402 = arith.index_cast %get3A_401 : i32 to index
        %get3A_403 = arith.index_cast %add3A_400 : i32 to index
        %get3A_404 = tpu.vector_load %arg6[%get3A_402, %get3A_403] {strides = array<i32>} : memref<4x3088xi32, #tpu.memory_space<vmem>>, vector<1x16xi32>,
        %get3A_405 = vector.shape_cast %get3A_404 : vector<1x16xi32> to vector<16xi32>
        %swap3A_406 = arith.constant 32 : index
        %swap3A_407 = tpu.vector_load %arg11[%swap3A_406] {strides = array<i32>} : memref<64xi32, #tpu.memory_space<vmem>>, vector<16xi32>,
        %swap3A_408 = vector.shape_cast %swap3A_407 : vector<16xi32> to vector<16xi32>
        %swap3A_409 = vector.shape_cast %get3A_405 : vector<16xi32> to vector<16xi32>
        tpu.vector_store %arg11[%swap3A_406], %swap3A_409 {strides = array<i32>} : memref<64xi32, #tpu.memory_space<vmem>>, vector<16xi32>,
        %mul3A_410 = arith.constant 16 : i32
        %mul3A_411 = arith.muli %sub3A_370, %mul3A_410 : i32
        %add3A_412 = arith.constant 0 : i32
        %add3A_413 = arith.addi %mul3A_411, %add3A_412 : i32
        %get3A_414 = arith.constant 3 : i32
        %get3A_415 = arith.index_cast %get3A_414 : i32 to index
        %get3A_416 = arith.index_cast %add3A_413 : i32 to index
        %get3A_417 = tpu.vector_load %arg6[%get3A_415, %get3A_416] {strides = array<i32>} : memref<4x3088xi32, #tpu.memory_space<vmem>>, vector<1x16xi32>,
        %get3A_418 = vector.shape_cast %get3A_417 : vector<1x16xi32> to vector<16xi32>
        %swap3A_419 = arith.constant 48 : index
        %swap3A_420 = tpu.vector_load %arg11[%swap3A_419] {strides = array<i32>} : memref<64xi32, #tpu.memory_space<vmem>>, vector<16xi32>,
        %swap3A_421 = vector.shape_cast %swap3A_420 : vector<16xi32> to vector<16xi32>
        %swap3A_422 = vector.shape_cast %get3A_418 : vector<16xi32> to vector<16xi32>
        tpu.vector_store %arg11[%swap3A_419], %swap3A_422 {strides = array<i32>} : memref<64xi32, #tpu.memory_space<vmem>>, vector<16xi32>,
        %dma_start3A_423 = arith.constant 0 : i32
        %dma_start3A_424 = arith.constant 0 : i32
        %dma_start3A_425 = tpu.memref_slice %arg4[%dma_start3A_423, %dma_start3A_424] : memref<10912x256xf32, #tpu.memory_space<hbm>> -> memref<10912x256xf32, #tpu.memory_space<hbm>>
        tpu.enqueue_indirect_dma source(%dma_start3A_425 : memref<10912x256xf32, #tpu.memory_space<hbm>>) target(%arg15 : memref<64x256xf32, #tpu.memory_space<vmem>>) offsets(%arg11 : memref<64xi32, #tpu.memory_space<vmem>>) semaphore(%arg23 : memref<!tpu.dma_semaphore, #tpu.memory_space<semaphore_mem>>)
      } else {
      }
      %dma_wait3A = arith.constant 0 : i32
      %dma_wait3A_194 = arith.constant 0 : i32
      %dma_wait3A_195 = tpu.memref_slice %arg4[%dma_wait3A, %dma_wait3A_194] : memref<10912x256xf32, #tpu.memory_space<hbm>> -> memref<10912x256xf32, #tpu.memory_space<hbm>>
      tpu.wait_indirect_dma semaphore(%arg20 : memref<!tpu.dma_semaphore, #tpu.memory_space<semaphore_mem>>) src(%dma_wait3A_195 : memref<10912x256xf32, #tpu.memory_space<hbm>>) dst(%arg12 : memref<64x256xf32, #tpu.memory_space<vmem>>)
      %sub3A_196 = arith.constant 4 : i32
      %sub3A_197 = arith.subi %add3A_185, %sub3A_196 : i32
      %mul3A_198 = arith.constant 32 : i32
      %mul3A_199 = arith.muli %sub3A_197, %mul3A_198 : i32
      %add3A_200 = arith.addi %mul3A_199, %add3A : i32
      %mul3A_201 = arith.constant 16 : i32
      %mul3A_202 = arith.muli %add3A_200, %mul3A_201 : i32
      %ge3A = arith.constant 0 : i32
      %ge3A_203 = arith.cmpi sge, %sub3A_197, %ge3A : i32
      %lt3A_204 = arith.constant 98000 : i32
      %lt3A_205 = arith.cmpi slt, %mul3A_202, %lt3A_204 : i32
      %and3A_206 = arith.andi %ge3A_203, %lt3A_205 : i1
      %convert_element_type3A_207 = arith.extui %and3A_206 : i1 to i32
      %cond3A_208 = arith.constant 0 : i32
      %cond3A_209 = arith.cmpi ne, %convert_element_type3A_207, %cond3A_208 : i32
      scf.if %cond3A_209 {
        %dma_wait3A_367 = arith.constant 0 : i32
        %dma_wait3A_368 = tpu.memref_slice %arg5[%mul3A_202, %dma_wait3A_367] : memref<98000x256xf32, #tpu.memory_space<hbm>> -> memref<16x256xf32, #tpu.memory_space<hbm>>
        %dma_wait3A_369 = arith.constant 0 : i32
        %dma_wait3A_370 = tpu.memref_slice %arg5[%mul3A_202, %dma_wait3A_369] : memref<98000x256xf32, #tpu.memory_space<hbm>> -> memref<16x256xf32, #tpu.memory_space<hbm>>
        tpu.wait_dma2 semaphore(%arg24 : memref<!tpu.dma_semaphore, #tpu.memory_space<semaphore_mem>>) src(%arg16 : memref<16x256xf32, #tpu.memory_space<vmem>>) dst(%dma_wait3A_370 : memref<16x256xf32, #tpu.memory_space<hbm>>)
      } else {
      }
      %scan3A_210 = arith.constant 0 : i32
      %scan3A_211 = arith.constant 0 : i32
      %scan3A_212 = arith.constant 16 : i32
      %scan3A_213 = arith.addi %scan3A_211, %scan3A_212 : i32
      %scan3A_214 = arith.constant 1 : i32
      scf.for %scan3A_367 = %scan3A_211 to %scan3A_213 step %scan3A_214  : i32 {
        %broadcast_in_dim3A = arith.constant 0.000000e+00 : f32
        %broadcast_in_dim3A_368 = vector.broadcast %broadcast_in_dim3A : f32 to vector<16xf32>
        %mul3A_369 = arith.constant 16 : i32
        %mul3A_370 = arith.muli %add3A_185, %mul3A_369 : i32
        %add3A_371 = arith.constant 0 : i32
        %add3A_372 = arith.addi %add3A_371, %mul3A_370 : i32
        %add3A_373 = arith.addi %add3A_372, %scan3A_367 : i32
        %get3A_374 = arith.index_cast %add3A_373 : i32 to index
        %get3A_375 = tpu.vector_load %arg7[%get3A_374] {strides = array<i32>} : memref<12304xf32, #tpu.memory_space<vmem>>, vector<16xf32>,
        %get3A_376 = vector.shape_cast %get3A_375 : vector<16xf32> to vector<16xf32>
        %slice3A = vector.extract_strided_slice %get3A_376 {offsets = [0], sizes = [1], strides = [1]} : vector<16xf32> to vector<1xf32>
        %squeeze3A = vector.extract %slice3A[0] : f32 from vector<1xf32>
        %broadcast_in_dim3A_377 = vector.broadcast %squeeze3A : f32 to vector<16xf32>
        %add3A_378 = arith.constant 0 : i32
        %add3A_379 = arith.addi %add3A_378, %scan3A_367 : i32
        %get3A_380 = arith.index_cast %add3A_379 : i32 to index
        %get3A_381 = arith.constant 0 : index
        %get3A_382 = tpu.vector_load %arg12[%get3A_380, %get3A_381] {strides = array<i32>} : memref<64x256xf32, #tpu.memory_space<vmem>>, vector<1x16xf32>,
        %get3A_383 = vector.shape_cast %get3A_382 : vector<1x16xf32> to vector<16xf32>
        %mul3A_384 = arith.mulf %get3A_383, %broadcast_in_dim3A_377 : vector<16xf32>
        %add3A_385 = arith.addf %broadcast_in_dim3A_368, %mul3A_384 : vector<16xf32>
        %add3A_386 = arith.constant 0 : i32
        %add3A_387 = arith.addi %add3A_386, %scan3A_367 : i32
        %get3A_388 = arith.index_cast %add3A_387 : i32 to index
        %get3A_389 = arith.constant 16 : index
        %get3A_390 = tpu.vector_load %arg12[%get3A_388, %get3A_389] {strides = array<i32>} : memref<64x256xf32, #tpu.memory_space<vmem>>, vector<1x16xf32>,
        %get3A_391 = vector.shape_cast %get3A_390 : vector<1x16xf32> to vector<16xf32>
        %mul3A_392 = arith.mulf %get3A_391, %broadcast_in_dim3A_377 : vector<16xf32>
        %add3A_393 = arith.addf %broadcast_in_dim3A_368, %mul3A_392 : vector<16xf32>
        %add3A_394 = arith.constant 0 : i32
        %add3A_395 = arith.addi %add3A_394, %scan3A_367 : i32
        %get3A_396 = arith.index_cast %add3A_395 : i32 to index
        %get3A_397 = arith.constant 32 : index
        %get3A_398 = tpu.vector_load %arg12[%get3A_396, %get3A_397] {strides = array<i32>} : memref<64x256xf32, #tpu.memory_space<vmem>>, vector<1x16xf32>,
        %get3A_399 = vector.shape_cast %get3A_398 : vector<1x16xf32> to vector<16xf32>
        %mul3A_400 = arith.mulf %get3A_399, %broadcast_in_dim3A_377 : vector<16xf32>
        %add3A_401 = arith.addf %broadcast_in_dim3A_368, %mul3A_400 : vector<16xf32>
        %add3A_402 = arith.constant 0 : i32
        %add3A_403 = arith.addi %add3A_402, %scan3A_367 : i32
        %get3A_404 = arith.index_cast %add3A_403 : i32 to index
        %get3A_405 = arith.constant 48 : index
        %get3A_406 = tpu.vector_load %arg12[%get3A_404, %get3A_405] {strides = array<i32>} : memref<64x256xf32, #tpu.memory_space<vmem>>, vector<1x16xf32>,
        %get3A_407 = vector.shape_cast %get3A_406 : vector<1x16xf32> to vector<16xf32>
        %mul3A_408 = arith.mulf %get3A_407, %broadcast_in_dim3A_377 : vector<16xf32>
        %add3A_409 = arith.addf %broadcast_in_dim3A_368, %mul3A_408 : vector<16xf32>
        %add3A_410 = arith.constant 0 : i32
        %add3A_411 = arith.addi %add3A_410, %scan3A_367 : i32
        %get3A_412 = arith.index_cast %add3A_411 : i32 to index
        %get3A_413 = arith.constant 64 : index
        %get3A_414 = tpu.vector_load %arg12[%get3A_412, %get3A_413] {strides = array<i32>} : memref<64x256xf32, #tpu.memory_space<vmem>>, vector<1x16xf32>,
        %get3A_415 = vector.shape_cast %get3A_414 : vector<1x16xf32> to vector<16xf32>
        %mul3A_416 = arith.mulf %get3A_415, %broadcast_in_dim3A_377 : vector<16xf32>
        %add3A_417 = arith.addf %broadcast_in_dim3A_368, %mul3A_416 : vector<16xf32>
        %add3A_418 = arith.constant 0 : i32
        %add3A_419 = arith.addi %add3A_418, %scan3A_367 : i32
        %get3A_420 = arith.index_cast %add3A_419 : i32 to index
        %get3A_421 = arith.constant 80 : index
        %get3A_422 = tpu.vector_load %arg12[%get3A_420, %get3A_421] {strides = array<i32>} : memref<64x256xf32, #tpu.memory_space<vmem>>, vector<1x16xf32>,
        %get3A_423 = vector.shape_cast %get3A_422 : vector<1x16xf32> to vector<16xf32>
        %mul3A_424 = arith.mulf %get3A_423, %broadcast_in_dim3A_377 : vector<16xf32>
        %add3A_425 = arith.addf %broadcast_in_dim3A_368, %mul3A_424 : vector<16xf32>
        %add3A_426 = arith.constant 0 : i32
        %add3A_427 = arith.addi %add3A_426, %scan3A_367 : i32
        %get3A_428 = arith.index_cast %add3A_427 : i32 to index
        %get3A_429 = arith.constant 96 : index
        %get3A_430 = tpu.vector_load %arg12[%get3A_428, %get3A_429] {strides = array<i32>} : memref<64x256xf32, #tpu.memory_space<vmem>>, vector<1x16xf32>,
        %get3A_431 = vector.shape_cast %get3A_430 : vector<1x16xf32> to vector<16xf32>
        %mul3A_432 = arith.mulf %get3A_431, %broadcast_in_dim3A_377 : vector<16xf32>
        %add3A_433 = arith.addf %broadcast_in_dim3A_368, %mul3A_432 : vector<16xf32>
        %add3A_434 = arith.constant 0 : i32
        %add3A_435 = arith.addi %add3A_434, %scan3A_367 : i32
        %get3A_436 = arith.index_cast %add3A_435 : i32 to index
        %get3A_437 = arith.constant 112 : index
        %get3A_438 = tpu.vector_load %arg12[%get3A_436, %get3A_437] {strides = array<i32>} : memref<64x256xf32, #tpu.memory_space<vmem>>, vector<1x16xf32>,
        %get3A_439 = vector.shape_cast %get3A_438 : vector<1x16xf32> to vector<16xf32>
        %mul3A_440 = arith.mulf %get3A_439, %broadcast_in_dim3A_377 : vector<16xf32>
        %add3A_441 = arith.addf %broadcast_in_dim3A_368, %mul3A_440 : vector<16xf32>
        %add3A_442 = arith.constant 0 : i32
        %add3A_443 = arith.addi %add3A_442, %scan3A_367 : i32
        %get3A_444 = arith.index_cast %add3A_443 : i32 to index
        %get3A_445 = arith.constant 128 : index
        %get3A_446 = tpu.vector_load %arg12[%get3A_444, %get3A_445] {strides = array<i32>} : memref<64x256xf32, #tpu.memory_space<vmem>>, vector<1x16xf32>,
        %get3A_447 = vector.shape_cast %get3A_446 : vector<1x16xf32> to vector<16xf32>
        %mul3A_448 = arith.mulf %get3A_447, %broadcast_in_dim3A_377 : vector<16xf32>
        %add3A_449 = arith.addf %broadcast_in_dim3A_368, %mul3A_448 : vector<16xf32>
        %add3A_450 = arith.constant 0 : i32
        %add3A_451 = arith.addi %add3A_450, %scan3A_367 : i32
        %get3A_452 = arith.index_cast %add3A_451 : i32 to index
        %get3A_453 = arith.constant 144 : index
        %get3A_454 = tpu.vector_load %arg12[%get3A_452, %get3A_453] {strides = array<i32>} : memref<64x256xf32, #tpu.memory_space<vmem>>, vector<1x16xf32>,
        %get3A_455 = vector.shape_cast %get3A_454 : vector<1x16xf32> to vector<16xf32>
        %mul3A_456 = arith.mulf %get3A_455, %broadcast_in_dim3A_377 : vector<16xf32>
        %add3A_457 = arith.addf %broadcast_in_dim3A_368, %mul3A_456 : vector<16xf32>
        %add3A_458 = arith.constant 0 : i32
        %add3A_459 = arith.addi %add3A_458, %scan3A_367 : i32
        %get3A_460 = arith.index_cast %add3A_459 : i32 to index
        %get3A_461 = arith.constant 160 : index
        %get3A_462 = tpu.vector_load %arg12[%get3A_460, %get3A_461] {strides = array<i32>} : memref<64x256xf32, #tpu.memory_space<vmem>>, vector<1x16xf32>,
        %get3A_463 = vector.shape_cast %get3A_462 : vector<1x16xf32> to vector<16xf32>
        %mul3A_464 = arith.mulf %get3A_463, %broadcast_in_dim3A_377 : vector<16xf32>
        %add3A_465 = arith.addf %broadcast_in_dim3A_368, %mul3A_464 : vector<16xf32>
        %add3A_466 = arith.constant 0 : i32
        %add3A_467 = arith.addi %add3A_466, %scan3A_367 : i32
        %get3A_468 = arith.index_cast %add3A_467 : i32 to index
        %get3A_469 = arith.constant 176 : index
        %get3A_470 = tpu.vector_load %arg12[%get3A_468, %get3A_469] {strides = array<i32>} : memref<64x256xf32, #tpu.memory_space<vmem>>, vector<1x16xf32>,
        %get3A_471 = vector.shape_cast %get3A_470 : vector<1x16xf32> to vector<16xf32>
        %mul3A_472 = arith.mulf %get3A_471, %broadcast_in_dim3A_377 : vector<16xf32>
        %add3A_473 = arith.addf %broadcast_in_dim3A_368, %mul3A_472 : vector<16xf32>
        %add3A_474 = arith.constant 0 : i32
        %add3A_475 = arith.addi %add3A_474, %scan3A_367 : i32
        %get3A_476 = arith.index_cast %add3A_475 : i32 to index
        %get3A_477 = arith.constant 192 : index
        %get3A_478 = tpu.vector_load %arg12[%get3A_476, %get3A_477] {strides = array<i32>} : memref<64x256xf32, #tpu.memory_space<vmem>>, vector<1x16xf32>,
        %get3A_479 = vector.shape_cast %get3A_478 : vector<1x16xf32> to vector<16xf32>
        %mul3A_480 = arith.mulf %get3A_479, %broadcast_in_dim3A_377 : vector<16xf32>
        %add3A_481 = arith.addf %broadcast_in_dim3A_368, %mul3A_480 : vector<16xf32>
        %add3A_482 = arith.constant 0 : i32
        %add3A_483 = arith.addi %add3A_482, %scan3A_367 : i32
        %get3A_484 = arith.index_cast %add3A_483 : i32 to index
        %get3A_485 = arith.constant 208 : index
        %get3A_486 = tpu.vector_load %arg12[%get3A_484, %get3A_485] {strides = array<i32>} : memref<64x256xf32, #tpu.memory_space<vmem>>, vector<1x16xf32>,
        %get3A_487 = vector.shape_cast %get3A_486 : vector<1x16xf32> to vector<16xf32>
        %mul3A_488 = arith.mulf %get3A_487, %broadcast_in_dim3A_377 : vector<16xf32>
        %add3A_489 = arith.addf %broadcast_in_dim3A_368, %mul3A_488 : vector<16xf32>
        %add3A_490 = arith.constant 0 : i32
        %add3A_491 = arith.addi %add3A_490, %scan3A_367 : i32
        %get3A_492 = arith.index_cast %add3A_491 : i32 to index
        %get3A_493 = arith.constant 224 : index
        %get3A_494 = tpu.vector_load %arg12[%get3A_492, %get3A_493] {strides = array<i32>} : memref<64x256xf32, #tpu.memory_space<vmem>>, vector<1x16xf32>,
        %get3A_495 = vector.shape_cast %get3A_494 : vector<1x16xf32> to vector<16xf32>
        %mul3A_496 = arith.mulf %get3A_495, %broadcast_in_dim3A_377 : vector<16xf32>
        %add3A_497 = arith.addf %broadcast_in_dim3A_368, %mul3A_496 : vector<16xf32>
        %add3A_498 = arith.constant 0 : i32
        %add3A_499 = arith.addi %add3A_498, %scan3A_367 : i32
        %get3A_500 = arith.index_cast %add3A_499 : i32 to index
        %get3A_501 = arith.constant 240 : index
        %get3A_502 = tpu.vector_load %arg12[%get3A_500, %get3A_501] {strides = array<i32>} : memref<64x256xf32, #tpu.memory_space<vmem>>, vector<1x16xf32>,
        %get3A_503 = vector.shape_cast %get3A_502 : vector<1x16xf32> to vector<16xf32>
        %mul3A_504 = arith.mulf %get3A_503, %broadcast_in_dim3A_377 : vector<16xf32>
        %add3A_505 = arith.addf %broadcast_in_dim3A_368, %mul3A_504 : vector<16xf32>
        %mul3A_506 = arith.constant 16 : i32
        %mul3A_507 = arith.muli %add3A_185, %mul3A_506 : i32
        %add3A_508 = arith.constant 3072 : i32
        %add3A_509 = arith.addi %add3A_508, %mul3A_507 : i32
        %add3A_510 = arith.addi %add3A_509, %scan3A_367 : i32
        %get3A_511 = arith.index_cast %add3A_510 : i32 to index
        %get3A_512 = tpu.vector_load %arg7[%get3A_511] {strides = array<i32>} : memref<12304xf32, #tpu.memory_space<vmem>>, vector<16xf32>,
        %get3A_513 = vector.shape_cast %get3A_512 : vector<16xf32> to vector<16xf32>
        %slice3A_514 = vector.extract_strided_slice %get3A_513 {offsets = [0], sizes = [1], strides = [1]} : vector<16xf32> to vector<1xf32>
        %squeeze3A_515 = vector.extract %slice3A_514[0] : f32 from vector<1xf32>
        %broadcast_in_dim3A_516 = vector.broadcast %squeeze3A_515 : f32 to vector<16xf32>
        %add3A_517 = arith.constant 16 : i32
        %add3A_518 = arith.addi %add3A_517, %scan3A_367 : i32
        %get3A_519 = arith.index_cast %add3A_518 : i32 to index
        %get3A_520 = arith.constant 0 : index
        %get3A_521 = tpu.vector_load %arg12[%get3A_519, %get3A_520] {strides = array<i32>} : memref<64x256xf32, #tpu.memory_space<vmem>>, vector<1x16xf32>,
        %get3A_522 = vector.shape_cast %get3A_521 : vector<1x16xf32> to vector<16xf32>
        %mul3A_523 = arith.mulf %get3A_522, %broadcast_in_dim3A_516 : vector<16xf32>
        %add3A_524 = arith.addf %add3A_385, %mul3A_523 : vector<16xf32>
        %add3A_525 = arith.constant 16 : i32
        %add3A_526 = arith.addi %add3A_525, %scan3A_367 : i32
        %get3A_527 = arith.index_cast %add3A_526 : i32 to index
        %get3A_528 = arith.constant 16 : index
        %get3A_529 = tpu.vector_load %arg12[%get3A_527, %get3A_528] {strides = array<i32>} : memref<64x256xf32, #tpu.memory_space<vmem>>, vector<1x16xf32>,
        %get3A_530 = vector.shape_cast %get3A_529 : vector<1x16xf32> to vector<16xf32>
        %mul3A_531 = arith.mulf %get3A_530, %broadcast_in_dim3A_516 : vector<16xf32>
        %add3A_532 = arith.addf %add3A_393, %mul3A_531 : vector<16xf32>
        %add3A_533 = arith.constant 16 : i32
        %add3A_534 = arith.addi %add3A_533, %scan3A_367 : i32
        %get3A_535 = arith.index_cast %add3A_534 : i32 to index
        %get3A_536 = arith.constant 32 : index
        %get3A_537 = tpu.vector_load %arg12[%get3A_535, %get3A_536] {strides = array<i32>} : memref<64x256xf32, #tpu.memory_space<vmem>>, vector<1x16xf32>,
        %get3A_538 = vector.shape_cast %get3A_537 : vector<1x16xf32> to vector<16xf32>
        %mul3A_539 = arith.mulf %get3A_538, %broadcast_in_dim3A_516 : vector<16xf32>
        %add3A_540 = arith.addf %add3A_401, %mul3A_539 : vector<16xf32>
        %add3A_541 = arith.constant 16 : i32
        %add3A_542 = arith.addi %add3A_541, %scan3A_367 : i32
        %get3A_543 = arith.index_cast %add3A_542 : i32 to index
        %get3A_544 = arith.constant 48 : index
        %get3A_545 = tpu.vector_load %arg12[%get3A_543, %get3A_544] {strides = array<i32>} : memref<64x256xf32, #tpu.memory_space<vmem>>, vector<1x16xf32>,
        %get3A_546 = vector.shape_cast %get3A_545 : vector<1x16xf32> to vector<16xf32>
        %mul3A_547 = arith.mulf %get3A_546, %broadcast_in_dim3A_516 : vector<16xf32>
        %add3A_548 = arith.addf %add3A_409, %mul3A_547 : vector<16xf32>
        %add3A_549 = arith.constant 16 : i32
        %add3A_550 = arith.addi %add3A_549, %scan3A_367 : i32
        %get3A_551 = arith.index_cast %add3A_550 : i32 to index
        %get3A_552 = arith.constant 64 : index
        %get3A_553 = tpu.vector_load %arg12[%get3A_551, %get3A_552] {strides = array<i32>} : memref<64x256xf32, #tpu.memory_space<vmem>>, vector<1x16xf32>,
        %get3A_554 = vector.shape_cast %get3A_553 : vector<1x16xf32> to vector<16xf32>
        %mul3A_555 = arith.mulf %get3A_554, %broadcast_in_dim3A_516 : vector<16xf32>
        %add3A_556 = arith.addf %add3A_417, %mul3A_555 : vector<16xf32>
        %add3A_557 = arith.constant 16 : i32
        %add3A_558 = arith.addi %add3A_557, %scan3A_367 : i32
        %get3A_559 = arith.index_cast %add3A_558 : i32 to index
        %get3A_560 = arith.constant 80 : index
        %get3A_561 = tpu.vector_load %arg12[%get3A_559, %get3A_560] {strides = array<i32>} : memref<64x256xf32, #tpu.memory_space<vmem>>, vector<1x16xf32>,
        %get3A_562 = vector.shape_cast %get3A_561 : vector<1x16xf32> to vector<16xf32>
        %mul3A_563 = arith.mulf %get3A_562, %broadcast_in_dim3A_516 : vector<16xf32>
        %add3A_564 = arith.addf %add3A_425, %mul3A_563 : vector<16xf32>
        %add3A_565 = arith.constant 16 : i32
        %add3A_566 = arith.addi %add3A_565, %scan3A_367 : i32
        %get3A_567 = arith.index_cast %add3A_566 : i32 to index
        %get3A_568 = arith.constant 96 : index
        %get3A_569 = tpu.vector_load %arg12[%get3A_567, %get3A_568] {strides = array<i32>} : memref<64x256xf32, #tpu.memory_space<vmem>>, vector<1x16xf32>,
        %get3A_570 = vector.shape_cast %get3A_569 : vector<1x16xf32> to vector<16xf32>
        %mul3A_571 = arith.mulf %get3A_570, %broadcast_in_dim3A_516 : vector<16xf32>
        %add3A_572 = arith.addf %add3A_433, %mul3A_571 : vector<16xf32>
        %add3A_573 = arith.constant 16 : i32
        %add3A_574 = arith.addi %add3A_573, %scan3A_367 : i32
        %get3A_575 = arith.index_cast %add3A_574 : i32 to index
        %get3A_576 = arith.constant 112 : index
        %get3A_577 = tpu.vector_load %arg12[%get3A_575, %get3A_576] {strides = array<i32>} : memref<64x256xf32, #tpu.memory_space<vmem>>, vector<1x16xf32>,
        %get3A_578 = vector.shape_cast %get3A_577 : vector<1x16xf32> to vector<16xf32>
        %mul3A_579 = arith.mulf %get3A_578, %broadcast_in_dim3A_516 : vector<16xf32>
        %add3A_580 = arith.addf %add3A_441, %mul3A_579 : vector<16xf32>
        %add3A_581 = arith.constant 16 : i32
        %add3A_582 = arith.addi %add3A_581, %scan3A_367 : i32
        %get3A_583 = arith.index_cast %add3A_582 : i32 to index
        %get3A_584 = arith.constant 128 : index
        %get3A_585 = tpu.vector_load %arg12[%get3A_583, %get3A_584] {strides = array<i32>} : memref<64x256xf32, #tpu.memory_space<vmem>>, vector<1x16xf32>,
        %get3A_586 = vector.shape_cast %get3A_585 : vector<1x16xf32> to vector<16xf32>
        %mul3A_587 = arith.mulf %get3A_586, %broadcast_in_dim3A_516 : vector<16xf32>
        %add3A_588 = arith.addf %add3A_449, %mul3A_587 : vector<16xf32>
        %add3A_589 = arith.constant 16 : i32
        %add3A_590 = arith.addi %add3A_589, %scan3A_367 : i32
        %get3A_591 = arith.index_cast %add3A_590 : i32 to index
        %get3A_592 = arith.constant 144 : index
        %get3A_593 = tpu.vector_load %arg12[%get3A_591, %get3A_592] {strides = array<i32>} : memref<64x256xf32, #tpu.memory_space<vmem>>, vector<1x16xf32>,
        %get3A_594 = vector.shape_cast %get3A_593 : vector<1x16xf32> to vector<16xf32>
        %mul3A_595 = arith.mulf %get3A_594, %broadcast_in_dim3A_516 : vector<16xf32>
        %add3A_596 = arith.addf %add3A_457, %mul3A_595 : vector<16xf32>
        %add3A_597 = arith.constant 16 : i32
        %add3A_598 = arith.addi %add3A_597, %scan3A_367 : i32
        %get3A_599 = arith.index_cast %add3A_598 : i32 to index
        %get3A_600 = arith.constant 160 : index
        %get3A_601 = tpu.vector_load %arg12[%get3A_599, %get3A_600] {strides = array<i32>} : memref<64x256xf32, #tpu.memory_space<vmem>>, vector<1x16xf32>,
        %get3A_602 = vector.shape_cast %get3A_601 : vector<1x16xf32> to vector<16xf32>
        %mul3A_603 = arith.mulf %get3A_602, %broadcast_in_dim3A_516 : vector<16xf32>
        %add3A_604 = arith.addf %add3A_465, %mul3A_603 : vector<16xf32>
        %add3A_605 = arith.constant 16 : i32
        %add3A_606 = arith.addi %add3A_605, %scan3A_367 : i32
        %get3A_607 = arith.index_cast %add3A_606 : i32 to index
        %get3A_608 = arith.constant 176 : index
        %get3A_609 = tpu.vector_load %arg12[%get3A_607, %get3A_608] {strides = array<i32>} : memref<64x256xf32, #tpu.memory_space<vmem>>, vector<1x16xf32>,
        %get3A_610 = vector.shape_cast %get3A_609 : vector<1x16xf32> to vector<16xf32>
        %mul3A_611 = arith.mulf %get3A_610, %broadcast_in_dim3A_516 : vector<16xf32>
        %add3A_612 = arith.addf %add3A_473, %mul3A_611 : vector<16xf32>
        %add3A_613 = arith.constant 16 : i32
        %add3A_614 = arith.addi %add3A_613, %scan3A_367 : i32
        %get3A_615 = arith.index_cast %add3A_614 : i32 to index
        %get3A_616 = arith.constant 192 : index
        %get3A_617 = tpu.vector_load %arg12[%get3A_615, %get3A_616] {strides = array<i32>} : memref<64x256xf32, #tpu.memory_space<vmem>>, vector<1x16xf32>,
        %get3A_618 = vector.shape_cast %get3A_617 : vector<1x16xf32> to vector<16xf32>
        %mul3A_619 = arith.mulf %get3A_618, %broadcast_in_dim3A_516 : vector<16xf32>
        %add3A_620 = arith.addf %add3A_481, %mul3A_619 : vector<16xf32>
        %add3A_621 = arith.constant 16 : i32
        %add3A_622 = arith.addi %add3A_621, %scan3A_367 : i32
        %get3A_623 = arith.index_cast %add3A_622 : i32 to index
        %get3A_624 = arith.constant 208 : index
        %get3A_625 = tpu.vector_load %arg12[%get3A_623, %get3A_624] {strides = array<i32>} : memref<64x256xf32, #tpu.memory_space<vmem>>, vector<1x16xf32>,
        %get3A_626 = vector.shape_cast %get3A_625 : vector<1x16xf32> to vector<16xf32>
        %mul3A_627 = arith.mulf %get3A_626, %broadcast_in_dim3A_516 : vector<16xf32>
        %add3A_628 = arith.addf %add3A_489, %mul3A_627 : vector<16xf32>
        %add3A_629 = arith.constant 16 : i32
        %add3A_630 = arith.addi %add3A_629, %scan3A_367 : i32
        %get3A_631 = arith.index_cast %add3A_630 : i32 to index
        %get3A_632 = arith.constant 224 : index
        %get3A_633 = tpu.vector_load %arg12[%get3A_631, %get3A_632] {strides = array<i32>} : memref<64x256xf32, #tpu.memory_space<vmem>>, vector<1x16xf32>,
        %get3A_634 = vector.shape_cast %get3A_633 : vector<1x16xf32> to vector<16xf32>
        %mul3A_635 = arith.mulf %get3A_634, %broadcast_in_dim3A_516 : vector<16xf32>
        %add3A_636 = arith.addf %add3A_497, %mul3A_635 : vector<16xf32>
        %add3A_637 = arith.constant 16 : i32
        %add3A_638 = arith.addi %add3A_637, %scan3A_367 : i32
        %get3A_639 = arith.index_cast %add3A_638 : i32 to index
        %get3A_640 = arith.constant 240 : index
        %get3A_641 = tpu.vector_load %arg12[%get3A_639, %get3A_640] {strides = array<i32>} : memref<64x256xf32, #tpu.memory_space<vmem>>, vector<1x16xf32>,
        %get3A_642 = vector.shape_cast %get3A_641 : vector<1x16xf32> to vector<16xf32>
        %mul3A_643 = arith.mulf %get3A_642, %broadcast_in_dim3A_516 : vector<16xf32>
        %add3A_644 = arith.addf %add3A_505, %mul3A_643 : vector<16xf32>
        %mul3A_645 = arith.constant 16 : i32
        %mul3A_646 = arith.muli %add3A_185, %mul3A_645 : i32
        %add3A_647 = arith.constant 6144 : i32
        %add3A_648 = arith.addi %add3A_647, %mul3A_646 : i32
        %add3A_649 = arith.addi %add3A_648, %scan3A_367 : i32
        %get3A_650 = arith.index_cast %add3A_649 : i32 to index
        %get3A_651 = tpu.vector_load %arg7[%get3A_650] {strides = array<i32>} : memref<12304xf32, #tpu.memory_space<vmem>>, vector<16xf32>,
        %get3A_652 = vector.shape_cast %get3A_651 : vector<16xf32> to vector<16xf32>
        %slice3A_653 = vector.extract_strided_slice %get3A_652 {offsets = [0], sizes = [1], strides = [1]} : vector<16xf32> to vector<1xf32>
        %squeeze3A_654 = vector.extract %slice3A_653[0] : f32 from vector<1xf32>
        %broadcast_in_dim3A_655 = vector.broadcast %squeeze3A_654 : f32 to vector<16xf32>
        %add3A_656 = arith.constant 32 : i32
        %add3A_657 = arith.addi %add3A_656, %scan3A_367 : i32
        %get3A_658 = arith.index_cast %add3A_657 : i32 to index
        %get3A_659 = arith.constant 0 : index
        %get3A_660 = tpu.vector_load %arg12[%get3A_658, %get3A_659] {strides = array<i32>} : memref<64x256xf32, #tpu.memory_space<vmem>>, vector<1x16xf32>,
        %get3A_661 = vector.shape_cast %get3A_660 : vector<1x16xf32> to vector<16xf32>
        %mul3A_662 = arith.mulf %get3A_661, %broadcast_in_dim3A_655 : vector<16xf32>
        %add3A_663 = arith.addf %add3A_524, %mul3A_662 : vector<16xf32>
        %add3A_664 = arith.constant 32 : i32
        %add3A_665 = arith.addi %add3A_664, %scan3A_367 : i32
        %get3A_666 = arith.index_cast %add3A_665 : i32 to index
        %get3A_667 = arith.constant 16 : index
        %get3A_668 = tpu.vector_load %arg12[%get3A_666, %get3A_667] {strides = array<i32>} : memref<64x256xf32, #tpu.memory_space<vmem>>, vector<1x16xf32>,
        %get3A_669 = vector.shape_cast %get3A_668 : vector<1x16xf32> to vector<16xf32>
        %mul3A_670 = arith.mulf %get3A_669, %broadcast_in_dim3A_655 : vector<16xf32>
        %add3A_671 = arith.addf %add3A_532, %mul3A_670 : vector<16xf32>
        %add3A_672 = arith.constant 32 : i32
        %add3A_673 = arith.addi %add3A_672, %scan3A_367 : i32
        %get3A_674 = arith.index_cast %add3A_673 : i32 to index
        %get3A_675 = arith.constant 32 : index
        %get3A_676 = tpu.vector_load %arg12[%get3A_674, %get3A_675] {strides = array<i32>} : memref<64x256xf32, #tpu.memory_space<vmem>>, vector<1x16xf32>,
        %get3A_677 = vector.shape_cast %get3A_676 : vector<1x16xf32> to vector<16xf32>
        %mul3A_678 = arith.mulf %get3A_677, %broadcast_in_dim3A_655 : vector<16xf32>
        %add3A_679 = arith.addf %add3A_540, %mul3A_678 : vector<16xf32>
        %add3A_680 = arith.constant 32 : i32
        %add3A_681 = arith.addi %add3A_680, %scan3A_367 : i32
        %get3A_682 = arith.index_cast %add3A_681 : i32 to index
        %get3A_683 = arith.constant 48 : index
        %get3A_684 = tpu.vector_load %arg12[%get3A_682, %get3A_683] {strides = array<i32>} : memref<64x256xf32, #tpu.memory_space<vmem>>, vector<1x16xf32>,
        %get3A_685 = vector.shape_cast %get3A_684 : vector<1x16xf32> to vector<16xf32>
        %mul3A_686 = arith.mulf %get3A_685, %broadcast_in_dim3A_655 : vector<16xf32>
        %add3A_687 = arith.addf %add3A_548, %mul3A_686 : vector<16xf32>
        %add3A_688 = arith.constant 32 : i32
        %add3A_689 = arith.addi %add3A_688, %scan3A_367 : i32
        %get3A_690 = arith.index_cast %add3A_689 : i32 to index
        %get3A_691 = arith.constant 64 : index
        %get3A_692 = tpu.vector_load %arg12[%get3A_690, %get3A_691] {strides = array<i32>} : memref<64x256xf32, #tpu.memory_space<vmem>>, vector<1x16xf32>,
        %get3A_693 = vector.shape_cast %get3A_692 : vector<1x16xf32> to vector<16xf32>
        %mul3A_694 = arith.mulf %get3A_693, %broadcast_in_dim3A_655 : vector<16xf32>
        %add3A_695 = arith.addf %add3A_556, %mul3A_694 : vector<16xf32>
        %add3A_696 = arith.constant 32 : i32
        %add3A_697 = arith.addi %add3A_696, %scan3A_367 : i32
        %get3A_698 = arith.index_cast %add3A_697 : i32 to index
        %get3A_699 = arith.constant 80 : index
        %get3A_700 = tpu.vector_load %arg12[%get3A_698, %get3A_699] {strides = array<i32>} : memref<64x256xf32, #tpu.memory_space<vmem>>, vector<1x16xf32>,
        %get3A_701 = vector.shape_cast %get3A_700 : vector<1x16xf32> to vector<16xf32>
        %mul3A_702 = arith.mulf %get3A_701, %broadcast_in_dim3A_655 : vector<16xf32>
        %add3A_703 = arith.addf %add3A_564, %mul3A_702 : vector<16xf32>
        %add3A_704 = arith.constant 32 : i32
        %add3A_705 = arith.addi %add3A_704, %scan3A_367 : i32
        %get3A_706 = arith.index_cast %add3A_705 : i32 to index
        %get3A_707 = arith.constant 96 : index
        %get3A_708 = tpu.vector_load %arg12[%get3A_706, %get3A_707] {strides = array<i32>} : memref<64x256xf32, #tpu.memory_space<vmem>>, vector<1x16xf32>,
        %get3A_709 = vector.shape_cast %get3A_708 : vector<1x16xf32> to vector<16xf32>
        %mul3A_710 = arith.mulf %get3A_709, %broadcast_in_dim3A_655 : vector<16xf32>
        %add3A_711 = arith.addf %add3A_572, %mul3A_710 : vector<16xf32>
        %add3A_712 = arith.constant 32 : i32
        %add3A_713 = arith.addi %add3A_712, %scan3A_367 : i32
        %get3A_714 = arith.index_cast %add3A_713 : i32 to index
        %get3A_715 = arith.constant 112 : index
        %get3A_716 = tpu.vector_load %arg12[%get3A_714, %get3A_715] {strides = array<i32>} : memref<64x256xf32, #tpu.memory_space<vmem>>, vector<1x16xf32>,
        %get3A_717 = vector.shape_cast %get3A_716 : vector<1x16xf32> to vector<16xf32>
        %mul3A_718 = arith.mulf %get3A_717, %broadcast_in_dim3A_655 : vector<16xf32>
        %add3A_719 = arith.addf %add3A_580, %mul3A_718 : vector<16xf32>
        %add3A_720 = arith.constant 32 : i32
        %add3A_721 = arith.addi %add3A_720, %scan3A_367 : i32
        %get3A_722 = arith.index_cast %add3A_721 : i32 to index
        %get3A_723 = arith.constant 128 : index
        %get3A_724 = tpu.vector_load %arg12[%get3A_722, %get3A_723] {strides = array<i32>} : memref<64x256xf32, #tpu.memory_space<vmem>>, vector<1x16xf32>,
        %get3A_725 = vector.shape_cast %get3A_724 : vector<1x16xf32> to vector<16xf32>
        %mul3A_726 = arith.mulf %get3A_725, %broadcast_in_dim3A_655 : vector<16xf32>
        %add3A_727 = arith.addf %add3A_588, %mul3A_726 : vector<16xf32>
        %add3A_728 = arith.constant 32 : i32
        %add3A_729 = arith.addi %add3A_728, %scan3A_367 : i32
        %get3A_730 = arith.index_cast %add3A_729 : i32 to index
        %get3A_731 = arith.constant 144 : index
        %get3A_732 = tpu.vector_load %arg12[%get3A_730, %get3A_731] {strides = array<i32>} : memref<64x256xf32, #tpu.memory_space<vmem>>, vector<1x16xf32>,
        %get3A_733 = vector.shape_cast %get3A_732 : vector<1x16xf32> to vector<16xf32>
        %mul3A_734 = arith.mulf %get3A_733, %broadcast_in_dim3A_655 : vector<16xf32>
        %add3A_735 = arith.addf %add3A_596, %mul3A_734 : vector<16xf32>
        %add3A_736 = arith.constant 32 : i32
        %add3A_737 = arith.addi %add3A_736, %scan3A_367 : i32
        %get3A_738 = arith.index_cast %add3A_737 : i32 to index
        %get3A_739 = arith.constant 160 : index
        %get3A_740 = tpu.vector_load %arg12[%get3A_738, %get3A_739] {strides = array<i32>} : memref<64x256xf32, #tpu.memory_space<vmem>>, vector<1x16xf32>,
        %get3A_741 = vector.shape_cast %get3A_740 : vector<1x16xf32> to vector<16xf32>
        %mul3A_742 = arith.mulf %get3A_741, %broadcast_in_dim3A_655 : vector<16xf32>
        %add3A_743 = arith.addf %add3A_604, %mul3A_742 : vector<16xf32>
        %add3A_744 = arith.constant 32 : i32
        %add3A_745 = arith.addi %add3A_744, %scan3A_367 : i32
        %get3A_746 = arith.index_cast %add3A_745 : i32 to index
        %get3A_747 = arith.constant 176 : index
        %get3A_748 = tpu.vector_load %arg12[%get3A_746, %get3A_747] {strides = array<i32>} : memref<64x256xf32, #tpu.memory_space<vmem>>, vector<1x16xf32>,
        %get3A_749 = vector.shape_cast %get3A_748 : vector<1x16xf32> to vector<16xf32>
        %mul3A_750 = arith.mulf %get3A_749, %broadcast_in_dim3A_655 : vector<16xf32>
        %add3A_751 = arith.addf %add3A_612, %mul3A_750 : vector<16xf32>
        %add3A_752 = arith.constant 32 : i32
        %add3A_753 = arith.addi %add3A_752, %scan3A_367 : i32
        %get3A_754 = arith.index_cast %add3A_753 : i32 to index
        %get3A_755 = arith.constant 192 : index
        %get3A_756 = tpu.vector_load %arg12[%get3A_754, %get3A_755] {strides = array<i32>} : memref<64x256xf32, #tpu.memory_space<vmem>>, vector<1x16xf32>,
        %get3A_757 = vector.shape_cast %get3A_756 : vector<1x16xf32> to vector<16xf32>
        %mul3A_758 = arith.mulf %get3A_757, %broadcast_in_dim3A_655 : vector<16xf32>
        %add3A_759 = arith.addf %add3A_620, %mul3A_758 : vector<16xf32>
        %add3A_760 = arith.constant 32 : i32
        %add3A_761 = arith.addi %add3A_760, %scan3A_367 : i32
        %get3A_762 = arith.index_cast %add3A_761 : i32 to index
        %get3A_763 = arith.constant 208 : index
        %get3A_764 = tpu.vector_load %arg12[%get3A_762, %get3A_763] {strides = array<i32>} : memref<64x256xf32, #tpu.memory_space<vmem>>, vector<1x16xf32>,
        %get3A_765 = vector.shape_cast %get3A_764 : vector<1x16xf32> to vector<16xf32>
        %mul3A_766 = arith.mulf %get3A_765, %broadcast_in_dim3A_655 : vector<16xf32>
        %add3A_767 = arith.addf %add3A_628, %mul3A_766 : vector<16xf32>
        %add3A_768 = arith.constant 32 : i32
        %add3A_769 = arith.addi %add3A_768, %scan3A_367 : i32
        %get3A_770 = arith.index_cast %add3A_769 : i32 to index
        %get3A_771 = arith.constant 224 : index
        %get3A_772 = tpu.vector_load %arg12[%get3A_770, %get3A_771] {strides = array<i32>} : memref<64x256xf32, #tpu.memory_space<vmem>>, vector<1x16xf32>,
        %get3A_773 = vector.shape_cast %get3A_772 : vector<1x16xf32> to vector<16xf32>
        %mul3A_774 = arith.mulf %get3A_773, %broadcast_in_dim3A_655 : vector<16xf32>
        %add3A_775 = arith.addf %add3A_636, %mul3A_774 : vector<16xf32>
        %add3A_776 = arith.constant 32 : i32
        %add3A_777 = arith.addi %add3A_776, %scan3A_367 : i32
        %get3A_778 = arith.index_cast %add3A_777 : i32 to index
        %get3A_779 = arith.constant 240 : index
        %get3A_780 = tpu.vector_load %arg12[%get3A_778, %get3A_779] {strides = array<i32>} : memref<64x256xf32, #tpu.memory_space<vmem>>, vector<1x16xf32>,
        %get3A_781 = vector.shape_cast %get3A_780 : vector<1x16xf32> to vector<16xf32>
        %mul3A_782 = arith.mulf %get3A_781, %broadcast_in_dim3A_655 : vector<16xf32>
        %add3A_783 = arith.addf %add3A_644, %mul3A_782 : vector<16xf32>
        %mul3A_784 = arith.constant 16 : i32
        %mul3A_785 = arith.muli %add3A_185, %mul3A_784 : i32
        %add3A_786 = arith.constant 9216 : i32
        %add3A_787 = arith.addi %add3A_786, %mul3A_785 : i32
        %add3A_788 = arith.addi %add3A_787, %scan3A_367 : i32
        %get3A_789 = arith.index_cast %add3A_788 : i32 to index
        %get3A_790 = tpu.vector_load %arg7[%get3A_789] {strides = array<i32>} : memref<12304xf32, #tpu.memory_space<vmem>>, vector<16xf32>,
        %get3A_791 = vector.shape_cast %get3A_790 : vector<16xf32> to vector<16xf32>
        %slice3A_792 = vector.extract_strided_slice %get3A_791 {offsets = [0], sizes = [1], strides = [1]} : vector<16xf32> to vector<1xf32>
        %squeeze3A_793 = vector.extract %slice3A_792[0] : f32 from vector<1xf32>
        %broadcast_in_dim3A_794 = vector.broadcast %squeeze3A_793 : f32 to vector<16xf32>
        %add3A_795 = arith.constant 48 : i32
        %add3A_796 = arith.addi %add3A_795, %scan3A_367 : i32
        %get3A_797 = arith.index_cast %add3A_796 : i32 to index
        %get3A_798 = arith.constant 0 : index
        %get3A_799 = tpu.vector_load %arg12[%get3A_797, %get3A_798] {strides = array<i32>} : memref<64x256xf32, #tpu.memory_space<vmem>>, vector<1x16xf32>,
        %get3A_800 = vector.shape_cast %get3A_799 : vector<1x16xf32> to vector<16xf32>
        %mul3A_801 = arith.mulf %get3A_800, %broadcast_in_dim3A_794 : vector<16xf32>
        %add3A_802 = arith.addf %add3A_663, %mul3A_801 : vector<16xf32>
        %add3A_803 = arith.constant 48 : i32
        %add3A_804 = arith.addi %add3A_803, %scan3A_367 : i32
        %get3A_805 = arith.index_cast %add3A_804 : i32 to index
        %get3A_806 = arith.constant 16 : index
        %get3A_807 = tpu.vector_load %arg12[%get3A_805, %get3A_806] {strides = array<i32>} : memref<64x256xf32, #tpu.memory_space<vmem>>, vector<1x16xf32>,
        %get3A_808 = vector.shape_cast %get3A_807 : vector<1x16xf32> to vector<16xf32>
        %mul3A_809 = arith.mulf %get3A_808, %broadcast_in_dim3A_794 : vector<16xf32>
        %add3A_810 = arith.addf %add3A_671, %mul3A_809 : vector<16xf32>
        %add3A_811 = arith.constant 48 : i32
        %add3A_812 = arith.addi %add3A_811, %scan3A_367 : i32
        %get3A_813 = arith.index_cast %add3A_812 : i32 to index
        %get3A_814 = arith.constant 32 : index
        %get3A_815 = tpu.vector_load %arg12[%get3A_813, %get3A_814] {strides = array<i32>} : memref<64x256xf32, #tpu.memory_space<vmem>>, vector<1x16xf32>,
        %get3A_816 = vector.shape_cast %get3A_815 : vector<1x16xf32> to vector<16xf32>
        %mul3A_817 = arith.mulf %get3A_816, %broadcast_in_dim3A_794 : vector<16xf32>
        %add3A_818 = arith.addf %add3A_679, %mul3A_817 : vector<16xf32>
        %add3A_819 = arith.constant 48 : i32
        %add3A_820 = arith.addi %add3A_819, %scan3A_367 : i32
        %get3A_821 = arith.index_cast %add3A_820 : i32 to index
        %get3A_822 = arith.constant 48 : index
        %get3A_823 = tpu.vector_load %arg12[%get3A_821, %get3A_822] {strides = array<i32>} : memref<64x256xf32, #tpu.memory_space<vmem>>, vector<1x16xf32>,
        %get3A_824 = vector.shape_cast %get3A_823 : vector<1x16xf32> to vector<16xf32>
        %mul3A_825 = arith.mulf %get3A_824, %broadcast_in_dim3A_794 : vector<16xf32>
        %add3A_826 = arith.addf %add3A_687, %mul3A_825 : vector<16xf32>
        %add3A_827 = arith.constant 48 : i32
        %add3A_828 = arith.addi %add3A_827, %scan3A_367 : i32
        %get3A_829 = arith.index_cast %add3A_828 : i32 to index
        %get3A_830 = arith.constant 64 : index
        %get3A_831 = tpu.vector_load %arg12[%get3A_829, %get3A_830] {strides = array<i32>} : memref<64x256xf32, #tpu.memory_space<vmem>>, vector<1x16xf32>,
        %get3A_832 = vector.shape_cast %get3A_831 : vector<1x16xf32> to vector<16xf32>
        %mul3A_833 = arith.mulf %get3A_832, %broadcast_in_dim3A_794 : vector<16xf32>
        %add3A_834 = arith.addf %add3A_695, %mul3A_833 : vector<16xf32>
        %add3A_835 = arith.constant 48 : i32
        %add3A_836 = arith.addi %add3A_835, %scan3A_367 : i32
        %get3A_837 = arith.index_cast %add3A_836 : i32 to index
        %get3A_838 = arith.constant 80 : index
        %get3A_839 = tpu.vector_load %arg12[%get3A_837, %get3A_838] {strides = array<i32>} : memref<64x256xf32, #tpu.memory_space<vmem>>, vector<1x16xf32>,
        %get3A_840 = vector.shape_cast %get3A_839 : vector<1x16xf32> to vector<16xf32>
        %mul3A_841 = arith.mulf %get3A_840, %broadcast_in_dim3A_794 : vector<16xf32>
        %add3A_842 = arith.addf %add3A_703, %mul3A_841 : vector<16xf32>
        %add3A_843 = arith.constant 48 : i32
        %add3A_844 = arith.addi %add3A_843, %scan3A_367 : i32
        %get3A_845 = arith.index_cast %add3A_844 : i32 to index
        %get3A_846 = arith.constant 96 : index
        %get3A_847 = tpu.vector_load %arg12[%get3A_845, %get3A_846] {strides = array<i32>} : memref<64x256xf32, #tpu.memory_space<vmem>>, vector<1x16xf32>,
        %get3A_848 = vector.shape_cast %get3A_847 : vector<1x16xf32> to vector<16xf32>
        %mul3A_849 = arith.mulf %get3A_848, %broadcast_in_dim3A_794 : vector<16xf32>
        %add3A_850 = arith.addf %add3A_711, %mul3A_849 : vector<16xf32>
        %add3A_851 = arith.constant 48 : i32
        %add3A_852 = arith.addi %add3A_851, %scan3A_367 : i32
        %get3A_853 = arith.index_cast %add3A_852 : i32 to index
        %get3A_854 = arith.constant 112 : index
        %get3A_855 = tpu.vector_load %arg12[%get3A_853, %get3A_854] {strides = array<i32>} : memref<64x256xf32, #tpu.memory_space<vmem>>, vector<1x16xf32>,
        %get3A_856 = vector.shape_cast %get3A_855 : vector<1x16xf32> to vector<16xf32>
        %mul3A_857 = arith.mulf %get3A_856, %broadcast_in_dim3A_794 : vector<16xf32>
        %add3A_858 = arith.addf %add3A_719, %mul3A_857 : vector<16xf32>
        %add3A_859 = arith.constant 48 : i32
        %add3A_860 = arith.addi %add3A_859, %scan3A_367 : i32
        %get3A_861 = arith.index_cast %add3A_860 : i32 to index
        %get3A_862 = arith.constant 128 : index
        %get3A_863 = tpu.vector_load %arg12[%get3A_861, %get3A_862] {strides = array<i32>} : memref<64x256xf32, #tpu.memory_space<vmem>>, vector<1x16xf32>,
        %get3A_864 = vector.shape_cast %get3A_863 : vector<1x16xf32> to vector<16xf32>
        %mul3A_865 = arith.mulf %get3A_864, %broadcast_in_dim3A_794 : vector<16xf32>
        %add3A_866 = arith.addf %add3A_727, %mul3A_865 : vector<16xf32>
        %add3A_867 = arith.constant 48 : i32
        %add3A_868 = arith.addi %add3A_867, %scan3A_367 : i32
        %get3A_869 = arith.index_cast %add3A_868 : i32 to index
        %get3A_870 = arith.constant 144 : index
        %get3A_871 = tpu.vector_load %arg12[%get3A_869, %get3A_870] {strides = array<i32>} : memref<64x256xf32, #tpu.memory_space<vmem>>, vector<1x16xf32>,
        %get3A_872 = vector.shape_cast %get3A_871 : vector<1x16xf32> to vector<16xf32>
        %mul3A_873 = arith.mulf %get3A_872, %broadcast_in_dim3A_794 : vector<16xf32>
        %add3A_874 = arith.addf %add3A_735, %mul3A_873 : vector<16xf32>
        %add3A_875 = arith.constant 48 : i32
        %add3A_876 = arith.addi %add3A_875, %scan3A_367 : i32
        %get3A_877 = arith.index_cast %add3A_876 : i32 to index
        %get3A_878 = arith.constant 160 : index
        %get3A_879 = tpu.vector_load %arg12[%get3A_877, %get3A_878] {strides = array<i32>} : memref<64x256xf32, #tpu.memory_space<vmem>>, vector<1x16xf32>,
        %get3A_880 = vector.shape_cast %get3A_879 : vector<1x16xf32> to vector<16xf32>
        %mul3A_881 = arith.mulf %get3A_880, %broadcast_in_dim3A_794 : vector<16xf32>
        %add3A_882 = arith.addf %add3A_743, %mul3A_881 : vector<16xf32>
        %add3A_883 = arith.constant 48 : i32
        %add3A_884 = arith.addi %add3A_883, %scan3A_367 : i32
        %get3A_885 = arith.index_cast %add3A_884 : i32 to index
        %get3A_886 = arith.constant 176 : index
        %get3A_887 = tpu.vector_load %arg12[%get3A_885, %get3A_886] {strides = array<i32>} : memref<64x256xf32, #tpu.memory_space<vmem>>, vector<1x16xf32>,
        %get3A_888 = vector.shape_cast %get3A_887 : vector<1x16xf32> to vector<16xf32>
        %mul3A_889 = arith.mulf %get3A_888, %broadcast_in_dim3A_794 : vector<16xf32>
        %add3A_890 = arith.addf %add3A_751, %mul3A_889 : vector<16xf32>
        %add3A_891 = arith.constant 48 : i32
        %add3A_892 = arith.addi %add3A_891, %scan3A_367 : i32
        %get3A_893 = arith.index_cast %add3A_892 : i32 to index
        %get3A_894 = arith.constant 192 : index
        %get3A_895 = tpu.vector_load %arg12[%get3A_893, %get3A_894] {strides = array<i32>} : memref<64x256xf32, #tpu.memory_space<vmem>>, vector<1x16xf32>,
        %get3A_896 = vector.shape_cast %get3A_895 : vector<1x16xf32> to vector<16xf32>
        %mul3A_897 = arith.mulf %get3A_896, %broadcast_in_dim3A_794 : vector<16xf32>
        %add3A_898 = arith.addf %add3A_759, %mul3A_897 : vector<16xf32>
        %add3A_899 = arith.constant 48 : i32
        %add3A_900 = arith.addi %add3A_899, %scan3A_367 : i32
        %get3A_901 = arith.index_cast %add3A_900 : i32 to index
        %get3A_902 = arith.constant 208 : index
        %get3A_903 = tpu.vector_load %arg12[%get3A_901, %get3A_902] {strides = array<i32>} : memref<64x256xf32, #tpu.memory_space<vmem>>, vector<1x16xf32>,
        %get3A_904 = vector.shape_cast %get3A_903 : vector<1x16xf32> to vector<16xf32>
        %mul3A_905 = arith.mulf %get3A_904, %broadcast_in_dim3A_794 : vector<16xf32>
        %add3A_906 = arith.addf %add3A_767, %mul3A_905 : vector<16xf32>
        %add3A_907 = arith.constant 48 : i32
        %add3A_908 = arith.addi %add3A_907, %scan3A_367 : i32
        %get3A_909 = arith.index_cast %add3A_908 : i32 to index
        %get3A_910 = arith.constant 224 : index
        %get3A_911 = tpu.vector_load %arg12[%get3A_909, %get3A_910] {strides = array<i32>} : memref<64x256xf32, #tpu.memory_space<vmem>>, vector<1x16xf32>,
        %get3A_912 = vector.shape_cast %get3A_911 : vector<1x16xf32> to vector<16xf32>
        %mul3A_913 = arith.mulf %get3A_912, %broadcast_in_dim3A_794 : vector<16xf32>
        %add3A_914 = arith.addf %add3A_775, %mul3A_913 : vector<16xf32>
        %add3A_915 = arith.constant 48 : i32
        %add3A_916 = arith.addi %add3A_915, %scan3A_367 : i32
        %get3A_917 = arith.index_cast %add3A_916 : i32 to index
        %get3A_918 = arith.constant 240 : index
        %get3A_919 = tpu.vector_load %arg12[%get3A_917, %get3A_918] {strides = array<i32>} : memref<64x256xf32, #tpu.memory_space<vmem>>, vector<1x16xf32>,
        %get3A_920 = vector.shape_cast %get3A_919 : vector<1x16xf32> to vector<16xf32>
        %mul3A_921 = arith.mulf %get3A_920, %broadcast_in_dim3A_794 : vector<16xf32>
        %add3A_922 = arith.addf %add3A_783, %mul3A_921 : vector<16xf32>
        %swap3A_923 = arith.index_cast %scan3A_367 : i32 to index
        %swap3A_924 = arith.constant 0 : index
        %swap3A_925 = tpu.vector_load %arg16[%swap3A_923, %swap3A_924] {strides = array<i32>} : memref<16x256xf32, #tpu.memory_space<vmem>>, vector<1x16xf32>,
        %swap3A_926 = vector.shape_cast %swap3A_925 : vector<1x16xf32> to vector<16xf32>
        %swap3A_927 = vector.shape_cast %add3A_802 : vector<16xf32> to vector<1x16xf32>
        tpu.vector_store %arg16[%swap3A_923, %swap3A_924], %swap3A_927 {strides = array<i32>} : memref<16x256xf32, #tpu.memory_space<vmem>>, vector<1x16xf32>,
        %swap3A_928 = arith.index_cast %scan3A_367 : i32 to index
        %swap3A_929 = arith.constant 16 : index
        %swap3A_930 = tpu.vector_load %arg16[%swap3A_928, %swap3A_929] {strides = array<i32>} : memref<16x256xf32, #tpu.memory_space<vmem>>, vector<1x16xf32>,
        %swap3A_931 = vector.shape_cast %swap3A_930 : vector<1x16xf32> to vector<16xf32>
        %swap3A_932 = vector.shape_cast %add3A_810 : vector<16xf32> to vector<1x16xf32>
        tpu.vector_store %arg16[%swap3A_928, %swap3A_929], %swap3A_932 {strides = array<i32>} : memref<16x256xf32, #tpu.memory_space<vmem>>, vector<1x16xf32>,
        %swap3A_933 = arith.index_cast %scan3A_367 : i32 to index
        %swap3A_934 = arith.constant 32 : index
        %swap3A_935 = tpu.vector_load %arg16[%swap3A_933, %swap3A_934] {strides = array<i32>} : memref<16x256xf32, #tpu.memory_space<vmem>>, vector<1x16xf32>,
        %swap3A_936 = vector.shape_cast %swap3A_935 : vector<1x16xf32> to vector<16xf32>
        %swap3A_937 = vector.shape_cast %add3A_818 : vector<16xf32> to vector<1x16xf32>
        tpu.vector_store %arg16[%swap3A_933, %swap3A_934], %swap3A_937 {strides = array<i32>} : memref<16x256xf32, #tpu.memory_space<vmem>>, vector<1x16xf32>,
        %swap3A_938 = arith.index_cast %scan3A_367 : i32 to index
        %swap3A_939 = arith.constant 48 : index
        %swap3A_940 = tpu.vector_load %arg16[%swap3A_938, %swap3A_939] {strides = array<i32>} : memref<16x256xf32, #tpu.memory_space<vmem>>, vector<1x16xf32>,
        %swap3A_941 = vector.shape_cast %swap3A_940 : vector<1x16xf32> to vector<16xf32>
        %swap3A_942 = vector.shape_cast %add3A_826 : vector<16xf32> to vector<1x16xf32>
        tpu.vector_store %arg16[%swap3A_938, %swap3A_939], %swap3A_942 {strides = array<i32>} : memref<16x256xf32, #tpu.memory_space<vmem>>, vector<1x16xf32>,
        %swap3A_943 = arith.index_cast %scan3A_367 : i32 to index
        %swap3A_944 = arith.constant 64 : index
        %swap3A_945 = tpu.vector_load %arg16[%swap3A_943, %swap3A_944] {strides = array<i32>} : memref<16x256xf32, #tpu.memory_space<vmem>>, vector<1x16xf32>,
        %swap3A_946 = vector.shape_cast %swap3A_945 : vector<1x16xf32> to vector<16xf32>
        %swap3A_947 = vector.shape_cast %add3A_834 : vector<16xf32> to vector<1x16xf32>
        tpu.vector_store %arg16[%swap3A_943, %swap3A_944], %swap3A_947 {strides = array<i32>} : memref<16x256xf32, #tpu.memory_space<vmem>>, vector<1x16xf32>,
        %swap3A_948 = arith.index_cast %scan3A_367 : i32 to index
        %swap3A_949 = arith.constant 80 : index
        %swap3A_950 = tpu.vector_load %arg16[%swap3A_948, %swap3A_949] {strides = array<i32>} : memref<16x256xf32, #tpu.memory_space<vmem>>, vector<1x16xf32>,
        %swap3A_951 = vector.shape_cast %swap3A_950 : vector<1x16xf32> to vector<16xf32>
        %swap3A_952 = vector.shape_cast %add3A_842 : vector<16xf32> to vector<1x16xf32>
        tpu.vector_store %arg16[%swap3A_948, %swap3A_949], %swap3A_952 {strides = array<i32>} : memref<16x256xf32, #tpu.memory_space<vmem>>, vector<1x16xf32>,
        %swap3A_953 = arith.index_cast %scan3A_367 : i32 to index
        %swap3A_954 = arith.constant 96 : index
        %swap3A_955 = tpu.vector_load %arg16[%swap3A_953, %swap3A_954] {strides = array<i32>} : memref<16x256xf32, #tpu.memory_space<vmem>>, vector<1x16xf32>,
        %swap3A_956 = vector.shape_cast %swap3A_955 : vector<1x16xf32> to vector<16xf32>
        %swap3A_957 = vector.shape_cast %add3A_850 : vector<16xf32> to vector<1x16xf32>
        tpu.vector_store %arg16[%swap3A_953, %swap3A_954], %swap3A_957 {strides = array<i32>} : memref<16x256xf32, #tpu.memory_space<vmem>>, vector<1x16xf32>,
        %swap3A_958 = arith.index_cast %scan3A_367 : i32 to index
        %swap3A_959 = arith.constant 112 : index
        %swap3A_960 = tpu.vector_load %arg16[%swap3A_958, %swap3A_959] {strides = array<i32>} : memref<16x256xf32, #tpu.memory_space<vmem>>, vector<1x16xf32>,
        %swap3A_961 = vector.shape_cast %swap3A_960 : vector<1x16xf32> to vector<16xf32>
        %swap3A_962 = vector.shape_cast %add3A_858 : vector<16xf32> to vector<1x16xf32>
        tpu.vector_store %arg16[%swap3A_958, %swap3A_959], %swap3A_962 {strides = array<i32>} : memref<16x256xf32, #tpu.memory_space<vmem>>, vector<1x16xf32>,
        %swap3A_963 = arith.index_cast %scan3A_367 : i32 to index
        %swap3A_964 = arith.constant 128 : index
        %swap3A_965 = tpu.vector_load %arg16[%swap3A_963, %swap3A_964] {strides = array<i32>} : memref<16x256xf32, #tpu.memory_space<vmem>>, vector<1x16xf32>,
        %swap3A_966 = vector.shape_cast %swap3A_965 : vector<1x16xf32> to vector<16xf32>
        %swap3A_967 = vector.shape_cast %add3A_866 : vector<16xf32> to vector<1x16xf32>
        tpu.vector_store %arg16[%swap3A_963, %swap3A_964], %swap3A_967 {strides = array<i32>} : memref<16x256xf32, #tpu.memory_space<vmem>>, vector<1x16xf32>,
        %swap3A_968 = arith.index_cast %scan3A_367 : i32 to index
        %swap3A_969 = arith.constant 144 : index
        %swap3A_970 = tpu.vector_load %arg16[%swap3A_968, %swap3A_969] {strides = array<i32>} : memref<16x256xf32, #tpu.memory_space<vmem>>, vector<1x16xf32>,
        %swap3A_971 = vector.shape_cast %swap3A_970 : vector<1x16xf32> to vector<16xf32>
        %swap3A_972 = vector.shape_cast %add3A_874 : vector<16xf32> to vector<1x16xf32>
        tpu.vector_store %arg16[%swap3A_968, %swap3A_969], %swap3A_972 {strides = array<i32>} : memref<16x256xf32, #tpu.memory_space<vmem>>, vector<1x16xf32>,
        %swap3A_973 = arith.index_cast %scan3A_367 : i32 to index
        %swap3A_974 = arith.constant 160 : index
        %swap3A_975 = tpu.vector_load %arg16[%swap3A_973, %swap3A_974] {strides = array<i32>} : memref<16x256xf32, #tpu.memory_space<vmem>>, vector<1x16xf32>,
        %swap3A_976 = vector.shape_cast %swap3A_975 : vector<1x16xf32> to vector<16xf32>
        %swap3A_977 = vector.shape_cast %add3A_882 : vector<16xf32> to vector<1x16xf32>
        tpu.vector_store %arg16[%swap3A_973, %swap3A_974], %swap3A_977 {strides = array<i32>} : memref<16x256xf32, #tpu.memory_space<vmem>>, vector<1x16xf32>,
        %swap3A_978 = arith.index_cast %scan3A_367 : i32 to index
        %swap3A_979 = arith.constant 176 : index
        %swap3A_980 = tpu.vector_load %arg16[%swap3A_978, %swap3A_979] {strides = array<i32>} : memref<16x256xf32, #tpu.memory_space<vmem>>, vector<1x16xf32>,
        %swap3A_981 = vector.shape_cast %swap3A_980 : vector<1x16xf32> to vector<16xf32>
        %swap3A_982 = vector.shape_cast %add3A_890 : vector<16xf32> to vector<1x16xf32>
        tpu.vector_store %arg16[%swap3A_978, %swap3A_979], %swap3A_982 {strides = array<i32>} : memref<16x256xf32, #tpu.memory_space<vmem>>, vector<1x16xf32>,
        %swap3A_983 = arith.index_cast %scan3A_367 : i32 to index
        %swap3A_984 = arith.constant 192 : index
        %swap3A_985 = tpu.vector_load %arg16[%swap3A_983, %swap3A_984] {strides = array<i32>} : memref<16x256xf32, #tpu.memory_space<vmem>>, vector<1x16xf32>,
        %swap3A_986 = vector.shape_cast %swap3A_985 : vector<1x16xf32> to vector<16xf32>
        %swap3A_987 = vector.shape_cast %add3A_898 : vector<16xf32> to vector<1x16xf32>
        tpu.vector_store %arg16[%swap3A_983, %swap3A_984], %swap3A_987 {strides = array<i32>} : memref<16x256xf32, #tpu.memory_space<vmem>>, vector<1x16xf32>,
        %swap3A_988 = arith.index_cast %scan3A_367 : i32 to index
        %swap3A_989 = arith.constant 208 : index
        %swap3A_990 = tpu.vector_load %arg16[%swap3A_988, %swap3A_989] {strides = array<i32>} : memref<16x256xf32, #tpu.memory_space<vmem>>, vector<1x16xf32>,
        %swap3A_991 = vector.shape_cast %swap3A_990 : vector<1x16xf32> to vector<16xf32>
        %swap3A_992 = vector.shape_cast %add3A_906 : vector<16xf32> to vector<1x16xf32>
        tpu.vector_store %arg16[%swap3A_988, %swap3A_989], %swap3A_992 {strides = array<i32>} : memref<16x256xf32, #tpu.memory_space<vmem>>, vector<1x16xf32>,
        %swap3A_993 = arith.index_cast %scan3A_367 : i32 to index
        %swap3A_994 = arith.constant 224 : index
        %swap3A_995 = tpu.vector_load %arg16[%swap3A_993, %swap3A_994] {strides = array<i32>} : memref<16x256xf32, #tpu.memory_space<vmem>>, vector<1x16xf32>,
        %swap3A_996 = vector.shape_cast %swap3A_995 : vector<1x16xf32> to vector<16xf32>
        %swap3A_997 = vector.shape_cast %add3A_914 : vector<16xf32> to vector<1x16xf32>
        tpu.vector_store %arg16[%swap3A_993, %swap3A_994], %swap3A_997 {strides = array<i32>} : memref<16x256xf32, #tpu.memory_space<vmem>>, vector<1x16xf32>,
        %swap3A_998 = arith.index_cast %scan3A_367 : i32 to index
        %swap3A_999 = arith.constant 240 : index
        %swap3A_1000 = tpu.vector_load %arg16[%swap3A_998, %swap3A_999] {strides = array<i32>} : memref<16x256xf32, #tpu.memory_space<vmem>>, vector<1x16xf32>,
        %swap3A_1001 = vector.shape_cast %swap3A_1000 : vector<1x16xf32> to vector<16xf32>
        %swap3A_1002 = vector.shape_cast %add3A_922 : vector<16xf32> to vector<1x16xf32>
        tpu.vector_store %arg16[%swap3A_998, %swap3A_999], %swap3A_1002 {strides = array<i32>} : memref<16x256xf32, #tpu.memory_space<vmem>>, vector<1x16xf32>,
      }
      %scan3A_215 = arith.constant 16 : i32
      %mul3A_216 = arith.constant 32 : i32
      %mul3A_217 = arith.muli %add3A_185, %mul3A_216 : i32
      %add3A_218 = arith.addi %mul3A_217, %add3A : i32
      %mul3A_219 = arith.constant 16 : i32
      %mul3A_220 = arith.muli %add3A_218, %mul3A_219 : i32
      %lt3A_221 = arith.constant 98000 : i32
      %lt3A_222 = arith.cmpi slt, %mul3A_220, %lt3A_221 : i32
      %convert_element_type3A_223 = arith.extui %lt3A_222 : i1 to i32
      %cond3A_224 = arith.constant 0 : i32
      %cond3A_225 = arith.cmpi ne, %convert_element_type3A_223, %cond3A_224 : i32
      scf.if %cond3A_225 {
        %dma_start3A_367 = arith.constant 0 : i32
        %dma_start3A_368 = tpu.memref_slice %arg5[%mul3A_220, %dma_start3A_367] : memref<98000x256xf32, #tpu.memory_space<hbm>> -> memref<16x256xf32, #tpu.memory_space<hbm>>
        %dma_start3A_369 = arith.constant 0 : i32
        %dma_start3A_370 = tpu.memref_slice %arg5[%mul3A_220, %dma_start3A_369] : memref<98000x256xf32, #tpu.memory_space<hbm>> -> memref<16x256xf32, #tpu.memory_space<hbm>>
        tpu.enqueue_dma source(%arg16 : memref<16x256xf32, #tpu.memory_space<vmem>>) target(%dma_start3A_370 : memref<16x256xf32, #tpu.memory_space<hbm>>) target_semaphore(%arg24 : memref<!tpu.dma_semaphore, #tpu.memory_space<semaphore_mem>>)
      } else {
      }
      %mul3A_226 = arith.constant 4 : i32
      %mul3A_227 = arith.muli %mul3A_226, %scan3A_181 : i32
      %add3A_228 = arith.constant 1 : i32
      %add3A_229 = arith.addi %mul3A_227, %add3A_228 : i32
      %add3A_230 = arith.constant 4 : i32
      %add3A_231 = arith.addi %add3A_229, %add3A_230 : i32
      %sub3A_232 = arith.constant 1 : i32
      %sub3A_233 = arith.subi %add3A_231, %sub3A_232 : i32
      %lt3A_234 = arith.constant 192 : i32
      %lt3A_235 = arith.cmpi slt, %sub3A_233, %lt3A_234 : i32
      %convert_element_type3A_236 = arith.extui %lt3A_235 : i1 to i32
      %cond3A_237 = arith.constant 0 : i32
      %cond3A_238 = arith.cmpi ne, %convert_element_type3A_236, %cond3A_237 : i32
      scf.if %cond3A_238 {
        %add3A_367 = arith.constant 4 : i32
        %add3A_368 = arith.addi %add3A_229, %add3A_367 : i32
        %sub3A_369 = arith.constant 1 : i32
        %sub3A_370 = arith.subi %add3A_368, %sub3A_369 : i32
        %mul3A_371 = arith.constant 16 : i32
        %mul3A_372 = arith.muli %sub3A_370, %mul3A_371 : i32
        %add3A_373 = arith.constant 0 : i32
        %add3A_374 = arith.addi %mul3A_372, %add3A_373 : i32
        %get3A_375 = arith.constant 0 : i32
        %get3A_376 = arith.index_cast %get3A_375 : i32 to index
        %get3A_377 = arith.index_cast %add3A_374 : i32 to index
        %get3A_378 = tpu.vector_load %arg6[%get3A_376, %get3A_377] {strides = array<i32>} : memref<4x3088xi32, #tpu.memory_space<vmem>>, vector<1x16xi32>,
        %get3A_379 = vector.shape_cast %get3A_378 : vector<1x16xi32> to vector<16xi32>
        %swap3A_380 = arith.constant 0 : index
        %swap3A_381 = tpu.vector_load %arg8[%swap3A_380] {strides = array<i32>} : memref<64xi32, #tpu.memory_space<vmem>>, vector<16xi32>,
        %swap3A_382 = vector.shape_cast %swap3A_381 : vector<16xi32> to vector<16xi32>
        %swap3A_383 = vector.shape_cast %get3A_379 : vector<16xi32> to vector<16xi32>
        tpu.vector_store %arg8[%swap3A_380], %swap3A_383 {strides = array<i32>} : memref<64xi32, #tpu.memory_space<vmem>>, vector<16xi32>,
        %mul3A_384 = arith.constant 16 : i32
        %mul3A_385 = arith.muli %sub3A_370, %mul3A_384 : i32
        %add3A_386 = arith.constant 0 : i32
        %add3A_387 = arith.addi %mul3A_385, %add3A_386 : i32
        %get3A_388 = arith.constant 1 : i32
        %get3A_389 = arith.index_cast %get3A_388 : i32 to index
        %get3A_390 = arith.index_cast %add3A_387 : i32 to index
        %get3A_391 = tpu.vector_load %arg6[%get3A_389, %get3A_390] {strides = array<i32>} : memref<4x3088xi32, #tpu.memory_space<vmem>>, vector<1x16xi32>,
        %get3A_392 = vector.shape_cast %get3A_391 : vector<1x16xi32> to vector<16xi32>
        %swap3A_393 = arith.constant 16 : index
        %swap3A_394 = tpu.vector_load %arg8[%swap3A_393] {strides = array<i32>} : memref<64xi32, #tpu.memory_space<vmem>>, vector<16xi32>,
        %swap3A_395 = vector.shape_cast %swap3A_394 : vector<16xi32> to vector<16xi32>
        %swap3A_396 = vector.shape_cast %get3A_392 : vector<16xi32> to vector<16xi32>
        tpu.vector_store %arg8[%swap3A_393], %swap3A_396 {strides = array<i32>} : memref<64xi32, #tpu.memory_space<vmem>>, vector<16xi32>,
        %mul3A_397 = arith.constant 16 : i32
        %mul3A_398 = arith.muli %sub3A_370, %mul3A_397 : i32
        %add3A_399 = arith.constant 0 : i32
        %add3A_400 = arith.addi %mul3A_398, %add3A_399 : i32
        %get3A_401 = arith.constant 2 : i32
        %get3A_402 = arith.index_cast %get3A_401 : i32 to index
        %get3A_403 = arith.index_cast %add3A_400 : i32 to index
        %get3A_404 = tpu.vector_load %arg6[%get3A_402, %get3A_403] {strides = array<i32>} : memref<4x3088xi32, #tpu.memory_space<vmem>>, vector<1x16xi32>,
        %get3A_405 = vector.shape_cast %get3A_404 : vector<1x16xi32> to vector<16xi32>
        %swap3A_406 = arith.constant 32 : index
        %swap3A_407 = tpu.vector_load %arg8[%swap3A_406] {strides = array<i32>} : memref<64xi32, #tpu.memory_space<vmem>>, vector<16xi32>,
        %swap3A_408 = vector.shape_cast %swap3A_407 : vector<16xi32> to vector<16xi32>
        %swap3A_409 = vector.shape_cast %get3A_405 : vector<16xi32> to vector<16xi32>
        tpu.vector_store %arg8[%swap3A_406], %swap3A_409 {strides = array<i32>} : memref<64xi32, #tpu.memory_space<vmem>>, vector<16xi32>,
        %mul3A_410 = arith.constant 16 : i32
        %mul3A_411 = arith.muli %sub3A_370, %mul3A_410 : i32
        %add3A_412 = arith.constant 0 : i32
        %add3A_413 = arith.addi %mul3A_411, %add3A_412 : i32
        %get3A_414 = arith.constant 3 : i32
        %get3A_415 = arith.index_cast %get3A_414 : i32 to index
        %get3A_416 = arith.index_cast %add3A_413 : i32 to index
        %get3A_417 = tpu.vector_load %arg6[%get3A_415, %get3A_416] {strides = array<i32>} : memref<4x3088xi32, #tpu.memory_space<vmem>>, vector<1x16xi32>,
        %get3A_418 = vector.shape_cast %get3A_417 : vector<1x16xi32> to vector<16xi32>
        %swap3A_419 = arith.constant 48 : index
        %swap3A_420 = tpu.vector_load %arg8[%swap3A_419] {strides = array<i32>} : memref<64xi32, #tpu.memory_space<vmem>>, vector<16xi32>,
        %swap3A_421 = vector.shape_cast %swap3A_420 : vector<16xi32> to vector<16xi32>
        %swap3A_422 = vector.shape_cast %get3A_418 : vector<16xi32> to vector<16xi32>
        tpu.vector_store %arg8[%swap3A_419], %swap3A_422 {strides = array<i32>} : memref<64xi32, #tpu.memory_space<vmem>>, vector<16xi32>,
        %dma_start3A_423 = arith.constant 0 : i32
        %dma_start3A_424 = arith.constant 0 : i32
        %dma_start3A_425 = tpu.memref_slice %arg4[%dma_start3A_423, %dma_start3A_424] : memref<10912x256xf32, #tpu.memory_space<hbm>> -> memref<10912x256xf32, #tpu.memory_space<hbm>>
        tpu.enqueue_indirect_dma source(%dma_start3A_425 : memref<10912x256xf32, #tpu.memory_space<hbm>>) target(%arg12 : memref<64x256xf32, #tpu.memory_space<vmem>>) offsets(%arg8 : memref<64xi32, #tpu.memory_space<vmem>>) semaphore(%arg20 : memref<!tpu.dma_semaphore, #tpu.memory_space<semaphore_mem>>)
      } else {
      }
      %dma_wait3A_239 = arith.constant 0 : i32
      %dma_wait3A_240 = arith.constant 0 : i32
      %dma_wait3A_241 = tpu.memref_slice %arg4[%dma_wait3A_239, %dma_wait3A_240] : memref<10912x256xf32, #tpu.memory_space<hbm>> -> memref<10912x256xf32, #tpu.memory_space<hbm>>
      tpu.wait_indirect_dma semaphore(%arg21 : memref<!tpu.dma_semaphore, #tpu.memory_space<semaphore_mem>>) src(%dma_wait3A_241 : memref<10912x256xf32, #tpu.memory_space<hbm>>) dst(%arg13 : memref<64x256xf32, #tpu.memory_space<vmem>>)
      %sub3A_242 = arith.constant 4 : i32
      %sub3A_243 = arith.subi %add3A_229, %sub3A_242 : i32
      %mul3A_244 = arith.constant 32 : i32
      %mul3A_245 = arith.muli %sub3A_243, %mul3A_244 : i32
      %add3A_246 = arith.addi %mul3A_245, %add3A : i32
      %mul3A_247 = arith.constant 16 : i32
      %mul3A_248 = arith.muli %add3A_246, %mul3A_247 : i32
      %ge3A_249 = arith.constant 0 : i32
      %ge3A_250 = arith.cmpi sge, %sub3A_243, %ge3A_249 : i32
      %lt3A_251 = arith.constant 98000 : i32
      %lt3A_252 = arith.cmpi slt, %mul3A_248, %lt3A_251 : i32
      %and3A_253 = arith.andi %ge3A_250, %lt3A_252 : i1
      %convert_element_type3A_254 = arith.extui %and3A_253 : i1 to i32
      %cond3A_255 = arith.constant 0 : i32
      %cond3A_256 = arith.cmpi ne, %convert_element_type3A_254, %cond3A_255 : i32
      scf.if %cond3A_256 {
        %dma_wait3A_367 = arith.constant 0 : i32
        %dma_wait3A_368 = tpu.memref_slice %arg5[%mul3A_248, %dma_wait3A_367] : memref<98000x256xf32, #tpu.memory_space<hbm>> -> memref<16x256xf32, #tpu.memory_space<hbm>>
        %dma_wait3A_369 = arith.constant 0 : i32
        %dma_wait3A_370 = tpu.memref_slice %arg5[%mul3A_248, %dma_wait3A_369] : memref<98000x256xf32, #tpu.memory_space<hbm>> -> memref<16x256xf32, #tpu.memory_space<hbm>>
        tpu.wait_dma2 semaphore(%arg25 : memref<!tpu.dma_semaphore, #tpu.memory_space<semaphore_mem>>) src(%arg17 : memref<16x256xf32, #tpu.memory_space<vmem>>) dst(%dma_wait3A_370 : memref<16x256xf32, #tpu.memory_space<hbm>>)
      } else {
      }
      %scan3A_257 = arith.constant 0 : i32
      %scan3A_258 = arith.constant 0 : i32
      %scan3A_259 = arith.constant 16 : i32
      %scan3A_260 = arith.addi %scan3A_258, %scan3A_259 : i32
      %scan3A_261 = arith.constant 1 : i32
      scf.for %scan3A_367 = %scan3A_258 to %scan3A_260 step %scan3A_261  : i32 {
        %broadcast_in_dim3A = arith.constant 0.000000e+00 : f32
        %broadcast_in_dim3A_368 = vector.broadcast %broadcast_in_dim3A : f32 to vector<16xf32>
        %mul3A_369 = arith.constant 16 : i32
        %mul3A_370 = arith.muli %add3A_229, %mul3A_369 : i32
        %add3A_371 = arith.constant 0 : i32
        %add3A_372 = arith.addi %add3A_371, %mul3A_370 : i32
        %add3A_373 = arith.addi %add3A_372, %scan3A_367 : i32
        %get3A_374 = arith.index_cast %add3A_373 : i32 to index
        %get3A_375 = tpu.vector_load %arg7[%get3A_374] {strides = array<i32>} : memref<12304xf32, #tpu.memory_space<vmem>>, vector<16xf32>,
        %get3A_376 = vector.shape_cast %get3A_375 : vector<16xf32> to vector<16xf32>
        %slice3A = vector.extract_strided_slice %get3A_376 {offsets = [0], sizes = [1], strides = [1]} : vector<16xf32> to vector<1xf32>
        %squeeze3A = vector.extract %slice3A[0] : f32 from vector<1xf32>
        %broadcast_in_dim3A_377 = vector.broadcast %squeeze3A : f32 to vector<16xf32>
        %add3A_378 = arith.constant 0 : i32
        %add3A_379 = arith.addi %add3A_378, %scan3A_367 : i32
        %get3A_380 = arith.index_cast %add3A_379 : i32 to index
        %get3A_381 = arith.constant 0 : index
        %get3A_382 = tpu.vector_load %arg13[%get3A_380, %get3A_381] {strides = array<i32>} : memref<64x256xf32, #tpu.memory_space<vmem>>, vector<1x16xf32>,
        %get3A_383 = vector.shape_cast %get3A_382 : vector<1x16xf32> to vector<16xf32>
        %mul3A_384 = arith.mulf %get3A_383, %broadcast_in_dim3A_377 : vector<16xf32>
        %add3A_385 = arith.addf %broadcast_in_dim3A_368, %mul3A_384 : vector<16xf32>
        %add3A_386 = arith.constant 0 : i32
        %add3A_387 = arith.addi %add3A_386, %scan3A_367 : i32
        %get3A_388 = arith.index_cast %add3A_387 : i32 to index
        %get3A_389 = arith.constant 16 : index
        %get3A_390 = tpu.vector_load %arg13[%get3A_388, %get3A_389] {strides = array<i32>} : memref<64x256xf32, #tpu.memory_space<vmem>>, vector<1x16xf32>,
        %get3A_391 = vector.shape_cast %get3A_390 : vector<1x16xf32> to vector<16xf32>
        %mul3A_392 = arith.mulf %get3A_391, %broadcast_in_dim3A_377 : vector<16xf32>
        %add3A_393 = arith.addf %broadcast_in_dim3A_368, %mul3A_392 : vector<16xf32>
        %add3A_394 = arith.constant 0 : i32
        %add3A_395 = arith.addi %add3A_394, %scan3A_367 : i32
        %get3A_396 = arith.index_cast %add3A_395 : i32 to index
        %get3A_397 = arith.constant 32 : index
        %get3A_398 = tpu.vector_load %arg13[%get3A_396, %get3A_397] {strides = array<i32>} : memref<64x256xf32, #tpu.memory_space<vmem>>, vector<1x16xf32>,
        %get3A_399 = vector.shape_cast %get3A_398 : vector<1x16xf32> to vector<16xf32>
        %mul3A_400 = arith.mulf %get3A_399, %broadcast_in_dim3A_377 : vector<16xf32>
        %add3A_401 = arith.addf %broadcast_in_dim3A_368, %mul3A_400 : vector<16xf32>
        %add3A_402 = arith.constant 0 : i32
        %add3A_403 = arith.addi %add3A_402, %scan3A_367 : i32
        %get3A_404 = arith.index_cast %add3A_403 : i32 to index
        %get3A_405 = arith.constant 48 : index
        %get3A_406 = tpu.vector_load %arg13[%get3A_404, %get3A_405] {strides = array<i32>} : memref<64x256xf32, #tpu.memory_space<vmem>>, vector<1x16xf32>,
        %get3A_407 = vector.shape_cast %get3A_406 : vector<1x16xf32> to vector<16xf32>
        %mul3A_408 = arith.mulf %get3A_407, %broadcast_in_dim3A_377 : vector<16xf32>
        %add3A_409 = arith.addf %broadcast_in_dim3A_368, %mul3A_408 : vector<16xf32>
        %add3A_410 = arith.constant 0 : i32
        %add3A_411 = arith.addi %add3A_410, %scan3A_367 : i32
        %get3A_412 = arith.index_cast %add3A_411 : i32 to index
        %get3A_413 = arith.constant 64 : index
        %get3A_414 = tpu.vector_load %arg13[%get3A_412, %get3A_413] {strides = array<i32>} : memref<64x256xf32, #tpu.memory_space<vmem>>, vector<1x16xf32>,
        %get3A_415 = vector.shape_cast %get3A_414 : vector<1x16xf32> to vector<16xf32>
        %mul3A_416 = arith.mulf %get3A_415, %broadcast_in_dim3A_377 : vector<16xf32>
        %add3A_417 = arith.addf %broadcast_in_dim3A_368, %mul3A_416 : vector<16xf32>
        %add3A_418 = arith.constant 0 : i32
        %add3A_419 = arith.addi %add3A_418, %scan3A_367 : i32
        %get3A_420 = arith.index_cast %add3A_419 : i32 to index
        %get3A_421 = arith.constant 80 : index
        %get3A_422 = tpu.vector_load %arg13[%get3A_420, %get3A_421] {strides = array<i32>} : memref<64x256xf32, #tpu.memory_space<vmem>>, vector<1x16xf32>,
        %get3A_423 = vector.shape_cast %get3A_422 : vector<1x16xf32> to vector<16xf32>
        %mul3A_424 = arith.mulf %get3A_423, %broadcast_in_dim3A_377 : vector<16xf32>
        %add3A_425 = arith.addf %broadcast_in_dim3A_368, %mul3A_424 : vector<16xf32>
        %add3A_426 = arith.constant 0 : i32
        %add3A_427 = arith.addi %add3A_426, %scan3A_367 : i32
        %get3A_428 = arith.index_cast %add3A_427 : i32 to index
        %get3A_429 = arith.constant 96 : index
        %get3A_430 = tpu.vector_load %arg13[%get3A_428, %get3A_429] {strides = array<i32>} : memref<64x256xf32, #tpu.memory_space<vmem>>, vector<1x16xf32>,
        %get3A_431 = vector.shape_cast %get3A_430 : vector<1x16xf32> to vector<16xf32>
        %mul3A_432 = arith.mulf %get3A_431, %broadcast_in_dim3A_377 : vector<16xf32>
        %add3A_433 = arith.addf %broadcast_in_dim3A_368, %mul3A_432 : vector<16xf32>
        %add3A_434 = arith.constant 0 : i32
        %add3A_435 = arith.addi %add3A_434, %scan3A_367 : i32
        %get3A_436 = arith.index_cast %add3A_435 : i32 to index
        %get3A_437 = arith.constant 112 : index
        %get3A_438 = tpu.vector_load %arg13[%get3A_436, %get3A_437] {strides = array<i32>} : memref<64x256xf32, #tpu.memory_space<vmem>>, vector<1x16xf32>,
        %get3A_439 = vector.shape_cast %get3A_438 : vector<1x16xf32> to vector<16xf32>
        %mul3A_440 = arith.mulf %get3A_439, %broadcast_in_dim3A_377 : vector<16xf32>
        %add3A_441 = arith.addf %broadcast_in_dim3A_368, %mul3A_440 : vector<16xf32>
        %add3A_442 = arith.constant 0 : i32
        %add3A_443 = arith.addi %add3A_442, %scan3A_367 : i32
        %get3A_444 = arith.index_cast %add3A_443 : i32 to index
        %get3A_445 = arith.constant 128 : index
        %get3A_446 = tpu.vector_load %arg13[%get3A_444, %get3A_445] {strides = array<i32>} : memref<64x256xf32, #tpu.memory_space<vmem>>, vector<1x16xf32>,
        %get3A_447 = vector.shape_cast %get3A_446 : vector<1x16xf32> to vector<16xf32>
        %mul3A_448 = arith.mulf %get3A_447, %broadcast_in_dim3A_377 : vector<16xf32>
        %add3A_449 = arith.addf %broadcast_in_dim3A_368, %mul3A_448 : vector<16xf32>
        %add3A_450 = arith.constant 0 : i32
        %add3A_451 = arith.addi %add3A_450, %scan3A_367 : i32
        %get3A_452 = arith.index_cast %add3A_451 : i32 to index
        %get3A_453 = arith.constant 144 : index
        %get3A_454 = tpu.vector_load %arg13[%get3A_452, %get3A_453] {strides = array<i32>} : memref<64x256xf32, #tpu.memory_space<vmem>>, vector<1x16xf32>,
        %get3A_455 = vector.shape_cast %get3A_454 : vector<1x16xf32> to vector<16xf32>
        %mul3A_456 = arith.mulf %get3A_455, %broadcast_in_dim3A_377 : vector<16xf32>
        %add3A_457 = arith.addf %broadcast_in_dim3A_368, %mul3A_456 : vector<16xf32>
        %add3A_458 = arith.constant 0 : i32
        %add3A_459 = arith.addi %add3A_458, %scan3A_367 : i32
        %get3A_460 = arith.index_cast %add3A_459 : i32 to index
        %get3A_461 = arith.constant 160 : index
        %get3A_462 = tpu.vector_load %arg13[%get3A_460, %get3A_461] {strides = array<i32>} : memref<64x256xf32, #tpu.memory_space<vmem>>, vector<1x16xf32>,
        %get3A_463 = vector.shape_cast %get3A_462 : vector<1x16xf32> to vector<16xf32>
        %mul3A_464 = arith.mulf %get3A_463, %broadcast_in_dim3A_377 : vector<16xf32>
        %add3A_465 = arith.addf %broadcast_in_dim3A_368, %mul3A_464 : vector<16xf32>
        %add3A_466 = arith.constant 0 : i32
        %add3A_467 = arith.addi %add3A_466, %scan3A_367 : i32
        %get3A_468 = arith.index_cast %add3A_467 : i32 to index
        %get3A_469 = arith.constant 176 : index
        %get3A_470 = tpu.vector_load %arg13[%get3A_468, %get3A_469] {strides = array<i32>} : memref<64x256xf32, #tpu.memory_space<vmem>>, vector<1x16xf32>,
        %get3A_471 = vector.shape_cast %get3A_470 : vector<1x16xf32> to vector<16xf32>
        %mul3A_472 = arith.mulf %get3A_471, %broadcast_in_dim3A_377 : vector<16xf32>
        %add3A_473 = arith.addf %broadcast_in_dim3A_368, %mul3A_472 : vector<16xf32>
        %add3A_474 = arith.constant 0 : i32
        %add3A_475 = arith.addi %add3A_474, %scan3A_367 : i32
        %get3A_476 = arith.index_cast %add3A_475 : i32 to index
        %get3A_477 = arith.constant 192 : index
        %get3A_478 = tpu.vector_load %arg13[%get3A_476, %get3A_477] {strides = array<i32>} : memref<64x256xf32, #tpu.memory_space<vmem>>, vector<1x16xf32>,
        %get3A_479 = vector.shape_cast %get3A_478 : vector<1x16xf32> to vector<16xf32>
        %mul3A_480 = arith.mulf %get3A_479, %broadcast_in_dim3A_377 : vector<16xf32>
        %add3A_481 = arith.addf %broadcast_in_dim3A_368, %mul3A_480 : vector<16xf32>
        %add3A_482 = arith.constant 0 : i32
        %add3A_483 = arith.addi %add3A_482, %scan3A_367 : i32
        %get3A_484 = arith.index_cast %add3A_483 : i32 to index
        %get3A_485 = arith.constant 208 : index
        %get3A_486 = tpu.vector_load %arg13[%get3A_484, %get3A_485] {strides = array<i32>} : memref<64x256xf32, #tpu.memory_space<vmem>>, vector<1x16xf32>,
        %get3A_487 = vector.shape_cast %get3A_486 : vector<1x16xf32> to vector<16xf32>
        %mul3A_488 = arith.mulf %get3A_487, %broadcast_in_dim3A_377 : vector<16xf32>
        %add3A_489 = arith.addf %broadcast_in_dim3A_368, %mul3A_488 : vector<16xf32>
        %add3A_490 = arith.constant 0 : i32
        %add3A_491 = arith.addi %add3A_490, %scan3A_367 : i32
        %get3A_492 = arith.index_cast %add3A_491 : i32 to index
        %get3A_493 = arith.constant 224 : index
        %get3A_494 = tpu.vector_load %arg13[%get3A_492, %get3A_493] {strides = array<i32>} : memref<64x256xf32, #tpu.memory_space<vmem>>, vector<1x16xf32>,
        %get3A_495 = vector.shape_cast %get3A_494 : vector<1x16xf32> to vector<16xf32>
        %mul3A_496 = arith.mulf %get3A_495, %broadcast_in_dim3A_377 : vector<16xf32>
        %add3A_497 = arith.addf %broadcast_in_dim3A_368, %mul3A_496 : vector<16xf32>
        %add3A_498 = arith.constant 0 : i32
        %add3A_499 = arith.addi %add3A_498, %scan3A_367 : i32
        %get3A_500 = arith.index_cast %add3A_499 : i32 to index
        %get3A_501 = arith.constant 240 : index
        %get3A_502 = tpu.vector_load %arg13[%get3A_500, %get3A_501] {strides = array<i32>} : memref<64x256xf32, #tpu.memory_space<vmem>>, vector<1x16xf32>,
        %get3A_503 = vector.shape_cast %get3A_502 : vector<1x16xf32> to vector<16xf32>
        %mul3A_504 = arith.mulf %get3A_503, %broadcast_in_dim3A_377 : vector<16xf32>
        %add3A_505 = arith.addf %broadcast_in_dim3A_368, %mul3A_504 : vector<16xf32>
        %mul3A_506 = arith.constant 16 : i32
        %mul3A_507 = arith.muli %add3A_229, %mul3A_506 : i32
        %add3A_508 = arith.constant 3072 : i32
        %add3A_509 = arith.addi %add3A_508, %mul3A_507 : i32
        %add3A_510 = arith.addi %add3A_509, %scan3A_367 : i32
        %get3A_511 = arith.index_cast %add3A_510 : i32 to index
        %get3A_512 = tpu.vector_load %arg7[%get3A_511] {strides = array<i32>} : memref<12304xf32, #tpu.memory_space<vmem>>, vector<16xf32>,
        %get3A_513 = vector.shape_cast %get3A_512 : vector<16xf32> to vector<16xf32>
        %slice3A_514 = vector.extract_strided_slice %get3A_513 {offsets = [0], sizes = [1], strides = [1]} : vector<16xf32> to vector<1xf32>
        %squeeze3A_515 = vector.extract %slice3A_514[0] : f32 from vector<1xf32>
        %broadcast_in_dim3A_516 = vector.broadcast %squeeze3A_515 : f32 to vector<16xf32>
        %add3A_517 = arith.constant 16 : i32
        %add3A_518 = arith.addi %add3A_517, %scan3A_367 : i32
        %get3A_519 = arith.index_cast %add3A_518 : i32 to index
        %get3A_520 = arith.constant 0 : index
        %get3A_521 = tpu.vector_load %arg13[%get3A_519, %get3A_520] {strides = array<i32>} : memref<64x256xf32, #tpu.memory_space<vmem>>, vector<1x16xf32>,
        %get3A_522 = vector.shape_cast %get3A_521 : vector<1x16xf32> to vector<16xf32>
        %mul3A_523 = arith.mulf %get3A_522, %broadcast_in_dim3A_516 : vector<16xf32>
        %add3A_524 = arith.addf %add3A_385, %mul3A_523 : vector<16xf32>
        %add3A_525 = arith.constant 16 : i32
        %add3A_526 = arith.addi %add3A_525, %scan3A_367 : i32
        %get3A_527 = arith.index_cast %add3A_526 : i32 to index
        %get3A_528 = arith.constant 16 : index
        %get3A_529 = tpu.vector_load %arg13[%get3A_527, %get3A_528] {strides = array<i32>} : memref<64x256xf32, #tpu.memory_space<vmem>>, vector<1x16xf32>,
        %get3A_530 = vector.shape_cast %get3A_529 : vector<1x16xf32> to vector<16xf32>
        %mul3A_531 = arith.mulf %get3A_530, %broadcast_in_dim3A_516 : vector<16xf32>
        %add3A_532 = arith.addf %add3A_393, %mul3A_531 : vector<16xf32>
        %add3A_533 = arith.constant 16 : i32
        %add3A_534 = arith.addi %add3A_533, %scan3A_367 : i32
        %get3A_535 = arith.index_cast %add3A_534 : i32 to index
        %get3A_536 = arith.constant 32 : index
        %get3A_537 = tpu.vector_load %arg13[%get3A_535, %get3A_536] {strides = array<i32>} : memref<64x256xf32, #tpu.memory_space<vmem>>, vector<1x16xf32>,
        %get3A_538 = vector.shape_cast %get3A_537 : vector<1x16xf32> to vector<16xf32>
        %mul3A_539 = arith.mulf %get3A_538, %broadcast_in_dim3A_516 : vector<16xf32>
        %add3A_540 = arith.addf %add3A_401, %mul3A_539 : vector<16xf32>
        %add3A_541 = arith.constant 16 : i32
        %add3A_542 = arith.addi %add3A_541, %scan3A_367 : i32
        %get3A_543 = arith.index_cast %add3A_542 : i32 to index
        %get3A_544 = arith.constant 48 : index
        %get3A_545 = tpu.vector_load %arg13[%get3A_543, %get3A_544] {strides = array<i32>} : memref<64x256xf32, #tpu.memory_space<vmem>>, vector<1x16xf32>,
        %get3A_546 = vector.shape_cast %get3A_545 : vector<1x16xf32> to vector<16xf32>
        %mul3A_547 = arith.mulf %get3A_546, %broadcast_in_dim3A_516 : vector<16xf32>
        %add3A_548 = arith.addf %add3A_409, %mul3A_547 : vector<16xf32>
        %add3A_549 = arith.constant 16 : i32
        %add3A_550 = arith.addi %add3A_549, %scan3A_367 : i32
        %get3A_551 = arith.index_cast %add3A_550 : i32 to index
        %get3A_552 = arith.constant 64 : index
        %get3A_553 = tpu.vector_load %arg13[%get3A_551, %get3A_552] {strides = array<i32>} : memref<64x256xf32, #tpu.memory_space<vmem>>, vector<1x16xf32>,
        %get3A_554 = vector.shape_cast %get3A_553 : vector<1x16xf32> to vector<16xf32>
        %mul3A_555 = arith.mulf %get3A_554, %broadcast_in_dim3A_516 : vector<16xf32>
        %add3A_556 = arith.addf %add3A_417, %mul3A_555 : vector<16xf32>
        %add3A_557 = arith.constant 16 : i32
        %add3A_558 = arith.addi %add3A_557, %scan3A_367 : i32
        %get3A_559 = arith.index_cast %add3A_558 : i32 to index
        %get3A_560 = arith.constant 80 : index
        %get3A_561 = tpu.vector_load %arg13[%get3A_559, %get3A_560] {strides = array<i32>} : memref<64x256xf32, #tpu.memory_space<vmem>>, vector<1x16xf32>,
        %get3A_562 = vector.shape_cast %get3A_561 : vector<1x16xf32> to vector<16xf32>
        %mul3A_563 = arith.mulf %get3A_562, %broadcast_in_dim3A_516 : vector<16xf32>
        %add3A_564 = arith.addf %add3A_425, %mul3A_563 : vector<16xf32>
        %add3A_565 = arith.constant 16 : i32
        %add3A_566 = arith.addi %add3A_565, %scan3A_367 : i32
        %get3A_567 = arith.index_cast %add3A_566 : i32 to index
        %get3A_568 = arith.constant 96 : index
        %get3A_569 = tpu.vector_load %arg13[%get3A_567, %get3A_568] {strides = array<i32>} : memref<64x256xf32, #tpu.memory_space<vmem>>, vector<1x16xf32>,
        %get3A_570 = vector.shape_cast %get3A_569 : vector<1x16xf32> to vector<16xf32>
        %mul3A_571 = arith.mulf %get3A_570, %broadcast_in_dim3A_516 : vector<16xf32>
        %add3A_572 = arith.addf %add3A_433, %mul3A_571 : vector<16xf32>
        %add3A_573 = arith.constant 16 : i32
        %add3A_574 = arith.addi %add3A_573, %scan3A_367 : i32
        %get3A_575 = arith.index_cast %add3A_574 : i32 to index
        %get3A_576 = arith.constant 112 : index
        %get3A_577 = tpu.vector_load %arg13[%get3A_575, %get3A_576] {strides = array<i32>} : memref<64x256xf32, #tpu.memory_space<vmem>>, vector<1x16xf32>,
        %get3A_578 = vector.shape_cast %get3A_577 : vector<1x16xf32> to vector<16xf32>
        %mul3A_579 = arith.mulf %get3A_578, %broadcast_in_dim3A_516 : vector<16xf32>
        %add3A_580 = arith.addf %add3A_441, %mul3A_579 : vector<16xf32>
        %add3A_581 = arith.constant 16 : i32
        %add3A_582 = arith.addi %add3A_581, %scan3A_367 : i32
        %get3A_583 = arith.index_cast %add3A_582 : i32 to index
        %get3A_584 = arith.constant 128 : index
        %get3A_585 = tpu.vector_load %arg13[%get3A_583, %get3A_584] {strides = array<i32>} : memref<64x256xf32, #tpu.memory_space<vmem>>, vector<1x16xf32>,
        %get3A_586 = vector.shape_cast %get3A_585 : vector<1x16xf32> to vector<16xf32>
        %mul3A_587 = arith.mulf %get3A_586, %broadcast_in_dim3A_516 : vector<16xf32>
        %add3A_588 = arith.addf %add3A_449, %mul3A_587 : vector<16xf32>
        %add3A_589 = arith.constant 16 : i32
        %add3A_590 = arith.addi %add3A_589, %scan3A_367 : i32
        %get3A_591 = arith.index_cast %add3A_590 : i32 to index
        %get3A_592 = arith.constant 144 : index
        %get3A_593 = tpu.vector_load %arg13[%get3A_591, %get3A_592] {strides = array<i32>} : memref<64x256xf32, #tpu.memory_space<vmem>>, vector<1x16xf32>,
        %get3A_594 = vector.shape_cast %get3A_593 : vector<1x16xf32> to vector<16xf32>
        %mul3A_595 = arith.mulf %get3A_594, %broadcast_in_dim3A_516 : vector<16xf32>
        %add3A_596 = arith.addf %add3A_457, %mul3A_595 : vector<16xf32>
        %add3A_597 = arith.constant 16 : i32
        %add3A_598 = arith.addi %add3A_597, %scan3A_367 : i32
        %get3A_599 = arith.index_cast %add3A_598 : i32 to index
        %get3A_600 = arith.constant 160 : index
        %get3A_601 = tpu.vector_load %arg13[%get3A_599, %get3A_600] {strides = array<i32>} : memref<64x256xf32, #tpu.memory_space<vmem>>, vector<1x16xf32>,
        %get3A_602 = vector.shape_cast %get3A_601 : vector<1x16xf32> to vector<16xf32>
        %mul3A_603 = arith.mulf %get3A_602, %broadcast_in_dim3A_516 : vector<16xf32>
        %add3A_604 = arith.addf %add3A_465, %mul3A_603 : vector<16xf32>
        %add3A_605 = arith.constant 16 : i32
        %add3A_606 = arith.addi %add3A_605, %scan3A_367 : i32
        %get3A_607 = arith.index_cast %add3A_606 : i32 to index
        %get3A_608 = arith.constant 176 : index
        %get3A_609 = tpu.vector_load %arg13[%get3A_607, %get3A_608] {strides = array<i32>} : memref<64x256xf32, #tpu.memory_space<vmem>>, vector<1x16xf32>,
        %get3A_610 = vector.shape_cast %get3A_609 : vector<1x16xf32> to vector<16xf32>
        %mul3A_611 = arith.mulf %get3A_610, %broadcast_in_dim3A_516 : vector<16xf32>
        %add3A_612 = arith.addf %add3A_473, %mul3A_611 : vector<16xf32>
        %add3A_613 = arith.constant 16 : i32
        %add3A_614 = arith.addi %add3A_613, %scan3A_367 : i32
        %get3A_615 = arith.index_cast %add3A_614 : i32 to index
        %get3A_616 = arith.constant 192 : index
        %get3A_617 = tpu.vector_load %arg13[%get3A_615, %get3A_616] {strides = array<i32>} : memref<64x256xf32, #tpu.memory_space<vmem>>, vector<1x16xf32>,
        %get3A_618 = vector.shape_cast %get3A_617 : vector<1x16xf32> to vector<16xf32>
        %mul3A_619 = arith.mulf %get3A_618, %broadcast_in_dim3A_516 : vector<16xf32>
        %add3A_620 = arith.addf %add3A_481, %mul3A_619 : vector<16xf32>
        %add3A_621 = arith.constant 16 : i32
        %add3A_622 = arith.addi %add3A_621, %scan3A_367 : i32
        %get3A_623 = arith.index_cast %add3A_622 : i32 to index
        %get3A_624 = arith.constant 208 : index
        %get3A_625 = tpu.vector_load %arg13[%get3A_623, %get3A_624] {strides = array<i32>} : memref<64x256xf32, #tpu.memory_space<vmem>>, vector<1x16xf32>,
        %get3A_626 = vector.shape_cast %get3A_625 : vector<1x16xf32> to vector<16xf32>
        %mul3A_627 = arith.mulf %get3A_626, %broadcast_in_dim3A_516 : vector<16xf32>
        %add3A_628 = arith.addf %add3A_489, %mul3A_627 : vector<16xf32>
        %add3A_629 = arith.constant 16 : i32
        %add3A_630 = arith.addi %add3A_629, %scan3A_367 : i32
        %get3A_631 = arith.index_cast %add3A_630 : i32 to index
        %get3A_632 = arith.constant 224 : index
        %get3A_633 = tpu.vector_load %arg13[%get3A_631, %get3A_632] {strides = array<i32>} : memref<64x256xf32, #tpu.memory_space<vmem>>, vector<1x16xf32>,
        %get3A_634 = vector.shape_cast %get3A_633 : vector<1x16xf32> to vector<16xf32>
        %mul3A_635 = arith.mulf %get3A_634, %broadcast_in_dim3A_516 : vector<16xf32>
        %add3A_636 = arith.addf %add3A_497, %mul3A_635 : vector<16xf32>
        %add3A_637 = arith.constant 16 : i32
        %add3A_638 = arith.addi %add3A_637, %scan3A_367 : i32
        %get3A_639 = arith.index_cast %add3A_638 : i32 to index
        %get3A_640 = arith.constant 240 : index
        %get3A_641 = tpu.vector_load %arg13[%get3A_639, %get3A_640] {strides = array<i32>} : memref<64x256xf32, #tpu.memory_space<vmem>>, vector<1x16xf32>,
        %get3A_642 = vector.shape_cast %get3A_641 : vector<1x16xf32> to vector<16xf32>
        %mul3A_643 = arith.mulf %get3A_642, %broadcast_in_dim3A_516 : vector<16xf32>
        %add3A_644 = arith.addf %add3A_505, %mul3A_643 : vector<16xf32>
        %mul3A_645 = arith.constant 16 : i32
        %mul3A_646 = arith.muli %add3A_229, %mul3A_645 : i32
        %add3A_647 = arith.constant 6144 : i32
        %add3A_648 = arith.addi %add3A_647, %mul3A_646 : i32
        %add3A_649 = arith.addi %add3A_648, %scan3A_367 : i32
        %get3A_650 = arith.index_cast %add3A_649 : i32 to index
        %get3A_651 = tpu.vector_load %arg7[%get3A_650] {strides = array<i32>} : memref<12304xf32, #tpu.memory_space<vmem>>, vector<16xf32>,
        %get3A_652 = vector.shape_cast %get3A_651 : vector<16xf32> to vector<16xf32>
        %slice3A_653 = vector.extract_strided_slice %get3A_652 {offsets = [0], sizes = [1], strides = [1]} : vector<16xf32> to vector<1xf32>
        %squeeze3A_654 = vector.extract %slice3A_653[0] : f32 from vector<1xf32>
        %broadcast_in_dim3A_655 = vector.broadcast %squeeze3A_654 : f32 to vector<16xf32>
        %add3A_656 = arith.constant 32 : i32
        %add3A_657 = arith.addi %add3A_656, %scan3A_367 : i32
        %get3A_658 = arith.index_cast %add3A_657 : i32 to index
        %get3A_659 = arith.constant 0 : index
        %get3A_660 = tpu.vector_load %arg13[%get3A_658, %get3A_659] {strides = array<i32>} : memref<64x256xf32, #tpu.memory_space<vmem>>, vector<1x16xf32>,
        %get3A_661 = vector.shape_cast %get3A_660 : vector<1x16xf32> to vector<16xf32>
        %mul3A_662 = arith.mulf %get3A_661, %broadcast_in_dim3A_655 : vector<16xf32>
        %add3A_663 = arith.addf %add3A_524, %mul3A_662 : vector<16xf32>
        %add3A_664 = arith.constant 32 : i32
        %add3A_665 = arith.addi %add3A_664, %scan3A_367 : i32
        %get3A_666 = arith.index_cast %add3A_665 : i32 to index
        %get3A_667 = arith.constant 16 : index
        %get3A_668 = tpu.vector_load %arg13[%get3A_666, %get3A_667] {strides = array<i32>} : memref<64x256xf32, #tpu.memory_space<vmem>>, vector<1x16xf32>,
        %get3A_669 = vector.shape_cast %get3A_668 : vector<1x16xf32> to vector<16xf32>
        %mul3A_670 = arith.mulf %get3A_669, %broadcast_in_dim3A_655 : vector<16xf32>
        %add3A_671 = arith.addf %add3A_532, %mul3A_670 : vector<16xf32>
        %add3A_672 = arith.constant 32 : i32
        %add3A_673 = arith.addi %add3A_672, %scan3A_367 : i32
        %get3A_674 = arith.index_cast %add3A_673 : i32 to index
        %get3A_675 = arith.constant 32 : index
        %get3A_676 = tpu.vector_load %arg13[%get3A_674, %get3A_675] {strides = array<i32>} : memref<64x256xf32, #tpu.memory_space<vmem>>, vector<1x16xf32>,
        %get3A_677 = vector.shape_cast %get3A_676 : vector<1x16xf32> to vector<16xf32>
        %mul3A_678 = arith.mulf %get3A_677, %broadcast_in_dim3A_655 : vector<16xf32>
        %add3A_679 = arith.addf %add3A_540, %mul3A_678 : vector<16xf32>
        %add3A_680 = arith.constant 32 : i32
        %add3A_681 = arith.addi %add3A_680, %scan3A_367 : i32
        %get3A_682 = arith.index_cast %add3A_681 : i32 to index
        %get3A_683 = arith.constant 48 : index
        %get3A_684 = tpu.vector_load %arg13[%get3A_682, %get3A_683] {strides = array<i32>} : memref<64x256xf32, #tpu.memory_space<vmem>>, vector<1x16xf32>,
        %get3A_685 = vector.shape_cast %get3A_684 : vector<1x16xf32> to vector<16xf32>
        %mul3A_686 = arith.mulf %get3A_685, %broadcast_in_dim3A_655 : vector<16xf32>
        %add3A_687 = arith.addf %add3A_548, %mul3A_686 : vector<16xf32>
        %add3A_688 = arith.constant 32 : i32
        %add3A_689 = arith.addi %add3A_688, %scan3A_367 : i32
        %get3A_690 = arith.index_cast %add3A_689 : i32 to index
        %get3A_691 = arith.constant 64 : index
        %get3A_692 = tpu.vector_load %arg13[%get3A_690, %get3A_691] {strides = array<i32>} : memref<64x256xf32, #tpu.memory_space<vmem>>, vector<1x16xf32>,
        %get3A_693 = vector.shape_cast %get3A_692 : vector<1x16xf32> to vector<16xf32>
        %mul3A_694 = arith.mulf %get3A_693, %broadcast_in_dim3A_655 : vector<16xf32>
        %add3A_695 = arith.addf %add3A_556, %mul3A_694 : vector<16xf32>
        %add3A_696 = arith.constant 32 : i32
        %add3A_697 = arith.addi %add3A_696, %scan3A_367 : i32
        %get3A_698 = arith.index_cast %add3A_697 : i32 to index
        %get3A_699 = arith.constant 80 : index
        %get3A_700 = tpu.vector_load %arg13[%get3A_698, %get3A_699] {strides = array<i32>} : memref<64x256xf32, #tpu.memory_space<vmem>>, vector<1x16xf32>,
        %get3A_701 = vector.shape_cast %get3A_700 : vector<1x16xf32> to vector<16xf32>
        %mul3A_702 = arith.mulf %get3A_701, %broadcast_in_dim3A_655 : vector<16xf32>
        %add3A_703 = arith.addf %add3A_564, %mul3A_702 : vector<16xf32>
        %add3A_704 = arith.constant 32 : i32
        %add3A_705 = arith.addi %add3A_704, %scan3A_367 : i32
        %get3A_706 = arith.index_cast %add3A_705 : i32 to index
        %get3A_707 = arith.constant 96 : index
        %get3A_708 = tpu.vector_load %arg13[%get3A_706, %get3A_707] {strides = array<i32>} : memref<64x256xf32, #tpu.memory_space<vmem>>, vector<1x16xf32>,
        %get3A_709 = vector.shape_cast %get3A_708 : vector<1x16xf32> to vector<16xf32>
        %mul3A_710 = arith.mulf %get3A_709, %broadcast_in_dim3A_655 : vector<16xf32>
        %add3A_711 = arith.addf %add3A_572, %mul3A_710 : vector<16xf32>
        %add3A_712 = arith.constant 32 : i32
        %add3A_713 = arith.addi %add3A_712, %scan3A_367 : i32
        %get3A_714 = arith.index_cast %add3A_713 : i32 to index
        %get3A_715 = arith.constant 112 : index
        %get3A_716 = tpu.vector_load %arg13[%get3A_714, %get3A_715] {strides = array<i32>} : memref<64x256xf32, #tpu.memory_space<vmem>>, vector<1x16xf32>,
        %get3A_717 = vector.shape_cast %get3A_716 : vector<1x16xf32> to vector<16xf32>
        %mul3A_718 = arith.mulf %get3A_717, %broadcast_in_dim3A_655 : vector<16xf32>
        %add3A_719 = arith.addf %add3A_580, %mul3A_718 : vector<16xf32>
        %add3A_720 = arith.constant 32 : i32
        %add3A_721 = arith.addi %add3A_720, %scan3A_367 : i32
        %get3A_722 = arith.index_cast %add3A_721 : i32 to index
        %get3A_723 = arith.constant 128 : index
        %get3A_724 = tpu.vector_load %arg13[%get3A_722, %get3A_723] {strides = array<i32>} : memref<64x256xf32, #tpu.memory_space<vmem>>, vector<1x16xf32>,
        %get3A_725 = vector.shape_cast %get3A_724 : vector<1x16xf32> to vector<16xf32>
        %mul3A_726 = arith.mulf %get3A_725, %broadcast_in_dim3A_655 : vector<16xf32>
        %add3A_727 = arith.addf %add3A_588, %mul3A_726 : vector<16xf32>
        %add3A_728 = arith.constant 32 : i32
        %add3A_729 = arith.addi %add3A_728, %scan3A_367 : i32
        %get3A_730 = arith.index_cast %add3A_729 : i32 to index
        %get3A_731 = arith.constant 144 : index
        %get3A_732 = tpu.vector_load %arg13[%get3A_730, %get3A_731] {strides = array<i32>} : memref<64x256xf32, #tpu.memory_space<vmem>>, vector<1x16xf32>,
        %get3A_733 = vector.shape_cast %get3A_732 : vector<1x16xf32> to vector<16xf32>
        %mul3A_734 = arith.mulf %get3A_733, %broadcast_in_dim3A_655 : vector<16xf32>
        %add3A_735 = arith.addf %add3A_596, %mul3A_734 : vector<16xf32>
        %add3A_736 = arith.constant 32 : i32
        %add3A_737 = arith.addi %add3A_736, %scan3A_367 : i32
        %get3A_738 = arith.index_cast %add3A_737 : i32 to index
        %get3A_739 = arith.constant 160 : index
        %get3A_740 = tpu.vector_load %arg13[%get3A_738, %get3A_739] {strides = array<i32>} : memref<64x256xf32, #tpu.memory_space<vmem>>, vector<1x16xf32>,
        %get3A_741 = vector.shape_cast %get3A_740 : vector<1x16xf32> to vector<16xf32>
        %mul3A_742 = arith.mulf %get3A_741, %broadcast_in_dim3A_655 : vector<16xf32>
        %add3A_743 = arith.addf %add3A_604, %mul3A_742 : vector<16xf32>
        %add3A_744 = arith.constant 32 : i32
        %add3A_745 = arith.addi %add3A_744, %scan3A_367 : i32
        %get3A_746 = arith.index_cast %add3A_745 : i32 to index
        %get3A_747 = arith.constant 176 : index
        %get3A_748 = tpu.vector_load %arg13[%get3A_746, %get3A_747] {strides = array<i32>} : memref<64x256xf32, #tpu.memory_space<vmem>>, vector<1x16xf32>,
        %get3A_749 = vector.shape_cast %get3A_748 : vector<1x16xf32> to vector<16xf32>
        %mul3A_750 = arith.mulf %get3A_749, %broadcast_in_dim3A_655 : vector<16xf32>
        %add3A_751 = arith.addf %add3A_612, %mul3A_750 : vector<16xf32>
        %add3A_752 = arith.constant 32 : i32
        %add3A_753 = arith.addi %add3A_752, %scan3A_367 : i32
        %get3A_754 = arith.index_cast %add3A_753 : i32 to index
        %get3A_755 = arith.constant 192 : index
        %get3A_756 = tpu.vector_load %arg13[%get3A_754, %get3A_755] {strides = array<i32>} : memref<64x256xf32, #tpu.memory_space<vmem>>, vector<1x16xf32>,
        %get3A_757 = vector.shape_cast %get3A_756 : vector<1x16xf32> to vector<16xf32>
        %mul3A_758 = arith.mulf %get3A_757, %broadcast_in_dim3A_655 : vector<16xf32>
        %add3A_759 = arith.addf %add3A_620, %mul3A_758 : vector<16xf32>
        %add3A_760 = arith.constant 32 : i32
        %add3A_761 = arith.addi %add3A_760, %scan3A_367 : i32
        %get3A_762 = arith.index_cast %add3A_761 : i32 to index
        %get3A_763 = arith.constant 208 : index
        %get3A_764 = tpu.vector_load %arg13[%get3A_762, %get3A_763] {strides = array<i32>} : memref<64x256xf32, #tpu.memory_space<vmem>>, vector<1x16xf32>,
        %get3A_765 = vector.shape_cast %get3A_764 : vector<1x16xf32> to vector<16xf32>
        %mul3A_766 = arith.mulf %get3A_765, %broadcast_in_dim3A_655 : vector<16xf32>
        %add3A_767 = arith.addf %add3A_628, %mul3A_766 : vector<16xf32>
        %add3A_768 = arith.constant 32 : i32
        %add3A_769 = arith.addi %add3A_768, %scan3A_367 : i32
        %get3A_770 = arith.index_cast %add3A_769 : i32 to index
        %get3A_771 = arith.constant 224 : index
        %get3A_772 = tpu.vector_load %arg13[%get3A_770, %get3A_771] {strides = array<i32>} : memref<64x256xf32, #tpu.memory_space<vmem>>, vector<1x16xf32>,
        %get3A_773 = vector.shape_cast %get3A_772 : vector<1x16xf32> to vector<16xf32>
        %mul3A_774 = arith.mulf %get3A_773, %broadcast_in_dim3A_655 : vector<16xf32>
        %add3A_775 = arith.addf %add3A_636, %mul3A_774 : vector<16xf32>
        %add3A_776 = arith.constant 32 : i32
        %add3A_777 = arith.addi %add3A_776, %scan3A_367 : i32
        %get3A_778 = arith.index_cast %add3A_777 : i32 to index
        %get3A_779 = arith.constant 240 : index
        %get3A_780 = tpu.vector_load %arg13[%get3A_778, %get3A_779] {strides = array<i32>} : memref<64x256xf32, #tpu.memory_space<vmem>>, vector<1x16xf32>,
        %get3A_781 = vector.shape_cast %get3A_780 : vector<1x16xf32> to vector<16xf32>
        %mul3A_782 = arith.mulf %get3A_781, %broadcast_in_dim3A_655 : vector<16xf32>
        %add3A_783 = arith.addf %add3A_644, %mul3A_782 : vector<16xf32>
        %mul3A_784 = arith.constant 16 : i32
        %mul3A_785 = arith.muli %add3A_229, %mul3A_784 : i32
        %add3A_786 = arith.constant 9216 : i32
        %add3A_787 = arith.addi %add3A_786, %mul3A_785 : i32
        %add3A_788 = arith.addi %add3A_787, %scan3A_367 : i32
        %get3A_789 = arith.index_cast %add3A_788 : i32 to index
        %get3A_790 = tpu.vector_load %arg7[%get3A_789] {strides = array<i32>} : memref<12304xf32, #tpu.memory_space<vmem>>, vector<16xf32>,
        %get3A_791 = vector.shape_cast %get3A_790 : vector<16xf32> to vector<16xf32>
        %slice3A_792 = vector.extract_strided_slice %get3A_791 {offsets = [0], sizes = [1], strides = [1]} : vector<16xf32> to vector<1xf32>
        %squeeze3A_793 = vector.extract %slice3A_792[0] : f32 from vector<1xf32>
        %broadcast_in_dim3A_794 = vector.broadcast %squeeze3A_793 : f32 to vector<16xf32>
        %add3A_795 = arith.constant 48 : i32
        %add3A_796 = arith.addi %add3A_795, %scan3A_367 : i32
        %get3A_797 = arith.index_cast %add3A_796 : i32 to index
        %get3A_798 = arith.constant 0 : index
        %get3A_799 = tpu.vector_load %arg13[%get3A_797, %get3A_798] {strides = array<i32>} : memref<64x256xf32, #tpu.memory_space<vmem>>, vector<1x16xf32>,
        %get3A_800 = vector.shape_cast %get3A_799 : vector<1x16xf32> to vector<16xf32>
        %mul3A_801 = arith.mulf %get3A_800, %broadcast_in_dim3A_794 : vector<16xf32>
        %add3A_802 = arith.addf %add3A_663, %mul3A_801 : vector<16xf32>
        %add3A_803 = arith.constant 48 : i32
        %add3A_804 = arith.addi %add3A_803, %scan3A_367 : i32
        %get3A_805 = arith.index_cast %add3A_804 : i32 to index
        %get3A_806 = arith.constant 16 : index
        %get3A_807 = tpu.vector_load %arg13[%get3A_805, %get3A_806] {strides = array<i32>} : memref<64x256xf32, #tpu.memory_space<vmem>>, vector<1x16xf32>,
        %get3A_808 = vector.shape_cast %get3A_807 : vector<1x16xf32> to vector<16xf32>
        %mul3A_809 = arith.mulf %get3A_808, %broadcast_in_dim3A_794 : vector<16xf32>
        %add3A_810 = arith.addf %add3A_671, %mul3A_809 : vector<16xf32>
        %add3A_811 = arith.constant 48 : i32
        %add3A_812 = arith.addi %add3A_811, %scan3A_367 : i32
        %get3A_813 = arith.index_cast %add3A_812 : i32 to index
        %get3A_814 = arith.constant 32 : index
        %get3A_815 = tpu.vector_load %arg13[%get3A_813, %get3A_814] {strides = array<i32>} : memref<64x256xf32, #tpu.memory_space<vmem>>, vector<1x16xf32>,
        %get3A_816 = vector.shape_cast %get3A_815 : vector<1x16xf32> to vector<16xf32>
        %mul3A_817 = arith.mulf %get3A_816, %broadcast_in_dim3A_794 : vector<16xf32>
        %add3A_818 = arith.addf %add3A_679, %mul3A_817 : vector<16xf32>
        %add3A_819 = arith.constant 48 : i32
        %add3A_820 = arith.addi %add3A_819, %scan3A_367 : i32
        %get3A_821 = arith.index_cast %add3A_820 : i32 to index
        %get3A_822 = arith.constant 48 : index
        %get3A_823 = tpu.vector_load %arg13[%get3A_821, %get3A_822] {strides = array<i32>} : memref<64x256xf32, #tpu.memory_space<vmem>>, vector<1x16xf32>,
        %get3A_824 = vector.shape_cast %get3A_823 : vector<1x16xf32> to vector<16xf32>
        %mul3A_825 = arith.mulf %get3A_824, %broadcast_in_dim3A_794 : vector<16xf32>
        %add3A_826 = arith.addf %add3A_687, %mul3A_825 : vector<16xf32>
        %add3A_827 = arith.constant 48 : i32
        %add3A_828 = arith.addi %add3A_827, %scan3A_367 : i32
        %get3A_829 = arith.index_cast %add3A_828 : i32 to index
        %get3A_830 = arith.constant 64 : index
        %get3A_831 = tpu.vector_load %arg13[%get3A_829, %get3A_830] {strides = array<i32>} : memref<64x256xf32, #tpu.memory_space<vmem>>, vector<1x16xf32>,
        %get3A_832 = vector.shape_cast %get3A_831 : vector<1x16xf32> to vector<16xf32>
        %mul3A_833 = arith.mulf %get3A_832, %broadcast_in_dim3A_794 : vector<16xf32>
        %add3A_834 = arith.addf %add3A_695, %mul3A_833 : vector<16xf32>
        %add3A_835 = arith.constant 48 : i32
        %add3A_836 = arith.addi %add3A_835, %scan3A_367 : i32
        %get3A_837 = arith.index_cast %add3A_836 : i32 to index
        %get3A_838 = arith.constant 80 : index
        %get3A_839 = tpu.vector_load %arg13[%get3A_837, %get3A_838] {strides = array<i32>} : memref<64x256xf32, #tpu.memory_space<vmem>>, vector<1x16xf32>,
        %get3A_840 = vector.shape_cast %get3A_839 : vector<1x16xf32> to vector<16xf32>
        %mul3A_841 = arith.mulf %get3A_840, %broadcast_in_dim3A_794 : vector<16xf32>
        %add3A_842 = arith.addf %add3A_703, %mul3A_841 : vector<16xf32>
        %add3A_843 = arith.constant 48 : i32
        %add3A_844 = arith.addi %add3A_843, %scan3A_367 : i32
        %get3A_845 = arith.index_cast %add3A_844 : i32 to index
        %get3A_846 = arith.constant 96 : index
        %get3A_847 = tpu.vector_load %arg13[%get3A_845, %get3A_846] {strides = array<i32>} : memref<64x256xf32, #tpu.memory_space<vmem>>, vector<1x16xf32>,
        %get3A_848 = vector.shape_cast %get3A_847 : vector<1x16xf32> to vector<16xf32>
        %mul3A_849 = arith.mulf %get3A_848, %broadcast_in_dim3A_794 : vector<16xf32>
        %add3A_850 = arith.addf %add3A_711, %mul3A_849 : vector<16xf32>
        %add3A_851 = arith.constant 48 : i32
        %add3A_852 = arith.addi %add3A_851, %scan3A_367 : i32
        %get3A_853 = arith.index_cast %add3A_852 : i32 to index
        %get3A_854 = arith.constant 112 : index
        %get3A_855 = tpu.vector_load %arg13[%get3A_853, %get3A_854] {strides = array<i32>} : memref<64x256xf32, #tpu.memory_space<vmem>>, vector<1x16xf32>,
        %get3A_856 = vector.shape_cast %get3A_855 : vector<1x16xf32> to vector<16xf32>
        %mul3A_857 = arith.mulf %get3A_856, %broadcast_in_dim3A_794 : vector<16xf32>
        %add3A_858 = arith.addf %add3A_719, %mul3A_857 : vector<16xf32>
        %add3A_859 = arith.constant 48 : i32
        %add3A_860 = arith.addi %add3A_859, %scan3A_367 : i32
        %get3A_861 = arith.index_cast %add3A_860 : i32 to index
        %get3A_862 = arith.constant 128 : index
        %get3A_863 = tpu.vector_load %arg13[%get3A_861, %get3A_862] {strides = array<i32>} : memref<64x256xf32, #tpu.memory_space<vmem>>, vector<1x16xf32>,
        %get3A_864 = vector.shape_cast %get3A_863 : vector<1x16xf32> to vector<16xf32>
        %mul3A_865 = arith.mulf %get3A_864, %broadcast_in_dim3A_794 : vector<16xf32>
        %add3A_866 = arith.addf %add3A_727, %mul3A_865 : vector<16xf32>
        %add3A_867 = arith.constant 48 : i32
        %add3A_868 = arith.addi %add3A_867, %scan3A_367 : i32
        %get3A_869 = arith.index_cast %add3A_868 : i32 to index
        %get3A_870 = arith.constant 144 : index
        %get3A_871 = tpu.vector_load %arg13[%get3A_869, %get3A_870] {strides = array<i32>} : memref<64x256xf32, #tpu.memory_space<vmem>>, vector<1x16xf32>,
        %get3A_872 = vector.shape_cast %get3A_871 : vector<1x16xf32> to vector<16xf32>
        %mul3A_873 = arith.mulf %get3A_872, %broadcast_in_dim3A_794 : vector<16xf32>
        %add3A_874 = arith.addf %add3A_735, %mul3A_873 : vector<16xf32>
        %add3A_875 = arith.constant 48 : i32
        %add3A_876 = arith.addi %add3A_875, %scan3A_367 : i32
        %get3A_877 = arith.index_cast %add3A_876 : i32 to index
        %get3A_878 = arith.constant 160 : index
        %get3A_879 = tpu.vector_load %arg13[%get3A_877, %get3A_878] {strides = array<i32>} : memref<64x256xf32, #tpu.memory_space<vmem>>, vector<1x16xf32>,
        %get3A_880 = vector.shape_cast %get3A_879 : vector<1x16xf32> to vector<16xf32>
        %mul3A_881 = arith.mulf %get3A_880, %broadcast_in_dim3A_794 : vector<16xf32>
        %add3A_882 = arith.addf %add3A_743, %mul3A_881 : vector<16xf32>
        %add3A_883 = arith.constant 48 : i32
        %add3A_884 = arith.addi %add3A_883, %scan3A_367 : i32
        %get3A_885 = arith.index_cast %add3A_884 : i32 to index
        %get3A_886 = arith.constant 176 : index
        %get3A_887 = tpu.vector_load %arg13[%get3A_885, %get3A_886] {strides = array<i32>} : memref<64x256xf32, #tpu.memory_space<vmem>>, vector<1x16xf32>,
        %get3A_888 = vector.shape_cast %get3A_887 : vector<1x16xf32> to vector<16xf32>
        %mul3A_889 = arith.mulf %get3A_888, %broadcast_in_dim3A_794 : vector<16xf32>
        %add3A_890 = arith.addf %add3A_751, %mul3A_889 : vector<16xf32>
        %add3A_891 = arith.constant 48 : i32
        %add3A_892 = arith.addi %add3A_891, %scan3A_367 : i32
        %get3A_893 = arith.index_cast %add3A_892 : i32 to index
        %get3A_894 = arith.constant 192 : index
        %get3A_895 = tpu.vector_load %arg13[%get3A_893, %get3A_894] {strides = array<i32>} : memref<64x256xf32, #tpu.memory_space<vmem>>, vector<1x16xf32>,
        %get3A_896 = vector.shape_cast %get3A_895 : vector<1x16xf32> to vector<16xf32>
        %mul3A_897 = arith.mulf %get3A_896, %broadcast_in_dim3A_794 : vector<16xf32>
        %add3A_898 = arith.addf %add3A_759, %mul3A_897 : vector<16xf32>
        %add3A_899 = arith.constant 48 : i32
        %add3A_900 = arith.addi %add3A_899, %scan3A_367 : i32
        %get3A_901 = arith.index_cast %add3A_900 : i32 to index
        %get3A_902 = arith.constant 208 : index
        %get3A_903 = tpu.vector_load %arg13[%get3A_901, %get3A_902] {strides = array<i32>} : memref<64x256xf32, #tpu.memory_space<vmem>>, vector<1x16xf32>,
        %get3A_904 = vector.shape_cast %get3A_903 : vector<1x16xf32> to vector<16xf32>
        %mul3A_905 = arith.mulf %get3A_904, %broadcast_in_dim3A_794 : vector<16xf32>
        %add3A_906 = arith.addf %add3A_767, %mul3A_905 : vector<16xf32>
        %add3A_907 = arith.constant 48 : i32
        %add3A_908 = arith.addi %add3A_907, %scan3A_367 : i32
        %get3A_909 = arith.index_cast %add3A_908 : i32 to index
        %get3A_910 = arith.constant 224 : index
        %get3A_911 = tpu.vector_load %arg13[%get3A_909, %get3A_910] {strides = array<i32>} : memref<64x256xf32, #tpu.memory_space<vmem>>, vector<1x16xf32>,
        %get3A_912 = vector.shape_cast %get3A_911 : vector<1x16xf32> to vector<16xf32>
        %mul3A_913 = arith.mulf %get3A_912, %broadcast_in_dim3A_794 : vector<16xf32>
        %add3A_914 = arith.addf %add3A_775, %mul3A_913 : vector<16xf32>
        %add3A_915 = arith.constant 48 : i32
        %add3A_916 = arith.addi %add3A_915, %scan3A_367 : i32
        %get3A_917 = arith.index_cast %add3A_916 : i32 to index
        %get3A_918 = arith.constant 240 : index
        %get3A_919 = tpu.vector_load %arg13[%get3A_917, %get3A_918] {strides = array<i32>} : memref<64x256xf32, #tpu.memory_space<vmem>>, vector<1x16xf32>,
        %get3A_920 = vector.shape_cast %get3A_919 : vector<1x16xf32> to vector<16xf32>
        %mul3A_921 = arith.mulf %get3A_920, %broadcast_in_dim3A_794 : vector<16xf32>
        %add3A_922 = arith.addf %add3A_783, %mul3A_921 : vector<16xf32>
        %swap3A_923 = arith.index_cast %scan3A_367 : i32 to index
        %swap3A_924 = arith.constant 0 : index
        %swap3A_925 = tpu.vector_load %arg17[%swap3A_923, %swap3A_924] {strides = array<i32>} : memref<16x256xf32, #tpu.memory_space<vmem>>, vector<1x16xf32>,
        %swap3A_926 = vector.shape_cast %swap3A_925 : vector<1x16xf32> to vector<16xf32>
        %swap3A_927 = vector.shape_cast %add3A_802 : vector<16xf32> to vector<1x16xf32>
        tpu.vector_store %arg17[%swap3A_923, %swap3A_924], %swap3A_927 {strides = array<i32>} : memref<16x256xf32, #tpu.memory_space<vmem>>, vector<1x16xf32>,
        %swap3A_928 = arith.index_cast %scan3A_367 : i32 to index
        %swap3A_929 = arith.constant 16 : index
        %swap3A_930 = tpu.vector_load %arg17[%swap3A_928, %swap3A_929] {strides = array<i32>} : memref<16x256xf32, #tpu.memory_space<vmem>>, vector<1x16xf32>,
        %swap3A_931 = vector.shape_cast %swap3A_930 : vector<1x16xf32> to vector<16xf32>
        %swap3A_932 = vector.shape_cast %add3A_810 : vector<16xf32> to vector<1x16xf32>
        tpu.vector_store %arg17[%swap3A_928, %swap3A_929], %swap3A_932 {strides = array<i32>} : memref<16x256xf32, #tpu.memory_space<vmem>>, vector<1x16xf32>,
        %swap3A_933 = arith.index_cast %scan3A_367 : i32 to index
        %swap3A_934 = arith.constant 32 : index
        %swap3A_935 = tpu.vector_load %arg17[%swap3A_933, %swap3A_934] {strides = array<i32>} : memref<16x256xf32, #tpu.memory_space<vmem>>, vector<1x16xf32>,
        %swap3A_936 = vector.shape_cast %swap3A_935 : vector<1x16xf32> to vector<16xf32>
        %swap3A_937 = vector.shape_cast %add3A_818 : vector<16xf32> to vector<1x16xf32>
        tpu.vector_store %arg17[%swap3A_933, %swap3A_934], %swap3A_937 {strides = array<i32>} : memref<16x256xf32, #tpu.memory_space<vmem>>, vector<1x16xf32>,
        %swap3A_938 = arith.index_cast %scan3A_367 : i32 to index
        %swap3A_939 = arith.constant 48 : index
        %swap3A_940 = tpu.vector_load %arg17[%swap3A_938, %swap3A_939] {strides = array<i32>} : memref<16x256xf32, #tpu.memory_space<vmem>>, vector<1x16xf32>,
        %swap3A_941 = vector.shape_cast %swap3A_940 : vector<1x16xf32> to vector<16xf32>
        %swap3A_942 = vector.shape_cast %add3A_826 : vector<16xf32> to vector<1x16xf32>
        tpu.vector_store %arg17[%swap3A_938, %swap3A_939], %swap3A_942 {strides = array<i32>} : memref<16x256xf32, #tpu.memory_space<vmem>>, vector<1x16xf32>,
        %swap3A_943 = arith.index_cast %scan3A_367 : i32 to index
        %swap3A_944 = arith.constant 64 : index
        %swap3A_945 = tpu.vector_load %arg17[%swap3A_943, %swap3A_944] {strides = array<i32>} : memref<16x256xf32, #tpu.memory_space<vmem>>, vector<1x16xf32>,
        %swap3A_946 = vector.shape_cast %swap3A_945 : vector<1x16xf32> to vector<16xf32>
        %swap3A_947 = vector.shape_cast %add3A_834 : vector<16xf32> to vector<1x16xf32>
        tpu.vector_store %arg17[%swap3A_943, %swap3A_944], %swap3A_947 {strides = array<i32>} : memref<16x256xf32, #tpu.memory_space<vmem>>, vector<1x16xf32>,
        %swap3A_948 = arith.index_cast %scan3A_367 : i32 to index
        %swap3A_949 = arith.constant 80 : index
        %swap3A_950 = tpu.vector_load %arg17[%swap3A_948, %swap3A_949] {strides = array<i32>} : memref<16x256xf32, #tpu.memory_space<vmem>>, vector<1x16xf32>,
        %swap3A_951 = vector.shape_cast %swap3A_950 : vector<1x16xf32> to vector<16xf32>
        %swap3A_952 = vector.shape_cast %add3A_842 : vector<16xf32> to vector<1x16xf32>
        tpu.vector_store %arg17[%swap3A_948, %swap3A_949], %swap3A_952 {strides = array<i32>} : memref<16x256xf32, #tpu.memory_space<vmem>>, vector<1x16xf32>,
        %swap3A_953 = arith.index_cast %scan3A_367 : i32 to index
        %swap3A_954 = arith.constant 96 : index
        %swap3A_955 = tpu.vector_load %arg17[%swap3A_953, %swap3A_954] {strides = array<i32>} : memref<16x256xf32, #tpu.memory_space<vmem>>, vector<1x16xf32>,
        %swap3A_956 = vector.shape_cast %swap3A_955 : vector<1x16xf32> to vector<16xf32>
        %swap3A_957 = vector.shape_cast %add3A_850 : vector<16xf32> to vector<1x16xf32>
        tpu.vector_store %arg17[%swap3A_953, %swap3A_954], %swap3A_957 {strides = array<i32>} : memref<16x256xf32, #tpu.memory_space<vmem>>, vector<1x16xf32>,
        %swap3A_958 = arith.index_cast %scan3A_367 : i32 to index
        %swap3A_959 = arith.constant 112 : index
        %swap3A_960 = tpu.vector_load %arg17[%swap3A_958, %swap3A_959] {strides = array<i32>} : memref<16x256xf32, #tpu.memory_space<vmem>>, vector<1x16xf32>,
        %swap3A_961 = vector.shape_cast %swap3A_960 : vector<1x16xf32> to vector<16xf32>
        %swap3A_962 = vector.shape_cast %add3A_858 : vector<16xf32> to vector<1x16xf32>
        tpu.vector_store %arg17[%swap3A_958, %swap3A_959], %swap3A_962 {strides = array<i32>} : memref<16x256xf32, #tpu.memory_space<vmem>>, vector<1x16xf32>,
        %swap3A_963 = arith.index_cast %scan3A_367 : i32 to index
        %swap3A_964 = arith.constant 128 : index
        %swap3A_965 = tpu.vector_load %arg17[%swap3A_963, %swap3A_964] {strides = array<i32>} : memref<16x256xf32, #tpu.memory_space<vmem>>, vector<1x16xf32>,
        %swap3A_966 = vector.shape_cast %swap3A_965 : vector<1x16xf32> to vector<16xf32>
        %swap3A_967 = vector.shape_cast %add3A_866 : vector<16xf32> to vector<1x16xf32>
        tpu.vector_store %arg17[%swap3A_963, %swap3A_964], %swap3A_967 {strides = array<i32>} : memref<16x256xf32, #tpu.memory_space<vmem>>, vector<1x16xf32>,
        %swap3A_968 = arith.index_cast %scan3A_367 : i32 to index
        %swap3A_969 = arith.constant 144 : index
        %swap3A_970 = tpu.vector_load %arg17[%swap3A_968, %swap3A_969] {strides = array<i32>} : memref<16x256xf32, #tpu.memory_space<vmem>>, vector<1x16xf32>,
        %swap3A_971 = vector.shape_cast %swap3A_970 : vector<1x16xf32> to vector<16xf32>
        %swap3A_972 = vector.shape_cast %add3A_874 : vector<16xf32> to vector<1x16xf32>
        tpu.vector_store %arg17[%swap3A_968, %swap3A_969], %swap3A_972 {strides = array<i32>} : memref<16x256xf32, #tpu.memory_space<vmem>>, vector<1x16xf32>,
        %swap3A_973 = arith.index_cast %scan3A_367 : i32 to index
        %swap3A_974 = arith.constant 160 : index
        %swap3A_975 = tpu.vector_load %arg17[%swap3A_973, %swap3A_974] {strides = array<i32>} : memref<16x256xf32, #tpu.memory_space<vmem>>, vector<1x16xf32>,
        %swap3A_976 = vector.shape_cast %swap3A_975 : vector<1x16xf32> to vector<16xf32>
        %swap3A_977 = vector.shape_cast %add3A_882 : vector<16xf32> to vector<1x16xf32>
        tpu.vector_store %arg17[%swap3A_973, %swap3A_974], %swap3A_977 {strides = array<i32>} : memref<16x256xf32, #tpu.memory_space<vmem>>, vector<1x16xf32>,
        %swap3A_978 = arith.index_cast %scan3A_367 : i32 to index
        %swap3A_979 = arith.constant 176 : index
        %swap3A_980 = tpu.vector_load %arg17[%swap3A_978, %swap3A_979] {strides = array<i32>} : memref<16x256xf32, #tpu.memory_space<vmem>>, vector<1x16xf32>,
        %swap3A_981 = vector.shape_cast %swap3A_980 : vector<1x16xf32> to vector<16xf32>
        %swap3A_982 = vector.shape_cast %add3A_890 : vector<16xf32> to vector<1x16xf32>
        tpu.vector_store %arg17[%swap3A_978, %swap3A_979], %swap3A_982 {strides = array<i32>} : memref<16x256xf32, #tpu.memory_space<vmem>>, vector<1x16xf32>,
        %swap3A_983 = arith.index_cast %scan3A_367 : i32 to index
        %swap3A_984 = arith.constant 192 : index
        %swap3A_985 = tpu.vector_load %arg17[%swap3A_983, %swap3A_984] {strides = array<i32>} : memref<16x256xf32, #tpu.memory_space<vmem>>, vector<1x16xf32>,
        %swap3A_986 = vector.shape_cast %swap3A_985 : vector<1x16xf32> to vector<16xf32>
        %swap3A_987 = vector.shape_cast %add3A_898 : vector<16xf32> to vector<1x16xf32>
        tpu.vector_store %arg17[%swap3A_983, %swap3A_984], %swap3A_987 {strides = array<i32>} : memref<16x256xf32, #tpu.memory_space<vmem>>, vector<1x16xf32>,
        %swap3A_988 = arith.index_cast %scan3A_367 : i32 to index
        %swap3A_989 = arith.constant 208 : index
        %swap3A_990 = tpu.vector_load %arg17[%swap3A_988, %swap3A_989] {strides = array<i32>} : memref<16x256xf32, #tpu.memory_space<vmem>>, vector<1x16xf32>,
        %swap3A_991 = vector.shape_cast %swap3A_990 : vector<1x16xf32> to vector<16xf32>
        %swap3A_992 = vector.shape_cast %add3A_906 : vector<16xf32> to vector<1x16xf32>
        tpu.vector_store %arg17[%swap3A_988, %swap3A_989], %swap3A_992 {strides = array<i32>} : memref<16x256xf32, #tpu.memory_space<vmem>>, vector<1x16xf32>,
        %swap3A_993 = arith.index_cast %scan3A_367 : i32 to index
        %swap3A_994 = arith.constant 224 : index
        %swap3A_995 = tpu.vector_load %arg17[%swap3A_993, %swap3A_994] {strides = array<i32>} : memref<16x256xf32, #tpu.memory_space<vmem>>, vector<1x16xf32>,
        %swap3A_996 = vector.shape_cast %swap3A_995 : vector<1x16xf32> to vector<16xf32>
        %swap3A_997 = vector.shape_cast %add3A_914 : vector<16xf32> to vector<1x16xf32>
        tpu.vector_store %arg17[%swap3A_993, %swap3A_994], %swap3A_997 {strides = array<i32>} : memref<16x256xf32, #tpu.memory_space<vmem>>, vector<1x16xf32>,
        %swap3A_998 = arith.index_cast %scan3A_367 : i32 to index
        %swap3A_999 = arith.constant 240 : index
        %swap3A_1000 = tpu.vector_load %arg17[%swap3A_998, %swap3A_999] {strides = array<i32>} : memref<16x256xf32, #tpu.memory_space<vmem>>, vector<1x16xf32>,
        %swap3A_1001 = vector.shape_cast %swap3A_1000 : vector<1x16xf32> to vector<16xf32>
        %swap3A_1002 = vector.shape_cast %add3A_922 : vector<16xf32> to vector<1x16xf32>
        tpu.vector_store %arg17[%swap3A_998, %swap3A_999], %swap3A_1002 {strides = array<i32>} : memref<16x256xf32, #tpu.memory_space<vmem>>, vector<1x16xf32>,
      }
      %scan3A_262 = arith.constant 16 : i32
      %mul3A_263 = arith.constant 32 : i32
      %mul3A_264 = arith.muli %add3A_229, %mul3A_263 : i32
      %add3A_265 = arith.addi %mul3A_264, %add3A : i32
      %mul3A_266 = arith.constant 16 : i32
      %mul3A_267 = arith.muli %add3A_265, %mul3A_266 : i32
      %lt3A_268 = arith.constant 98000 : i32
      %lt3A_269 = arith.cmpi slt, %mul3A_267, %lt3A_268 : i32
      %convert_element_type3A_270 = arith.extui %lt3A_269 : i1 to i32
      %cond3A_271 = arith.constant 0 : i32
      %cond3A_272 = arith.cmpi ne, %convert_element_type3A_270, %cond3A_271 : i32
      scf.if %cond3A_272 {
        %dma_start3A_367 = arith.constant 0 : i32
        %dma_start3A_368 = tpu.memref_slice %arg5[%mul3A_267, %dma_start3A_367] : memref<98000x256xf32, #tpu.memory_space<hbm>> -> memref<16x256xf32, #tpu.memory_space<hbm>>
        %dma_start3A_369 = arith.constant 0 : i32
        %dma_start3A_370 = tpu.memref_slice %arg5[%mul3A_267, %dma_start3A_369] : memref<98000x256xf32, #tpu.memory_space<hbm>> -> memref<16x256xf32, #tpu.memory_space<hbm>>
        tpu.enqueue_dma source(%arg17 : memref<16x256xf32, #tpu.memory_space<vmem>>) target(%dma_start3A_370 : memref<16x256xf32, #tpu.memory_space<hbm>>) target_semaphore(%arg25 : memref<!tpu.dma_semaphore, #tpu.memory_space<semaphore_mem>>)
      } else {
      }
      %mul3A_273 = arith.constant 4 : i32
      %mul3A_274 = arith.muli %mul3A_273, %scan3A_181 : i32
      %add3A_275 = arith.constant 2 : i32
      %add3A_276 = arith.addi %mul3A_274, %add3A_275 : i32
      %add3A_277 = arith.constant 4 : i32
      %add3A_278 = arith.addi %add3A_276, %add3A_277 : i32
      %sub3A_279 = arith.constant 1 : i32
      %sub3A_280 = arith.subi %add3A_278, %sub3A_279 : i32
      %lt3A_281 = arith.constant 192 : i32
      %lt3A_282 = arith.cmpi slt, %sub3A_280, %lt3A_281 : i32
      %convert_element_type3A_283 = arith.extui %lt3A_282 : i1 to i32
      %cond3A_284 = arith.constant 0 : i32
      %cond3A_285 = arith.cmpi ne, %convert_element_type3A_283, %cond3A_284 : i32
      scf.if %cond3A_285 {
        %add3A_367 = arith.constant 4 : i32
        %add3A_368 = arith.addi %add3A_276, %add3A_367 : i32
        %sub3A_369 = arith.constant 1 : i32
        %sub3A_370 = arith.subi %add3A_368, %sub3A_369 : i32
        %mul3A_371 = arith.constant 16 : i32
        %mul3A_372 = arith.muli %sub3A_370, %mul3A_371 : i32
        %add3A_373 = arith.constant 0 : i32
        %add3A_374 = arith.addi %mul3A_372, %add3A_373 : i32
        %get3A_375 = arith.constant 0 : i32
        %get3A_376 = arith.index_cast %get3A_375 : i32 to index
        %get3A_377 = arith.index_cast %add3A_374 : i32 to index
        %get3A_378 = tpu.vector_load %arg6[%get3A_376, %get3A_377] {strides = array<i32>} : memref<4x3088xi32, #tpu.memory_space<vmem>>, vector<1x16xi32>,
        %get3A_379 = vector.shape_cast %get3A_378 : vector<1x16xi32> to vector<16xi32>
        %swap3A_380 = arith.constant 0 : index
        %swap3A_381 = tpu.vector_load %arg9[%swap3A_380] {strides = array<i32>} : memref<64xi32, #tpu.memory_space<vmem>>, vector<16xi32>,
        %swap3A_382 = vector.shape_cast %swap3A_381 : vector<16xi32> to vector<16xi32>
        %swap3A_383 = vector.shape_cast %get3A_379 : vector<16xi32> to vector<16xi32>
        tpu.vector_store %arg9[%swap3A_380], %swap3A_383 {strides = array<i32>} : memref<64xi32, #tpu.memory_space<vmem>>, vector<16xi32>,
        %mul3A_384 = arith.constant 16 : i32
        %mul3A_385 = arith.muli %sub3A_370, %mul3A_384 : i32
        %add3A_386 = arith.constant 0 : i32
        %add3A_387 = arith.addi %mul3A_385, %add3A_386 : i32
        %get3A_388 = arith.constant 1 : i32
        %get3A_389 = arith.index_cast %get3A_388 : i32 to index
        %get3A_390 = arith.index_cast %add3A_387 : i32 to index
        %get3A_391 = tpu.vector_load %arg6[%get3A_389, %get3A_390] {strides = array<i32>} : memref<4x3088xi32, #tpu.memory_space<vmem>>, vector<1x16xi32>,
        %get3A_392 = vector.shape_cast %get3A_391 : vector<1x16xi32> to vector<16xi32>
        %swap3A_393 = arith.constant 16 : index
        %swap3A_394 = tpu.vector_load %arg9[%swap3A_393] {strides = array<i32>} : memref<64xi32, #tpu.memory_space<vmem>>, vector<16xi32>,
        %swap3A_395 = vector.shape_cast %swap3A_394 : vector<16xi32> to vector<16xi32>
        %swap3A_396 = vector.shape_cast %get3A_392 : vector<16xi32> to vector<16xi32>
        tpu.vector_store %arg9[%swap3A_393], %swap3A_396 {strides = array<i32>} : memref<64xi32, #tpu.memory_space<vmem>>, vector<16xi32>,
        %mul3A_397 = arith.constant 16 : i32
        %mul3A_398 = arith.muli %sub3A_370, %mul3A_397 : i32
        %add3A_399 = arith.constant 0 : i32
        %add3A_400 = arith.addi %mul3A_398, %add3A_399 : i32
        %get3A_401 = arith.constant 2 : i32
        %get3A_402 = arith.index_cast %get3A_401 : i32 to index
        %get3A_403 = arith.index_cast %add3A_400 : i32 to index
        %get3A_404 = tpu.vector_load %arg6[%get3A_402, %get3A_403] {strides = array<i32>} : memref<4x3088xi32, #tpu.memory_space<vmem>>, vector<1x16xi32>,
        %get3A_405 = vector.shape_cast %get3A_404 : vector<1x16xi32> to vector<16xi32>
        %swap3A_406 = arith.constant 32 : index
        %swap3A_407 = tpu.vector_load %arg9[%swap3A_406] {strides = array<i32>} : memref<64xi32, #tpu.memory_space<vmem>>, vector<16xi32>,
        %swap3A_408 = vector.shape_cast %swap3A_407 : vector<16xi32> to vector<16xi32>
        %swap3A_409 = vector.shape_cast %get3A_405 : vector<16xi32> to vector<16xi32>
        tpu.vector_store %arg9[%swap3A_406], %swap3A_409 {strides = array<i32>} : memref<64xi32, #tpu.memory_space<vmem>>, vector<16xi32>,
        %mul3A_410 = arith.constant 16 : i32
        %mul3A_411 = arith.muli %sub3A_370, %mul3A_410 : i32
        %add3A_412 = arith.constant 0 : i32
        %add3A_413 = arith.addi %mul3A_411, %add3A_412 : i32
        %get3A_414 = arith.constant 3 : i32
        %get3A_415 = arith.index_cast %get3A_414 : i32 to index
        %get3A_416 = arith.index_cast %add3A_413 : i32 to index
        %get3A_417 = tpu.vector_load %arg6[%get3A_415, %get3A_416] {strides = array<i32>} : memref<4x3088xi32, #tpu.memory_space<vmem>>, vector<1x16xi32>,
        %get3A_418 = vector.shape_cast %get3A_417 : vector<1x16xi32> to vector<16xi32>
        %swap3A_419 = arith.constant 48 : index
        %swap3A_420 = tpu.vector_load %arg9[%swap3A_419] {strides = array<i32>} : memref<64xi32, #tpu.memory_space<vmem>>, vector<16xi32>,
        %swap3A_421 = vector.shape_cast %swap3A_420 : vector<16xi32> to vector<16xi32>
        %swap3A_422 = vector.shape_cast %get3A_418 : vector<16xi32> to vector<16xi32>
        tpu.vector_store %arg9[%swap3A_419], %swap3A_422 {strides = array<i32>} : memref<64xi32, #tpu.memory_space<vmem>>, vector<16xi32>,
        %dma_start3A_423 = arith.constant 0 : i32
        %dma_start3A_424 = arith.constant 0 : i32
        %dma_start3A_425 = tpu.memref_slice %arg4[%dma_start3A_423, %dma_start3A_424] : memref<10912x256xf32, #tpu.memory_space<hbm>> -> memref<10912x256xf32, #tpu.memory_space<hbm>>
        tpu.enqueue_indirect_dma source(%dma_start3A_425 : memref<10912x256xf32, #tpu.memory_space<hbm>>) target(%arg13 : memref<64x256xf32, #tpu.memory_space<vmem>>) offsets(%arg9 : memref<64xi32, #tpu.memory_space<vmem>>) semaphore(%arg21 : memref<!tpu.dma_semaphore, #tpu.memory_space<semaphore_mem>>)
      } else {
      }
      %dma_wait3A_286 = arith.constant 0 : i32
      %dma_wait3A_287 = arith.constant 0 : i32
      %dma_wait3A_288 = tpu.memref_slice %arg4[%dma_wait3A_286, %dma_wait3A_287] : memref<10912x256xf32, #tpu.memory_space<hbm>> -> memref<10912x256xf32, #tpu.memory_space<hbm>>
      tpu.wait_indirect_dma semaphore(%arg22 : memref<!tpu.dma_semaphore, #tpu.memory_space<semaphore_mem>>) src(%dma_wait3A_288 : memref<10912x256xf32, #tpu.memory_space<hbm>>) dst(%arg14 : memref<64x256xf32, #tpu.memory_space<vmem>>)
      %sub3A_289 = arith.constant 4 : i32
      %sub3A_290 = arith.subi %add3A_276, %sub3A_289 : i32
      %mul3A_291 = arith.constant 32 : i32
      %mul3A_292 = arith.muli %sub3A_290, %mul3A_291 : i32
      %add3A_293 = arith.addi %mul3A_292, %add3A : i32
      %mul3A_294 = arith.constant 16 : i32
      %mul3A_295 = arith.muli %add3A_293, %mul3A_294 : i32
      %ge3A_296 = arith.constant 0 : i32
      %ge3A_297 = arith.cmpi sge, %sub3A_290, %ge3A_296 : i32
      %lt3A_298 = arith.constant 98000 : i32
      %lt3A_299 = arith.cmpi slt, %mul3A_295, %lt3A_298 : i32
      %and3A_300 = arith.andi %ge3A_297, %lt3A_299 : i1
      %convert_element_type3A_301 = arith.extui %and3A_300 : i1 to i32
      %cond3A_302 = arith.constant 0 : i32
      %cond3A_303 = arith.cmpi ne, %convert_element_type3A_301, %cond3A_302 : i32
      scf.if %cond3A_303 {
        %dma_wait3A_367 = arith.constant 0 : i32
        %dma_wait3A_368 = tpu.memref_slice %arg5[%mul3A_295, %dma_wait3A_367] : memref<98000x256xf32, #tpu.memory_space<hbm>> -> memref<16x256xf32, #tpu.memory_space<hbm>>
        %dma_wait3A_369 = arith.constant 0 : i32
        %dma_wait3A_370 = tpu.memref_slice %arg5[%mul3A_295, %dma_wait3A_369] : memref<98000x256xf32, #tpu.memory_space<hbm>> -> memref<16x256xf32, #tpu.memory_space<hbm>>
        tpu.wait_dma2 semaphore(%arg26 : memref<!tpu.dma_semaphore, #tpu.memory_space<semaphore_mem>>) src(%arg18 : memref<16x256xf32, #tpu.memory_space<vmem>>) dst(%dma_wait3A_370 : memref<16x256xf32, #tpu.memory_space<hbm>>)
      } else {
      }
      %scan3A_304 = arith.constant 0 : i32
      %scan3A_305 = arith.constant 0 : i32
      %scan3A_306 = arith.constant 16 : i32
      %scan3A_307 = arith.addi %scan3A_305, %scan3A_306 : i32
      %scan3A_308 = arith.constant 1 : i32
      scf.for %scan3A_367 = %scan3A_305 to %scan3A_307 step %scan3A_308  : i32 {
        %broadcast_in_dim3A = arith.constant 0.000000e+00 : f32
        %broadcast_in_dim3A_368 = vector.broadcast %broadcast_in_dim3A : f32 to vector<16xf32>
        %mul3A_369 = arith.constant 16 : i32
        %mul3A_370 = arith.muli %add3A_276, %mul3A_369 : i32
        %add3A_371 = arith.constant 0 : i32
        %add3A_372 = arith.addi %add3A_371, %mul3A_370 : i32
        %add3A_373 = arith.addi %add3A_372, %scan3A_367 : i32
        %get3A_374 = arith.index_cast %add3A_373 : i32 to index
        %get3A_375 = tpu.vector_load %arg7[%get3A_374] {strides = array<i32>} : memref<12304xf32, #tpu.memory_space<vmem>>, vector<16xf32>,
        %get3A_376 = vector.shape_cast %get3A_375 : vector<16xf32> to vector<16xf32>
        %slice3A = vector.extract_strided_slice %get3A_376 {offsets = [0], sizes = [1], strides = [1]} : vector<16xf32> to vector<1xf32>
        %squeeze3A = vector.extract %slice3A[0] : f32 from vector<1xf32>
        %broadcast_in_dim3A_377 = vector.broadcast %squeeze3A : f32 to vector<16xf32>
        %add3A_378 = arith.constant 0 : i32
        %add3A_379 = arith.addi %add3A_378, %scan3A_367 : i32
        %get3A_380 = arith.index_cast %add3A_379 : i32 to index
        %get3A_381 = arith.constant 0 : index
        %get3A_382 = tpu.vector_load %arg14[%get3A_380, %get3A_381] {strides = array<i32>} : memref<64x256xf32, #tpu.memory_space<vmem>>, vector<1x16xf32>,
        %get3A_383 = vector.shape_cast %get3A_382 : vector<1x16xf32> to vector<16xf32>
        %mul3A_384 = arith.mulf %get3A_383, %broadcast_in_dim3A_377 : vector<16xf32>
        %add3A_385 = arith.addf %broadcast_in_dim3A_368, %mul3A_384 : vector<16xf32>
        %add3A_386 = arith.constant 0 : i32
        %add3A_387 = arith.addi %add3A_386, %scan3A_367 : i32
        %get3A_388 = arith.index_cast %add3A_387 : i32 to index
        %get3A_389 = arith.constant 16 : index
        %get3A_390 = tpu.vector_load %arg14[%get3A_388, %get3A_389] {strides = array<i32>} : memref<64x256xf32, #tpu.memory_space<vmem>>, vector<1x16xf32>,
        %get3A_391 = vector.shape_cast %get3A_390 : vector<1x16xf32> to vector<16xf32>
        %mul3A_392 = arith.mulf %get3A_391, %broadcast_in_dim3A_377 : vector<16xf32>
        %add3A_393 = arith.addf %broadcast_in_dim3A_368, %mul3A_392 : vector<16xf32>
        %add3A_394 = arith.constant 0 : i32
        %add3A_395 = arith.addi %add3A_394, %scan3A_367 : i32
        %get3A_396 = arith.index_cast %add3A_395 : i32 to index
        %get3A_397 = arith.constant 32 : index
        %get3A_398 = tpu.vector_load %arg14[%get3A_396, %get3A_397] {strides = array<i32>} : memref<64x256xf32, #tpu.memory_space<vmem>>, vector<1x16xf32>,
        %get3A_399 = vector.shape_cast %get3A_398 : vector<1x16xf32> to vector<16xf32>
        %mul3A_400 = arith.mulf %get3A_399, %broadcast_in_dim3A_377 : vector<16xf32>
        %add3A_401 = arith.addf %broadcast_in_dim3A_368, %mul3A_400 : vector<16xf32>
        %add3A_402 = arith.constant 0 : i32
        %add3A_403 = arith.addi %add3A_402, %scan3A_367 : i32
        %get3A_404 = arith.index_cast %add3A_403 : i32 to index
        %get3A_405 = arith.constant 48 : index
        %get3A_406 = tpu.vector_load %arg14[%get3A_404, %get3A_405] {strides = array<i32>} : memref<64x256xf32, #tpu.memory_space<vmem>>, vector<1x16xf32>,
        %get3A_407 = vector.shape_cast %get3A_406 : vector<1x16xf32> to vector<16xf32>
        %mul3A_408 = arith.mulf %get3A_407, %broadcast_in_dim3A_377 : vector<16xf32>
        %add3A_409 = arith.addf %broadcast_in_dim3A_368, %mul3A_408 : vector<16xf32>
        %add3A_410 = arith.constant 0 : i32
        %add3A_411 = arith.addi %add3A_410, %scan3A_367 : i32
        %get3A_412 = arith.index_cast %add3A_411 : i32 to index
        %get3A_413 = arith.constant 64 : index
        %get3A_414 = tpu.vector_load %arg14[%get3A_412, %get3A_413] {strides = array<i32>} : memref<64x256xf32, #tpu.memory_space<vmem>>, vector<1x16xf32>,
        %get3A_415 = vector.shape_cast %get3A_414 : vector<1x16xf32> to vector<16xf32>
        %mul3A_416 = arith.mulf %get3A_415, %broadcast_in_dim3A_377 : vector<16xf32>
        %add3A_417 = arith.addf %broadcast_in_dim3A_368, %mul3A_416 : vector<16xf32>
        %add3A_418 = arith.constant 0 : i32
        %add3A_419 = arith.addi %add3A_418, %scan3A_367 : i32
        %get3A_420 = arith.index_cast %add3A_419 : i32 to index
        %get3A_421 = arith.constant 80 : index
        %get3A_422 = tpu.vector_load %arg14[%get3A_420, %get3A_421] {strides = array<i32>} : memref<64x256xf32, #tpu.memory_space<vmem>>, vector<1x16xf32>,
        %get3A_423 = vector.shape_cast %get3A_422 : vector<1x16xf32> to vector<16xf32>
        %mul3A_424 = arith.mulf %get3A_423, %broadcast_in_dim3A_377 : vector<16xf32>
        %add3A_425 = arith.addf %broadcast_in_dim3A_368, %mul3A_424 : vector<16xf32>
        %add3A_426 = arith.constant 0 : i32
        %add3A_427 = arith.addi %add3A_426, %scan3A_367 : i32
        %get3A_428 = arith.index_cast %add3A_427 : i32 to index
        %get3A_429 = arith.constant 96 : index
        %get3A_430 = tpu.vector_load %arg14[%get3A_428, %get3A_429] {strides = array<i32>} : memref<64x256xf32, #tpu.memory_space<vmem>>, vector<1x16xf32>,
        %get3A_431 = vector.shape_cast %get3A_430 : vector<1x16xf32> to vector<16xf32>
        %mul3A_432 = arith.mulf %get3A_431, %broadcast_in_dim3A_377 : vector<16xf32>
        %add3A_433 = arith.addf %broadcast_in_dim3A_368, %mul3A_432 : vector<16xf32>
        %add3A_434 = arith.constant 0 : i32
        %add3A_435 = arith.addi %add3A_434, %scan3A_367 : i32
        %get3A_436 = arith.index_cast %add3A_435 : i32 to index
        %get3A_437 = arith.constant 112 : index
        %get3A_438 = tpu.vector_load %arg14[%get3A_436, %get3A_437] {strides = array<i32>} : memref<64x256xf32, #tpu.memory_space<vmem>>, vector<1x16xf32>,
        %get3A_439 = vector.shape_cast %get3A_438 : vector<1x16xf32> to vector<16xf32>
        %mul3A_440 = arith.mulf %get3A_439, %broadcast_in_dim3A_377 : vector<16xf32>
        %add3A_441 = arith.addf %broadcast_in_dim3A_368, %mul3A_440 : vector<16xf32>
        %add3A_442 = arith.constant 0 : i32
        %add3A_443 = arith.addi %add3A_442, %scan3A_367 : i32
        %get3A_444 = arith.index_cast %add3A_443 : i32 to index
        %get3A_445 = arith.constant 128 : index
        %get3A_446 = tpu.vector_load %arg14[%get3A_444, %get3A_445] {strides = array<i32>} : memref<64x256xf32, #tpu.memory_space<vmem>>, vector<1x16xf32>,
        %get3A_447 = vector.shape_cast %get3A_446 : vector<1x16xf32> to vector<16xf32>
        %mul3A_448 = arith.mulf %get3A_447, %broadcast_in_dim3A_377 : vector<16xf32>
        %add3A_449 = arith.addf %broadcast_in_dim3A_368, %mul3A_448 : vector<16xf32>
        %add3A_450 = arith.constant 0 : i32
        %add3A_451 = arith.addi %add3A_450, %scan3A_367 : i32
        %get3A_452 = arith.index_cast %add3A_451 : i32 to index
        %get3A_453 = arith.constant 144 : index
        %get3A_454 = tpu.vector_load %arg14[%get3A_452, %get3A_453] {strides = array<i32>} : memref<64x256xf32, #tpu.memory_space<vmem>>, vector<1x16xf32>,
        %get3A_455 = vector.shape_cast %get3A_454 : vector<1x16xf32> to vector<16xf32>
        %mul3A_456 = arith.mulf %get3A_455, %broadcast_in_dim3A_377 : vector<16xf32>
        %add3A_457 = arith.addf %broadcast_in_dim3A_368, %mul3A_456 : vector<16xf32>
        %add3A_458 = arith.constant 0 : i32
        %add3A_459 = arith.addi %add3A_458, %scan3A_367 : i32
        %get3A_460 = arith.index_cast %add3A_459 : i32 to index
        %get3A_461 = arith.constant 160 : index
        %get3A_462 = tpu.vector_load %arg14[%get3A_460, %get3A_461] {strides = array<i32>} : memref<64x256xf32, #tpu.memory_space<vmem>>, vector<1x16xf32>,
        %get3A_463 = vector.shape_cast %get3A_462 : vector<1x16xf32> to vector<16xf32>
        %mul3A_464 = arith.mulf %get3A_463, %broadcast_in_dim3A_377 : vector<16xf32>
        %add3A_465 = arith.addf %broadcast_in_dim3A_368, %mul3A_464 : vector<16xf32>
        %add3A_466 = arith.constant 0 : i32
        %add3A_467 = arith.addi %add3A_466, %scan3A_367 : i32
        %get3A_468 = arith.index_cast %add3A_467 : i32 to index
        %get3A_469 = arith.constant 176 : index
        %get3A_470 = tpu.vector_load %arg14[%get3A_468, %get3A_469] {strides = array<i32>} : memref<64x256xf32, #tpu.memory_space<vmem>>, vector<1x16xf32>,
        %get3A_471 = vector.shape_cast %get3A_470 : vector<1x16xf32> to vector<16xf32>
        %mul3A_472 = arith.mulf %get3A_471, %broadcast_in_dim3A_377 : vector<16xf32>
        %add3A_473 = arith.addf %broadcast_in_dim3A_368, %mul3A_472 : vector<16xf32>
        %add3A_474 = arith.constant 0 : i32
        %add3A_475 = arith.addi %add3A_474, %scan3A_367 : i32
        %get3A_476 = arith.index_cast %add3A_475 : i32 to index
        %get3A_477 = arith.constant 192 : index
        %get3A_478 = tpu.vector_load %arg14[%get3A_476, %get3A_477] {strides = array<i32>} : memref<64x256xf32, #tpu.memory_space<vmem>>, vector<1x16xf32>,
        %get3A_479 = vector.shape_cast %get3A_478 : vector<1x16xf32> to vector<16xf32>
        %mul3A_480 = arith.mulf %get3A_479, %broadcast_in_dim3A_377 : vector<16xf32>
        %add3A_481 = arith.addf %broadcast_in_dim3A_368, %mul3A_480 : vector<16xf32>
        %add3A_482 = arith.constant 0 : i32
        %add3A_483 = arith.addi %add3A_482, %scan3A_367 : i32
        %get3A_484 = arith.index_cast %add3A_483 : i32 to index
        %get3A_485 = arith.constant 208 : index
        %get3A_486 = tpu.vector_load %arg14[%get3A_484, %get3A_485] {strides = array<i32>} : memref<64x256xf32, #tpu.memory_space<vmem>>, vector<1x16xf32>,
        %get3A_487 = vector.shape_cast %get3A_486 : vector<1x16xf32> to vector<16xf32>
        %mul3A_488 = arith.mulf %get3A_487, %broadcast_in_dim3A_377 : vector<16xf32>
        %add3A_489 = arith.addf %broadcast_in_dim3A_368, %mul3A_488 : vector<16xf32>
        %add3A_490 = arith.constant 0 : i32
        %add3A_491 = arith.addi %add3A_490, %scan3A_367 : i32
        %get3A_492 = arith.index_cast %add3A_491 : i32 to index
        %get3A_493 = arith.constant 224 : index
        %get3A_494 = tpu.vector_load %arg14[%get3A_492, %get3A_493] {strides = array<i32>} : memref<64x256xf32, #tpu.memory_space<vmem>>, vector<1x16xf32>,
        %get3A_495 = vector.shape_cast %get3A_494 : vector<1x16xf32> to vector<16xf32>
        %mul3A_496 = arith.mulf %get3A_495, %broadcast_in_dim3A_377 : vector<16xf32>
        %add3A_497 = arith.addf %broadcast_in_dim3A_368, %mul3A_496 : vector<16xf32>
        %add3A_498 = arith.constant 0 : i32
        %add3A_499 = arith.addi %add3A_498, %scan3A_367 : i32
        %get3A_500 = arith.index_cast %add3A_499 : i32 to index
        %get3A_501 = arith.constant 240 : index
        %get3A_502 = tpu.vector_load %arg14[%get3A_500, %get3A_501] {strides = array<i32>} : memref<64x256xf32, #tpu.memory_space<vmem>>, vector<1x16xf32>,
        %get3A_503 = vector.shape_cast %get3A_502 : vector<1x16xf32> to vector<16xf32>
        %mul3A_504 = arith.mulf %get3A_503, %broadcast_in_dim3A_377 : vector<16xf32>
        %add3A_505 = arith.addf %broadcast_in_dim3A_368, %mul3A_504 : vector<16xf32>
        %mul3A_506 = arith.constant 16 : i32
        %mul3A_507 = arith.muli %add3A_276, %mul3A_506 : i32
        %add3A_508 = arith.constant 3072 : i32
        %add3A_509 = arith.addi %add3A_508, %mul3A_507 : i32
        %add3A_510 = arith.addi %add3A_509, %scan3A_367 : i32
        %get3A_511 = arith.index_cast %add3A_510 : i32 to index
        %get3A_512 = tpu.vector_load %arg7[%get3A_511] {strides = array<i32>} : memref<12304xf32, #tpu.memory_space<vmem>>, vector<16xf32>,
        %get3A_513 = vector.shape_cast %get3A_512 : vector<16xf32> to vector<16xf32>
        %slice3A_514 = vector.extract_strided_slice %get3A_513 {offsets = [0], sizes = [1], strides = [1]} : vector<16xf32> to vector<1xf32>
        %squeeze3A_515 = vector.extract %slice3A_514[0] : f32 from vector<1xf32>
        %broadcast_in_dim3A_516 = vector.broadcast %squeeze3A_515 : f32 to vector<16xf32>
        %add3A_517 = arith.constant 16 : i32
        %add3A_518 = arith.addi %add3A_517, %scan3A_367 : i32
        %get3A_519 = arith.index_cast %add3A_518 : i32 to index
        %get3A_520 = arith.constant 0 : index
        %get3A_521 = tpu.vector_load %arg14[%get3A_519, %get3A_520] {strides = array<i32>} : memref<64x256xf32, #tpu.memory_space<vmem>>, vector<1x16xf32>,
        %get3A_522 = vector.shape_cast %get3A_521 : vector<1x16xf32> to vector<16xf32>
        %mul3A_523 = arith.mulf %get3A_522, %broadcast_in_dim3A_516 : vector<16xf32>
        %add3A_524 = arith.addf %add3A_385, %mul3A_523 : vector<16xf32>
        %add3A_525 = arith.constant 16 : i32
        %add3A_526 = arith.addi %add3A_525, %scan3A_367 : i32
        %get3A_527 = arith.index_cast %add3A_526 : i32 to index
        %get3A_528 = arith.constant 16 : index
        %get3A_529 = tpu.vector_load %arg14[%get3A_527, %get3A_528] {strides = array<i32>} : memref<64x256xf32, #tpu.memory_space<vmem>>, vector<1x16xf32>,
        %get3A_530 = vector.shape_cast %get3A_529 : vector<1x16xf32> to vector<16xf32>
        %mul3A_531 = arith.mulf %get3A_530, %broadcast_in_dim3A_516 : vector<16xf32>
        %add3A_532 = arith.addf %add3A_393, %mul3A_531 : vector<16xf32>
        %add3A_533 = arith.constant 16 : i32
        %add3A_534 = arith.addi %add3A_533, %scan3A_367 : i32
        %get3A_535 = arith.index_cast %add3A_534 : i32 to index
        %get3A_536 = arith.constant 32 : index
        %get3A_537 = tpu.vector_load %arg14[%get3A_535, %get3A_536] {strides = array<i32>} : memref<64x256xf32, #tpu.memory_space<vmem>>, vector<1x16xf32>,
        %get3A_538 = vector.shape_cast %get3A_537 : vector<1x16xf32> to vector<16xf32>
        %mul3A_539 = arith.mulf %get3A_538, %broadcast_in_dim3A_516 : vector<16xf32>
        %add3A_540 = arith.addf %add3A_401, %mul3A_539 : vector<16xf32>
        %add3A_541 = arith.constant 16 : i32
        %add3A_542 = arith.addi %add3A_541, %scan3A_367 : i32
        %get3A_543 = arith.index_cast %add3A_542 : i32 to index
        %get3A_544 = arith.constant 48 : index
        %get3A_545 = tpu.vector_load %arg14[%get3A_543, %get3A_544] {strides = array<i32>} : memref<64x256xf32, #tpu.memory_space<vmem>>, vector<1x16xf32>,
        %get3A_546 = vector.shape_cast %get3A_545 : vector<1x16xf32> to vector<16xf32>
        %mul3A_547 = arith.mulf %get3A_546, %broadcast_in_dim3A_516 : vector<16xf32>
        %add3A_548 = arith.addf %add3A_409, %mul3A_547 : vector<16xf32>
        %add3A_549 = arith.constant 16 : i32
        %add3A_550 = arith.addi %add3A_549, %scan3A_367 : i32
        %get3A_551 = arith.index_cast %add3A_550 : i32 to index
        %get3A_552 = arith.constant 64 : index
        %get3A_553 = tpu.vector_load %arg14[%get3A_551, %get3A_552] {strides = array<i32>} : memref<64x256xf32, #tpu.memory_space<vmem>>, vector<1x16xf32>,
        %get3A_554 = vector.shape_cast %get3A_553 : vector<1x16xf32> to vector<16xf32>
        %mul3A_555 = arith.mulf %get3A_554, %broadcast_in_dim3A_516 : vector<16xf32>
        %add3A_556 = arith.addf %add3A_417, %mul3A_555 : vector<16xf32>
        %add3A_557 = arith.constant 16 : i32
        %add3A_558 = arith.addi %add3A_557, %scan3A_367 : i32
        %get3A_559 = arith.index_cast %add3A_558 : i32 to index
        %get3A_560 = arith.constant 80 : index
        %get3A_561 = tpu.vector_load %arg14[%get3A_559, %get3A_560] {strides = array<i32>} : memref<64x256xf32, #tpu.memory_space<vmem>>, vector<1x16xf32>,
        %get3A_562 = vector.shape_cast %get3A_561 : vector<1x16xf32> to vector<16xf32>
        %mul3A_563 = arith.mulf %get3A_562, %broadcast_in_dim3A_516 : vector<16xf32>
        %add3A_564 = arith.addf %add3A_425, %mul3A_563 : vector<16xf32>
        %add3A_565 = arith.constant 16 : i32
        %add3A_566 = arith.addi %add3A_565, %scan3A_367 : i32
        %get3A_567 = arith.index_cast %add3A_566 : i32 to index
        %get3A_568 = arith.constant 96 : index
        %get3A_569 = tpu.vector_load %arg14[%get3A_567, %get3A_568] {strides = array<i32>} : memref<64x256xf32, #tpu.memory_space<vmem>>, vector<1x16xf32>,
        %get3A_570 = vector.shape_cast %get3A_569 : vector<1x16xf32> to vector<16xf32>
        %mul3A_571 = arith.mulf %get3A_570, %broadcast_in_dim3A_516 : vector<16xf32>
        %add3A_572 = arith.addf %add3A_433, %mul3A_571 : vector<16xf32>
        %add3A_573 = arith.constant 16 : i32
        %add3A_574 = arith.addi %add3A_573, %scan3A_367 : i32
        %get3A_575 = arith.index_cast %add3A_574 : i32 to index
        %get3A_576 = arith.constant 112 : index
        %get3A_577 = tpu.vector_load %arg14[%get3A_575, %get3A_576] {strides = array<i32>} : memref<64x256xf32, #tpu.memory_space<vmem>>, vector<1x16xf32>,
        %get3A_578 = vector.shape_cast %get3A_577 : vector<1x16xf32> to vector<16xf32>
        %mul3A_579 = arith.mulf %get3A_578, %broadcast_in_dim3A_516 : vector<16xf32>
        %add3A_580 = arith.addf %add3A_441, %mul3A_579 : vector<16xf32>
        %add3A_581 = arith.constant 16 : i32
        %add3A_582 = arith.addi %add3A_581, %scan3A_367 : i32
        %get3A_583 = arith.index_cast %add3A_582 : i32 to index
        %get3A_584 = arith.constant 128 : index
        %get3A_585 = tpu.vector_load %arg14[%get3A_583, %get3A_584] {strides = array<i32>} : memref<64x256xf32, #tpu.memory_space<vmem>>, vector<1x16xf32>,
        %get3A_586 = vector.shape_cast %get3A_585 : vector<1x16xf32> to vector<16xf32>
        %mul3A_587 = arith.mulf %get3A_586, %broadcast_in_dim3A_516 : vector<16xf32>
        %add3A_588 = arith.addf %add3A_449, %mul3A_587 : vector<16xf32>
        %add3A_589 = arith.constant 16 : i32
        %add3A_590 = arith.addi %add3A_589, %scan3A_367 : i32
        %get3A_591 = arith.index_cast %add3A_590 : i32 to index
        %get3A_592 = arith.constant 144 : index
        %get3A_593 = tpu.vector_load %arg14[%get3A_591, %get3A_592] {strides = array<i32>} : memref<64x256xf32, #tpu.memory_space<vmem>>, vector<1x16xf32>,
        %get3A_594 = vector.shape_cast %get3A_593 : vector<1x16xf32> to vector<16xf32>
        %mul3A_595 = arith.mulf %get3A_594, %broadcast_in_dim3A_516 : vector<16xf32>
        %add3A_596 = arith.addf %add3A_457, %mul3A_595 : vector<16xf32>
        %add3A_597 = arith.constant 16 : i32
        %add3A_598 = arith.addi %add3A_597, %scan3A_367 : i32
        %get3A_599 = arith.index_cast %add3A_598 : i32 to index
        %get3A_600 = arith.constant 160 : index
        %get3A_601 = tpu.vector_load %arg14[%get3A_599, %get3A_600] {strides = array<i32>} : memref<64x256xf32, #tpu.memory_space<vmem>>, vector<1x16xf32>,
        %get3A_602 = vector.shape_cast %get3A_601 : vector<1x16xf32> to vector<16xf32>
        %mul3A_603 = arith.mulf %get3A_602, %broadcast_in_dim3A_516 : vector<16xf32>
        %add3A_604 = arith.addf %add3A_465, %mul3A_603 : vector<16xf32>
        %add3A_605 = arith.constant 16 : i32
        %add3A_606 = arith.addi %add3A_605, %scan3A_367 : i32
        %get3A_607 = arith.index_cast %add3A_606 : i32 to index
        %get3A_608 = arith.constant 176 : index
        %get3A_609 = tpu.vector_load %arg14[%get3A_607, %get3A_608] {strides = array<i32>} : memref<64x256xf32, #tpu.memory_space<vmem>>, vector<1x16xf32>,
        %get3A_610 = vector.shape_cast %get3A_609 : vector<1x16xf32> to vector<16xf32>
        %mul3A_611 = arith.mulf %get3A_610, %broadcast_in_dim3A_516 : vector<16xf32>
        %add3A_612 = arith.addf %add3A_473, %mul3A_611 : vector<16xf32>
        %add3A_613 = arith.constant 16 : i32
        %add3A_614 = arith.addi %add3A_613, %scan3A_367 : i32
        %get3A_615 = arith.index_cast %add3A_614 : i32 to index
        %get3A_616 = arith.constant 192 : index
        %get3A_617 = tpu.vector_load %arg14[%get3A_615, %get3A_616] {strides = array<i32>} : memref<64x256xf32, #tpu.memory_space<vmem>>, vector<1x16xf32>,
        %get3A_618 = vector.shape_cast %get3A_617 : vector<1x16xf32> to vector<16xf32>
        %mul3A_619 = arith.mulf %get3A_618, %broadcast_in_dim3A_516 : vector<16xf32>
        %add3A_620 = arith.addf %add3A_481, %mul3A_619 : vector<16xf32>
        %add3A_621 = arith.constant 16 : i32
        %add3A_622 = arith.addi %add3A_621, %scan3A_367 : i32
        %get3A_623 = arith.index_cast %add3A_622 : i32 to index
        %get3A_624 = arith.constant 208 : index
        %get3A_625 = tpu.vector_load %arg14[%get3A_623, %get3A_624] {strides = array<i32>} : memref<64x256xf32, #tpu.memory_space<vmem>>, vector<1x16xf32>,
        %get3A_626 = vector.shape_cast %get3A_625 : vector<1x16xf32> to vector<16xf32>
        %mul3A_627 = arith.mulf %get3A_626, %broadcast_in_dim3A_516 : vector<16xf32>
        %add3A_628 = arith.addf %add3A_489, %mul3A_627 : vector<16xf32>
        %add3A_629 = arith.constant 16 : i32
        %add3A_630 = arith.addi %add3A_629, %scan3A_367 : i32
        %get3A_631 = arith.index_cast %add3A_630 : i32 to index
        %get3A_632 = arith.constant 224 : index
        %get3A_633 = tpu.vector_load %arg14[%get3A_631, %get3A_632] {strides = array<i32>} : memref<64x256xf32, #tpu.memory_space<vmem>>, vector<1x16xf32>,
        %get3A_634 = vector.shape_cast %get3A_633 : vector<1x16xf32> to vector<16xf32>
        %mul3A_635 = arith.mulf %get3A_634, %broadcast_in_dim3A_516 : vector<16xf32>
        %add3A_636 = arith.addf %add3A_497, %mul3A_635 : vector<16xf32>
        %add3A_637 = arith.constant 16 : i32
        %add3A_638 = arith.addi %add3A_637, %scan3A_367 : i32
        %get3A_639 = arith.index_cast %add3A_638 : i32 to index
        %get3A_640 = arith.constant 240 : index
        %get3A_641 = tpu.vector_load %arg14[%get3A_639, %get3A_640] {strides = array<i32>} : memref<64x256xf32, #tpu.memory_space<vmem>>, vector<1x16xf32>,
        %get3A_642 = vector.shape_cast %get3A_641 : vector<1x16xf32> to vector<16xf32>
        %mul3A_643 = arith.mulf %get3A_642, %broadcast_in_dim3A_516 : vector<16xf32>
        %add3A_644 = arith.addf %add3A_505, %mul3A_643 : vector<16xf32>
        %mul3A_645 = arith.constant 16 : i32
        %mul3A_646 = arith.muli %add3A_276, %mul3A_645 : i32
        %add3A_647 = arith.constant 6144 : i32
        %add3A_648 = arith.addi %add3A_647, %mul3A_646 : i32
        %add3A_649 = arith.addi %add3A_648, %scan3A_367 : i32
        %get3A_650 = arith.index_cast %add3A_649 : i32 to index
        %get3A_651 = tpu.vector_load %arg7[%get3A_650] {strides = array<i32>} : memref<12304xf32, #tpu.memory_space<vmem>>, vector<16xf32>,
        %get3A_652 = vector.shape_cast %get3A_651 : vector<16xf32> to vector<16xf32>
        %slice3A_653 = vector.extract_strided_slice %get3A_652 {offsets = [0], sizes = [1], strides = [1]} : vector<16xf32> to vector<1xf32>
        %squeeze3A_654 = vector.extract %slice3A_653[0] : f32 from vector<1xf32>
        %broadcast_in_dim3A_655 = vector.broadcast %squeeze3A_654 : f32 to vector<16xf32>
        %add3A_656 = arith.constant 32 : i32
        %add3A_657 = arith.addi %add3A_656, %scan3A_367 : i32
        %get3A_658 = arith.index_cast %add3A_657 : i32 to index
        %get3A_659 = arith.constant 0 : index
        %get3A_660 = tpu.vector_load %arg14[%get3A_658, %get3A_659] {strides = array<i32>} : memref<64x256xf32, #tpu.memory_space<vmem>>, vector<1x16xf32>,
        %get3A_661 = vector.shape_cast %get3A_660 : vector<1x16xf32> to vector<16xf32>
        %mul3A_662 = arith.mulf %get3A_661, %broadcast_in_dim3A_655 : vector<16xf32>
        %add3A_663 = arith.addf %add3A_524, %mul3A_662 : vector<16xf32>
        %add3A_664 = arith.constant 32 : i32
        %add3A_665 = arith.addi %add3A_664, %scan3A_367 : i32
        %get3A_666 = arith.index_cast %add3A_665 : i32 to index
        %get3A_667 = arith.constant 16 : index
        %get3A_668 = tpu.vector_load %arg14[%get3A_666, %get3A_667] {strides = array<i32>} : memref<64x256xf32, #tpu.memory_space<vmem>>, vector<1x16xf32>,
        %get3A_669 = vector.shape_cast %get3A_668 : vector<1x16xf32> to vector<16xf32>
        %mul3A_670 = arith.mulf %get3A_669, %broadcast_in_dim3A_655 : vector<16xf32>
        %add3A_671 = arith.addf %add3A_532, %mul3A_670 : vector<16xf32>
        %add3A_672 = arith.constant 32 : i32
        %add3A_673 = arith.addi %add3A_672, %scan3A_367 : i32
        %get3A_674 = arith.index_cast %add3A_673 : i32 to index
        %get3A_675 = arith.constant 32 : index
        %get3A_676 = tpu.vector_load %arg14[%get3A_674, %get3A_675] {strides = array<i32>} : memref<64x256xf32, #tpu.memory_space<vmem>>, vector<1x16xf32>,
        %get3A_677 = vector.shape_cast %get3A_676 : vector<1x16xf32> to vector<16xf32>
        %mul3A_678 = arith.mulf %get3A_677, %broadcast_in_dim3A_655 : vector<16xf32>
        %add3A_679 = arith.addf %add3A_540, %mul3A_678 : vector<16xf32>
        %add3A_680 = arith.constant 32 : i32
        %add3A_681 = arith.addi %add3A_680, %scan3A_367 : i32
        %get3A_682 = arith.index_cast %add3A_681 : i32 to index
        %get3A_683 = arith.constant 48 : index
        %get3A_684 = tpu.vector_load %arg14[%get3A_682, %get3A_683] {strides = array<i32>} : memref<64x256xf32, #tpu.memory_space<vmem>>, vector<1x16xf32>,
        %get3A_685 = vector.shape_cast %get3A_684 : vector<1x16xf32> to vector<16xf32>
        %mul3A_686 = arith.mulf %get3A_685, %broadcast_in_dim3A_655 : vector<16xf32>
        %add3A_687 = arith.addf %add3A_548, %mul3A_686 : vector<16xf32>
        %add3A_688 = arith.constant 32 : i32
        %add3A_689 = arith.addi %add3A_688, %scan3A_367 : i32
        %get3A_690 = arith.index_cast %add3A_689 : i32 to index
        %get3A_691 = arith.constant 64 : index
        %get3A_692 = tpu.vector_load %arg14[%get3A_690, %get3A_691] {strides = array<i32>} : memref<64x256xf32, #tpu.memory_space<vmem>>, vector<1x16xf32>,
        %get3A_693 = vector.shape_cast %get3A_692 : vector<1x16xf32> to vector<16xf32>
        %mul3A_694 = arith.mulf %get3A_693, %broadcast_in_dim3A_655 : vector<16xf32>
        %add3A_695 = arith.addf %add3A_556, %mul3A_694 : vector<16xf32>
        %add3A_696 = arith.constant 32 : i32
        %add3A_697 = arith.addi %add3A_696, %scan3A_367 : i32
        %get3A_698 = arith.index_cast %add3A_697 : i32 to index
        %get3A_699 = arith.constant 80 : index
        %get3A_700 = tpu.vector_load %arg14[%get3A_698, %get3A_699] {strides = array<i32>} : memref<64x256xf32, #tpu.memory_space<vmem>>, vector<1x16xf32>,
        %get3A_701 = vector.shape_cast %get3A_700 : vector<1x16xf32> to vector<16xf32>
        %mul3A_702 = arith.mulf %get3A_701, %broadcast_in_dim3A_655 : vector<16xf32>
        %add3A_703 = arith.addf %add3A_564, %mul3A_702 : vector<16xf32>
        %add3A_704 = arith.constant 32 : i32
        %add3A_705 = arith.addi %add3A_704, %scan3A_367 : i32
        %get3A_706 = arith.index_cast %add3A_705 : i32 to index
        %get3A_707 = arith.constant 96 : index
        %get3A_708 = tpu.vector_load %arg14[%get3A_706, %get3A_707] {strides = array<i32>} : memref<64x256xf32, #tpu.memory_space<vmem>>, vector<1x16xf32>,
        %get3A_709 = vector.shape_cast %get3A_708 : vector<1x16xf32> to vector<16xf32>
        %mul3A_710 = arith.mulf %get3A_709, %broadcast_in_dim3A_655 : vector<16xf32>
        %add3A_711 = arith.addf %add3A_572, %mul3A_710 : vector<16xf32>
        %add3A_712 = arith.constant 32 : i32
        %add3A_713 = arith.addi %add3A_712, %scan3A_367 : i32
        %get3A_714 = arith.index_cast %add3A_713 : i32 to index
        %get3A_715 = arith.constant 112 : index
        %get3A_716 = tpu.vector_load %arg14[%get3A_714, %get3A_715] {strides = array<i32>} : memref<64x256xf32, #tpu.memory_space<vmem>>, vector<1x16xf32>,
        %get3A_717 = vector.shape_cast %get3A_716 : vector<1x16xf32> to vector<16xf32>
        %mul3A_718 = arith.mulf %get3A_717, %broadcast_in_dim3A_655 : vector<16xf32>
        %add3A_719 = arith.addf %add3A_580, %mul3A_718 : vector<16xf32>
        %add3A_720 = arith.constant 32 : i32
        %add3A_721 = arith.addi %add3A_720, %scan3A_367 : i32
        %get3A_722 = arith.index_cast %add3A_721 : i32 to index
        %get3A_723 = arith.constant 128 : index
        %get3A_724 = tpu.vector_load %arg14[%get3A_722, %get3A_723] {strides = array<i32>} : memref<64x256xf32, #tpu.memory_space<vmem>>, vector<1x16xf32>,
        %get3A_725 = vector.shape_cast %get3A_724 : vector<1x16xf32> to vector<16xf32>
        %mul3A_726 = arith.mulf %get3A_725, %broadcast_in_dim3A_655 : vector<16xf32>
        %add3A_727 = arith.addf %add3A_588, %mul3A_726 : vector<16xf32>
        %add3A_728 = arith.constant 32 : i32
        %add3A_729 = arith.addi %add3A_728, %scan3A_367 : i32
        %get3A_730 = arith.index_cast %add3A_729 : i32 to index
        %get3A_731 = arith.constant 144 : index
        %get3A_732 = tpu.vector_load %arg14[%get3A_730, %get3A_731] {strides = array<i32>} : memref<64x256xf32, #tpu.memory_space<vmem>>, vector<1x16xf32>,
        %get3A_733 = vector.shape_cast %get3A_732 : vector<1x16xf32> to vector<16xf32>
        %mul3A_734 = arith.mulf %get3A_733, %broadcast_in_dim3A_655 : vector<16xf32>
        %add3A_735 = arith.addf %add3A_596, %mul3A_734 : vector<16xf32>
        %add3A_736 = arith.constant 32 : i32
        %add3A_737 = arith.addi %add3A_736, %scan3A_367 : i32
        %get3A_738 = arith.index_cast %add3A_737 : i32 to index
        %get3A_739 = arith.constant 160 : index
        %get3A_740 = tpu.vector_load %arg14[%get3A_738, %get3A_739] {strides = array<i32>} : memref<64x256xf32, #tpu.memory_space<vmem>>, vector<1x16xf32>,
        %get3A_741 = vector.shape_cast %get3A_740 : vector<1x16xf32> to vector<16xf32>
        %mul3A_742 = arith.mulf %get3A_741, %broadcast_in_dim3A_655 : vector<16xf32>
        %add3A_743 = arith.addf %add3A_604, %mul3A_742 : vector<16xf32>
        %add3A_744 = arith.constant 32 : i32
        %add3A_745 = arith.addi %add3A_744, %scan3A_367 : i32
        %get3A_746 = arith.index_cast %add3A_745 : i32 to index
        %get3A_747 = arith.constant 176 : index
        %get3A_748 = tpu.vector_load %arg14[%get3A_746, %get3A_747] {strides = array<i32>} : memref<64x256xf32, #tpu.memory_space<vmem>>, vector<1x16xf32>,
        %get3A_749 = vector.shape_cast %get3A_748 : vector<1x16xf32> to vector<16xf32>
        %mul3A_750 = arith.mulf %get3A_749, %broadcast_in_dim3A_655 : vector<16xf32>
        %add3A_751 = arith.addf %add3A_612, %mul3A_750 : vector<16xf32>
        %add3A_752 = arith.constant 32 : i32
        %add3A_753 = arith.addi %add3A_752, %scan3A_367 : i32
        %get3A_754 = arith.index_cast %add3A_753 : i32 to index
        %get3A_755 = arith.constant 192 : index
        %get3A_756 = tpu.vector_load %arg14[%get3A_754, %get3A_755] {strides = array<i32>} : memref<64x256xf32, #tpu.memory_space<vmem>>, vector<1x16xf32>,
        %get3A_757 = vector.shape_cast %get3A_756 : vector<1x16xf32> to vector<16xf32>
        %mul3A_758 = arith.mulf %get3A_757, %broadcast_in_dim3A_655 : vector<16xf32>
        %add3A_759 = arith.addf %add3A_620, %mul3A_758 : vector<16xf32>
        %add3A_760 = arith.constant 32 : i32
        %add3A_761 = arith.addi %add3A_760, %scan3A_367 : i32
        %get3A_762 = arith.index_cast %add3A_761 : i32 to index
        %get3A_763 = arith.constant 208 : index
        %get3A_764 = tpu.vector_load %arg14[%get3A_762, %get3A_763] {strides = array<i32>} : memref<64x256xf32, #tpu.memory_space<vmem>>, vector<1x16xf32>,
        %get3A_765 = vector.shape_cast %get3A_764 : vector<1x16xf32> to vector<16xf32>
        %mul3A_766 = arith.mulf %get3A_765, %broadcast_in_dim3A_655 : vector<16xf32>
        %add3A_767 = arith.addf %add3A_628, %mul3A_766 : vector<16xf32>
        %add3A_768 = arith.constant 32 : i32
        %add3A_769 = arith.addi %add3A_768, %scan3A_367 : i32
        %get3A_770 = arith.index_cast %add3A_769 : i32 to index
        %get3A_771 = arith.constant 224 : index
        %get3A_772 = tpu.vector_load %arg14[%get3A_770, %get3A_771] {strides = array<i32>} : memref<64x256xf32, #tpu.memory_space<vmem>>, vector<1x16xf32>,
        %get3A_773 = vector.shape_cast %get3A_772 : vector<1x16xf32> to vector<16xf32>
        %mul3A_774 = arith.mulf %get3A_773, %broadcast_in_dim3A_655 : vector<16xf32>
        %add3A_775 = arith.addf %add3A_636, %mul3A_774 : vector<16xf32>
        %add3A_776 = arith.constant 32 : i32
        %add3A_777 = arith.addi %add3A_776, %scan3A_367 : i32
        %get3A_778 = arith.index_cast %add3A_777 : i32 to index
        %get3A_779 = arith.constant 240 : index
        %get3A_780 = tpu.vector_load %arg14[%get3A_778, %get3A_779] {strides = array<i32>} : memref<64x256xf32, #tpu.memory_space<vmem>>, vector<1x16xf32>,
        %get3A_781 = vector.shape_cast %get3A_780 : vector<1x16xf32> to vector<16xf32>
        %mul3A_782 = arith.mulf %get3A_781, %broadcast_in_dim3A_655 : vector<16xf32>
        %add3A_783 = arith.addf %add3A_644, %mul3A_782 : vector<16xf32>
        %mul3A_784 = arith.constant 16 : i32
        %mul3A_785 = arith.muli %add3A_276, %mul3A_784 : i32
        %add3A_786 = arith.constant 9216 : i32
        %add3A_787 = arith.addi %add3A_786, %mul3A_785 : i32
        %add3A_788 = arith.addi %add3A_787, %scan3A_367 : i32
        %get3A_789 = arith.index_cast %add3A_788 : i32 to index
        %get3A_790 = tpu.vector_load %arg7[%get3A_789] {strides = array<i32>} : memref<12304xf32, #tpu.memory_space<vmem>>, vector<16xf32>,
        %get3A_791 = vector.shape_cast %get3A_790 : vector<16xf32> to vector<16xf32>
        %slice3A_792 = vector.extract_strided_slice %get3A_791 {offsets = [0], sizes = [1], strides = [1]} : vector<16xf32> to vector<1xf32>
        %squeeze3A_793 = vector.extract %slice3A_792[0] : f32 from vector<1xf32>
        %broadcast_in_dim3A_794 = vector.broadcast %squeeze3A_793 : f32 to vector<16xf32>
        %add3A_795 = arith.constant 48 : i32
        %add3A_796 = arith.addi %add3A_795, %scan3A_367 : i32
        %get3A_797 = arith.index_cast %add3A_796 : i32 to index
        %get3A_798 = arith.constant 0 : index
        %get3A_799 = tpu.vector_load %arg14[%get3A_797, %get3A_798] {strides = array<i32>} : memref<64x256xf32, #tpu.memory_space<vmem>>, vector<1x16xf32>,
        %get3A_800 = vector.shape_cast %get3A_799 : vector<1x16xf32> to vector<16xf32>
        %mul3A_801 = arith.mulf %get3A_800, %broadcast_in_dim3A_794 : vector<16xf32>
        %add3A_802 = arith.addf %add3A_663, %mul3A_801 : vector<16xf32>
        %add3A_803 = arith.constant 48 : i32
        %add3A_804 = arith.addi %add3A_803, %scan3A_367 : i32
        %get3A_805 = arith.index_cast %add3A_804 : i32 to index
        %get3A_806 = arith.constant 16 : index
        %get3A_807 = tpu.vector_load %arg14[%get3A_805, %get3A_806] {strides = array<i32>} : memref<64x256xf32, #tpu.memory_space<vmem>>, vector<1x16xf32>,
        %get3A_808 = vector.shape_cast %get3A_807 : vector<1x16xf32> to vector<16xf32>
        %mul3A_809 = arith.mulf %get3A_808, %broadcast_in_dim3A_794 : vector<16xf32>
        %add3A_810 = arith.addf %add3A_671, %mul3A_809 : vector<16xf32>
        %add3A_811 = arith.constant 48 : i32
        %add3A_812 = arith.addi %add3A_811, %scan3A_367 : i32
        %get3A_813 = arith.index_cast %add3A_812 : i32 to index
        %get3A_814 = arith.constant 32 : index
        %get3A_815 = tpu.vector_load %arg14[%get3A_813, %get3A_814] {strides = array<i32>} : memref<64x256xf32, #tpu.memory_space<vmem>>, vector<1x16xf32>,
        %get3A_816 = vector.shape_cast %get3A_815 : vector<1x16xf32> to vector<16xf32>
        %mul3A_817 = arith.mulf %get3A_816, %broadcast_in_dim3A_794 : vector<16xf32>
        %add3A_818 = arith.addf %add3A_679, %mul3A_817 : vector<16xf32>
        %add3A_819 = arith.constant 48 : i32
        %add3A_820 = arith.addi %add3A_819, %scan3A_367 : i32
        %get3A_821 = arith.index_cast %add3A_820 : i32 to index
        %get3A_822 = arith.constant 48 : index
        %get3A_823 = tpu.vector_load %arg14[%get3A_821, %get3A_822] {strides = array<i32>} : memref<64x256xf32, #tpu.memory_space<vmem>>, vector<1x16xf32>,
        %get3A_824 = vector.shape_cast %get3A_823 : vector<1x16xf32> to vector<16xf32>
        %mul3A_825 = arith.mulf %get3A_824, %broadcast_in_dim3A_794 : vector<16xf32>
        %add3A_826 = arith.addf %add3A_687, %mul3A_825 : vector<16xf32>
        %add3A_827 = arith.constant 48 : i32
        %add3A_828 = arith.addi %add3A_827, %scan3A_367 : i32
        %get3A_829 = arith.index_cast %add3A_828 : i32 to index
        %get3A_830 = arith.constant 64 : index
        %get3A_831 = tpu.vector_load %arg14[%get3A_829, %get3A_830] {strides = array<i32>} : memref<64x256xf32, #tpu.memory_space<vmem>>, vector<1x16xf32>,
        %get3A_832 = vector.shape_cast %get3A_831 : vector<1x16xf32> to vector<16xf32>
        %mul3A_833 = arith.mulf %get3A_832, %broadcast_in_dim3A_794 : vector<16xf32>
        %add3A_834 = arith.addf %add3A_695, %mul3A_833 : vector<16xf32>
        %add3A_835 = arith.constant 48 : i32
        %add3A_836 = arith.addi %add3A_835, %scan3A_367 : i32
        %get3A_837 = arith.index_cast %add3A_836 : i32 to index
        %get3A_838 = arith.constant 80 : index
        %get3A_839 = tpu.vector_load %arg14[%get3A_837, %get3A_838] {strides = array<i32>} : memref<64x256xf32, #tpu.memory_space<vmem>>, vector<1x16xf32>,
        %get3A_840 = vector.shape_cast %get3A_839 : vector<1x16xf32> to vector<16xf32>
        %mul3A_841 = arith.mulf %get3A_840, %broadcast_in_dim3A_794 : vector<16xf32>
        %add3A_842 = arith.addf %add3A_703, %mul3A_841 : vector<16xf32>
        %add3A_843 = arith.constant 48 : i32
        %add3A_844 = arith.addi %add3A_843, %scan3A_367 : i32
        %get3A_845 = arith.index_cast %add3A_844 : i32 to index
        %get3A_846 = arith.constant 96 : index
        %get3A_847 = tpu.vector_load %arg14[%get3A_845, %get3A_846] {strides = array<i32>} : memref<64x256xf32, #tpu.memory_space<vmem>>, vector<1x16xf32>,
        %get3A_848 = vector.shape_cast %get3A_847 : vector<1x16xf32> to vector<16xf32>
        %mul3A_849 = arith.mulf %get3A_848, %broadcast_in_dim3A_794 : vector<16xf32>
        %add3A_850 = arith.addf %add3A_711, %mul3A_849 : vector<16xf32>
        %add3A_851 = arith.constant 48 : i32
        %add3A_852 = arith.addi %add3A_851, %scan3A_367 : i32
        %get3A_853 = arith.index_cast %add3A_852 : i32 to index
        %get3A_854 = arith.constant 112 : index
        %get3A_855 = tpu.vector_load %arg14[%get3A_853, %get3A_854] {strides = array<i32>} : memref<64x256xf32, #tpu.memory_space<vmem>>, vector<1x16xf32>,
        %get3A_856 = vector.shape_cast %get3A_855 : vector<1x16xf32> to vector<16xf32>
        %mul3A_857 = arith.mulf %get3A_856, %broadcast_in_dim3A_794 : vector<16xf32>
        %add3A_858 = arith.addf %add3A_719, %mul3A_857 : vector<16xf32>
        %add3A_859 = arith.constant 48 : i32
        %add3A_860 = arith.addi %add3A_859, %scan3A_367 : i32
        %get3A_861 = arith.index_cast %add3A_860 : i32 to index
        %get3A_862 = arith.constant 128 : index
        %get3A_863 = tpu.vector_load %arg14[%get3A_861, %get3A_862] {strides = array<i32>} : memref<64x256xf32, #tpu.memory_space<vmem>>, vector<1x16xf32>,
        %get3A_864 = vector.shape_cast %get3A_863 : vector<1x16xf32> to vector<16xf32>
        %mul3A_865 = arith.mulf %get3A_864, %broadcast_in_dim3A_794 : vector<16xf32>
        %add3A_866 = arith.addf %add3A_727, %mul3A_865 : vector<16xf32>
        %add3A_867 = arith.constant 48 : i32
        %add3A_868 = arith.addi %add3A_867, %scan3A_367 : i32
        %get3A_869 = arith.index_cast %add3A_868 : i32 to index
        %get3A_870 = arith.constant 144 : index
        %get3A_871 = tpu.vector_load %arg14[%get3A_869, %get3A_870] {strides = array<i32>} : memref<64x256xf32, #tpu.memory_space<vmem>>, vector<1x16xf32>,
        %get3A_872 = vector.shape_cast %get3A_871 : vector<1x16xf32> to vector<16xf32>
        %mul3A_873 = arith.mulf %get3A_872, %broadcast_in_dim3A_794 : vector<16xf32>
        %add3A_874 = arith.addf %add3A_735, %mul3A_873 : vector<16xf32>
        %add3A_875 = arith.constant 48 : i32
        %add3A_876 = arith.addi %add3A_875, %scan3A_367 : i32
        %get3A_877 = arith.index_cast %add3A_876 : i32 to index
        %get3A_878 = arith.constant 160 : index
        %get3A_879 = tpu.vector_load %arg14[%get3A_877, %get3A_878] {strides = array<i32>} : memref<64x256xf32, #tpu.memory_space<vmem>>, vector<1x16xf32>,
        %get3A_880 = vector.shape_cast %get3A_879 : vector<1x16xf32> to vector<16xf32>
        %mul3A_881 = arith.mulf %get3A_880, %broadcast_in_dim3A_794 : vector<16xf32>
        %add3A_882 = arith.addf %add3A_743, %mul3A_881 : vector<16xf32>
        %add3A_883 = arith.constant 48 : i32
        %add3A_884 = arith.addi %add3A_883, %scan3A_367 : i32
        %get3A_885 = arith.index_cast %add3A_884 : i32 to index
        %get3A_886 = arith.constant 176 : index
        %get3A_887 = tpu.vector_load %arg14[%get3A_885, %get3A_886] {strides = array<i32>} : memref<64x256xf32, #tpu.memory_space<vmem>>, vector<1x16xf32>,
        %get3A_888 = vector.shape_cast %get3A_887 : vector<1x16xf32> to vector<16xf32>
        %mul3A_889 = arith.mulf %get3A_888, %broadcast_in_dim3A_794 : vector<16xf32>
        %add3A_890 = arith.addf %add3A_751, %mul3A_889 : vector<16xf32>
        %add3A_891 = arith.constant 48 : i32
        %add3A_892 = arith.addi %add3A_891, %scan3A_367 : i32
        %get3A_893 = arith.index_cast %add3A_892 : i32 to index
        %get3A_894 = arith.constant 192 : index
        %get3A_895 = tpu.vector_load %arg14[%get3A_893, %get3A_894] {strides = array<i32>} : memref<64x256xf32, #tpu.memory_space<vmem>>, vector<1x16xf32>,
        %get3A_896 = vector.shape_cast %get3A_895 : vector<1x16xf32> to vector<16xf32>
        %mul3A_897 = arith.mulf %get3A_896, %broadcast_in_dim3A_794 : vector<16xf32>
        %add3A_898 = arith.addf %add3A_759, %mul3A_897 : vector<16xf32>
        %add3A_899 = arith.constant 48 : i32
        %add3A_900 = arith.addi %add3A_899, %scan3A_367 : i32
        %get3A_901 = arith.index_cast %add3A_900 : i32 to index
        %get3A_902 = arith.constant 208 : index
        %get3A_903 = tpu.vector_load %arg14[%get3A_901, %get3A_902] {strides = array<i32>} : memref<64x256xf32, #tpu.memory_space<vmem>>, vector<1x16xf32>,
        %get3A_904 = vector.shape_cast %get3A_903 : vector<1x16xf32> to vector<16xf32>
        %mul3A_905 = arith.mulf %get3A_904, %broadcast_in_dim3A_794 : vector<16xf32>
        %add3A_906 = arith.addf %add3A_767, %mul3A_905 : vector<16xf32>
        %add3A_907 = arith.constant 48 : i32
        %add3A_908 = arith.addi %add3A_907, %scan3A_367 : i32
        %get3A_909 = arith.index_cast %add3A_908 : i32 to index
        %get3A_910 = arith.constant 224 : index
        %get3A_911 = tpu.vector_load %arg14[%get3A_909, %get3A_910] {strides = array<i32>} : memref<64x256xf32, #tpu.memory_space<vmem>>, vector<1x16xf32>,
        %get3A_912 = vector.shape_cast %get3A_911 : vector<1x16xf32> to vector<16xf32>
        %mul3A_913 = arith.mulf %get3A_912, %broadcast_in_dim3A_794 : vector<16xf32>
        %add3A_914 = arith.addf %add3A_775, %mul3A_913 : vector<16xf32>
        %add3A_915 = arith.constant 48 : i32
        %add3A_916 = arith.addi %add3A_915, %scan3A_367 : i32
        %get3A_917 = arith.index_cast %add3A_916 : i32 to index
        %get3A_918 = arith.constant 240 : index
        %get3A_919 = tpu.vector_load %arg14[%get3A_917, %get3A_918] {strides = array<i32>} : memref<64x256xf32, #tpu.memory_space<vmem>>, vector<1x16xf32>,
        %get3A_920 = vector.shape_cast %get3A_919 : vector<1x16xf32> to vector<16xf32>
        %mul3A_921 = arith.mulf %get3A_920, %broadcast_in_dim3A_794 : vector<16xf32>
        %add3A_922 = arith.addf %add3A_783, %mul3A_921 : vector<16xf32>
        %swap3A_923 = arith.index_cast %scan3A_367 : i32 to index
        %swap3A_924 = arith.constant 0 : index
        %swap3A_925 = tpu.vector_load %arg18[%swap3A_923, %swap3A_924] {strides = array<i32>} : memref<16x256xf32, #tpu.memory_space<vmem>>, vector<1x16xf32>,
        %swap3A_926 = vector.shape_cast %swap3A_925 : vector<1x16xf32> to vector<16xf32>
        %swap3A_927 = vector.shape_cast %add3A_802 : vector<16xf32> to vector<1x16xf32>
        tpu.vector_store %arg18[%swap3A_923, %swap3A_924], %swap3A_927 {strides = array<i32>} : memref<16x256xf32, #tpu.memory_space<vmem>>, vector<1x16xf32>,
        %swap3A_928 = arith.index_cast %scan3A_367 : i32 to index
        %swap3A_929 = arith.constant 16 : index
        %swap3A_930 = tpu.vector_load %arg18[%swap3A_928, %swap3A_929] {strides = array<i32>} : memref<16x256xf32, #tpu.memory_space<vmem>>, vector<1x16xf32>,
        %swap3A_931 = vector.shape_cast %swap3A_930 : vector<1x16xf32> to vector<16xf32>
        %swap3A_932 = vector.shape_cast %add3A_810 : vector<16xf32> to vector<1x16xf32>
        tpu.vector_store %arg18[%swap3A_928, %swap3A_929], %swap3A_932 {strides = array<i32>} : memref<16x256xf32, #tpu.memory_space<vmem>>, vector<1x16xf32>,
        %swap3A_933 = arith.index_cast %scan3A_367 : i32 to index
        %swap3A_934 = arith.constant 32 : index
        %swap3A_935 = tpu.vector_load %arg18[%swap3A_933, %swap3A_934] {strides = array<i32>} : memref<16x256xf32, #tpu.memory_space<vmem>>, vector<1x16xf32>,
        %swap3A_936 = vector.shape_cast %swap3A_935 : vector<1x16xf32> to vector<16xf32>
        %swap3A_937 = vector.shape_cast %add3A_818 : vector<16xf32> to vector<1x16xf32>
        tpu.vector_store %arg18[%swap3A_933, %swap3A_934], %swap3A_937 {strides = array<i32>} : memref<16x256xf32, #tpu.memory_space<vmem>>, vector<1x16xf32>,
        %swap3A_938 = arith.index_cast %scan3A_367 : i32 to index
        %swap3A_939 = arith.constant 48 : index
        %swap3A_940 = tpu.vector_load %arg18[%swap3A_938, %swap3A_939] {strides = array<i32>} : memref<16x256xf32, #tpu.memory_space<vmem>>, vector<1x16xf32>,
        %swap3A_941 = vector.shape_cast %swap3A_940 : vector<1x16xf32> to vector<16xf32>
        %swap3A_942 = vector.shape_cast %add3A_826 : vector<16xf32> to vector<1x16xf32>
        tpu.vector_store %arg18[%swap3A_938, %swap3A_939], %swap3A_942 {strides = array<i32>} : memref<16x256xf32, #tpu.memory_space<vmem>>, vector<1x16xf32>,
        %swap3A_943 = arith.index_cast %scan3A_367 : i32 to index
        %swap3A_944 = arith.constant 64 : index
        %swap3A_945 = tpu.vector_load %arg18[%swap3A_943, %swap3A_944] {strides = array<i32>} : memref<16x256xf32, #tpu.memory_space<vmem>>, vector<1x16xf32>,
        %swap3A_946 = vector.shape_cast %swap3A_945 : vector<1x16xf32> to vector<16xf32>
        %swap3A_947 = vector.shape_cast %add3A_834 : vector<16xf32> to vector<1x16xf32>
        tpu.vector_store %arg18[%swap3A_943, %swap3A_944], %swap3A_947 {strides = array<i32>} : memref<16x256xf32, #tpu.memory_space<vmem>>, vector<1x16xf32>,
        %swap3A_948 = arith.index_cast %scan3A_367 : i32 to index
        %swap3A_949 = arith.constant 80 : index
        %swap3A_950 = tpu.vector_load %arg18[%swap3A_948, %swap3A_949] {strides = array<i32>} : memref<16x256xf32, #tpu.memory_space<vmem>>, vector<1x16xf32>,
        %swap3A_951 = vector.shape_cast %swap3A_950 : vector<1x16xf32> to vector<16xf32>
        %swap3A_952 = vector.shape_cast %add3A_842 : vector<16xf32> to vector<1x16xf32>
        tpu.vector_store %arg18[%swap3A_948, %swap3A_949], %swap3A_952 {strides = array<i32>} : memref<16x256xf32, #tpu.memory_space<vmem>>, vector<1x16xf32>,
        %swap3A_953 = arith.index_cast %scan3A_367 : i32 to index
        %swap3A_954 = arith.constant 96 : index
        %swap3A_955 = tpu.vector_load %arg18[%swap3A_953, %swap3A_954] {strides = array<i32>} : memref<16x256xf32, #tpu.memory_space<vmem>>, vector<1x16xf32>,
        %swap3A_956 = vector.shape_cast %swap3A_955 : vector<1x16xf32> to vector<16xf32>
        %swap3A_957 = vector.shape_cast %add3A_850 : vector<16xf32> to vector<1x16xf32>
        tpu.vector_store %arg18[%swap3A_953, %swap3A_954], %swap3A_957 {strides = array<i32>} : memref<16x256xf32, #tpu.memory_space<vmem>>, vector<1x16xf32>,
        %swap3A_958 = arith.index_cast %scan3A_367 : i32 to index
        %swap3A_959 = arith.constant 112 : index
        %swap3A_960 = tpu.vector_load %arg18[%swap3A_958, %swap3A_959] {strides = array<i32>} : memref<16x256xf32, #tpu.memory_space<vmem>>, vector<1x16xf32>,
        %swap3A_961 = vector.shape_cast %swap3A_960 : vector<1x16xf32> to vector<16xf32>
        %swap3A_962 = vector.shape_cast %add3A_858 : vector<16xf32> to vector<1x16xf32>
        tpu.vector_store %arg18[%swap3A_958, %swap3A_959], %swap3A_962 {strides = array<i32>} : memref<16x256xf32, #tpu.memory_space<vmem>>, vector<1x16xf32>,
        %swap3A_963 = arith.index_cast %scan3A_367 : i32 to index
        %swap3A_964 = arith.constant 128 : index
        %swap3A_965 = tpu.vector_load %arg18[%swap3A_963, %swap3A_964] {strides = array<i32>} : memref<16x256xf32, #tpu.memory_space<vmem>>, vector<1x16xf32>,
        %swap3A_966 = vector.shape_cast %swap3A_965 : vector<1x16xf32> to vector<16xf32>
        %swap3A_967 = vector.shape_cast %add3A_866 : vector<16xf32> to vector<1x16xf32>
        tpu.vector_store %arg18[%swap3A_963, %swap3A_964], %swap3A_967 {strides = array<i32>} : memref<16x256xf32, #tpu.memory_space<vmem>>, vector<1x16xf32>,
        %swap3A_968 = arith.index_cast %scan3A_367 : i32 to index
        %swap3A_969 = arith.constant 144 : index
        %swap3A_970 = tpu.vector_load %arg18[%swap3A_968, %swap3A_969] {strides = array<i32>} : memref<16x256xf32, #tpu.memory_space<vmem>>, vector<1x16xf32>,
        %swap3A_971 = vector.shape_cast %swap3A_970 : vector<1x16xf32> to vector<16xf32>
        %swap3A_972 = vector.shape_cast %add3A_874 : vector<16xf32> to vector<1x16xf32>
        tpu.vector_store %arg18[%swap3A_968, %swap3A_969], %swap3A_972 {strides = array<i32>} : memref<16x256xf32, #tpu.memory_space<vmem>>, vector<1x16xf32>,
        %swap3A_973 = arith.index_cast %scan3A_367 : i32 to index
        %swap3A_974 = arith.constant 160 : index
        %swap3A_975 = tpu.vector_load %arg18[%swap3A_973, %swap3A_974] {strides = array<i32>} : memref<16x256xf32, #tpu.memory_space<vmem>>, vector<1x16xf32>,
        %swap3A_976 = vector.shape_cast %swap3A_975 : vector<1x16xf32> to vector<16xf32>
        %swap3A_977 = vector.shape_cast %add3A_882 : vector<16xf32> to vector<1x16xf32>
        tpu.vector_store %arg18[%swap3A_973, %swap3A_974], %swap3A_977 {strides = array<i32>} : memref<16x256xf32, #tpu.memory_space<vmem>>, vector<1x16xf32>,
        %swap3A_978 = arith.index_cast %scan3A_367 : i32 to index
        %swap3A_979 = arith.constant 176 : index
        %swap3A_980 = tpu.vector_load %arg18[%swap3A_978, %swap3A_979] {strides = array<i32>} : memref<16x256xf32, #tpu.memory_space<vmem>>, vector<1x16xf32>,
        %swap3A_981 = vector.shape_cast %swap3A_980 : vector<1x16xf32> to vector<16xf32>
        %swap3A_982 = vector.shape_cast %add3A_890 : vector<16xf32> to vector<1x16xf32>
        tpu.vector_store %arg18[%swap3A_978, %swap3A_979], %swap3A_982 {strides = array<i32>} : memref<16x256xf32, #tpu.memory_space<vmem>>, vector<1x16xf32>,
        %swap3A_983 = arith.index_cast %scan3A_367 : i32 to index
        %swap3A_984 = arith.constant 192 : index
        %swap3A_985 = tpu.vector_load %arg18[%swap3A_983, %swap3A_984] {strides = array<i32>} : memref<16x256xf32, #tpu.memory_space<vmem>>, vector<1x16xf32>,
        %swap3A_986 = vector.shape_cast %swap3A_985 : vector<1x16xf32> to vector<16xf32>
        %swap3A_987 = vector.shape_cast %add3A_898 : vector<16xf32> to vector<1x16xf32>
        tpu.vector_store %arg18[%swap3A_983, %swap3A_984], %swap3A_987 {strides = array<i32>} : memref<16x256xf32, #tpu.memory_space<vmem>>, vector<1x16xf32>,
        %swap3A_988 = arith.index_cast %scan3A_367 : i32 to index
        %swap3A_989 = arith.constant 208 : index
        %swap3A_990 = tpu.vector_load %arg18[%swap3A_988, %swap3A_989] {strides = array<i32>} : memref<16x256xf32, #tpu.memory_space<vmem>>, vector<1x16xf32>,
        %swap3A_991 = vector.shape_cast %swap3A_990 : vector<1x16xf32> to vector<16xf32>
        %swap3A_992 = vector.shape_cast %add3A_906 : vector<16xf32> to vector<1x16xf32>
        tpu.vector_store %arg18[%swap3A_988, %swap3A_989], %swap3A_992 {strides = array<i32>} : memref<16x256xf32, #tpu.memory_space<vmem>>, vector<1x16xf32>,
        %swap3A_993 = arith.index_cast %scan3A_367 : i32 to index
        %swap3A_994 = arith.constant 224 : index
        %swap3A_995 = tpu.vector_load %arg18[%swap3A_993, %swap3A_994] {strides = array<i32>} : memref<16x256xf32, #tpu.memory_space<vmem>>, vector<1x16xf32>,
        %swap3A_996 = vector.shape_cast %swap3A_995 : vector<1x16xf32> to vector<16xf32>
        %swap3A_997 = vector.shape_cast %add3A_914 : vector<16xf32> to vector<1x16xf32>
        tpu.vector_store %arg18[%swap3A_993, %swap3A_994], %swap3A_997 {strides = array<i32>} : memref<16x256xf32, #tpu.memory_space<vmem>>, vector<1x16xf32>,
        %swap3A_998 = arith.index_cast %scan3A_367 : i32 to index
        %swap3A_999 = arith.constant 240 : index
        %swap3A_1000 = tpu.vector_load %arg18[%swap3A_998, %swap3A_999] {strides = array<i32>} : memref<16x256xf32, #tpu.memory_space<vmem>>, vector<1x16xf32>,
        %swap3A_1001 = vector.shape_cast %swap3A_1000 : vector<1x16xf32> to vector<16xf32>
        %swap3A_1002 = vector.shape_cast %add3A_922 : vector<16xf32> to vector<1x16xf32>
        tpu.vector_store %arg18[%swap3A_998, %swap3A_999], %swap3A_1002 {strides = array<i32>} : memref<16x256xf32, #tpu.memory_space<vmem>>, vector<1x16xf32>,
      }
      %scan3A_309 = arith.constant 16 : i32
      %mul3A_310 = arith.constant 32 : i32
      %mul3A_311 = arith.muli %add3A_276, %mul3A_310 : i32
      %add3A_312 = arith.addi %mul3A_311, %add3A : i32
      %mul3A_313 = arith.constant 16 : i32
      %mul3A_314 = arith.muli %add3A_312, %mul3A_313 : i32
      %lt3A_315 = arith.constant 98000 : i32
      %lt3A_316 = arith.cmpi slt, %mul3A_314, %lt3A_315 : i32
      %convert_element_type3A_317 = arith.extui %lt3A_316 : i1 to i32
      %cond3A_318 = arith.constant 0 : i32
      %cond3A_319 = arith.cmpi ne, %convert_element_type3A_317, %cond3A_318 : i32
      scf.if %cond3A_319 {
        %dma_start3A_367 = arith.constant 0 : i32
        %dma_start3A_368 = tpu.memref_slice %arg5[%mul3A_314, %dma_start3A_367] : memref<98000x256xf32, #tpu.memory_space<hbm>> -> memref<16x256xf32, #tpu.memory_space<hbm>>
        %dma_start3A_369 = arith.constant 0 : i32
        %dma_start3A_370 = tpu.memref_slice %arg5[%mul3A_314, %dma_start3A_369] : memref<98000x256xf32, #tpu.memory_space<hbm>> -> memref<16x256xf32, #tpu.memory_space<hbm>>
        tpu.enqueue_dma source(%arg18 : memref<16x256xf32, #tpu.memory_space<vmem>>) target(%dma_start3A_370 : memref<16x256xf32, #tpu.memory_space<hbm>>) target_semaphore(%arg26 : memref<!tpu.dma_semaphore, #tpu.memory_space<semaphore_mem>>)
      } else {
      }
      %mul3A_320 = arith.constant 4 : i32
      %mul3A_321 = arith.muli %mul3A_320, %scan3A_181 : i32
      %add3A_322 = arith.constant 3 : i32
      %add3A_323 = arith.addi %mul3A_321, %add3A_322 : i32
      %add3A_324 = arith.constant 4 : i32
      %add3A_325 = arith.addi %add3A_323, %add3A_324 : i32
      %sub3A_326 = arith.constant 1 : i32
      %sub3A_327 = arith.subi %add3A_325, %sub3A_326 : i32
      %lt3A_328 = arith.constant 192 : i32
      %lt3A_329 = arith.cmpi slt, %sub3A_327, %lt3A_328 : i32
      %convert_element_type3A_330 = arith.extui %lt3A_329 : i1 to i32
      %cond3A_331 = arith.constant 0 : i32
      %cond3A_332 = arith.cmpi ne, %convert_element_type3A_330, %cond3A_331 : i32
      scf.if %cond3A_332 {
        %add3A_367 = arith.constant 4 : i32
        %add3A_368 = arith.addi %add3A_323, %add3A_367 : i32
        %sub3A_369 = arith.constant 1 : i32
        %sub3A_370 = arith.subi %add3A_368, %sub3A_369 : i32
        %mul3A_371 = arith.constant 16 : i32
        %mul3A_372 = arith.muli %sub3A_370, %mul3A_371 : i32
        %add3A_373 = arith.constant 0 : i32
        %add3A_374 = arith.addi %mul3A_372, %add3A_373 : i32
        %get3A_375 = arith.constant 0 : i32
        %get3A_376 = arith.index_cast %get3A_375 : i32 to index
        %get3A_377 = arith.index_cast %add3A_374 : i32 to index
        %get3A_378 = tpu.vector_load %arg6[%get3A_376, %get3A_377] {strides = array<i32>} : memref<4x3088xi32, #tpu.memory_space<vmem>>, vector<1x16xi32>,
        %get3A_379 = vector.shape_cast %get3A_378 : vector<1x16xi32> to vector<16xi32>
        %swap3A_380 = arith.constant 0 : index
        %swap3A_381 = tpu.vector_load %arg10[%swap3A_380] {strides = array<i32>} : memref<64xi32, #tpu.memory_space<vmem>>, vector<16xi32>,
        %swap3A_382 = vector.shape_cast %swap3A_381 : vector<16xi32> to vector<16xi32>
        %swap3A_383 = vector.shape_cast %get3A_379 : vector<16xi32> to vector<16xi32>
        tpu.vector_store %arg10[%swap3A_380], %swap3A_383 {strides = array<i32>} : memref<64xi32, #tpu.memory_space<vmem>>, vector<16xi32>,
        %mul3A_384 = arith.constant 16 : i32
        %mul3A_385 = arith.muli %sub3A_370, %mul3A_384 : i32
        %add3A_386 = arith.constant 0 : i32
        %add3A_387 = arith.addi %mul3A_385, %add3A_386 : i32
        %get3A_388 = arith.constant 1 : i32
        %get3A_389 = arith.index_cast %get3A_388 : i32 to index
        %get3A_390 = arith.index_cast %add3A_387 : i32 to index
        %get3A_391 = tpu.vector_load %arg6[%get3A_389, %get3A_390] {strides = array<i32>} : memref<4x3088xi32, #tpu.memory_space<vmem>>, vector<1x16xi32>,
        %get3A_392 = vector.shape_cast %get3A_391 : vector<1x16xi32> to vector<16xi32>
        %swap3A_393 = arith.constant 16 : index
        %swap3A_394 = tpu.vector_load %arg10[%swap3A_393] {strides = array<i32>} : memref<64xi32, #tpu.memory_space<vmem>>, vector<16xi32>,
        %swap3A_395 = vector.shape_cast %swap3A_394 : vector<16xi32> to vector<16xi32>
        %swap3A_396 = vector.shape_cast %get3A_392 : vector<16xi32> to vector<16xi32>
        tpu.vector_store %arg10[%swap3A_393], %swap3A_396 {strides = array<i32>} : memref<64xi32, #tpu.memory_space<vmem>>, vector<16xi32>,
        %mul3A_397 = arith.constant 16 : i32
        %mul3A_398 = arith.muli %sub3A_370, %mul3A_397 : i32
        %add3A_399 = arith.constant 0 : i32
        %add3A_400 = arith.addi %mul3A_398, %add3A_399 : i32
        %get3A_401 = arith.constant 2 : i32
        %get3A_402 = arith.index_cast %get3A_401 : i32 to index
        %get3A_403 = arith.index_cast %add3A_400 : i32 to index
        %get3A_404 = tpu.vector_load %arg6[%get3A_402, %get3A_403] {strides = array<i32>} : memref<4x3088xi32, #tpu.memory_space<vmem>>, vector<1x16xi32>,
        %get3A_405 = vector.shape_cast %get3A_404 : vector<1x16xi32> to vector<16xi32>
        %swap3A_406 = arith.constant 32 : index
        %swap3A_407 = tpu.vector_load %arg10[%swap3A_406] {strides = array<i32>} : memref<64xi32, #tpu.memory_space<vmem>>, vector<16xi32>,
        %swap3A_408 = vector.shape_cast %swap3A_407 : vector<16xi32> to vector<16xi32>
        %swap3A_409 = vector.shape_cast %get3A_405 : vector<16xi32> to vector<16xi32>
        tpu.vector_store %arg10[%swap3A_406], %swap3A_409 {strides = array<i32>} : memref<64xi32, #tpu.memory_space<vmem>>, vector<16xi32>,
        %mul3A_410 = arith.constant 16 : i32
        %mul3A_411 = arith.muli %sub3A_370, %mul3A_410 : i32
        %add3A_412 = arith.constant 0 : i32
        %add3A_413 = arith.addi %mul3A_411, %add3A_412 : i32
        %get3A_414 = arith.constant 3 : i32
        %get3A_415 = arith.index_cast %get3A_414 : i32 to index
        %get3A_416 = arith.index_cast %add3A_413 : i32 to index
        %get3A_417 = tpu.vector_load %arg6[%get3A_415, %get3A_416] {strides = array<i32>} : memref<4x3088xi32, #tpu.memory_space<vmem>>, vector<1x16xi32>,
        %get3A_418 = vector.shape_cast %get3A_417 : vector<1x16xi32> to vector<16xi32>
        %swap3A_419 = arith.constant 48 : index
        %swap3A_420 = tpu.vector_load %arg10[%swap3A_419] {strides = array<i32>} : memref<64xi32, #tpu.memory_space<vmem>>, vector<16xi32>,
        %swap3A_421 = vector.shape_cast %swap3A_420 : vector<16xi32> to vector<16xi32>
        %swap3A_422 = vector.shape_cast %get3A_418 : vector<16xi32> to vector<16xi32>
        tpu.vector_store %arg10[%swap3A_419], %swap3A_422 {strides = array<i32>} : memref<64xi32, #tpu.memory_space<vmem>>, vector<16xi32>,
        %dma_start3A_423 = arith.constant 0 : i32
        %dma_start3A_424 = arith.constant 0 : i32
        %dma_start3A_425 = tpu.memref_slice %arg4[%dma_start3A_423, %dma_start3A_424] : memref<10912x256xf32, #tpu.memory_space<hbm>> -> memref<10912x256xf32, #tpu.memory_space<hbm>>
        tpu.enqueue_indirect_dma source(%dma_start3A_425 : memref<10912x256xf32, #tpu.memory_space<hbm>>) target(%arg14 : memref<64x256xf32, #tpu.memory_space<vmem>>) offsets(%arg10 : memref<64xi32, #tpu.memory_space<vmem>>) semaphore(%arg22 : memref<!tpu.dma_semaphore, #tpu.memory_space<semaphore_mem>>)
      } else {
      }
      %dma_wait3A_333 = arith.constant 0 : i32
      %dma_wait3A_334 = arith.constant 0 : i32
      %dma_wait3A_335 = tpu.memref_slice %arg4[%dma_wait3A_333, %dma_wait3A_334] : memref<10912x256xf32, #tpu.memory_space<hbm>> -> memref<10912x256xf32, #tpu.memory_space<hbm>>
      tpu.wait_indirect_dma semaphore(%arg23 : memref<!tpu.dma_semaphore, #tpu.memory_space<semaphore_mem>>) src(%dma_wait3A_335 : memref<10912x256xf32, #tpu.memory_space<hbm>>) dst(%arg15 : memref<64x256xf32, #tpu.memory_space<vmem>>)
      %sub3A_336 = arith.constant 4 : i32
      %sub3A_337 = arith.subi %add3A_323, %sub3A_336 : i32
      %mul3A_338 = arith.constant 32 : i32
      %mul3A_339 = arith.muli %sub3A_337, %mul3A_338 : i32
      %add3A_340 = arith.addi %mul3A_339, %add3A : i32
      %mul3A_341 = arith.constant 16 : i32
      %mul3A_342 = arith.muli %add3A_340, %mul3A_341 : i32
      %ge3A_343 = arith.constant 0 : i32
      %ge3A_344 = arith.cmpi sge, %sub3A_337, %ge3A_343 : i32
      %lt3A_345 = arith.constant 98000 : i32
      %lt3A_346 = arith.cmpi slt, %mul3A_342, %lt3A_345 : i32
      %and3A_347 = arith.andi %ge3A_344, %lt3A_346 : i1
      %convert_element_type3A_348 = arith.extui %and3A_347 : i1 to i32
      %cond3A_349 = arith.constant 0 : i32
      %cond3A_350 = arith.cmpi ne, %convert_element_type3A_348, %cond3A_349 : i32
      scf.if %cond3A_350 {
        %dma_wait3A_367 = arith.constant 0 : i32
        %dma_wait3A_368 = tpu.memref_slice %arg5[%mul3A_342, %dma_wait3A_367] : memref<98000x256xf32, #tpu.memory_space<hbm>> -> memref<16x256xf32, #tpu.memory_space<hbm>>
        %dma_wait3A_369 = arith.constant 0 : i32
        %dma_wait3A_370 = tpu.memref_slice %arg5[%mul3A_342, %dma_wait3A_369] : memref<98000x256xf32, #tpu.memory_space<hbm>> -> memref<16x256xf32, #tpu.memory_space<hbm>>
        tpu.wait_dma2 semaphore(%arg27 : memref<!tpu.dma_semaphore, #tpu.memory_space<semaphore_mem>>) src(%arg19 : memref<16x256xf32, #tpu.memory_space<vmem>>) dst(%dma_wait3A_370 : memref<16x256xf32, #tpu.memory_space<hbm>>)
      } else {
      }
      %scan3A_351 = arith.constant 0 : i32
      %scan3A_352 = arith.constant 0 : i32
      %scan3A_353 = arith.constant 16 : i32
      %scan3A_354 = arith.addi %scan3A_352, %scan3A_353 : i32
      %scan3A_355 = arith.constant 1 : i32
      scf.for %scan3A_367 = %scan3A_352 to %scan3A_354 step %scan3A_355  : i32 {
        %broadcast_in_dim3A = arith.constant 0.000000e+00 : f32
        %broadcast_in_dim3A_368 = vector.broadcast %broadcast_in_dim3A : f32 to vector<16xf32>
        %mul3A_369 = arith.constant 16 : i32
        %mul3A_370 = arith.muli %add3A_323, %mul3A_369 : i32
        %add3A_371 = arith.constant 0 : i32
        %add3A_372 = arith.addi %add3A_371, %mul3A_370 : i32
        %add3A_373 = arith.addi %add3A_372, %scan3A_367 : i32
        %get3A_374 = arith.index_cast %add3A_373 : i32 to index
        %get3A_375 = tpu.vector_load %arg7[%get3A_374] {strides = array<i32>} : memref<12304xf32, #tpu.memory_space<vmem>>, vector<16xf32>,
        %get3A_376 = vector.shape_cast %get3A_375 : vector<16xf32> to vector<16xf32>
        %slice3A = vector.extract_strided_slice %get3A_376 {offsets = [0], sizes = [1], strides = [1]} : vector<16xf32> to vector<1xf32>
        %squeeze3A = vector.extract %slice3A[0] : f32 from vector<1xf32>
        %broadcast_in_dim3A_377 = vector.broadcast %squeeze3A : f32 to vector<16xf32>
        %add3A_378 = arith.constant 0 : i32
        %add3A_379 = arith.addi %add3A_378, %scan3A_367 : i32
        %get3A_380 = arith.index_cast %add3A_379 : i32 to index
        %get3A_381 = arith.constant 0 : index
        %get3A_382 = tpu.vector_load %arg15[%get3A_380, %get3A_381] {strides = array<i32>} : memref<64x256xf32, #tpu.memory_space<vmem>>, vector<1x16xf32>,
        %get3A_383 = vector.shape_cast %get3A_382 : vector<1x16xf32> to vector<16xf32>
        %mul3A_384 = arith.mulf %get3A_383, %broadcast_in_dim3A_377 : vector<16xf32>
        %add3A_385 = arith.addf %broadcast_in_dim3A_368, %mul3A_384 : vector<16xf32>
        %add3A_386 = arith.constant 0 : i32
        %add3A_387 = arith.addi %add3A_386, %scan3A_367 : i32
        %get3A_388 = arith.index_cast %add3A_387 : i32 to index
        %get3A_389 = arith.constant 16 : index
        %get3A_390 = tpu.vector_load %arg15[%get3A_388, %get3A_389] {strides = array<i32>} : memref<64x256xf32, #tpu.memory_space<vmem>>, vector<1x16xf32>,
        %get3A_391 = vector.shape_cast %get3A_390 : vector<1x16xf32> to vector<16xf32>
        %mul3A_392 = arith.mulf %get3A_391, %broadcast_in_dim3A_377 : vector<16xf32>
        %add3A_393 = arith.addf %broadcast_in_dim3A_368, %mul3A_392 : vector<16xf32>
        %add3A_394 = arith.constant 0 : i32
        %add3A_395 = arith.addi %add3A_394, %scan3A_367 : i32
        %get3A_396 = arith.index_cast %add3A_395 : i32 to index
        %get3A_397 = arith.constant 32 : index
        %get3A_398 = tpu.vector_load %arg15[%get3A_396, %get3A_397] {strides = array<i32>} : memref<64x256xf32, #tpu.memory_space<vmem>>, vector<1x16xf32>,
        %get3A_399 = vector.shape_cast %get3A_398 : vector<1x16xf32> to vector<16xf32>
        %mul3A_400 = arith.mulf %get3A_399, %broadcast_in_dim3A_377 : vector<16xf32>
        %add3A_401 = arith.addf %broadcast_in_dim3A_368, %mul3A_400 : vector<16xf32>
        %add3A_402 = arith.constant 0 : i32
        %add3A_403 = arith.addi %add3A_402, %scan3A_367 : i32
        %get3A_404 = arith.index_cast %add3A_403 : i32 to index
        %get3A_405 = arith.constant 48 : index
        %get3A_406 = tpu.vector_load %arg15[%get3A_404, %get3A_405] {strides = array<i32>} : memref<64x256xf32, #tpu.memory_space<vmem>>, vector<1x16xf32>,
        %get3A_407 = vector.shape_cast %get3A_406 : vector<1x16xf32> to vector<16xf32>
        %mul3A_408 = arith.mulf %get3A_407, %broadcast_in_dim3A_377 : vector<16xf32>
        %add3A_409 = arith.addf %broadcast_in_dim3A_368, %mul3A_408 : vector<16xf32>
        %add3A_410 = arith.constant 0 : i32
        %add3A_411 = arith.addi %add3A_410, %scan3A_367 : i32
        %get3A_412 = arith.index_cast %add3A_411 : i32 to index
        %get3A_413 = arith.constant 64 : index
        %get3A_414 = tpu.vector_load %arg15[%get3A_412, %get3A_413] {strides = array<i32>} : memref<64x256xf32, #tpu.memory_space<vmem>>, vector<1x16xf32>,
        %get3A_415 = vector.shape_cast %get3A_414 : vector<1x16xf32> to vector<16xf32>
        %mul3A_416 = arith.mulf %get3A_415, %broadcast_in_dim3A_377 : vector<16xf32>
        %add3A_417 = arith.addf %broadcast_in_dim3A_368, %mul3A_416 : vector<16xf32>
        %add3A_418 = arith.constant 0 : i32
        %add3A_419 = arith.addi %add3A_418, %scan3A_367 : i32
        %get3A_420 = arith.index_cast %add3A_419 : i32 to index
        %get3A_421 = arith.constant 80 : index
        %get3A_422 = tpu.vector_load %arg15[%get3A_420, %get3A_421] {strides = array<i32>} : memref<64x256xf32, #tpu.memory_space<vmem>>, vector<1x16xf32>,
        %get3A_423 = vector.shape_cast %get3A_422 : vector<1x16xf32> to vector<16xf32>
        %mul3A_424 = arith.mulf %get3A_423, %broadcast_in_dim3A_377 : vector<16xf32>
        %add3A_425 = arith.addf %broadcast_in_dim3A_368, %mul3A_424 : vector<16xf32>
        %add3A_426 = arith.constant 0 : i32
        %add3A_427 = arith.addi %add3A_426, %scan3A_367 : i32
        %get3A_428 = arith.index_cast %add3A_427 : i32 to index
        %get3A_429 = arith.constant 96 : index
        %get3A_430 = tpu.vector_load %arg15[%get3A_428, %get3A_429] {strides = array<i32>} : memref<64x256xf32, #tpu.memory_space<vmem>>, vector<1x16xf32>,
        %get3A_431 = vector.shape_cast %get3A_430 : vector<1x16xf32> to vector<16xf32>
        %mul3A_432 = arith.mulf %get3A_431, %broadcast_in_dim3A_377 : vector<16xf32>
        %add3A_433 = arith.addf %broadcast_in_dim3A_368, %mul3A_432 : vector<16xf32>
        %add3A_434 = arith.constant 0 : i32
        %add3A_435 = arith.addi %add3A_434, %scan3A_367 : i32
        %get3A_436 = arith.index_cast %add3A_435 : i32 to index
        %get3A_437 = arith.constant 112 : index
        %get3A_438 = tpu.vector_load %arg15[%get3A_436, %get3A_437] {strides = array<i32>} : memref<64x256xf32, #tpu.memory_space<vmem>>, vector<1x16xf32>,
        %get3A_439 = vector.shape_cast %get3A_438 : vector<1x16xf32> to vector<16xf32>
        %mul3A_440 = arith.mulf %get3A_439, %broadcast_in_dim3A_377 : vector<16xf32>
        %add3A_441 = arith.addf %broadcast_in_dim3A_368, %mul3A_440 : vector<16xf32>
        %add3A_442 = arith.constant 0 : i32
        %add3A_443 = arith.addi %add3A_442, %scan3A_367 : i32
        %get3A_444 = arith.index_cast %add3A_443 : i32 to index
        %get3A_445 = arith.constant 128 : index
        %get3A_446 = tpu.vector_load %arg15[%get3A_444, %get3A_445] {strides = array<i32>} : memref<64x256xf32, #tpu.memory_space<vmem>>, vector<1x16xf32>,
        %get3A_447 = vector.shape_cast %get3A_446 : vector<1x16xf32> to vector<16xf32>
        %mul3A_448 = arith.mulf %get3A_447, %broadcast_in_dim3A_377 : vector<16xf32>
        %add3A_449 = arith.addf %broadcast_in_dim3A_368, %mul3A_448 : vector<16xf32>
        %add3A_450 = arith.constant 0 : i32
        %add3A_451 = arith.addi %add3A_450, %scan3A_367 : i32
        %get3A_452 = arith.index_cast %add3A_451 : i32 to index
        %get3A_453 = arith.constant 144 : index
        %get3A_454 = tpu.vector_load %arg15[%get3A_452, %get3A_453] {strides = array<i32>} : memref<64x256xf32, #tpu.memory_space<vmem>>, vector<1x16xf32>,
        %get3A_455 = vector.shape_cast %get3A_454 : vector<1x16xf32> to vector<16xf32>
        %mul3A_456 = arith.mulf %get3A_455, %broadcast_in_dim3A_377 : vector<16xf32>
        %add3A_457 = arith.addf %broadcast_in_dim3A_368, %mul3A_456 : vector<16xf32>
        %add3A_458 = arith.constant 0 : i32
        %add3A_459 = arith.addi %add3A_458, %scan3A_367 : i32
        %get3A_460 = arith.index_cast %add3A_459 : i32 to index
        %get3A_461 = arith.constant 160 : index
        %get3A_462 = tpu.vector_load %arg15[%get3A_460, %get3A_461] {strides = array<i32>} : memref<64x256xf32, #tpu.memory_space<vmem>>, vector<1x16xf32>,
        %get3A_463 = vector.shape_cast %get3A_462 : vector<1x16xf32> to vector<16xf32>
        %mul3A_464 = arith.mulf %get3A_463, %broadcast_in_dim3A_377 : vector<16xf32>
        %add3A_465 = arith.addf %broadcast_in_dim3A_368, %mul3A_464 : vector<16xf32>
        %add3A_466 = arith.constant 0 : i32
        %add3A_467 = arith.addi %add3A_466, %scan3A_367 : i32
        %get3A_468 = arith.index_cast %add3A_467 : i32 to index
        %get3A_469 = arith.constant 176 : index
        %get3A_470 = tpu.vector_load %arg15[%get3A_468, %get3A_469] {strides = array<i32>} : memref<64x256xf32, #tpu.memory_space<vmem>>, vector<1x16xf32>,
        %get3A_471 = vector.shape_cast %get3A_470 : vector<1x16xf32> to vector<16xf32>
        %mul3A_472 = arith.mulf %get3A_471, %broadcast_in_dim3A_377 : vector<16xf32>
        %add3A_473 = arith.addf %broadcast_in_dim3A_368, %mul3A_472 : vector<16xf32>
        %add3A_474 = arith.constant 0 : i32
        %add3A_475 = arith.addi %add3A_474, %scan3A_367 : i32
        %get3A_476 = arith.index_cast %add3A_475 : i32 to index
        %get3A_477 = arith.constant 192 : index
        %get3A_478 = tpu.vector_load %arg15[%get3A_476, %get3A_477] {strides = array<i32>} : memref<64x256xf32, #tpu.memory_space<vmem>>, vector<1x16xf32>,
        %get3A_479 = vector.shape_cast %get3A_478 : vector<1x16xf32> to vector<16xf32>
        %mul3A_480 = arith.mulf %get3A_479, %broadcast_in_dim3A_377 : vector<16xf32>
        %add3A_481 = arith.addf %broadcast_in_dim3A_368, %mul3A_480 : vector<16xf32>
        %add3A_482 = arith.constant 0 : i32
        %add3A_483 = arith.addi %add3A_482, %scan3A_367 : i32
        %get3A_484 = arith.index_cast %add3A_483 : i32 to index
        %get3A_485 = arith.constant 208 : index
        %get3A_486 = tpu.vector_load %arg15[%get3A_484, %get3A_485] {strides = array<i32>} : memref<64x256xf32, #tpu.memory_space<vmem>>, vector<1x16xf32>,
        %get3A_487 = vector.shape_cast %get3A_486 : vector<1x16xf32> to vector<16xf32>
        %mul3A_488 = arith.mulf %get3A_487, %broadcast_in_dim3A_377 : vector<16xf32>
        %add3A_489 = arith.addf %broadcast_in_dim3A_368, %mul3A_488 : vector<16xf32>
        %add3A_490 = arith.constant 0 : i32
        %add3A_491 = arith.addi %add3A_490, %scan3A_367 : i32
        %get3A_492 = arith.index_cast %add3A_491 : i32 to index
        %get3A_493 = arith.constant 224 : index
        %get3A_494 = tpu.vector_load %arg15[%get3A_492, %get3A_493] {strides = array<i32>} : memref<64x256xf32, #tpu.memory_space<vmem>>, vector<1x16xf32>,
        %get3A_495 = vector.shape_cast %get3A_494 : vector<1x16xf32> to vector<16xf32>
        %mul3A_496 = arith.mulf %get3A_495, %broadcast_in_dim3A_377 : vector<16xf32>
        %add3A_497 = arith.addf %broadcast_in_dim3A_368, %mul3A_496 : vector<16xf32>
        %add3A_498 = arith.constant 0 : i32
        %add3A_499 = arith.addi %add3A_498, %scan3A_367 : i32
        %get3A_500 = arith.index_cast %add3A_499 : i32 to index
        %get3A_501 = arith.constant 240 : index
        %get3A_502 = tpu.vector_load %arg15[%get3A_500, %get3A_501] {strides = array<i32>} : memref<64x256xf32, #tpu.memory_space<vmem>>, vector<1x16xf32>,
        %get3A_503 = vector.shape_cast %get3A_502 : vector<1x16xf32> to vector<16xf32>
        %mul3A_504 = arith.mulf %get3A_503, %broadcast_in_dim3A_377 : vector<16xf32>
        %add3A_505 = arith.addf %broadcast_in_dim3A_368, %mul3A_504 : vector<16xf32>
        %mul3A_506 = arith.constant 16 : i32
        %mul3A_507 = arith.muli %add3A_323, %mul3A_506 : i32
        %add3A_508 = arith.constant 3072 : i32
        %add3A_509 = arith.addi %add3A_508, %mul3A_507 : i32
        %add3A_510 = arith.addi %add3A_509, %scan3A_367 : i32
        %get3A_511 = arith.index_cast %add3A_510 : i32 to index
        %get3A_512 = tpu.vector_load %arg7[%get3A_511] {strides = array<i32>} : memref<12304xf32, #tpu.memory_space<vmem>>, vector<16xf32>,
        %get3A_513 = vector.shape_cast %get3A_512 : vector<16xf32> to vector<16xf32>
        %slice3A_514 = vector.extract_strided_slice %get3A_513 {offsets = [0], sizes = [1], strides = [1]} : vector<16xf32> to vector<1xf32>
        %squeeze3A_515 = vector.extract %slice3A_514[0] : f32 from vector<1xf32>
        %broadcast_in_dim3A_516 = vector.broadcast %squeeze3A_515 : f32 to vector<16xf32>
        %add3A_517 = arith.constant 16 : i32
        %add3A_518 = arith.addi %add3A_517, %scan3A_367 : i32
        %get3A_519 = arith.index_cast %add3A_518 : i32 to index
        %get3A_520 = arith.constant 0 : index
        %get3A_521 = tpu.vector_load %arg15[%get3A_519, %get3A_520] {strides = array<i32>} : memref<64x256xf32, #tpu.memory_space<vmem>>, vector<1x16xf32>,
        %get3A_522 = vector.shape_cast %get3A_521 : vector<1x16xf32> to vector<16xf32>
        %mul3A_523 = arith.mulf %get3A_522, %broadcast_in_dim3A_516 : vector<16xf32>
        %add3A_524 = arith.addf %add3A_385, %mul3A_523 : vector<16xf32>
        %add3A_525 = arith.constant 16 : i32
        %add3A_526 = arith.addi %add3A_525, %scan3A_367 : i32
        %get3A_527 = arith.index_cast %add3A_526 : i32 to index
        %get3A_528 = arith.constant 16 : index
        %get3A_529 = tpu.vector_load %arg15[%get3A_527, %get3A_528] {strides = array<i32>} : memref<64x256xf32, #tpu.memory_space<vmem>>, vector<1x16xf32>,
        %get3A_530 = vector.shape_cast %get3A_529 : vector<1x16xf32> to vector<16xf32>
        %mul3A_531 = arith.mulf %get3A_530, %broadcast_in_dim3A_516 : vector<16xf32>
        %add3A_532 = arith.addf %add3A_393, %mul3A_531 : vector<16xf32>
        %add3A_533 = arith.constant 16 : i32
        %add3A_534 = arith.addi %add3A_533, %scan3A_367 : i32
        %get3A_535 = arith.index_cast %add3A_534 : i32 to index
        %get3A_536 = arith.constant 32 : index
        %get3A_537 = tpu.vector_load %arg15[%get3A_535, %get3A_536] {strides = array<i32>} : memref<64x256xf32, #tpu.memory_space<vmem>>, vector<1x16xf32>,
        %get3A_538 = vector.shape_cast %get3A_537 : vector<1x16xf32> to vector<16xf32>
        %mul3A_539 = arith.mulf %get3A_538, %broadcast_in_dim3A_516 : vector<16xf32>
        %add3A_540 = arith.addf %add3A_401, %mul3A_539 : vector<16xf32>
        %add3A_541 = arith.constant 16 : i32
        %add3A_542 = arith.addi %add3A_541, %scan3A_367 : i32
        %get3A_543 = arith.index_cast %add3A_542 : i32 to index
        %get3A_544 = arith.constant 48 : index
        %get3A_545 = tpu.vector_load %arg15[%get3A_543, %get3A_544] {strides = array<i32>} : memref<64x256xf32, #tpu.memory_space<vmem>>, vector<1x16xf32>,
        %get3A_546 = vector.shape_cast %get3A_545 : vector<1x16xf32> to vector<16xf32>
        %mul3A_547 = arith.mulf %get3A_546, %broadcast_in_dim3A_516 : vector<16xf32>
        %add3A_548 = arith.addf %add3A_409, %mul3A_547 : vector<16xf32>
        %add3A_549 = arith.constant 16 : i32
        %add3A_550 = arith.addi %add3A_549, %scan3A_367 : i32
        %get3A_551 = arith.index_cast %add3A_550 : i32 to index
        %get3A_552 = arith.constant 64 : index
        %get3A_553 = tpu.vector_load %arg15[%get3A_551, %get3A_552] {strides = array<i32>} : memref<64x256xf32, #tpu.memory_space<vmem>>, vector<1x16xf32>,
        %get3A_554 = vector.shape_cast %get3A_553 : vector<1x16xf32> to vector<16xf32>
        %mul3A_555 = arith.mulf %get3A_554, %broadcast_in_dim3A_516 : vector<16xf32>
        %add3A_556 = arith.addf %add3A_417, %mul3A_555 : vector<16xf32>
        %add3A_557 = arith.constant 16 : i32
        %add3A_558 = arith.addi %add3A_557, %scan3A_367 : i32
        %get3A_559 = arith.index_cast %add3A_558 : i32 to index
        %get3A_560 = arith.constant 80 : index
        %get3A_561 = tpu.vector_load %arg15[%get3A_559, %get3A_560] {strides = array<i32>} : memref<64x256xf32, #tpu.memory_space<vmem>>, vector<1x16xf32>,
        %get3A_562 = vector.shape_cast %get3A_561 : vector<1x16xf32> to vector<16xf32>
        %mul3A_563 = arith.mulf %get3A_562, %broadcast_in_dim3A_516 : vector<16xf32>
        %add3A_564 = arith.addf %add3A_425, %mul3A_563 : vector<16xf32>
        %add3A_565 = arith.constant 16 : i32
        %add3A_566 = arith.addi %add3A_565, %scan3A_367 : i32
        %get3A_567 = arith.index_cast %add3A_566 : i32 to index
        %get3A_568 = arith.constant 96 : index
        %get3A_569 = tpu.vector_load %arg15[%get3A_567, %get3A_568] {strides = array<i32>} : memref<64x256xf32, #tpu.memory_space<vmem>>, vector<1x16xf32>,
        %get3A_570 = vector.shape_cast %get3A_569 : vector<1x16xf32> to vector<16xf32>
        %mul3A_571 = arith.mulf %get3A_570, %broadcast_in_dim3A_516 : vector<16xf32>
        %add3A_572 = arith.addf %add3A_433, %mul3A_571 : vector<16xf32>
        %add3A_573 = arith.constant 16 : i32
        %add3A_574 = arith.addi %add3A_573, %scan3A_367 : i32
        %get3A_575 = arith.index_cast %add3A_574 : i32 to index
        %get3A_576 = arith.constant 112 : index
        %get3A_577 = tpu.vector_load %arg15[%get3A_575, %get3A_576] {strides = array<i32>} : memref<64x256xf32, #tpu.memory_space<vmem>>, vector<1x16xf32>,
        %get3A_578 = vector.shape_cast %get3A_577 : vector<1x16xf32> to vector<16xf32>
        %mul3A_579 = arith.mulf %get3A_578, %broadcast_in_dim3A_516 : vector<16xf32>
        %add3A_580 = arith.addf %add3A_441, %mul3A_579 : vector<16xf32>
        %add3A_581 = arith.constant 16 : i32
        %add3A_582 = arith.addi %add3A_581, %scan3A_367 : i32
        %get3A_583 = arith.index_cast %add3A_582 : i32 to index
        %get3A_584 = arith.constant 128 : index
        %get3A_585 = tpu.vector_load %arg15[%get3A_583, %get3A_584] {strides = array<i32>} : memref<64x256xf32, #tpu.memory_space<vmem>>, vector<1x16xf32>,
        %get3A_586 = vector.shape_cast %get3A_585 : vector<1x16xf32> to vector<16xf32>
        %mul3A_587 = arith.mulf %get3A_586, %broadcast_in_dim3A_516 : vector<16xf32>
        %add3A_588 = arith.addf %add3A_449, %mul3A_587 : vector<16xf32>
        %add3A_589 = arith.constant 16 : i32
        %add3A_590 = arith.addi %add3A_589, %scan3A_367 : i32
        %get3A_591 = arith.index_cast %add3A_590 : i32 to index
        %get3A_592 = arith.constant 144 : index
        %get3A_593 = tpu.vector_load %arg15[%get3A_591, %get3A_592] {strides = array<i32>} : memref<64x256xf32, #tpu.memory_space<vmem>>, vector<1x16xf32>,
        %get3A_594 = vector.shape_cast %get3A_593 : vector<1x16xf32> to vector<16xf32>
        %mul3A_595 = arith.mulf %get3A_594, %broadcast_in_dim3A_516 : vector<16xf32>
        %add3A_596 = arith.addf %add3A_457, %mul3A_595 : vector<16xf32>
        %add3A_597 = arith.constant 16 : i32
        %add3A_598 = arith.addi %add3A_597, %scan3A_367 : i32
        %get3A_599 = arith.index_cast %add3A_598 : i32 to index
        %get3A_600 = arith.constant 160 : index
        %get3A_601 = tpu.vector_load %arg15[%get3A_599, %get3A_600] {strides = array<i32>} : memref<64x256xf32, #tpu.memory_space<vmem>>, vector<1x16xf32>,
        %get3A_602 = vector.shape_cast %get3A_601 : vector<1x16xf32> to vector<16xf32>
        %mul3A_603 = arith.mulf %get3A_602, %broadcast_in_dim3A_516 : vector<16xf32>
        %add3A_604 = arith.addf %add3A_465, %mul3A_603 : vector<16xf32>
        %add3A_605 = arith.constant 16 : i32
        %add3A_606 = arith.addi %add3A_605, %scan3A_367 : i32
        %get3A_607 = arith.index_cast %add3A_606 : i32 to index
        %get3A_608 = arith.constant 176 : index
        %get3A_609 = tpu.vector_load %arg15[%get3A_607, %get3A_608] {strides = array<i32>} : memref<64x256xf32, #tpu.memory_space<vmem>>, vector<1x16xf32>,
        %get3A_610 = vector.shape_cast %get3A_609 : vector<1x16xf32> to vector<16xf32>
        %mul3A_611 = arith.mulf %get3A_610, %broadcast_in_dim3A_516 : vector<16xf32>
        %add3A_612 = arith.addf %add3A_473, %mul3A_611 : vector<16xf32>
        %add3A_613 = arith.constant 16 : i32
        %add3A_614 = arith.addi %add3A_613, %scan3A_367 : i32
        %get3A_615 = arith.index_cast %add3A_614 : i32 to index
        %get3A_616 = arith.constant 192 : index
        %get3A_617 = tpu.vector_load %arg15[%get3A_615, %get3A_616] {strides = array<i32>} : memref<64x256xf32, #tpu.memory_space<vmem>>, vector<1x16xf32>,
        %get3A_618 = vector.shape_cast %get3A_617 : vector<1x16xf32> to vector<16xf32>
        %mul3A_619 = arith.mulf %get3A_618, %broadcast_in_dim3A_516 : vector<16xf32>
        %add3A_620 = arith.addf %add3A_481, %mul3A_619 : vector<16xf32>
        %add3A_621 = arith.constant 16 : i32
        %add3A_622 = arith.addi %add3A_621, %scan3A_367 : i32
        %get3A_623 = arith.index_cast %add3A_622 : i32 to index
        %get3A_624 = arith.constant 208 : index
        %get3A_625 = tpu.vector_load %arg15[%get3A_623, %get3A_624] {strides = array<i32>} : memref<64x256xf32, #tpu.memory_space<vmem>>, vector<1x16xf32>,
        %get3A_626 = vector.shape_cast %get3A_625 : vector<1x16xf32> to vector<16xf32>
        %mul3A_627 = arith.mulf %get3A_626, %broadcast_in_dim3A_516 : vector<16xf32>
        %add3A_628 = arith.addf %add3A_489, %mul3A_627 : vector<16xf32>
        %add3A_629 = arith.constant 16 : i32
        %add3A_630 = arith.addi %add3A_629, %scan3A_367 : i32
        %get3A_631 = arith.index_cast %add3A_630 : i32 to index
        %get3A_632 = arith.constant 224 : index
        %get3A_633 = tpu.vector_load %arg15[%get3A_631, %get3A_632] {strides = array<i32>} : memref<64x256xf32, #tpu.memory_space<vmem>>, vector<1x16xf32>,
        %get3A_634 = vector.shape_cast %get3A_633 : vector<1x16xf32> to vector<16xf32>
        %mul3A_635 = arith.mulf %get3A_634, %broadcast_in_dim3A_516 : vector<16xf32>
        %add3A_636 = arith.addf %add3A_497, %mul3A_635 : vector<16xf32>
        %add3A_637 = arith.constant 16 : i32
        %add3A_638 = arith.addi %add3A_637, %scan3A_367 : i32
        %get3A_639 = arith.index_cast %add3A_638 : i32 to index
        %get3A_640 = arith.constant 240 : index
        %get3A_641 = tpu.vector_load %arg15[%get3A_639, %get3A_640] {strides = array<i32>} : memref<64x256xf32, #tpu.memory_space<vmem>>, vector<1x16xf32>,
        %get3A_642 = vector.shape_cast %get3A_641 : vector<1x16xf32> to vector<16xf32>
        %mul3A_643 = arith.mulf %get3A_642, %broadcast_in_dim3A_516 : vector<16xf32>
        %add3A_644 = arith.addf %add3A_505, %mul3A_643 : vector<16xf32>
        %mul3A_645 = arith.constant 16 : i32
        %mul3A_646 = arith.muli %add3A_323, %mul3A_645 : i32
        %add3A_647 = arith.constant 6144 : i32
        %add3A_648 = arith.addi %add3A_647, %mul3A_646 : i32
        %add3A_649 = arith.addi %add3A_648, %scan3A_367 : i32
        %get3A_650 = arith.index_cast %add3A_649 : i32 to index
        %get3A_651 = tpu.vector_load %arg7[%get3A_650] {strides = array<i32>} : memref<12304xf32, #tpu.memory_space<vmem>>, vector<16xf32>,
        %get3A_652 = vector.shape_cast %get3A_651 : vector<16xf32> to vector<16xf32>
        %slice3A_653 = vector.extract_strided_slice %get3A_652 {offsets = [0], sizes = [1], strides = [1]} : vector<16xf32> to vector<1xf32>
        %squeeze3A_654 = vector.extract %slice3A_653[0] : f32 from vector<1xf32>
        %broadcast_in_dim3A_655 = vector.broadcast %squeeze3A_654 : f32 to vector<16xf32>
        %add3A_656 = arith.constant 32 : i32
        %add3A_657 = arith.addi %add3A_656, %scan3A_367 : i32
        %get3A_658 = arith.index_cast %add3A_657 : i32 to index
        %get3A_659 = arith.constant 0 : index
        %get3A_660 = tpu.vector_load %arg15[%get3A_658, %get3A_659] {strides = array<i32>} : memref<64x256xf32, #tpu.memory_space<vmem>>, vector<1x16xf32>,
        %get3A_661 = vector.shape_cast %get3A_660 : vector<1x16xf32> to vector<16xf32>
        %mul3A_662 = arith.mulf %get3A_661, %broadcast_in_dim3A_655 : vector<16xf32>
        %add3A_663 = arith.addf %add3A_524, %mul3A_662 : vector<16xf32>
        %add3A_664 = arith.constant 32 : i32
        %add3A_665 = arith.addi %add3A_664, %scan3A_367 : i32
        %get3A_666 = arith.index_cast %add3A_665 : i32 to index
        %get3A_667 = arith.constant 16 : index
        %get3A_668 = tpu.vector_load %arg15[%get3A_666, %get3A_667] {strides = array<i32>} : memref<64x256xf32, #tpu.memory_space<vmem>>, vector<1x16xf32>,
        %get3A_669 = vector.shape_cast %get3A_668 : vector<1x16xf32> to vector<16xf32>
        %mul3A_670 = arith.mulf %get3A_669, %broadcast_in_dim3A_655 : vector<16xf32>
        %add3A_671 = arith.addf %add3A_532, %mul3A_670 : vector<16xf32>
        %add3A_672 = arith.constant 32 : i32
        %add3A_673 = arith.addi %add3A_672, %scan3A_367 : i32
        %get3A_674 = arith.index_cast %add3A_673 : i32 to index
        %get3A_675 = arith.constant 32 : index
        %get3A_676 = tpu.vector_load %arg15[%get3A_674, %get3A_675] {strides = array<i32>} : memref<64x256xf32, #tpu.memory_space<vmem>>, vector<1x16xf32>,
        %get3A_677 = vector.shape_cast %get3A_676 : vector<1x16xf32> to vector<16xf32>
        %mul3A_678 = arith.mulf %get3A_677, %broadcast_in_dim3A_655 : vector<16xf32>
        %add3A_679 = arith.addf %add3A_540, %mul3A_678 : vector<16xf32>
        %add3A_680 = arith.constant 32 : i32
        %add3A_681 = arith.addi %add3A_680, %scan3A_367 : i32
        %get3A_682 = arith.index_cast %add3A_681 : i32 to index
        %get3A_683 = arith.constant 48 : index
        %get3A_684 = tpu.vector_load %arg15[%get3A_682, %get3A_683] {strides = array<i32>} : memref<64x256xf32, #tpu.memory_space<vmem>>, vector<1x16xf32>,
        %get3A_685 = vector.shape_cast %get3A_684 : vector<1x16xf32> to vector<16xf32>
        %mul3A_686 = arith.mulf %get3A_685, %broadcast_in_dim3A_655 : vector<16xf32>
        %add3A_687 = arith.addf %add3A_548, %mul3A_686 : vector<16xf32>
        %add3A_688 = arith.constant 32 : i32
        %add3A_689 = arith.addi %add3A_688, %scan3A_367 : i32
        %get3A_690 = arith.index_cast %add3A_689 : i32 to index
        %get3A_691 = arith.constant 64 : index
        %get3A_692 = tpu.vector_load %arg15[%get3A_690, %get3A_691] {strides = array<i32>} : memref<64x256xf32, #tpu.memory_space<vmem>>, vector<1x16xf32>,
        %get3A_693 = vector.shape_cast %get3A_692 : vector<1x16xf32> to vector<16xf32>
        %mul3A_694 = arith.mulf %get3A_693, %broadcast_in_dim3A_655 : vector<16xf32>
        %add3A_695 = arith.addf %add3A_556, %mul3A_694 : vector<16xf32>
        %add3A_696 = arith.constant 32 : i32
        %add3A_697 = arith.addi %add3A_696, %scan3A_367 : i32
        %get3A_698 = arith.index_cast %add3A_697 : i32 to index
        %get3A_699 = arith.constant 80 : index
        %get3A_700 = tpu.vector_load %arg15[%get3A_698, %get3A_699] {strides = array<i32>} : memref<64x256xf32, #tpu.memory_space<vmem>>, vector<1x16xf32>,
        %get3A_701 = vector.shape_cast %get3A_700 : vector<1x16xf32> to vector<16xf32>
        %mul3A_702 = arith.mulf %get3A_701, %broadcast_in_dim3A_655 : vector<16xf32>
        %add3A_703 = arith.addf %add3A_564, %mul3A_702 : vector<16xf32>
        %add3A_704 = arith.constant 32 : i32
        %add3A_705 = arith.addi %add3A_704, %scan3A_367 : i32
        %get3A_706 = arith.index_cast %add3A_705 : i32 to index
        %get3A_707 = arith.constant 96 : index
        %get3A_708 = tpu.vector_load %arg15[%get3A_706, %get3A_707] {strides = array<i32>} : memref<64x256xf32, #tpu.memory_space<vmem>>, vector<1x16xf32>,
        %get3A_709 = vector.shape_cast %get3A_708 : vector<1x16xf32> to vector<16xf32>
        %mul3A_710 = arith.mulf %get3A_709, %broadcast_in_dim3A_655 : vector<16xf32>
        %add3A_711 = arith.addf %add3A_572, %mul3A_710 : vector<16xf32>
        %add3A_712 = arith.constant 32 : i32
        %add3A_713 = arith.addi %add3A_712, %scan3A_367 : i32
        %get3A_714 = arith.index_cast %add3A_713 : i32 to index
        %get3A_715 = arith.constant 112 : index
        %get3A_716 = tpu.vector_load %arg15[%get3A_714, %get3A_715] {strides = array<i32>} : memref<64x256xf32, #tpu.memory_space<vmem>>, vector<1x16xf32>,
        %get3A_717 = vector.shape_cast %get3A_716 : vector<1x16xf32> to vector<16xf32>
        %mul3A_718 = arith.mulf %get3A_717, %broadcast_in_dim3A_655 : vector<16xf32>
        %add3A_719 = arith.addf %add3A_580, %mul3A_718 : vector<16xf32>
        %add3A_720 = arith.constant 32 : i32
        %add3A_721 = arith.addi %add3A_720, %scan3A_367 : i32
        %get3A_722 = arith.index_cast %add3A_721 : i32 to index
        %get3A_723 = arith.constant 128 : index
        %get3A_724 = tpu.vector_load %arg15[%get3A_722, %get3A_723] {strides = array<i32>} : memref<64x256xf32, #tpu.memory_space<vmem>>, vector<1x16xf32>,
        %get3A_725 = vector.shape_cast %get3A_724 : vector<1x16xf32> to vector<16xf32>
        %mul3A_726 = arith.mulf %get3A_725, %broadcast_in_dim3A_655 : vector<16xf32>
        %add3A_727 = arith.addf %add3A_588, %mul3A_726 : vector<16xf32>
        %add3A_728 = arith.constant 32 : i32
        %add3A_729 = arith.addi %add3A_728, %scan3A_367 : i32
        %get3A_730 = arith.index_cast %add3A_729 : i32 to index
        %get3A_731 = arith.constant 144 : index
        %get3A_732 = tpu.vector_load %arg15[%get3A_730, %get3A_731] {strides = array<i32>} : memref<64x256xf32, #tpu.memory_space<vmem>>, vector<1x16xf32>,
        %get3A_733 = vector.shape_cast %get3A_732 : vector<1x16xf32> to vector<16xf32>
        %mul3A_734 = arith.mulf %get3A_733, %broadcast_in_dim3A_655 : vector<16xf32>
        %add3A_735 = arith.addf %add3A_596, %mul3A_734 : vector<16xf32>
        %add3A_736 = arith.constant 32 : i32
        %add3A_737 = arith.addi %add3A_736, %scan3A_367 : i32
        %get3A_738 = arith.index_cast %add3A_737 : i32 to index
        %get3A_739 = arith.constant 160 : index
        %get3A_740 = tpu.vector_load %arg15[%get3A_738, %get3A_739] {strides = array<i32>} : memref<64x256xf32, #tpu.memory_space<vmem>>, vector<1x16xf32>,
        %get3A_741 = vector.shape_cast %get3A_740 : vector<1x16xf32> to vector<16xf32>
        %mul3A_742 = arith.mulf %get3A_741, %broadcast_in_dim3A_655 : vector<16xf32>
        %add3A_743 = arith.addf %add3A_604, %mul3A_742 : vector<16xf32>
        %add3A_744 = arith.constant 32 : i32
        %add3A_745 = arith.addi %add3A_744, %scan3A_367 : i32
        %get3A_746 = arith.index_cast %add3A_745 : i32 to index
        %get3A_747 = arith.constant 176 : index
        %get3A_748 = tpu.vector_load %arg15[%get3A_746, %get3A_747] {strides = array<i32>} : memref<64x256xf32, #tpu.memory_space<vmem>>, vector<1x16xf32>,
        %get3A_749 = vector.shape_cast %get3A_748 : vector<1x16xf32> to vector<16xf32>
        %mul3A_750 = arith.mulf %get3A_749, %broadcast_in_dim3A_655 : vector<16xf32>
        %add3A_751 = arith.addf %add3A_612, %mul3A_750 : vector<16xf32>
        %add3A_752 = arith.constant 32 : i32
        %add3A_753 = arith.addi %add3A_752, %scan3A_367 : i32
        %get3A_754 = arith.index_cast %add3A_753 : i32 to index
        %get3A_755 = arith.constant 192 : index
        %get3A_756 = tpu.vector_load %arg15[%get3A_754, %get3A_755] {strides = array<i32>} : memref<64x256xf32, #tpu.memory_space<vmem>>, vector<1x16xf32>,
        %get3A_757 = vector.shape_cast %get3A_756 : vector<1x16xf32> to vector<16xf32>
        %mul3A_758 = arith.mulf %get3A_757, %broadcast_in_dim3A_655 : vector<16xf32>
        %add3A_759 = arith.addf %add3A_620, %mul3A_758 : vector<16xf32>
        %add3A_760 = arith.constant 32 : i32
        %add3A_761 = arith.addi %add3A_760, %scan3A_367 : i32
        %get3A_762 = arith.index_cast %add3A_761 : i32 to index
        %get3A_763 = arith.constant 208 : index
        %get3A_764 = tpu.vector_load %arg15[%get3A_762, %get3A_763] {strides = array<i32>} : memref<64x256xf32, #tpu.memory_space<vmem>>, vector<1x16xf32>,
        %get3A_765 = vector.shape_cast %get3A_764 : vector<1x16xf32> to vector<16xf32>
        %mul3A_766 = arith.mulf %get3A_765, %broadcast_in_dim3A_655 : vector<16xf32>
        %add3A_767 = arith.addf %add3A_628, %mul3A_766 : vector<16xf32>
        %add3A_768 = arith.constant 32 : i32
        %add3A_769 = arith.addi %add3A_768, %scan3A_367 : i32
        %get3A_770 = arith.index_cast %add3A_769 : i32 to index
        %get3A_771 = arith.constant 224 : index
        %get3A_772 = tpu.vector_load %arg15[%get3A_770, %get3A_771] {strides = array<i32>} : memref<64x256xf32, #tpu.memory_space<vmem>>, vector<1x16xf32>,
        %get3A_773 = vector.shape_cast %get3A_772 : vector<1x16xf32> to vector<16xf32>
        %mul3A_774 = arith.mulf %get3A_773, %broadcast_in_dim3A_655 : vector<16xf32>
        %add3A_775 = arith.addf %add3A_636, %mul3A_774 : vector<16xf32>
        %add3A_776 = arith.constant 32 : i32
        %add3A_777 = arith.addi %add3A_776, %scan3A_367 : i32
        %get3A_778 = arith.index_cast %add3A_777 : i32 to index
        %get3A_779 = arith.constant 240 : index
        %get3A_780 = tpu.vector_load %arg15[%get3A_778, %get3A_779] {strides = array<i32>} : memref<64x256xf32, #tpu.memory_space<vmem>>, vector<1x16xf32>,
        %get3A_781 = vector.shape_cast %get3A_780 : vector<1x16xf32> to vector<16xf32>
        %mul3A_782 = arith.mulf %get3A_781, %broadcast_in_dim3A_655 : vector<16xf32>
        %add3A_783 = arith.addf %add3A_644, %mul3A_782 : vector<16xf32>
        %mul3A_784 = arith.constant 16 : i32
        %mul3A_785 = arith.muli %add3A_323, %mul3A_784 : i32
        %add3A_786 = arith.constant 9216 : i32
        %add3A_787 = arith.addi %add3A_786, %mul3A_785 : i32
        %add3A_788 = arith.addi %add3A_787, %scan3A_367 : i32
        %get3A_789 = arith.index_cast %add3A_788 : i32 to index
        %get3A_790 = tpu.vector_load %arg7[%get3A_789] {strides = array<i32>} : memref<12304xf32, #tpu.memory_space<vmem>>, vector<16xf32>,
        %get3A_791 = vector.shape_cast %get3A_790 : vector<16xf32> to vector<16xf32>
        %slice3A_792 = vector.extract_strided_slice %get3A_791 {offsets = [0], sizes = [1], strides = [1]} : vector<16xf32> to vector<1xf32>
        %squeeze3A_793 = vector.extract %slice3A_792[0] : f32 from vector<1xf32>
        %broadcast_in_dim3A_794 = vector.broadcast %squeeze3A_793 : f32 to vector<16xf32>
        %add3A_795 = arith.constant 48 : i32
        %add3A_796 = arith.addi %add3A_795, %scan3A_367 : i32
        %get3A_797 = arith.index_cast %add3A_796 : i32 to index
        %get3A_798 = arith.constant 0 : index
        %get3A_799 = tpu.vector_load %arg15[%get3A_797, %get3A_798] {strides = array<i32>} : memref<64x256xf32, #tpu.memory_space<vmem>>, vector<1x16xf32>,
        %get3A_800 = vector.shape_cast %get3A_799 : vector<1x16xf32> to vector<16xf32>
        %mul3A_801 = arith.mulf %get3A_800, %broadcast_in_dim3A_794 : vector<16xf32>
        %add3A_802 = arith.addf %add3A_663, %mul3A_801 : vector<16xf32>
        %add3A_803 = arith.constant 48 : i32
        %add3A_804 = arith.addi %add3A_803, %scan3A_367 : i32
        %get3A_805 = arith.index_cast %add3A_804 : i32 to index
        %get3A_806 = arith.constant 16 : index
        %get3A_807 = tpu.vector_load %arg15[%get3A_805, %get3A_806] {strides = array<i32>} : memref<64x256xf32, #tpu.memory_space<vmem>>, vector<1x16xf32>,
        %get3A_808 = vector.shape_cast %get3A_807 : vector<1x16xf32> to vector<16xf32>
        %mul3A_809 = arith.mulf %get3A_808, %broadcast_in_dim3A_794 : vector<16xf32>
        %add3A_810 = arith.addf %add3A_671, %mul3A_809 : vector<16xf32>
        %add3A_811 = arith.constant 48 : i32
        %add3A_812 = arith.addi %add3A_811, %scan3A_367 : i32
        %get3A_813 = arith.index_cast %add3A_812 : i32 to index
        %get3A_814 = arith.constant 32 : index
        %get3A_815 = tpu.vector_load %arg15[%get3A_813, %get3A_814] {strides = array<i32>} : memref<64x256xf32, #tpu.memory_space<vmem>>, vector<1x16xf32>,
        %get3A_816 = vector.shape_cast %get3A_815 : vector<1x16xf32> to vector<16xf32>
        %mul3A_817 = arith.mulf %get3A_816, %broadcast_in_dim3A_794 : vector<16xf32>
        %add3A_818 = arith.addf %add3A_679, %mul3A_817 : vector<16xf32>
        %add3A_819 = arith.constant 48 : i32
        %add3A_820 = arith.addi %add3A_819, %scan3A_367 : i32
        %get3A_821 = arith.index_cast %add3A_820 : i32 to index
        %get3A_822 = arith.constant 48 : index
        %get3A_823 = tpu.vector_load %arg15[%get3A_821, %get3A_822] {strides = array<i32>} : memref<64x256xf32, #tpu.memory_space<vmem>>, vector<1x16xf32>,
        %get3A_824 = vector.shape_cast %get3A_823 : vector<1x16xf32> to vector<16xf32>
        %mul3A_825 = arith.mulf %get3A_824, %broadcast_in_dim3A_794 : vector<16xf32>
        %add3A_826 = arith.addf %add3A_687, %mul3A_825 : vector<16xf32>
        %add3A_827 = arith.constant 48 : i32
        %add3A_828 = arith.addi %add3A_827, %scan3A_367 : i32
        %get3A_829 = arith.index_cast %add3A_828 : i32 to index
        %get3A_830 = arith.constant 64 : index
        %get3A_831 = tpu.vector_load %arg15[%get3A_829, %get3A_830] {strides = array<i32>} : memref<64x256xf32, #tpu.memory_space<vmem>>, vector<1x16xf32>,
        %get3A_832 = vector.shape_cast %get3A_831 : vector<1x16xf32> to vector<16xf32>
        %mul3A_833 = arith.mulf %get3A_832, %broadcast_in_dim3A_794 : vector<16xf32>
        %add3A_834 = arith.addf %add3A_695, %mul3A_833 : vector<16xf32>
        %add3A_835 = arith.constant 48 : i32
        %add3A_836 = arith.addi %add3A_835, %scan3A_367 : i32
        %get3A_837 = arith.index_cast %add3A_836 : i32 to index
        %get3A_838 = arith.constant 80 : index
        %get3A_839 = tpu.vector_load %arg15[%get3A_837, %get3A_838] {strides = array<i32>} : memref<64x256xf32, #tpu.memory_space<vmem>>, vector<1x16xf32>,
        %get3A_840 = vector.shape_cast %get3A_839 : vector<1x16xf32> to vector<16xf32>
        %mul3A_841 = arith.mulf %get3A_840, %broadcast_in_dim3A_794 : vector<16xf32>
        %add3A_842 = arith.addf %add3A_703, %mul3A_841 : vector<16xf32>
        %add3A_843 = arith.constant 48 : i32
        %add3A_844 = arith.addi %add3A_843, %scan3A_367 : i32
        %get3A_845 = arith.index_cast %add3A_844 : i32 to index
        %get3A_846 = arith.constant 96 : index
        %get3A_847 = tpu.vector_load %arg15[%get3A_845, %get3A_846] {strides = array<i32>} : memref<64x256xf32, #tpu.memory_space<vmem>>, vector<1x16xf32>,
        %get3A_848 = vector.shape_cast %get3A_847 : vector<1x16xf32> to vector<16xf32>
        %mul3A_849 = arith.mulf %get3A_848, %broadcast_in_dim3A_794 : vector<16xf32>
        %add3A_850 = arith.addf %add3A_711, %mul3A_849 : vector<16xf32>
        %add3A_851 = arith.constant 48 : i32
        %add3A_852 = arith.addi %add3A_851, %scan3A_367 : i32
        %get3A_853 = arith.index_cast %add3A_852 : i32 to index
        %get3A_854 = arith.constant 112 : index
        %get3A_855 = tpu.vector_load %arg15[%get3A_853, %get3A_854] {strides = array<i32>} : memref<64x256xf32, #tpu.memory_space<vmem>>, vector<1x16xf32>,
        %get3A_856 = vector.shape_cast %get3A_855 : vector<1x16xf32> to vector<16xf32>
        %mul3A_857 = arith.mulf %get3A_856, %broadcast_in_dim3A_794 : vector<16xf32>
        %add3A_858 = arith.addf %add3A_719, %mul3A_857 : vector<16xf32>
        %add3A_859 = arith.constant 48 : i32
        %add3A_860 = arith.addi %add3A_859, %scan3A_367 : i32
        %get3A_861 = arith.index_cast %add3A_860 : i32 to index
        %get3A_862 = arith.constant 128 : index
        %get3A_863 = tpu.vector_load %arg15[%get3A_861, %get3A_862] {strides = array<i32>} : memref<64x256xf32, #tpu.memory_space<vmem>>, vector<1x16xf32>,
        %get3A_864 = vector.shape_cast %get3A_863 : vector<1x16xf32> to vector<16xf32>
        %mul3A_865 = arith.mulf %get3A_864, %broadcast_in_dim3A_794 : vector<16xf32>
        %add3A_866 = arith.addf %add3A_727, %mul3A_865 : vector<16xf32>
        %add3A_867 = arith.constant 48 : i32
        %add3A_868 = arith.addi %add3A_867, %scan3A_367 : i32
        %get3A_869 = arith.index_cast %add3A_868 : i32 to index
        %get3A_870 = arith.constant 144 : index
        %get3A_871 = tpu.vector_load %arg15[%get3A_869, %get3A_870] {strides = array<i32>} : memref<64x256xf32, #tpu.memory_space<vmem>>, vector<1x16xf32>,
        %get3A_872 = vector.shape_cast %get3A_871 : vector<1x16xf32> to vector<16xf32>
        %mul3A_873 = arith.mulf %get3A_872, %broadcast_in_dim3A_794 : vector<16xf32>
        %add3A_874 = arith.addf %add3A_735, %mul3A_873 : vector<16xf32>
        %add3A_875 = arith.constant 48 : i32
        %add3A_876 = arith.addi %add3A_875, %scan3A_367 : i32
        %get3A_877 = arith.index_cast %add3A_876 : i32 to index
        %get3A_878 = arith.constant 160 : index
        %get3A_879 = tpu.vector_load %arg15[%get3A_877, %get3A_878] {strides = array<i32>} : memref<64x256xf32, #tpu.memory_space<vmem>>, vector<1x16xf32>,
        %get3A_880 = vector.shape_cast %get3A_879 : vector<1x16xf32> to vector<16xf32>
        %mul3A_881 = arith.mulf %get3A_880, %broadcast_in_dim3A_794 : vector<16xf32>
        %add3A_882 = arith.addf %add3A_743, %mul3A_881 : vector<16xf32>
        %add3A_883 = arith.constant 48 : i32
        %add3A_884 = arith.addi %add3A_883, %scan3A_367 : i32
        %get3A_885 = arith.index_cast %add3A_884 : i32 to index
        %get3A_886 = arith.constant 176 : index
        %get3A_887 = tpu.vector_load %arg15[%get3A_885, %get3A_886] {strides = array<i32>} : memref<64x256xf32, #tpu.memory_space<vmem>>, vector<1x16xf32>,
        %get3A_888 = vector.shape_cast %get3A_887 : vector<1x16xf32> to vector<16xf32>
        %mul3A_889 = arith.mulf %get3A_888, %broadcast_in_dim3A_794 : vector<16xf32>
        %add3A_890 = arith.addf %add3A_751, %mul3A_889 : vector<16xf32>
        %add3A_891 = arith.constant 48 : i32
        %add3A_892 = arith.addi %add3A_891, %scan3A_367 : i32
        %get3A_893 = arith.index_cast %add3A_892 : i32 to index
        %get3A_894 = arith.constant 192 : index
        %get3A_895 = tpu.vector_load %arg15[%get3A_893, %get3A_894] {strides = array<i32>} : memref<64x256xf32, #tpu.memory_space<vmem>>, vector<1x16xf32>,
        %get3A_896 = vector.shape_cast %get3A_895 : vector<1x16xf32> to vector<16xf32>
        %mul3A_897 = arith.mulf %get3A_896, %broadcast_in_dim3A_794 : vector<16xf32>
        %add3A_898 = arith.addf %add3A_759, %mul3A_897 : vector<16xf32>
        %add3A_899 = arith.constant 48 : i32
        %add3A_900 = arith.addi %add3A_899, %scan3A_367 : i32
        %get3A_901 = arith.index_cast %add3A_900 : i32 to index
        %get3A_902 = arith.constant 208 : index
        %get3A_903 = tpu.vector_load %arg15[%get3A_901, %get3A_902] {strides = array<i32>} : memref<64x256xf32, #tpu.memory_space<vmem>>, vector<1x16xf32>,
        %get3A_904 = vector.shape_cast %get3A_903 : vector<1x16xf32> to vector<16xf32>
        %mul3A_905 = arith.mulf %get3A_904, %broadcast_in_dim3A_794 : vector<16xf32>
        %add3A_906 = arith.addf %add3A_767, %mul3A_905 : vector<16xf32>
        %add3A_907 = arith.constant 48 : i32
        %add3A_908 = arith.addi %add3A_907, %scan3A_367 : i32
        %get3A_909 = arith.index_cast %add3A_908 : i32 to index
        %get3A_910 = arith.constant 224 : index
        %get3A_911 = tpu.vector_load %arg15[%get3A_909, %get3A_910] {strides = array<i32>} : memref<64x256xf32, #tpu.memory_space<vmem>>, vector<1x16xf32>,
        %get3A_912 = vector.shape_cast %get3A_911 : vector<1x16xf32> to vector<16xf32>
        %mul3A_913 = arith.mulf %get3A_912, %broadcast_in_dim3A_794 : vector<16xf32>
        %add3A_914 = arith.addf %add3A_775, %mul3A_913 : vector<16xf32>
        %add3A_915 = arith.constant 48 : i32
        %add3A_916 = arith.addi %add3A_915, %scan3A_367 : i32
        %get3A_917 = arith.index_cast %add3A_916 : i32 to index
        %get3A_918 = arith.constant 240 : index
        %get3A_919 = tpu.vector_load %arg15[%get3A_917, %get3A_918] {strides = array<i32>} : memref<64x256xf32, #tpu.memory_space<vmem>>, vector<1x16xf32>,
        %get3A_920 = vector.shape_cast %get3A_919 : vector<1x16xf32> to vector<16xf32>
        %mul3A_921 = arith.mulf %get3A_920, %broadcast_in_dim3A_794 : vector<16xf32>
        %add3A_922 = arith.addf %add3A_783, %mul3A_921 : vector<16xf32>
        %swap3A_923 = arith.index_cast %scan3A_367 : i32 to index
        %swap3A_924 = arith.constant 0 : index
        %swap3A_925 = tpu.vector_load %arg19[%swap3A_923, %swap3A_924] {strides = array<i32>} : memref<16x256xf32, #tpu.memory_space<vmem>>, vector<1x16xf32>,
        %swap3A_926 = vector.shape_cast %swap3A_925 : vector<1x16xf32> to vector<16xf32>
        %swap3A_927 = vector.shape_cast %add3A_802 : vector<16xf32> to vector<1x16xf32>
        tpu.vector_store %arg19[%swap3A_923, %swap3A_924], %swap3A_927 {strides = array<i32>} : memref<16x256xf32, #tpu.memory_space<vmem>>, vector<1x16xf32>,
        %swap3A_928 = arith.index_cast %scan3A_367 : i32 to index
        %swap3A_929 = arith.constant 16 : index
        %swap3A_930 = tpu.vector_load %arg19[%swap3A_928, %swap3A_929] {strides = array<i32>} : memref<16x256xf32, #tpu.memory_space<vmem>>, vector<1x16xf32>,
        %swap3A_931 = vector.shape_cast %swap3A_930 : vector<1x16xf32> to vector<16xf32>
        %swap3A_932 = vector.shape_cast %add3A_810 : vector<16xf32> to vector<1x16xf32>
        tpu.vector_store %arg19[%swap3A_928, %swap3A_929], %swap3A_932 {strides = array<i32>} : memref<16x256xf32, #tpu.memory_space<vmem>>, vector<1x16xf32>,
        %swap3A_933 = arith.index_cast %scan3A_367 : i32 to index
        %swap3A_934 = arith.constant 32 : index
        %swap3A_935 = tpu.vector_load %arg19[%swap3A_933, %swap3A_934] {strides = array<i32>} : memref<16x256xf32, #tpu.memory_space<vmem>>, vector<1x16xf32>,
        %swap3A_936 = vector.shape_cast %swap3A_935 : vector<1x16xf32> to vector<16xf32>
        %swap3A_937 = vector.shape_cast %add3A_818 : vector<16xf32> to vector<1x16xf32>
        tpu.vector_store %arg19[%swap3A_933, %swap3A_934], %swap3A_937 {strides = array<i32>} : memref<16x256xf32, #tpu.memory_space<vmem>>, vector<1x16xf32>,
        %swap3A_938 = arith.index_cast %scan3A_367 : i32 to index
        %swap3A_939 = arith.constant 48 : index
        %swap3A_940 = tpu.vector_load %arg19[%swap3A_938, %swap3A_939] {strides = array<i32>} : memref<16x256xf32, #tpu.memory_space<vmem>>, vector<1x16xf32>,
        %swap3A_941 = vector.shape_cast %swap3A_940 : vector<1x16xf32> to vector<16xf32>
        %swap3A_942 = vector.shape_cast %add3A_826 : vector<16xf32> to vector<1x16xf32>
        tpu.vector_store %arg19[%swap3A_938, %swap3A_939], %swap3A_942 {strides = array<i32>} : memref<16x256xf32, #tpu.memory_space<vmem>>, vector<1x16xf32>,
        %swap3A_943 = arith.index_cast %scan3A_367 : i32 to index
        %swap3A_944 = arith.constant 64 : index
        %swap3A_945 = tpu.vector_load %arg19[%swap3A_943, %swap3A_944] {strides = array<i32>} : memref<16x256xf32, #tpu.memory_space<vmem>>, vector<1x16xf32>,
        %swap3A_946 = vector.shape_cast %swap3A_945 : vector<1x16xf32> to vector<16xf32>
        %swap3A_947 = vector.shape_cast %add3A_834 : vector<16xf32> to vector<1x16xf32>
        tpu.vector_store %arg19[%swap3A_943, %swap3A_944], %swap3A_947 {strides = array<i32>} : memref<16x256xf32, #tpu.memory_space<vmem>>, vector<1x16xf32>,
        %swap3A_948 = arith.index_cast %scan3A_367 : i32 to index
        %swap3A_949 = arith.constant 80 : index
        %swap3A_950 = tpu.vector_load %arg19[%swap3A_948, %swap3A_949] {strides = array<i32>} : memref<16x256xf32, #tpu.memory_space<vmem>>, vector<1x16xf32>,
        %swap3A_951 = vector.shape_cast %swap3A_950 : vector<1x16xf32> to vector<16xf32>
        %swap3A_952 = vector.shape_cast %add3A_842 : vector<16xf32> to vector<1x16xf32>
        tpu.vector_store %arg19[%swap3A_948, %swap3A_949], %swap3A_952 {strides = array<i32>} : memref<16x256xf32, #tpu.memory_space<vmem>>, vector<1x16xf32>,
        %swap3A_953 = arith.index_cast %scan3A_367 : i32 to index
        %swap3A_954 = arith.constant 96 : index
        %swap3A_955 = tpu.vector_load %arg19[%swap3A_953, %swap3A_954] {strides = array<i32>} : memref<16x256xf32, #tpu.memory_space<vmem>>, vector<1x16xf32>,
        %swap3A_956 = vector.shape_cast %swap3A_955 : vector<1x16xf32> to vector<16xf32>
        %swap3A_957 = vector.shape_cast %add3A_850 : vector<16xf32> to vector<1x16xf32>
        tpu.vector_store %arg19[%swap3A_953, %swap3A_954], %swap3A_957 {strides = array<i32>} : memref<16x256xf32, #tpu.memory_space<vmem>>, vector<1x16xf32>,
        %swap3A_958 = arith.index_cast %scan3A_367 : i32 to index
        %swap3A_959 = arith.constant 112 : index
        %swap3A_960 = tpu.vector_load %arg19[%swap3A_958, %swap3A_959] {strides = array<i32>} : memref<16x256xf32, #tpu.memory_space<vmem>>, vector<1x16xf32>,
        %swap3A_961 = vector.shape_cast %swap3A_960 : vector<1x16xf32> to vector<16xf32>
        %swap3A_962 = vector.shape_cast %add3A_858 : vector<16xf32> to vector<1x16xf32>
        tpu.vector_store %arg19[%swap3A_958, %swap3A_959], %swap3A_962 {strides = array<i32>} : memref<16x256xf32, #tpu.memory_space<vmem>>, vector<1x16xf32>,
        %swap3A_963 = arith.index_cast %scan3A_367 : i32 to index
        %swap3A_964 = arith.constant 128 : index
        %swap3A_965 = tpu.vector_load %arg19[%swap3A_963, %swap3A_964] {strides = array<i32>} : memref<16x256xf32, #tpu.memory_space<vmem>>, vector<1x16xf32>,
        %swap3A_966 = vector.shape_cast %swap3A_965 : vector<1x16xf32> to vector<16xf32>
        %swap3A_967 = vector.shape_cast %add3A_866 : vector<16xf32> to vector<1x16xf32>
        tpu.vector_store %arg19[%swap3A_963, %swap3A_964], %swap3A_967 {strides = array<i32>} : memref<16x256xf32, #tpu.memory_space<vmem>>, vector<1x16xf32>,
        %swap3A_968 = arith.index_cast %scan3A_367 : i32 to index
        %swap3A_969 = arith.constant 144 : index
        %swap3A_970 = tpu.vector_load %arg19[%swap3A_968, %swap3A_969] {strides = array<i32>} : memref<16x256xf32, #tpu.memory_space<vmem>>, vector<1x16xf32>,
        %swap3A_971 = vector.shape_cast %swap3A_970 : vector<1x16xf32> to vector<16xf32>
        %swap3A_972 = vector.shape_cast %add3A_874 : vector<16xf32> to vector<1x16xf32>
        tpu.vector_store %arg19[%swap3A_968, %swap3A_969], %swap3A_972 {strides = array<i32>} : memref<16x256xf32, #tpu.memory_space<vmem>>, vector<1x16xf32>,
        %swap3A_973 = arith.index_cast %scan3A_367 : i32 to index
        %swap3A_974 = arith.constant 160 : index
        %swap3A_975 = tpu.vector_load %arg19[%swap3A_973, %swap3A_974] {strides = array<i32>} : memref<16x256xf32, #tpu.memory_space<vmem>>, vector<1x16xf32>,
        %swap3A_976 = vector.shape_cast %swap3A_975 : vector<1x16xf32> to vector<16xf32>
        %swap3A_977 = vector.shape_cast %add3A_882 : vector<16xf32> to vector<1x16xf32>
        tpu.vector_store %arg19[%swap3A_973, %swap3A_974], %swap3A_977 {strides = array<i32>} : memref<16x256xf32, #tpu.memory_space<vmem>>, vector<1x16xf32>,
        %swap3A_978 = arith.index_cast %scan3A_367 : i32 to index
        %swap3A_979 = arith.constant 176 : index
        %swap3A_980 = tpu.vector_load %arg19[%swap3A_978, %swap3A_979] {strides = array<i32>} : memref<16x256xf32, #tpu.memory_space<vmem>>, vector<1x16xf32>,
        %swap3A_981 = vector.shape_cast %swap3A_980 : vector<1x16xf32> to vector<16xf32>
        %swap3A_982 = vector.shape_cast %add3A_890 : vector<16xf32> to vector<1x16xf32>
        tpu.vector_store %arg19[%swap3A_978, %swap3A_979], %swap3A_982 {strides = array<i32>} : memref<16x256xf32, #tpu.memory_space<vmem>>, vector<1x16xf32>,
        %swap3A_983 = arith.index_cast %scan3A_367 : i32 to index
        %swap3A_984 = arith.constant 192 : index
        %swap3A_985 = tpu.vector_load %arg19[%swap3A_983, %swap3A_984] {strides = array<i32>} : memref<16x256xf32, #tpu.memory_space<vmem>>, vector<1x16xf32>,
        %swap3A_986 = vector.shape_cast %swap3A_985 : vector<1x16xf32> to vector<16xf32>
        %swap3A_987 = vector.shape_cast %add3A_898 : vector<16xf32> to vector<1x16xf32>
        tpu.vector_store %arg19[%swap3A_983, %swap3A_984], %swap3A_987 {strides = array<i32>} : memref<16x256xf32, #tpu.memory_space<vmem>>, vector<1x16xf32>,
        %swap3A_988 = arith.index_cast %scan3A_367 : i32 to index
        %swap3A_989 = arith.constant 208 : index
        %swap3A_990 = tpu.vector_load %arg19[%swap3A_988, %swap3A_989] {strides = array<i32>} : memref<16x256xf32, #tpu.memory_space<vmem>>, vector<1x16xf32>,
        %swap3A_991 = vector.shape_cast %swap3A_990 : vector<1x16xf32> to vector<16xf32>
        %swap3A_992 = vector.shape_cast %add3A_906 : vector<16xf32> to vector<1x16xf32>
        tpu.vector_store %arg19[%swap3A_988, %swap3A_989], %swap3A_992 {strides = array<i32>} : memref<16x256xf32, #tpu.memory_space<vmem>>, vector<1x16xf32>,
        %swap3A_993 = arith.index_cast %scan3A_367 : i32 to index
        %swap3A_994 = arith.constant 224 : index
        %swap3A_995 = tpu.vector_load %arg19[%swap3A_993, %swap3A_994] {strides = array<i32>} : memref<16x256xf32, #tpu.memory_space<vmem>>, vector<1x16xf32>,
        %swap3A_996 = vector.shape_cast %swap3A_995 : vector<1x16xf32> to vector<16xf32>
        %swap3A_997 = vector.shape_cast %add3A_914 : vector<16xf32> to vector<1x16xf32>
        tpu.vector_store %arg19[%swap3A_993, %swap3A_994], %swap3A_997 {strides = array<i32>} : memref<16x256xf32, #tpu.memory_space<vmem>>, vector<1x16xf32>,
        %swap3A_998 = arith.index_cast %scan3A_367 : i32 to index
        %swap3A_999 = arith.constant 240 : index
        %swap3A_1000 = tpu.vector_load %arg19[%swap3A_998, %swap3A_999] {strides = array<i32>} : memref<16x256xf32, #tpu.memory_space<vmem>>, vector<1x16xf32>,
        %swap3A_1001 = vector.shape_cast %swap3A_1000 : vector<1x16xf32> to vector<16xf32>
        %swap3A_1002 = vector.shape_cast %add3A_922 : vector<16xf32> to vector<1x16xf32>
        tpu.vector_store %arg19[%swap3A_998, %swap3A_999], %swap3A_1002 {strides = array<i32>} : memref<16x256xf32, #tpu.memory_space<vmem>>, vector<1x16xf32>,
      }
      %scan3A_356 = arith.constant 16 : i32
      %mul3A_357 = arith.constant 32 : i32
      %mul3A_358 = arith.muli %add3A_323, %mul3A_357 : i32
      %add3A_359 = arith.addi %mul3A_358, %add3A : i32
      %mul3A_360 = arith.constant 16 : i32
      %mul3A_361 = arith.muli %add3A_359, %mul3A_360 : i32
      %lt3A_362 = arith.constant 98000 : i32
      %lt3A_363 = arith.cmpi slt, %mul3A_361, %lt3A_362 : i32
      %convert_element_type3A_364 = arith.extui %lt3A_363 : i1 to i32
      %cond3A_365 = arith.constant 0 : i32
      %cond3A_366 = arith.cmpi ne, %convert_element_type3A_364, %cond3A_365 : i32
      scf.if %cond3A_366 {
        %dma_start3A_367 = arith.constant 0 : i32
        %dma_start3A_368 = tpu.memref_slice %arg5[%mul3A_361, %dma_start3A_367] : memref<98000x256xf32, #tpu.memory_space<hbm>> -> memref<16x256xf32, #tpu.memory_space<hbm>>
        %dma_start3A_369 = arith.constant 0 : i32
        %dma_start3A_370 = tpu.memref_slice %arg5[%mul3A_361, %dma_start3A_369] : memref<98000x256xf32, #tpu.memory_space<hbm>> -> memref<16x256xf32, #tpu.memory_space<hbm>>
        tpu.enqueue_dma source(%arg19 : memref<16x256xf32, #tpu.memory_space<vmem>>) target(%dma_start3A_370 : memref<16x256xf32, #tpu.memory_space<hbm>>) target_semaphore(%arg27 : memref<!tpu.dma_semaphore, #tpu.memory_space<semaphore_mem>>)
      } else {
      }
    }
    %scan3A_140 = arith.constant 48 : i32
    %add3A_141 = arith.constant 6016 : i32
    %add3A_142 = arith.addi %add3A_141, %add3A : i32
    %mul3A_143 = arith.constant 16 : i32
    %mul3A_144 = arith.muli %add3A_142, %mul3A_143 : i32
    %lt3A = arith.constant 98000 : i32
    %lt3A_145 = arith.cmpi slt, %mul3A_144, %lt3A : i32
    %and3A = arith.constant true
    %and3A_146 = arith.andi %and3A, %lt3A_145 : i1
    %convert_element_type3A = arith.extui %and3A_146 : i1 to i32
    %cond3A = arith.constant 0 : i32
    %cond3A_147 = arith.cmpi ne, %convert_element_type3A, %cond3A : i32
    scf.if %cond3A_147 {
      %dma_wait3A = arith.constant 0 : i32
      %dma_wait3A_181 = tpu.memref_slice %arg5[%mul3A_144, %dma_wait3A] : memref<98000x256xf32, #tpu.memory_space<hbm>> -> memref<16x256xf32, #tpu.memory_space<hbm>>
      %dma_wait3A_182 = arith.constant 0 : i32
      %dma_wait3A_183 = tpu.memref_slice %arg5[%mul3A_144, %dma_wait3A_182] : memref<98000x256xf32, #tpu.memory_space<hbm>> -> memref<16x256xf32, #tpu.memory_space<hbm>>
      tpu.wait_dma2 semaphore(%arg24 : memref<!tpu.dma_semaphore, #tpu.memory_space<semaphore_mem>>) src(%arg16 : memref<16x256xf32, #tpu.memory_space<vmem>>) dst(%dma_wait3A_183 : memref<16x256xf32, #tpu.memory_space<hbm>>)
    } else {
    }
    %add3A_148 = arith.constant 6048 : i32
    %add3A_149 = arith.addi %add3A_148, %add3A : i32
    %mul3A_150 = arith.constant 16 : i32
    %mul3A_151 = arith.muli %add3A_149, %mul3A_150 : i32
    %lt3A_152 = arith.constant 98000 : i32
    %lt3A_153 = arith.cmpi slt, %mul3A_151, %lt3A_152 : i32
    %and3A_154 = arith.constant true
    %and3A_155 = arith.andi %and3A_154, %lt3A_153 : i1
    %convert_element_type3A_156 = arith.extui %and3A_155 : i1 to i32
    %cond3A_157 = arith.constant 0 : i32
    %cond3A_158 = arith.cmpi ne, %convert_element_type3A_156, %cond3A_157 : i32
    scf.if %cond3A_158 {
      %dma_wait3A = arith.constant 0 : i32
      %dma_wait3A_181 = tpu.memref_slice %arg5[%mul3A_151, %dma_wait3A] : memref<98000x256xf32, #tpu.memory_space<hbm>> -> memref<16x256xf32, #tpu.memory_space<hbm>>
      %dma_wait3A_182 = arith.constant 0 : i32
      %dma_wait3A_183 = tpu.memref_slice %arg5[%mul3A_151, %dma_wait3A_182] : memref<98000x256xf32, #tpu.memory_space<hbm>> -> memref<16x256xf32, #tpu.memory_space<hbm>>
      tpu.wait_dma2 semaphore(%arg25 : memref<!tpu.dma_semaphore, #tpu.memory_space<semaphore_mem>>) src(%arg17 : memref<16x256xf32, #tpu.memory_space<vmem>>) dst(%dma_wait3A_183 : memref<16x256xf32, #tpu.memory_space<hbm>>)
    } else {
    }
    %add3A_159 = arith.constant 6080 : i32
    %add3A_160 = arith.addi %add3A_159, %add3A : i32
    %mul3A_161 = arith.constant 16 : i32
    %mul3A_162 = arith.muli %add3A_160, %mul3A_161 : i32
    %lt3A_163 = arith.constant 98000 : i32
    %lt3A_164 = arith.cmpi slt, %mul3A_162, %lt3A_163 : i32
    %and3A_165 = arith.constant true
    %and3A_166 = arith.andi %and3A_165, %lt3A_164 : i1
    %convert_element_type3A_167 = arith.extui %and3A_166 : i1 to i32
    %cond3A_168 = arith.constant 0 : i32
    %cond3A_169 = arith.cmpi ne, %convert_element_type3A_167, %cond3A_168 : i32
    scf.if %cond3A_169 {
      %dma_wait3A = arith.constant 0 : i32
      %dma_wait3A_181 = tpu.memref_slice %arg5[%mul3A_162, %dma_wait3A] : memref<98000x256xf32, #tpu.memory_space<hbm>> -> memref<16x256xf32, #tpu.memory_space<hbm>>
      %dma_wait3A_182 = arith.constant 0 : i32
      %dma_wait3A_183 = tpu.memref_slice %arg5[%mul3A_162, %dma_wait3A_182] : memref<98000x256xf32, #tpu.memory_space<hbm>> -> memref<16x256xf32, #tpu.memory_space<hbm>>
      tpu.wait_dma2 semaphore(%arg26 : memref<!tpu.dma_semaphore, #tpu.memory_space<semaphore_mem>>) src(%arg18 : memref<16x256xf32, #tpu.memory_space<vmem>>) dst(%dma_wait3A_183 : memref<16x256xf32, #tpu.memory_space<hbm>>)
    } else {
    }
    %add3A_170 = arith.constant 6112 : i32
    %add3A_171 = arith.addi %add3A_170, %add3A : i32
    %mul3A_172 = arith.constant 16 : i32
    %mul3A_173 = arith.muli %add3A_171, %mul3A_172 : i32
    %lt3A_174 = arith.constant 98000 : i32
    %lt3A_175 = arith.cmpi slt, %mul3A_173, %lt3A_174 : i32
    %and3A_176 = arith.constant true
    %and3A_177 = arith.andi %and3A_176, %lt3A_175 : i1
    %convert_element_type3A_178 = arith.extui %and3A_177 : i1 to i32
    %cond3A_179 = arith.constant 0 : i32
    %cond3A_180 = arith.cmpi ne, %convert_element_type3A_178, %cond3A_179 : i32
    scf.if %cond3A_180 {
      %dma_wait3A = arith.constant 0 : i32
      %dma_wait3A_181 = tpu.memref_slice %arg5[%mul3A_173, %dma_wait3A] : memref<98000x256xf32, #tpu.memory_space<hbm>> -> memref<16x256xf32, #tpu.memory_space<hbm>>
      %dma_wait3A_182 = arith.constant 0 : i32
      %dma_wait3A_183 = tpu.memref_slice %arg5[%mul3A_173, %dma_wait3A_182] : memref<98000x256xf32, #tpu.memory_space<hbm>> -> memref<16x256xf32, #tpu.memory_space<hbm>>
      tpu.wait_dma2 semaphore(%arg27 : memref<!tpu.dma_semaphore, #tpu.memory_space<semaphore_mem>>) src(%arg19 : memref<16x256xf32, #tpu.memory_space<vmem>>) dst(%dma_wait3A_183 : memref<16x256xf32, #tpu.memory_space<hbm>>)
    } else {
    }
    return
  }
}

</mosaic_0001>

<sc_bundles>
// kernel: kernel.3.cloned.1.call-start
scs
__scs_entry_jumppad:
0x0: {  	(pc) =	sbr.rel $0x88, $3  }
0x1: {  	(tag) =	ssettag $0x0;
	lr =	simm.s32 $0x1  }
0x2: {  	[smem:$0x3F9A] =	sst lr;
	_ =	strace $0xD0000000  }
0x3: {  	_ = 	snop  }
0x4: {  	_ = 	snop  }
0x5: {  	_ = 	snop  }
0x6: {  	_ = 	snop  }
0x7: {  	_ = 	snop  }
__scs_overlays_trampoline_lowered:
0x8: {  	[smem:$0x3FA9] =	sst s0  }
0x9: {  	[smem:$0x3FAA] =	sst s1  }
0xa: {  	[smem:$0x3FAB] =	sst s2  }
0xb: {  	[smem:$0x3FAC] =	sst s3  }
0xc: {  	[smem:$0x3FAD] =	sst s4  }
0xd: {  	[smem:$0x3FAE] =	sst s5  }
0xe: {  	[smem:$0x3FAF] =	sst s6  }
0xf: {  	[smem:$0x3FB0] =	sst s7  }
0x10: {  	[smem:$0x3FB1] =	sst s8  }
0x11: {  	[smem:$0x3FB2] =	sst s9;
	s0 =	simm.s32 @!p0 $0x0  }
0x12: {  	s1 =	sld [smem:$0x3F98];
	s0 =	simm.s32 @p0 $0x1  }
0x13: {  	[smem:$0x3FB3] =	sst s0;
	s0 =	simm.s32 @!p1 $0x0  }
0x14: {  	s2 =	sld [smem:$0x3F97];
	s0 =	simm.s32 @p1 $0x1  }
0x15: {  	[smem:$0x3FB4] =	sst s0;
	s0 =	simm.s32 @!p2 $0x0  }
0x16: {  	s3 =	sld [smem:$0x3FDB];
	s0 =	simm.s32 @p2 $0x1  }
0x17: {  	s4 =	simm.s32 $0x1BF5;
	[smem:$0x3FB6] =	sst s0  }
0x18: {  	s0 =	sld [smem:$0x3F99];
	_ =	swait.ge [sflag:s4], $0x0  }
0x19: {  	s7 =	sld [smem:$0x3F9A]  }
0x1a: {  	s8 =	sadd.s32 $0xFFFFE003, lr  }
0x1b: {  	s9 =	sadd.s32 $0xFFFFFEF7, lr;
	s5 =	simm.s32 $0xFFFFFFFF;
	p2 =	slt.u32 s8, $0xFFFFF086  }
0x1c: {  	p1 =	slt.u32 s9, $0xF7A;
	s5 =	simm.s32 @!p2 $0x0  }
0x1d: {  	s5 =	simm.s32 @p1 $0x1;
	p0 =	seq.s32 s7, s2  }
0x1e: {  	s7 =	smul.u32 @!p0 $0xF7A, s2;
	p2 =	seq.s32 @!p0 s5, $0x0  }
0x1f: {  	s9 =	smul.u32 $0xF7A, s1;
	s8 =	simm.s32 @!p0 $0x1BF5;
	p2 =	por !p2, p0  }
0x20: {  	[sflag:s8] =	ssyncset.s32 @!p0 $0xFFFFF086;
	s6 =	sadd.s32 @!p0 s3, s7;
	s7 =	simm.s32 @!p0 $0x108  }
0x21: {  	s3 =	sadd.s32 s3, s9;
	s6 =	sadd.s32 @!p0 $0x88, s6;
	s7 =	simm.s32 @p2 $0x1082  }
0x22: {  	[simem:s7], [sflag:s8] =	dma.local @!p0 [hbm:s6], $0xF7A  }
0x23: {  	s9 =	sor.u32 $0xD0000000, s2;
	s6 =	simm.s32 $0x108;
	_ =	swait.ge @!p0 [sflag:s8], $0x0  }
0x24: {  	s3 =	sadd.s32 $0x88, s3;
	s6 =	simm.s32 @!p1 $0x1082;
	[sflag:s4] =	ssyncset.s32 $0xFFFFF086  }
0x25: {  	[simem:s6], [sflag:s4] =	dma.local [hbm:s3], $0xF7A  }
0x26: {  	[smem:$0x3F9A] =	sst s1;
	(tag) =	ssettag s2;
	_ =	strace s9  }
0x27: {  	s1 =	sld [smem:$0x3FAA]  }
0x28: {  	s2 =	sld [smem:$0x3FAB]  }
0x29: {  	s4 =	sld [smem:$0x3FAD]  }
0x2a: {  	p0 =	seq.s32 s5, $0x0;
	s5 =	sld [smem:$0x3FAE]  }
0x2b: {  	s6 =	sld [smem:$0x3FAF]  }
0x2c: {  	s7 =	sld [smem:$0x3FB0]  }
0x2d: {  	s3 =	simm.s32 $0x108;
	s8 =	sld [smem:$0x3FB1]  }
0x2e: {  	s3 =	simm.s32 @!p0 $0x1082;
	s9 =	sld [smem:$0x3FB2]  }
0x2f: {  	lr =	sadd.s32 s0, s3;
	s0 =	sld [smem:$0x3FA9]  }
0x30: {  	s3 =	sld [smem:$0x3FAC]  }
0x31: {  	[smem:$0x3FB5] =	sst s10  }
0x32: {  	s10 =	sld [smem:$0x3FB3];
	_ =	sdelay $0x3  }
0x33: {  	p0 =	seq.s32 s10, $0x1;
	s10 =	sld [smem:$0x3FB5];
	_ =	sdelay $0x3  }
0x34: {  	[smem:$0x3FB5] =	sst s10  }
0x35: {  	s10 =	sld [smem:$0x3FB4];
	_ =	sdelay $0x3  }
0x36: {  	p1 =	seq.s32 s10, $0x1;
	s10 =	sld [smem:$0x3FB5];
	_ =	sdelay $0x3  }
0x37: {  	[smem:$0x3FB5] =	sst s10  }
0x38: {  	s10 =	sld [smem:$0x3FB6]  }
0x39: {  	_ = 	snop;
	(pc) =	sbr.ind lr, $3  }
0x3a: {  	_ = 	snop  }
0x3b: {  	_ = 	snop  }
0x3c: {  	p2 =	seq.s32 s10, $0x1;
	s10 =	sld [smem:$0x3FB5]  }
0x3d: {  	_ =	shalt  }
0x3e: {  	_ =	shalt  }
0x3f: {  	_ =	shalt  }
0x40: {  	_ =	shalt  }
0x41: {  	_ =	shalt  }
0x42: {  	_ =	shalt  }
0x43: {  	_ =	shalt  }
0x44: {  	_ =	shalt  }
0x45: {  	_ =	shalt  }
0x46: {  	_ =	shalt  }
0x47: {  	_ =	shalt  }
0x48: {  	_ =	shalt  }
0x49: {  	_ =	shalt  }
0x4a: {  	_ =	shalt  }
0x4b: {  	_ =	shalt  }
0x4c: {  	_ =	shalt  }
0x4d: {  	_ =	shalt  }
0x4e: {  	_ =	shalt  }
0x4f: {  	_ =	shalt  }
0x50: {  	_ =	shalt  }
0x51: {  	_ =	shalt  }
0x52: {  	_ =	shalt  }
0x53: {  	_ =	shalt  }
0x54: {  	_ =	shalt  }
0x55: {  	_ =	shalt  }
0x56: {  	_ =	shalt  }
0x57: {  	_ =	shalt  }
0x58: {  	_ =	shalt  }
0x59: {  	_ =	shalt  }
0x5a: {  	_ =	shalt  }
0x5b: {  	_ =	shalt  }
0x5c: {  	_ =	shalt  }
0x5d: {  	_ =	shalt  }
0x5e: {  	_ =	shalt  }
0x5f: {  	_ =	shalt  }
0x60: {  	_ =	shalt  }
0x61: {  	_ =	shalt  }
0x62: {  	_ =	shalt  }
0x63: {  	_ =	shalt  }
0x64: {  	_ =	shalt  }
0x65: {  	_ =	shalt  }
0x66: {  	_ =	shalt  }
0x67: {  	_ =	shalt  }
0x68: {  	_ =	shalt  }
0x69: {  	_ =	shalt  }
0x6a: {  	_ =	shalt  }
0x6b: {  	_ =	shalt  }
0x6c: {  	_ =	shalt  }
0x6d: {  	_ =	shalt  }
0x6e: {  	_ =	shalt  }
0x6f: {  	_ =	shalt  }
0x70: {  	_ =	shalt  }
0x71: {  	_ =	shalt  }
0x72: {  	_ =	shalt  }
0x73: {  	_ =	shalt  }
0x74: {  	_ =	shalt  }
0x75: {  	_ =	shalt  }
0x76: {  	_ =	shalt  }
0x77: {  	_ =	shalt  }
0x78: {  	_ =	shalt  }
0x79: {  	_ =	shalt  }
0x7a: {  	_ =	shalt  }
0x7b: {  	_ =	shalt  }
0x7c: {  	_ =	shalt  }
0x7d: {  	_ =	shalt  }
0x7e: {  	_ =	shalt  }
0x7f: {  	_ =	shalt  }
0x80: {  	_ =	shalt  }
0x81: {  	_ =	shalt  }
0x82: {  	_ =	shalt  }
0x83: {  	_ =	shalt  }
0x84: {  	_ =	shalt  }
0x85: {  	_ =	shalt  }
0x86: {  	_ =	shalt  }
0x87: {  	_ =	shalt  }
.Lfunc_end0:
.L_simem_size_0:
called_computation_lowered:
.L_overlay_start_0:
0x88: {  	s2 =	sld [smem:$0x3FD9]  }
0x89: {  	s3 =	sld [smem:$0x3FFE];
	_ =	sdelay $0x1  }
0x8a: {  	s1 =	srdreg.scid  }
0x8b: {  	s0 =	sand.u32 $0x1, s1  }
0x8c: {  	s17 =	sshll.u32 s0, $0xA;
	s2 =	sadd.s32 s3, s2  }
0x8d: {  	s2 =	sadd.s32 s2, s17  }
0x8e: {  	[smem:$0x3FC1] =	sst s2  }
0x8f: {  	_ = 	snop  }
0x90: {  	s2 =	sld [smem:$0x3FD0];
	(tm) =	ssettm $0x1  }
0x91: {  	s18 =	sld [smem:$0x3FFB];
	_ =	sdelay $0x3  }
0x92: {  	_ =	strace s18  }
0x93: {  	s3 =	sld [smem:$0x3FFC];
	_ =	sdelay $0x3  }
0x94: {  	_ =	strace s3  }
0x95: {  	s3 =	sld [smem:$0x3FFD];
	_ =	sdelay $0x3  }
0x96: {  	_ =	strace s3  }
0x97: {  	_ =	strace $0x8FFFFFFF  }
0x98: {  	s19 =	sld [smem:$0x3FDB];
	_ =	sdelay $0x1  }
0x99: {  	s4 =	simm.s32 $_scs_section_size  }
0x9a: {  	s5 =	simm.s32 $_size__tile_overlayer_lowered;
	s6 =	simm.s32 $_tile_overlayer_lowered  }
0x9b: {  	s22 =	simm.s32 $0x1BFF;
	s21 =	sshll.u32 s6, $0x1;
	s3 =	sadd.s32 s4, s19  }
0x9c: {  	s7 =	simm.s32 $0x0;
	s20 =	sshll.u32 s5, $0x1;
	s5 =	sadd.s32 s21, s3  }
0x9d: {  	[timem:s7], [sflag:s22] =	dma.local [hbm:s5], s20  }
0x9e: {  	_ =	swait.ge [sflag:s22], s20  }
0x9f: {  	s4 =	ssub.s32 $0x0, s20;
	[sflag:s22] =	ssyncset.done $0x0  }
0xa0: {  	[sflag:s22] =	ssyncadd.s32 s4;
	_ =	sdelay $0x1  }
0xa1: {  	s23 =	simm.s32 $0x1B8B  }
0xa2: {  	_ =	swait.ge [sflag:s23], $0x1  }
0xa3: {  	[sflag:s23] =	ssyncset.done $0x0  }
0xa4: {  	s25 =	simm.s32 $0x1B8E;
	s24 =	sld [smem:$0x3FFE];
	[sflag:s23] =	ssyncadd.s32 $0xFFFFFFFF  }
0xa5: {  	s26 =	simm.s32 $execute0_lowered;
	[smem:$0x3FD2] =	sst s25  }
0xa6: {  	s5 =	sshll.u32 s26, $0x1;
	_ =	strace $0x80000046;
	[dreg:$0x1] =	wrdreg $0xFFFFFFFF  }
0xa7: {  	s28 =	simm.s32 $_size_execute0_lowered;
	s3 =	sadd.s32 s3, s5;
	[dreg:$0x0] =	wrdreg $0x0  }
0xa8: {  	s5 =	sshll.u32 s28, $0x1;
	[dreg:$0x2] =	wrdreg s3  }
0xa9: {  	[dreg:$0x3] =	wrdreg s5  }
0xaa: {  	[dreg:$0x4] =	wrdreg $0xC0  }
0xab: {  	_ =	task [dreg:s7], $0x5FFFF  }
0xac: {  	[dreg:$0x1] =	wrdreg $0xFFFFFFFF  }
0xad: {  	[dreg:$0x0] =	wrdreg $0x60  }
0xae: {  	[dreg:$0x2] =	wrdreg s24  }
0xaf: {  	[dreg:$0x3] =	wrdreg s2  }
0xb0: {  	[dreg:$0x4] =	wrdreg $0x9  }
0xb1: {  	_ =	task.clear_ibuf [dreg:s7], $0x5FFFF;
	_ =	strace $0x90000046  }
0xb2: {  	s29 =	simm.s32 $0x9;
	_ =	strace $0x80000048  }
0xb3: {  	_ =	swait.ge [sflag:s29], $0x1  }
0xb4: {  	[sflag:s29] =	ssyncadd.s32 $0xFFFFFFFF  }
0xb5: {  	_ =	strace $0x90000048  }
0xb6: {  	_ =	sfence  }
0xb7: {  	s30 =	sld [smem:$0x0];
	_ =	sdelay $0x2  }
0xb8: {  	s31 =	sshll.u32 s1, $0xD;
	s1 =	sshrl.u32 s1, $0x2  }
0xb9: {  	s3 =	sand.u32 $0x4000, s31;
	s1 =	sadd.s32 s1, s30  }
0xba: {  	s0 =	sor.u32 s3, s0;
	s1 =	sshll.u32 s1, $0x11  }
0xbb: {  	s0 =	sor.u32 s1, s0  }
0xbc: {  	s0 =	sadd.s32 $0x8F2B, s0  }
0xbd: {  	[sflag:s0] =	ssyncadd.remote.s32 $0x1  }
0xbe: {  	_ =	sfence.sel $0xFFFF  }
0xbf: {  	[dreg:$0x0] =	wrdreg $0xFFFFFFFF;
	(pc) =	sbr.abs _section_cstart, $3  }
0xc0: {  	[dreg:$0x1] =	wrdreg $0xFFFFFFFF  }
0xc1: {  	_ =	task.clear_ibuf [dreg:s7], $0x2FFFF;
	_ =	strace $0x9FFFFFFF  }
0xc2: {  	(tm) =	ssettm $0x7FFFFFFF  }
0xc3: {  	_ =	shalt  }
tec
execute0_lowered:
.L_overlay_start_1:
0x0: {  	(tag) =	ssettag $0x1  }
0x1: {  	s0 =	rddreg [dreg:$0x0]  }
0x2: {  	s1 =	srdreg.scid;
	s3 =	stileid.u32  }
0x3: {  	s2 =	rddreg [dreg:$0x1];
	s13 =	simm.s32 $0x9;
	s18 =	simm.s32 $0x2  }
0x4: {  	s19 =	simm.s32 $0x6;
	s14 =	simm.s32 $0x0;
	s21 =	simm.s32 $0x0  }
0x5: {  	s1 =	sand.u32 $0x1, s1;
	s4 =	sshll.u32 s3, $0x1;
	s3 =	simm.s32 $0x0  }
0x6: {  	s8 =	sadd.s32 $0x2000, s0;
	s10 =	sadd.s32 $0xE000, s0;
	s6 =	sor.u32 s1, s4  }
0x7: {  	[smem:$0x7FF] =	sst s3;
	s1 =	ssub.s32 $0x2, s1;
	s4 =	smul.u32 $0xC00, s6  }
0x8: {  	_ =	strace $0x80000047;
	s5 =	sshrl.u32 s1, $0x1;
	s31 =	sshll.u32 s6, $0x4  }
0x9: {  	s15 =	sshll.u32 s6, $0x9;
	p0 =	sgt.u32 s6, $0xC;
	s6 =	simm.s32 $0x3  }
0xa: {  	s26 =	ssub.s32 s1, s5;
	[dreg:$0x7] =	wrdreg s31;
	s9 =	sshrl.u32 s4, $0x3  }
0xb: {  	s4 =	sadd.s32 $0x1A000, s0;
	s0 =	smax.u32 s26, $0x1;
	s28 =	sadd.s32 $0x3000, s9  }
0xc: {  	s5 =	sadd.s32 s8, s9;
	s7 =	sadd.s32 s10, s9;
	s29 =	sadd.s32 $0x6000, s9  }
0xd: {  	s12 =	sadd.s32 $0x9000, s9;
	[dreg:$0x8] =	wrdreg s0;
	s0 =	simm.s32 $0x1  }
0xe: {  	[dreg:$0x3] =	wrdreg s7;
	s7 =	sadd.s32 s8, s28;
	s1 =	sadd.s32 s10, s28  }
0xf: {  	v2 =	vlaneseq.u32;
	s9 =	sadd.s32 s8, s29;
	s30 =	sadd.s32 s10, s12;
	[dreg:$0x4] =	wrdreg s1  }
0x10: {  	vm0 =	vmmov $0xffff;
	v1 =	vshrl.u32 v2, $0x3;
	s11 =	sadd.s32 s8, s12;
	s1 =	sadd.s32 s10, s29;
	[dreg:$0x6] =	wrdreg s30  }
0x11: {  	v0 =	vand.u32 $0x7, v2;
	v2 =	vor.u32 $0x8, v2;
	v1 =	vmul.u32 $0x8, v1;
	s8 =	simm.s32 $0x7;
	s12 =	simm.s32 $0x4;
	[dreg:$0x5] =	wrdreg s1  }
.LBB2_1:
0x12: {  	[dreg:$0x9] =	wrdreg s14;
	s1 =	simm.s32 $0x10  }
0x13: {  	s20 =	sadd.s32 $0x0, s5;
	s16 =	simm.s32 $0x200;
	s17 =	simm.s32 $0x0  }
.LBB2_2:
0x14: {  	[tilespmem:s17], [sflag:$0x9] =	stream.linear.gather [hbm4b:s20+s3], $0x80, $0x38;
	[tilespmem:$0x1A480] =	vst v63  }
0x15: {  	s20 =	smov.u32 s1;
	s17 =	smov.u32 s16;
	p1 =	sne.s32 s1, $0x170  }
.Ltmp0:
0x16: {  	s1 =	sadd.s32 $0x10, s1;
	(pc) =	sbr.rel @p1 .LBB2_2-.Ltmp0, $2  }
0x17: {  	_ =	sdelay $0x2  }
0x18: {  	s16 =	sadd.s32 $0x200, s16;
	s20 =	sadd.s32 s20, s5  }
0x19: {  	[tilespmem:s17], [sflag:$0x9] =	stream.linear.gather [hbm4b:s20+s3], $0x80, $0x38;
	[tilespmem:$0x1A480] =	vst v63  }
0x1a: {  	_ =	swait.ge [sflag:s13], $0xC00  }
0x1b: {  	s1 =	simm.s32 $0x0;
	[sflag:s13] =	ssyncset.done $0x0  }
0x1c: {  	s14 =	simm.s32 $0x3200;
	s10 =	rddreg [dreg:$0x3];
	[sflag:s13] =	ssyncadd.s32 $0xFFFFF400  }
0x1d: {  	[tilespmem:s14], [sflag:$0x9] =	stream.linear.gather [hbm4b:s10+s1], $0xC00, $0x38;
	[tilespmem:$0x1A480] =	vst v63  }
0x1e: {  	_ =	swait.ge [sflag:s13], $0xC00  }
0x1f: {  	s16 =	simm.s32 $0x10;
	s20 =	sadd.s32 $0x0, s7;
	[sflag:s13] =	ssyncset.done $0x0  }
0x20: {  	s17 =	simm.s32 $0x280;
	s1 =	simm.s32 $0x80;
	[sflag:s13] =	ssyncadd.s32 $0xFFFFF400  }
.LBB2_4:
0x21: {  	[tilespmem:s1], [sflag:$0x9] =	stream.linear.gather [hbm4b:s20+s3], $0x80, $0x38;
	[tilespmem:$0x1A480] =	vst v63  }
0x22: {  	s20 =	smov.u32 s16;
	s1 =	smov.u32 s17;
	p1 =	sne.s32 s16, $0x170  }
.Ltmp1:
0x23: {  	s16 =	sadd.s32 $0x10, s16;
	(pc) =	sbr.rel @p1 .LBB2_4-.Ltmp1, $2  }
0x24: {  	_ =	sdelay $0x2  }
0x25: {  	s17 =	sadd.s32 $0x200, s17;
	s20 =	sadd.s32 s20, s7  }
0x26: {  	[tilespmem:s1], [sflag:$0x9] =	stream.linear.gather [hbm4b:s20+s3], $0x80, $0x38;
	[tilespmem:$0x1A480] =	vst v63  }
0x27: {  	_ =	swait.ge [sflag:s13], $0xC00  }
0x28: {  	s31 =	simm.s32 $0x0;
	[sflag:s13] =	ssyncset.done $0x0  }
0x29: {  	s14 =	simm.s32 $0x3E00;
	s10 =	rddreg [dreg:$0x4];
	[sflag:s13] =	ssyncadd.s32 $0xFFFFF400  }
0x2a: {  	[tilespmem:s14], [sflag:$0x9] =	stream.linear.gather [hbm4b:s10+s31], $0xC00, $0x38;
	[tilespmem:$0x1A480] =	vst v63  }
0x2b: {  	_ =	swait.ge [sflag:s13], $0xC00  }
0x2c: {  	s1 =	simm.s32 $0x100;
	s16 =	simm.s32 $0x10;
	[sflag:s13] =	ssyncset.done $0x0  }
0x2d: {  	s20 =	sadd.s32 $0x0, s9;
	s17 =	simm.s32 $0x300;
	[sflag:s13] =	ssyncadd.s32 $0xFFFFF400  }
.LBB2_6:
0x2e: {  	[tilespmem:s1], [sflag:$0x9] =	stream.linear.gather [hbm4b:s20+s3], $0x80, $0x38;
	[tilespmem:$0x1A480] =	vst v63  }
0x2f: {  	s20 =	smov.u32 s16;
	s1 =	smov.u32 s17;
	p1 =	sne.s32 s16, $0x170  }
.Ltmp2:
0x30: {  	s16 =	sadd.s32 $0x10, s16;
	(pc) =	sbr.rel @p1 .LBB2_6-.Ltmp2, $2  }
0x31: {  	_ =	sdelay $0x2  }
0x32: {  	s17 =	sadd.s32 $0x200, s17;
	s20 =	sadd.s32 s20, s9  }
0x33: {  	[tilespmem:s1], [sflag:$0x9] =	stream.linear.gather [hbm4b:s20+s3], $0x80, $0x38;
	[tilespmem:$0x1A480] =	vst v63  }
0x34: {  	_ =	swait.ge [sflag:s13], $0xC00  }
0x35: {  	s31 =	simm.s32 $0x0;
	[sflag:s13] =	ssyncset.done $0x0  }
0x36: {  	s14 =	simm.s32 $0x4A00;
	s10 =	rddreg [dreg:$0x5];
	[sflag:s13] =	ssyncadd.s32 $0xFFFFF400  }
0x37: {  	[tilespmem:s14], [sflag:$0x9] =	stream.linear.gather [hbm4b:s10+s31], $0xC00, $0x38;
	[tilespmem:$0x1A480] =	vst v63  }
0x38: {  	_ =	swait.ge [sflag:s13], $0xC00  }
0x39: {  	s1 =	simm.s32 $0x180;
	s16 =	simm.s32 $0x10;
	[sflag:s13] =	ssyncset.done $0x0  }
0x3a: {  	s20 =	sadd.s32 $0x0, s11;
	s17 =	simm.s32 $0x380;
	[sflag:s13] =	ssyncadd.s32 $0xFFFFF400  }
.LBB2_8:
0x3b: {  	[tilespmem:s1], [sflag:$0x9] =	stream.linear.gather [hbm4b:s20+s3], $0x80, $0x38;
	[tilespmem:$0x1A480] =	vst v63  }
0x3c: {  	s20 =	smov.u32 s16;
	s1 =	smov.u32 s17;
	p1 =	sne.s32 s16, $0x170  }
.Ltmp3:
0x3d: {  	s16 =	sadd.s32 $0x10, s16;
	(pc) =	sbr.rel @p1 .LBB2_8-.Ltmp3, $2  }
0x3e: {  	_ =	sdelay $0x2  }
0x3f: {  	s17 =	sadd.s32 $0x200, s17;
	s20 =	sadd.s32 s20, s11  }
0x40: {  	[tilespmem:s1], [sflag:$0x9] =	stream.linear.gather [hbm4b:s20+s3], $0x80, $0x38;
	[tilespmem:$0x1A480] =	vst v63  }
0x41: {  	_ =	swait.ge [sflag:s13], $0xC00  }
0x42: {  	[sflag:s13] =	ssyncset.done $0x0  }
0x43: {  	s10 =	simm.s32 $0x5600;
	s20 =	rddreg [dreg:$0x6];
	[sflag:s13] =	ssyncadd.s32 $0xFFFFF400  }
0x44: {  	[tilespmem:s10], [sflag:$0x9] =	stream.linear.gather [hbm4b:s20+s21], $0xC00, $0x38;
	[tilespmem:$0x1A480] =	vst v63  }
0x45: {  	_ =	swait.ge [sflag:s13], $0xC00  }
0x46: {  	[sflag:s13] =	ssyncset.done $0x0  }
0x47: {  	[sflag:s13] =	ssyncadd.s32 $0xFFFFF400  }
0x48: {  	v3 =	vld [tilespmem:$0x0];
	_ =	sdelay $0x4  }
0x49: {  	v4 =	vshll.u32 v3, $0x1  }
0x4a: {  	v5 =	vand.u32 $0x7, v3;
	v4 =	vand.u32 $0xFFFFFFF0, v4  }
0x4b: {  	v6 =	vld [tilespmem:$0x80];
	v4 =	vor.u32 v5, v4  }
0x4c: {  	v42 =	vld [tilespmem:$0x100];
	v7 =	vperm.xlane v4, v0  }
0x4d: {  	v8 =	vld [tilespmem:$0x180]  }
0x4e: {  	v4 =	vperm.xlane v4, v2;
	v7 =	vadd.s32 v1, v7  }
0x4f: {  	[tilespmem:$0x6280] =	vst v3  }
0x50: {  	[tilespmem:$0x6290] =	vst v6;
	v3 =	vadd.s32 v1, v4  }
0x51: {  	[tilespmem:$0x62A0] =	vst v42  }
0x52: {  	s22 =	simm.s32 $0x6480;
	[tilespmem:$0x62B0] =	vst v8  }
0x53: {  	[tilespmem:s22], [sflag:$0x1] =	stream.indirect_vreg.gather [hbm4b:s4+s21], $0x80, v7, vm0, $0xb8;
	[tilespmem:$0x1A480] =	vst v63  }
0x54: {  	s23 =	simm.s32 $0x6C80  }
0x55: {  	[tilespmem:s23], [sflag:$0x1] =	stream.indirect_vreg.gather [hbm4b:s4+s21], $0x80, v3, vm0, $0xb8;
	[tilespmem:$0x1A480] =	vst v63  }
0x56: {  	v3 =	vld [tilespmem:$0x6290];
	_ =	sdelay $0x4  }
0x57: {  	v43 =	vshll.u32 v3, $0x1  }
0x58: {  	v3 =	vand.u32 $0x7, v3;
	v4 =	vand.u32 $0xFFFFFFF0, v43  }
0x59: {  	v3 =	vor.u32 v3, v4  }
0x5a: {  	v4 =	vperm.xlane v3, v0;
	_ =	sdelay $0x1  }
0x5b: {  	v3 =	vperm.xlane v3, v2;
	v4 =	vadd.s32 v1, v4;
	_ =	sdelay $0x1  }
0x5c: {  	v3 =	vadd.s32 v1, v3;
	_ =	sdelay $0x1  }
0x5d: {  	s24 =	simm.s32 $0x7480  }
0x5e: {  	[tilespmem:s24], [sflag:$0x1] =	stream.indirect_vreg.gather [hbm4b:s4+s21], $0x80, v4, vm0, $0xb8;
	[tilespmem:$0x1A480] =	vst v63  }
0x5f: {  	s25 =	simm.s32 $0x7C80  }
0x60: {  	[tilespmem:s25], [sflag:$0x1] =	stream.indirect_vreg.gather [hbm4b:s4+s21], $0x80, v3, vm0, $0xb8;
	[tilespmem:$0x1A480] =	vst v63  }
0x61: {  	v3 =	vld [tilespmem:$0x62A0];
	_ =	sdelay $0x4  }
0x62: {  	v44 =	vshll.u32 v3, $0x1  }
0x63: {  	v3 =	vand.u32 $0x7, v3;
	v4 =	vand.u32 $0xFFFFFFF0, v44  }
0x64: {  	v3 =	vor.u32 v3, v4  }
0x65: {  	v4 =	vperm.xlane v3, v0;
	_ =	sdelay $0x1  }
0x66: {  	v3 =	vperm.xlane v3, v2;
	v4 =	vadd.s32 v1, v4;
	_ =	sdelay $0x1  }
0x67: {  	v3 =	vadd.s32 v1, v3;
	_ =	sdelay $0x1  }
0x68: {  	s26 =	simm.s32 $0x8480  }
0x69: {  	[tilespmem:s26], [sflag:$0x1] =	stream.indirect_vreg.gather [hbm4b:s4+s21], $0x80, v4, vm0, $0xb8;
	[tilespmem:$0x1A480] =	vst v63  }
0x6a: {  	s28 =	simm.s32 $0x8C80  }
0x6b: {  	[tilespmem:s28], [sflag:$0x1] =	stream.indirect_vreg.gather [hbm4b:s4+s21], $0x80, v3, vm0, $0xb8;
	[tilespmem:$0x1A480] =	vst v63  }
0x6c: {  	v3 =	vld [tilespmem:$0x62B0];
	_ =	sdelay $0x4  }
0x6d: {  	v45 =	vshll.u32 v3, $0x1  }
0x6e: {  	v3 =	vand.u32 $0x7, v3;
	v4 =	vand.u32 $0xFFFFFFF0, v45  }
0x6f: {  	v3 =	vor.u32 v3, v4  }
0x70: {  	v4 =	vperm.xlane v3, v0;
	_ =	sdelay $0x1  }
0x71: {  	v3 =	vperm.xlane v3, v2;
	v4 =	vadd.s32 v1, v4;
	_ =	sdelay $0x1  }
0x72: {  	v3 =	vadd.s32 v1, v3;
	_ =	sdelay $0x1  }
0x73: {  	s29 =	simm.s32 $0x9480  }
0x74: {  	[tilespmem:s29], [sflag:$0x1] =	stream.indirect_vreg.gather [hbm4b:s4+s21], $0x80, v4, vm0, $0xb8;
	[tilespmem:$0x1A480] =	vst v63  }
0x75: {  	s30 =	simm.s32 $0x9C80  }
0x76: {  	[tilespmem:s30], [sflag:$0x1] =	stream.indirect_vreg.gather [hbm4b:s4+s21], $0x80, v3, vm0, $0xb8;
	[tilespmem:$0x1A480] =	vst v63  }
0x77: {  	v3 =	vld [tilespmem:$0x10];
	_ =	sdelay $0x4  }
0x78: {  	v46 =	vshll.u32 v3, $0x1  }
0x79: {  	v47 =	vand.u32 $0x7, v3;
	v4 =	vand.u32 $0xFFFFFFF0, v46  }
0x7a: {  	v48 =	vld [tilespmem:$0x90];
	v4 =	vor.u32 v47, v4  }
0x7b: {  	v49 =	vld [tilespmem:$0x110];
	v50 =	vperm.xlane v4, v0  }
0x7c: {  	v51 =	vld [tilespmem:$0x190]  }
0x7d: {  	v4 =	vperm.xlane v4, v2;
	v7 =	vadd.s32 v1, v50  }
0x7e: {  	[tilespmem:$0x6300] =	vst v3  }
0x7f: {  	[tilespmem:$0x6310] =	vst v48;
	v3 =	vadd.s32 v1, v4  }
0x80: {  	[tilespmem:$0x6320] =	vst v49  }
0x81: {  	s31 =	simm.s32 $0xA480;
	[tilespmem:$0x6330] =	vst v51  }
0x82: {  	[tilespmem:s31], [sflag:$0x2] =	stream.indirect_vreg.gather [hbm4b:s4+s21], $0x80, v7, vm0, $0xb8;
	[tilespmem:$0x1A480] =	vst v63  }
0x83: {  	s10 =	simm.s32 $0xAC80  }
0x84: {  	[tilespmem:s10], [sflag:$0x2] =	stream.indirect_vreg.gather [hbm4b:s4+s21], $0x80, v3, vm0, $0xb8;
	[tilespmem:$0x1A480] =	vst v63  }
0x85: {  	v3 =	vld [tilespmem:$0x6310];
	_ =	sdelay $0x4  }
0x86: {  	v52 =	vshll.u32 v3, $0x1  }
0x87: {  	v3 =	vand.u32 $0x7, v3;
	v4 =	vand.u32 $0xFFFFFFF0, v52  }
0x88: {  	v3 =	vor.u32 v3, v4  }
0x89: {  	v4 =	vperm.xlane v3, v0;
	_ =	sdelay $0x1  }
0x8a: {  	v3 =	vperm.xlane v3, v2;
	v4 =	vadd.s32 v1, v4;
	_ =	sdelay $0x1  }
0x8b: {  	v3 =	vadd.s32 v1, v3;
	_ =	sdelay $0x1  }
0x8c: {  	s13 =	simm.s32 $0xB480  }
0x8d: {  	[tilespmem:s13], [sflag:$0x2] =	stream.indirect_vreg.gather [hbm4b:s4+s21], $0x80, v4, vm0, $0xb8;
	[tilespmem:$0x1A480] =	vst v63  }
0x8e: {  	s14 =	simm.s32 $0xBC80  }
0x8f: {  	[tilespmem:s14], [sflag:$0x2] =	stream.indirect_vreg.gather [hbm4b:s4+s21], $0x80, v3, vm0, $0xb8;
	[tilespmem:$0x1A480] =	vst v63  }
0x90: {  	v3 =	vld [tilespmem:$0x6320];
	_ =	sdelay $0x4  }
0x91: {  	v53 =	vshll.u32 v3, $0x1  }
0x92: {  	v3 =	vand.u32 $0x7, v3;
	v4 =	vand.u32 $0xFFFFFFF0, v53  }
0x93: {  	v3 =	vor.u32 v3, v4  }
0x94: {  	v4 =	vperm.xlane v3, v0;
	_ =	sdelay $0x1  }
0x95: {  	v3 =	vperm.xlane v3, v2;
	v4 =	vadd.s32 v1, v4;
	_ =	sdelay $0x1  }
0x96: {  	v3 =	vadd.s32 v1, v3;
	_ =	sdelay $0x1  }
0x97: {  	s16 =	simm.s32 $0xC480  }
0x98: {  	[tilespmem:s16], [sflag:$0x2] =	stream.indirect_vreg.gather [hbm4b:s4+s21], $0x80, v4, vm0, $0xb8;
	[tilespmem:$0x1A480] =	vst v63  }
0x99: {  	s17 =	simm.s32 $0xCC80  }
0x9a: {  	[tilespmem:s17], [sflag:$0x2] =	stream.indirect_vreg.gather [hbm4b:s4+s21], $0x80, v3, vm0, $0xb8;
	[tilespmem:$0x1A480] =	vst v63  }
0x9b: {  	v3 =	vld [tilespmem:$0x6330];
	_ =	sdelay $0x4  }
0x9c: {  	v54 =	vshll.u32 v3, $0x1  }
0x9d: {  	v3 =	vand.u32 $0x7, v3;
	v4 =	vand.u32 $0xFFFFFFF0, v54  }
0x9e: {  	v3 =	vor.u32 v3, v4  }
0x9f: {  	v4 =	vperm.xlane v3, v0;
	_ =	sdelay $0x1  }
0xa0: {  	v3 =	vperm.xlane v3, v2;
	v4 =	vadd.s32 v1, v4;
	_ =	sdelay $0x1  }
0xa1: {  	v3 =	vadd.s32 v1, v3;
	_ =	sdelay $0x1  }
0xa2: {  	s20 =	simm.s32 $0xD480  }
0xa3: {  	[tilespmem:s20], [sflag:$0x2] =	stream.indirect_vreg.gather [hbm4b:s4+s21], $0x80, v4, vm0, $0xb8;
	[tilespmem:$0x1A480] =	vst v63  }
0xa4: {  	s22 =	simm.s32 $0xDC80  }
0xa5: {  	[tilespmem:s22], [sflag:$0x2] =	stream.indirect_vreg.gather [hbm4b:s4+s21], $0x80, v3, vm0, $0xb8;
	[tilespmem:$0x1A480] =	vst v63  }
0xa6: {  	v3 =	vld [tilespmem:$0x20];
	_ =	sdelay $0x4  }
0xa7: {  	v55 =	vshll.u32 v3, $0x1  }
0xa8: {  	v56 =	vand.u32 $0x7, v3;
	v4 =	vand.u32 $0xFFFFFFF0, v55  }
0xa9: {  	v57 =	vld [tilespmem:$0xA0];
	v4 =	vor.u32 v56, v4  }
0xaa: {  	v58 =	vld [tilespmem:$0x120];
	v59 =	vperm.xlane v4, v0  }
0xab: {  	v60 =	vld [tilespmem:$0x1A0]  }
0xac: {  	v4 =	vperm.xlane v4, v2;
	v7 =	vadd.s32 v1, v59  }
0xad: {  	[tilespmem:$0x6380] =	vst v3  }
0xae: {  	[tilespmem:$0x6390] =	vst v57;
	v3 =	vadd.s32 v1, v4  }
0xaf: {  	[tilespmem:$0x63A0] =	vst v58  }
0xb0: {  	s23 =	simm.s32 $0xE480;
	[tilespmem:$0x63B0] =	vst v60  }
0xb1: {  	[tilespmem:s23], [sflag:$0x3] =	stream.indirect_vreg.gather [hbm4b:s4+s21], $0x80, v7, vm0, $0xb8;
	[tilespmem:$0x1A480] =	vst v63  }
0xb2: {  	s24 =	simm.s32 $0xEC80  }
0xb3: {  	[tilespmem:s24], [sflag:$0x3] =	stream.indirect_vreg.gather [hbm4b:s4+s21], $0x80, v3, vm0, $0xb8;
	[tilespmem:$0x1A480] =	vst v63  }
0xb4: {  	v3 =	vld [tilespmem:$0x6390];
	_ =	sdelay $0x4  }
0xb5: {  	v61 =	vshll.u32 v3, $0x1  }
0xb6: {  	v3 =	vand.u32 $0x7, v3;
	v4 =	vand.u32 $0xFFFFFFF0, v61  }
0xb7: {  	v3 =	vor.u32 v3, v4  }
0xb8: {  	v4 =	vperm.xlane v3, v0;
	_ =	sdelay $0x1  }
0xb9: {  	v3 =	vperm.xlane v3, v2;
	v4 =	vadd.s32 v1, v4;
	_ =	sdelay $0x1  }
0xba: {  	v3 =	vadd.s32 v1, v3;
	_ =	sdelay $0x1  }
0xbb: {  	s25 =	simm.s32 $0xF480  }
0xbc: {  	[tilespmem:s25], [sflag:$0x3] =	stream.indirect_vreg.gather [hbm4b:s4+s21], $0x80, v4, vm0, $0xb8;
	[tilespmem:$0x1A480] =	vst v63  }
0xbd: {  	s26 =	simm.s32 $0xFC80  }
0xbe: {  	[tilespmem:s26], [sflag:$0x3] =	stream.indirect_vreg.gather [hbm4b:s4+s21], $0x80, v3, vm0, $0xb8;
	[tilespmem:$0x1A480] =	vst v63  }
0xbf: {  	v3 =	vld [tilespmem:$0x63A0];
	_ =	sdelay $0x4  }
0xc0: {  	v62 =	vshll.u32 v3, $0x1  }
0xc1: {  	v3 =	vand.u32 $0x7, v3;
	v4 =	vand.u32 $0xFFFFFFF0, v62  }
0xc2: {  	v3 =	vor.u32 v3, v4  }
0xc3: {  	v4 =	vperm.xlane v3, v0;
	_ =	sdelay $0x1  }
0xc4: {  	v3 =	vperm.xlane v3, v2;
	v4 =	vadd.s32 v1, v4;
	_ =	sdelay $0x1  }
0xc5: {  	v3 =	vadd.s32 v1, v3;
	_ =	sdelay $0x1  }
0xc6: {  	s28 =	simm.s32 $0x10480  }
0xc7: {  	[tilespmem:s28], [sflag:$0x3] =	stream.indirect_vreg.gather [hbm4b:s4+s21], $0x80, v4, vm0, $0xb8;
	[tilespmem:$0x1A480] =	vst v63  }
0xc8: {  	s29 =	simm.s32 $0x10C80  }
0xc9: {  	[tilespmem:s29], [sflag:$0x3] =	stream.indirect_vreg.gather [hbm4b:s4+s21], $0x80, v3, vm0, $0xb8;
	[tilespmem:$0x1A480] =	vst v63  }
0xca: {  	v3 =	vld [tilespmem:$0x63B0];
	_ =	sdelay $0x4  }
0xcb: {  	v63 =	vshll.u32 v3, $0x1  }
0xcc: {  	v3 =	vand.u32 $0x7, v3;
	v4 =	vand.u32 $0xFFFFFFF0, v63  }
0xcd: {  	v3 =	vor.u32 v3, v4  }
0xce: {  	v4 =	vperm.xlane v3, v0;
	_ =	sdelay $0x1  }
0xcf: {  	v3 =	vperm.xlane v3, v2;
	v4 =	vadd.s32 v1, v4;
	_ =	sdelay $0x1  }
0xd0: {  	v3 =	vadd.s32 v1, v3  }
0xd1: {  	s30 =	simm.s32 $0x11480  }
0xd2: {  	s31 =	simm.s32 $0x11C80;
	s16 =	simm.s32 $0x4A20;
	s17 =	simm.s32 $0x4A10  }
0xd3: {  	[tilespmem:s30], [sflag:$0x3] =	stream.indirect_vreg.gather [hbm4b:s4+s21], $0x80, v4, vm0, $0xb8;
	[tilespmem:$0x1A480] =	vst v63  }
0xd4: {  	s22 =	simm.s32 $0x4A00;
	s24 =	simm.s32 $0x4A30;
	s25 =	simm.s32 $0x0  }
0xd5: {  	[tilespmem:s31], [sflag:$0x3] =	stream.indirect_vreg.gather [hbm4b:s4+s21], $0x80, v3, vm0, $0xb8;
	[tilespmem:$0x1A480] =	vst v63  }
.LBB2_10:
0xd6: {  	s26 =	sshllo.u32 s25, $0x2  }
0xd7: {  	s20 =	sshll.u32 s25, $0x8;
	s1 =	sshll.u32 s26, $0x4  }
0xd8: {  	s23 =	sand.u32 $0x3E00, s20;
	s1 =	sand.u32 $0x70, s1  }
0xd9: {  	s23 =	sor.u32 s1, s23  }
0xda: {  	v3 =	vld [tilespmem:s23+$0x0];
	_ =	sdelay $0x4  }
0xdb: {  	[tilespmem:$0x6400] =	vst v3  }
0xdc: {  	v4 =	vld [tilespmem:s23+$0x80];
	_ =	sdelay $0x3  }
0xdd: {  	s1 =	sor.u32 s20, s1  }
0xde: {  	s20 =	sor.u32 $0x100, s1;
	[tilespmem:$0x6410] =	vst v4  }
0xdf: {  	v4 =	vld [tilespmem:s20+$0x0];
	_ =	sdelay $0x1  }
0xe0: {  	v5 =	vshll.u32 v3, $0x1  }
0xe1: {  	v3 =	vand.u32 $0x7, v3;
	v5 =	vand.u32 $0xFFFFFFF0, v5  }
0xe2: {  	v3 =	vor.u32 v3, v5  }
0xe3: {  	s1 =	sor.u32 $0x180, s1;
	[tilespmem:$0x6420] =	vst v4;
	v4 =	vperm.xlane v3, v0  }
0xe4: {  	v5 =	vld [tilespmem:s1+$0x0]  }
0xe5: {  	v3 =	vperm.xlane v3, v2;
	v4 =	vadd.s32 v1, v4;
	_ =	sdelay $0x1  }
0xe6: {  	v3 =	vadd.s32 v1, v3;
	_ =	sdelay $0x1  }
0xe7: {  	s10 =	simm.s32 $0x12480;
	[tilespmem:$0x6430] =	vst v5  }
0xe8: {  	[tilespmem:s10], [sflag:$0x4] =	stream.indirect_vreg.gather [hbm4b:s4+s3], $0x80, v4, vm0, $0xb8;
	[tilespmem:$0x1A480] =	vst v63  }
0xe9: {  	s13 =	simm.s32 $0x12C80  }
0xea: {  	[tilespmem:s13], [sflag:$0x4] =	stream.indirect_vreg.gather [hbm4b:s4+s3], $0x80, v3, vm0, $0xb8;
	[tilespmem:$0x1A480] =	vst v63  }
0xeb: {  	v3 =	vld [tilespmem:$0x6410];
	_ =	sdelay $0x4  }
0xec: {  	v4 =	vshll.u32 v3, $0x1  }
0xed: {  	v3 =	vand.u32 $0x7, v3;
	v4 =	vand.u32 $0xFFFFFFF0, v4  }
0xee: {  	v3 =	vor.u32 v3, v4  }
0xef: {  	v4 =	vperm.xlane v3, v0;
	_ =	sdelay $0x1  }
0xf0: {  	v3 =	vperm.xlane v3, v2;
	v4 =	vadd.s32 v1, v4;
	_ =	sdelay $0x1  }
0xf1: {  	v3 =	vadd.s32 v1, v3;
	_ =	sdelay $0x1  }
0xf2: {  	s14 =	simm.s32 $0x13480  }
0xf3: {  	[tilespmem:s14], [sflag:$0x4] =	stream.indirect_vreg.gather [hbm4b:s4+s3], $0x80, v4, vm0, $0xb8;
	[tilespmem:$0x1A480] =	vst v63  }
0xf4: {  	s20 =	simm.s32 $0x13C80  }
0xf5: {  	[tilespmem:s20], [sflag:$0x4] =	stream.indirect_vreg.gather [hbm4b:s4+s3], $0x80, v3, vm0, $0xb8;
	[tilespmem:$0x1A480] =	vst v63  }
0xf6: {  	v3 =	vld [tilespmem:$0x6420];
	_ =	sdelay $0x4  }
0xf7: {  	v4 =	vshll.u32 v3, $0x1  }
0xf8: {  	v3 =	vand.u32 $0x7, v3;
	v4 =	vand.u32 $0xFFFFFFF0, v4  }
0xf9: {  	v3 =	vor.u32 v3, v4  }
0xfa: {  	v4 =	vperm.xlane v3, v0;
	_ =	sdelay $0x1  }
0xfb: {  	v3 =	vperm.xlane v3, v2;
	v4 =	vadd.s32 v1, v4;
	_ =	sdelay $0x1  }
0xfc: {  	v3 =	vadd.s32 v1, v3;
	_ =	sdelay $0x1  }
0xfd: {  	s23 =	simm.s32 $0x14480  }
0xfe: {  	[tilespmem:s23], [sflag:$0x4] =	stream.indirect_vreg.gather [hbm4b:s4+s3], $0x80, v4, vm0, $0xb8;
	[tilespmem:$0x1A480] =	vst v63  }
0xff: {  	s10 =	simm.s32 $0x14C80  }
0x100: {  	[tilespmem:s10], [sflag:$0x4] =	stream.indirect_vreg.gather [hbm4b:s4+s3], $0x80, v3, vm0, $0xb8;
	[tilespmem:$0x1A480] =	vst v63  }
0x101: {  	v3 =	vld [tilespmem:$0x6430];
	_ =	sdelay $0x4  }
0x102: {  	v4 =	vshll.u32 v3, $0x1  }
0x103: {  	v3 =	vand.u32 $0x7, v3;
	v4 =	vand.u32 $0xFFFFFFF0, v4  }
0x104: {  	v3 =	vor.u32 v3, v4  }
0x105: {  	v4 =	vperm.xlane v3, v0;
	_ =	sdelay $0x1  }
0x106: {  	v3 =	vperm.xlane v3, v2;
	v4 =	vadd.s32 v1, v4;
	_ =	sdelay $0x1  }
0x107: {  	v3 =	vadd.s32 v1, v3;
	_ =	sdelay $0x1  }
0x108: {  	s13 =	simm.s32 $0x15480  }
0x109: {  	[tilespmem:s13], [sflag:$0x4] =	stream.indirect_vreg.gather [hbm4b:s4+s3], $0x80, v4, vm0, $0xb8;
	[tilespmem:$0x1A480] =	vst v63  }
0x10a: {  	s14 =	simm.s32 $0x15C80  }
0x10b: {  	[tilespmem:s14], [sflag:$0x4] =	stream.indirect_vreg.gather [hbm4b:s4+s3], $0x80, v3, vm0, $0xb8;
	[tilespmem:$0x1A480] =	vst v63  }
0x10c: {  	_ =	swait.ge [sflag:s0], $0x4000  }
0x10d: {  	p1 =	seq.s32 s25, $0x0;
	[sflag:s0] =	ssyncset.done $0x0  }
0x10e: {  	s1 =	simm.s32 @!p1 $0x5;
	[sflag:s0] =	ssyncadd.s32 $0xFFFFC000  }
0x10f: {  	_ =	swait.ge @!p1 [sflag:s1], $0x1000  }
0x110: {  	[sflag:s1] =	ssyncset.done @!p1 $0x0  }
0x111: {  	[sflag:s1] =	ssyncadd.s32 @!p1 $0xFFFFF000  }
0x112: {  	v11 =	vld.msk [tilespmem:s22+$0xFFFFE800 ss:$0x0], $0xffff  }
0x113: {  	v3 =	vld.msk [tilespmem:s22+$0x0 ss:$0x0], $0xffff  }
0x114: {  	s13 =	sand.u32 $0x800, s21;
	s14 =	sand.u32 $0x380, s21;
	v4 =	vld.msk [tilespmem:s22+$0xC00 ss:$0x0], $0xffff  }
0x115: {  	s29 =	sor.u32 s14, s13;
	v6 =	vld.msk [tilespmem:s22+$0xFFFFF400 ss:$0x0], $0xffff  }
0x116: {  	v35 =	vld [tilespmem:s29+$0x94F0]  }
0x117: {  	v24 =	vld [tilespmem:s29+$0x84F0]  }
0x118: {  	v27 =	vld [tilespmem:s29+$0x74D0]  }
0x119: {  	v25 =	vld [tilespmem:s29+$0x94E0]  }
0x11a: {  	v31 =	vld [tilespmem:s29+$0x84E0]  }
0x11b: {  	v20 =	vld [tilespmem:s29+$0x84C0]  }
0x11c: {  	v33 =	vld [tilespmem:s29+$0x84D0]  }
0x11d: {  	v39 =	vld [tilespmem:s29+$0x6880]  }
0x11e: {  	v42 =	vld [tilespmem:s29+$0x74C0]  }
0x11f: {  	v37 =	vld [tilespmem:s29+$0x74F0]  }
0x120: {  	s20 =	sand.u32 $0xFFFFF800, s21;
	v45 =	vld [tilespmem:s29+$0x68B0]  }
0x121: {  	s1 =	sadd.s32 $0x0, s20;
	v43 =	vld [tilespmem:s29+$0x64E0]  }
0x122: {  	s23 =	sor.u32 $0x2400, s1;
	v44 =	vld [tilespmem:s29+$0x64A0]  }
0x123: {  	v7 =	vld [tilespmem:s23+$0x64F0]  }
0x124: {  	v5 =	vld [tilespmem:s23+$0x6490]  }
0x125: {  	v8 =	vld [tilespmem:s23+$0x64A0]  }
0x126: {  	v15 =	vld [tilespmem:s23+$0x64E0]  }
0x127: {  	v30 =	vld [tilespmem:s23+$0x64D0]  }
0x128: {  	v23 =	vld [tilespmem:s23+$0x6480]  }
0x129: {  	v29 =	vld [tilespmem:s23+$0x64B0]  }
0x12a: {  	s10 =	sor.u32 $0x3400, s1;
	v16 =	vld [tilespmem:s23+$0x64C0]  }
0x12b: {  	s1 =	sor.u32 $0x1400, s1;
	v9 =	vld [tilespmem:s10+$0x64F0]  }
0x12c: {  	v32 =	vld [tilespmem:s1+$0x64B0]  }
0x12d: {  	v40 =	vld [tilespmem:s10+$0x64B0]  }
0x12e: {  	v12 =	vld [tilespmem:s10+$0x6490]  }
0x12f: {  	v26 =	vld [tilespmem:s10+$0x6480]  }
0x130: {  	v17 =	vld [tilespmem:s1+$0x6490]  }
0x131: {  	v21 =	vld [tilespmem:s1+$0x64E0]  }
0x132: {  	v18 =	vld [tilespmem:s1+$0x64A0]  }
0x133: {  	v38 =	vld [tilespmem:s10+$0x64E0]  }
0x134: {  	v28 =	vld [tilespmem:s10+$0x64C0]  }
0x135: {  	v41 =	vld [tilespmem:s10+$0x64D0];
	v9 =	vmul.f32 v9, v4  }
0x136: {  	v36 =	vld [tilespmem:s1+$0x6480];
	v12 =	vmul.f32 v12, v4;
	v22 =	vmul.f32 v17, v6  }
0x137: {  	v34 =	vld [tilespmem:s1+$0x64D0];
	v17 =	vmul.f32 v18, v6;
	v16 =	vmul.f32 v16, v3  }
0x138: {  	v10 =	vld [tilespmem:s10+$0x64A0];
	v19 =	vmul.f32 v15, v3;
	v18 =	vmul.f32 v38, v4  }
0x139: {  	v13 =	vld [tilespmem:s1+$0x64F0];
	v21 =	vmul.f32 v21, v6;
	v15 =	vmul.f32 v28, v4  }
0x13a: {  	v14 =	vld [tilespmem:s1+$0x64C0];
	v28 =	vmul.f32 v26, v4;
	v26 =	vmul.f32 v41, v4  }
0x13b: {  	s28 =	sshll.u32 s25, $0x2;
	v38 =	vld [tilespmem:s29+$0x68D0];
	v36 =	vmul.f32 v36, v6;
	v40 =	vmul.f32 v40, v4  }
0x13c: {  	s30 =	simm.s32 $0x100;
	s31 =	simm.s32 $0x0;
	s1 =	smov.u32 s22;
	v41 =	vld [tilespmem:s29+$0x74E0];
	v34 =	vmul.f32 v34, v6;
	v30 =	vmul.f32 v30, v3  }
.LBB2_11:
0x13d: {  	p2 =	sne.s32 s30, $0xF00;
	v46 =	vld [tilespmem:s29+$0x64F0];
	v45 =	vmul.f32 v45, v11;
	v33 =	vmul.f32 v33, v3;
	s1 =	sadd.s32 $0x1, s1;
	s31 =	sadd.s32 $0x80, s31  }
0x13e: {  	v42 =	vmul.f32 v42, v6;
	v31 =	vmul.f32 v31, v3;
	s23 =	smov.u32 s30;
	s30 =	sadd.s32 $0x100, s30;
	v47 =	vld [tilespmem:s29+$0x74A0]  }
0x13f: {  	v32 =	vmul.f32 v32, v6;
	v29 =	vmul.f32 v29, v3;
	v48 =	vld [tilespmem:s29+$0x6480];
	v45 =	vadd.f32 $0.0e+00, v45  }
0x140: {  	v43 =	vmul.f32 v43, v11;
	v44 =	vmul.f32 v44, v11;
	v49 =	vld [tilespmem:s29+$0x94D0]  }
0x141: {  	v51 =	vmul.f32 v27, v6;
	v50 =	vld [tilespmem:s29+$0x7480];
	v27 =	vadd.f32 v32, v45;
	v32 =	vmul.f32 v35, v4  }
0x142: {  	v39 =	vmul.f32 v39, v11;
	v35 =	vadd.f32 $0.0e+00, v43;
	v41 =	vmul.f32 v41, v6;
	v43 =	vld [tilespmem:s29+$0x8480]  }
0x143: {  	v37 =	vmul.f32 v37, v6;
	v44 =	vadd.f32 $0.0e+00, v44;
	v45 =	vmul.f32 v47, v6;
	v47 =	vld [tilespmem:s29+$0x84A0]  }
0x144: {  	v39 =	vadd.f32 $0.0e+00, v39;
	v29 =	vadd.f32 v29, v27;
	v48 =	vmul.f32 v11, v48;
	v52 =	vld [tilespmem:s29+$0x6490]  }
0x145: {  	v38 =	vmul.f32 v38, v11;
	v44 =	vadd.f32 v45, v44;
	v45 =	vld [tilespmem:s29+$0x9480];
	v27 =	vmul.f32 v49, v4  }
0x146: {  	v29 =	vadd.f32 v40, v29;
	v48 =	vadd.f32 $0.0e+00, v48;
	v49 =	vld [tilespmem:s29+$0x64B0];
	v50 =	vmul.f32 v6, v50  }
0x147: {  	v25 =	vmul.f32 v25, v4;
	v40 =	vmul.f32 v3, v43;
	v43 =	vld [tilespmem:s29+$0x94A0]  }
0x148: {  	v23 =	vmul.f32 v23, v3;
	v48 =	vadd.f32 v50, v48;
	v50 =	vld [tilespmem:s29+$0x7490];
	v47 =	vmul.f32 v47, v3;
	[tilespmem:s29+$0x168B0] =	vst v29  }
0x149: {  	v38 =	vadd.f32 $0.0e+00, v38;
	v36 =	vadd.f32 v36, v39;
	v29 =	vmul.f32 v52, v11;
	v52 =	vld [tilespmem:s29+$0x74B0]  }
0x14a: {  	v35 =	vadd.f32 v41, v35;
	v39 =	vld [tilespmem:s29+$0x64C0];
	v40 =	vadd.f32 v40, v48;
	v41 =	vmul.f32 v4, v45  }
0x14b: {  	v46 =	vmul.f32 v46, v11;
	v44 =	vadd.f32 v47, v44;
	v45 =	vmul.f32 v49, v11;
	v48 =	vld [tilespmem:s29+$0x8490]  }
0x14c: {  	v34 =	vadd.f32 v34, v38;
	v47 =	vld [tilespmem:s29+$0x6890];
	v38 =	vadd.f32 v41, v40;
	v40 =	vmul.f32 v43, v4  }
0x14d: {  	v23 =	vadd.f32 v23, v36;
	v29 =	vadd.f32 $0.0e+00, v29;
	v41 =	vld [tilespmem:s29+$0x68A0];
	v43 =	vmul.f32 v50, v6  }
0x14e: {  	v30 =	vadd.f32 v30, v34;
	v36 =	vmul.f32 v52, v6;
	v49 =	vld [tilespmem:s29+$0x84B0];
	v34 =	vadd.f32 v40, v44  }
0x14f: {  	v23 =	vadd.f32 v28, v23;
	v40 =	vadd.f32 $0.0e+00, v45;
	v39 =	vmul.f32 v39, v11;
	v44 =	vld [tilespmem:s29+$0x68E0];
	[tilespmem:s29+$0x16480] =	vst v38  }
0x150: {  	v24 =	vmul.f32 v24, v3;
	v38 =	vadd.f32 $0.0e+00, v46;
	v28 =	vld [tilespmem:s29+$0x64D0];
	v45 =	vmul.f32 v48, v3;
	[tilespmem:s29+$0x164A0] =	vst v34  }
0x151: {  	v26 =	vadd.f32 v26, v30;
	v34 =	vadd.f32 $0.0e+00, v39;
	v39 =	vmul.f32 v47, v11;
	v46 =	vld [tilespmem:s29+$0x94C0]  }
0x152: {  	v36 =	vadd.f32 v36, v40;
	v37 =	vadd.f32 v37, v38;
	v30 =	vmul.f32 v41, v11;
	v41 =	vld [tilespmem:s29+$0x68C0];
	[tilespmem:s29+$0x16880] =	vst v23  }
0x153: {  	v29 =	vadd.f32 v43, v29;
	v23 =	vadd.f32 $0.0e+00, v39;
	v38 =	vld [tilespmem:s29+$0x68F0];
	v39 =	vmul.f32 v49, v3;
	[tilespmem:s29+$0x168D0] =	vst v26  }
0x154: {  	v24 =	vadd.f32 v24, v37;
	v26 =	vadd.f32 $0.0e+00, v30;
	v30 =	vmul.f32 v44, v11;
	v37 =	vld [tilespmem:s29+$0x9490]  }
0x155: {  	v28 =	vmul.f32 v28, v11;
	v22 =	vadd.f32 v22, v23;
	v23 =	vadd.f32 v39, v36;
	v36 =	vld [tilespmem:s29+$0x94B0]  }
0x156: {  	v20 =	vmul.f32 v20, v3;
	v29 =	vadd.f32 v45, v29;
	v34 =	vadd.f32 v42, v34  }
0x157: {  	v24 =	vadd.f32 v32, v24;
	v30 =	vadd.f32 $0.0e+00, v30;
	v39 =	vmul.f32 v41, v11  }
0x158: {  	v20 =	vadd.f32 v20, v34;
	v32 =	vmul.f32 v46, v4;
	v28 =	vadd.f32 $0.0e+00, v28  }
0x159: {  	v11 =	vmul.f32 v38, v11;
	v21 =	vadd.f32 v21, v30;
	v34 =	vadd.f32 $0.0e+00, v39;
	[tilespmem:s29+$0x164F0] =	vst v24  }
0x15a: {  	v20 =	vadd.f32 v32, v20;
	v24 =	vadd.f32 v51, v28;
	v28 =	vmul.f32 v37, v4  }
0x15b: {  	v14 =	vmul.f32 v14, v6;
	v11 =	vadd.f32 $0.0e+00, v11;
	v19 =	vadd.f32 v19, v21  }
0x15c: {  	v21 =	vadd.f32 v33, v24;
	v24 =	vadd.f32 v28, v29;
	v28 =	vmul.f32 v36, v4;
	[tilespmem:s29+$0x164C0] =	vst v20  }
0x15d: {  	v8 =	vmul.f32 v8, v3;
	v17 =	vadd.f32 v17, v26;
	v18 =	vadd.f32 v18, v19  }
0x15e: {  	v7 =	vmul.f32 v7, v3;
	v14 =	vadd.f32 v14, v34;
	v19 =	vadd.f32 v28, v23  }
0x15f: {  	v6 =	vmul.f32 v13, v6;
	v13 =	vadd.f32 v31, v35;
	v8 =	vadd.f32 v8, v17;
	[tilespmem:s29+$0x16490] =	vst v24  }
0x160: {  	v4 =	vmul.f32 v10, v4;
	v14 =	vadd.f32 v16, v14;
	v16 =	vadd.f32 v27, v21;
	[tilespmem:s29+$0x164B0] =	vst v19  }
0x161: {  	v3 =	vmul.f32 v5, v3;
	v5 =	vadd.f32 v25, v13;
	v6 =	vadd.f32 v6, v11;
	[tilespmem:s29+$0x168E0] =	vst v18  }
0x162: {  	v4 =	vadd.f32 v4, v8;
	v8 =	vadd.f32 v15, v14  }
0x163: {  	v3 =	vadd.f32 v3, v22;
	v6 =	vadd.f32 v7, v6;
	[tilespmem:s29+$0x164E0] =	vst v5  }
0x164: {  	[tilespmem:s29+$0x164D0] =	vst v16  }
0x165: {  	v3 =	vadd.f32 v12, v3;
	v5 =	vadd.f32 v9, v6;
	[tilespmem:s29+$0x168A0] =	vst v4  }
0x166: {  	[tilespmem:s29+$0x168C0] =	vst v8  }
0x167: {  	[tilespmem:s29+$0x16890] =	vst v3  }
0x168: {  	[tilespmem:s29+$0x168F0] =	vst v5;
	_ =	sdelay $0x1  }
0x169: {  	v11 =	vld.msk [tilespmem:s1+$0xFFFFE800 ss:$0x0], $0xffff  }
0x16a: {  	s20 =	sand.u32 $0xFFFFF800, s23;
	v3 =	vld.msk [tilespmem:s1+$0x0 ss:$0x0], $0xffff  }
0x16b: {  	s20 =	sadd.s32 s20, s31;
	v4 =	vld.msk [tilespmem:s1+$0xC00 ss:$0x0], $0xffff  }
0x16c: {  	s29 =	sor.u32 $0x2400, s20;
	v6 =	vld.msk [tilespmem:s1+$0xFFFFF400 ss:$0x0], $0xffff  }
0x16d: {  	v7 =	vld [tilespmem:s29+$0x64F0]  }
0x16e: {  	v5 =	vld [tilespmem:s29+$0x6490]  }
0x16f: {  	v8 =	vld [tilespmem:s29+$0x64A0]  }
0x170: {  	v15 =	vld [tilespmem:s29+$0x64E0]  }
0x171: {  	v30 =	vld [tilespmem:s29+$0x64D0]  }
0x172: {  	s10 =	sor.u32 $0x3400, s20;
	v23 =	vld [tilespmem:s29+$0x6480]  }
0x173: {  	s20 =	sor.u32 $0x1400, s20;
	v29 =	vld [tilespmem:s29+$0x64B0]  }
0x174: {  	v16 =	vld [tilespmem:s29+$0x64C0]  }
0x175: {  	v9 =	vld [tilespmem:s10+$0x64F0]  }
0x176: {  	v32 =	vld [tilespmem:s20+$0x64B0]  }
0x177: {  	v10 =	vld [tilespmem:s10+$0x64A0]  }
0x178: {  	v34 =	vld [tilespmem:s20+$0x64D0]  }
0x179: {  	v40 =	vld [tilespmem:s10+$0x64B0]  }
0x17a: {  	v12 =	vld [tilespmem:s10+$0x6490];
	v9 =	vmul.f32 v9, v4  }
0x17b: {  	v36 =	vld [tilespmem:s20+$0x6480]  }
0x17c: {  	v26 =	vld [tilespmem:s10+$0x6480]  }
0x17d: {  	v17 =	vld [tilespmem:s20+$0x6490]  }
0x17e: {  	v13 =	vld [tilespmem:s20+$0x64F0]  }
0x17f: {  	v21 =	vld [tilespmem:s20+$0x64E0];
	v12 =	vmul.f32 v12, v4  }
0x180: {  	v18 =	vld [tilespmem:s20+$0x64A0]  }
0x181: {  	v41 =	vld [tilespmem:s10+$0x64D0]  }
0x182: {  	v14 =	vld [tilespmem:s20+$0x64C0]  }
0x183: {  	s20 =	sand.u32 $0x800, s23;
	s23 =	sand.u32 $0x380, s31;
	v28 =	vld [tilespmem:s10+$0x64C0]  }
0x184: {  	s29 =	sor.u32 s23, s20;
	v38 =	vld [tilespmem:s10+$0x64E0]  }
0x185: {  	v35 =	vld [tilespmem:s29+$0x94F0]  }
0x186: {  	v24 =	vld [tilespmem:s29+$0x84F0]  }
0x187: {  	v27 =	vld [tilespmem:s29+$0x74D0]  }
0x188: {  	v22 =	vmul.f32 v17, v6;
	v17 =	vmul.f32 v18, v6;
	v25 =	vld [tilespmem:s29+$0x94E0]  }
0x189: {  	v31 =	vld [tilespmem:s29+$0x84E0]  }
0x18a: {  	v20 =	vld [tilespmem:s29+$0x84C0]  }
0x18b: {  	v33 =	vld [tilespmem:s29+$0x84D0]  }
0x18c: {  	v39 =	vld [tilespmem:s29+$0x6880]  }
0x18d: {  	v42 =	vld [tilespmem:s29+$0x74C0]  }
0x18e: {  	v16 =	vmul.f32 v16, v3;
	v37 =	vld [tilespmem:s29+$0x74F0]  }
.Ltmp4:
0x18f: {  	v19 =	vmul.f32 v15, v3;
	v18 =	vmul.f32 v38, v4;
	v45 =	vld [tilespmem:s29+$0x68B0];
	(pc) =	sbr.rel @p2 .LBB2_11-.Ltmp4, $4  }
0x190: {  	v21 =	vmul.f32 v21, v6;
	v15 =	vmul.f32 v28, v4;
	v38 =	vld [tilespmem:s29+$0x68D0]  }
0x191: {  	v28 =	vmul.f32 v26, v4;
	v26 =	vmul.f32 v41, v4;
	v43 =	vld [tilespmem:s29+$0x64E0]  }
0x192: {  	v40 =	vmul.f32 v40, v4;
	v36 =	vmul.f32 v36, v6;
	v44 =	vld [tilespmem:s29+$0x64A0]  }
0x193: {  	v30 =	vmul.f32 v30, v3;
	v34 =	vmul.f32 v34, v6;
	v41 =	vld [tilespmem:s29+$0x74E0]  }
0x194: {  	v45 =	vmul.f32 v45, v11;
	v32 =	vmul.f32 v32, v6  }
0x195: {  	v33 =	vmul.f32 v33, v3;
	v29 =	vmul.f32 v29, v3  }
0x196: {  	v42 =	vmul.f32 v42, v6;
	v31 =	vmul.f32 v31, v3  }
0x197: {  	v47 =	vld [tilespmem:s29+$0x74A0];
	v35 =	vmul.f32 v35, v4;
	v39 =	vmul.f32 v39, v11  }
0x198: {  	v48 =	vld [tilespmem:s29+$0x6480];
	v37 =	vmul.f32 v37, v6;
	v23 =	vmul.f32 v23, v3  }
0x199: {  	v50 =	vld [tilespmem:s29+$0x7480];
	v24 =	vmul.f32 v24, v3;
	v20 =	vmul.f32 v20, v3  }
0x19a: {  	v51 =	vld [tilespmem:s29+$0x8480];
	v27 =	vmul.f32 v27, v6;
	v38 =	vmul.f32 v38, v11  }
0x19b: {  	v46 =	vld [tilespmem:s29+$0x64F0];
	v14 =	vmul.f32 v14, v6;
	v45 =	vadd.f32 $0.0e+00, v45;
	v43 =	vmul.f32 v43, v11  }
0x19c: {  	v62 =	vld [tilespmem:s29+$0x64C0];
	v8 =	vmul.f32 v8, v3;
	v39 =	vadd.f32 $0.0e+00, v39;
	v38 =	vadd.f32 $0.0e+00, v38  }
0x19d: {  	v63 =	vld [tilespmem:s29+$0x84A0];
	v44 =	vmul.f32 v44, v11;
	v32 =	vadd.f32 v32, v45;
	v58 =	vadd.f32 $0.0e+00, v43  }
0x19e: {  	v52 =	vld [tilespmem:s29+$0x6490];
	v36 =	vadd.f32 v36, v39;
	v47 =	vmul.f32 v47, v6;
	v48 =	vmul.f32 v11, v48  }
0x19f: {  	v44 =	vadd.f32 $0.0e+00, v44;
	v57 =	vmul.f32 v6, v50;
	v61 =	vmul.f32 v3, v51  }
0x1a0: {  	v53 =	vld [tilespmem:s29+$0x64B0];
	v46 =	vmul.f32 v46, v11;
	v34 =	vadd.f32 v34, v38;
	v29 =	vadd.f32 v29, v32  }
0x1a1: {  	v60 =	vld [tilespmem:s29+$0x74B0];
	v62 =	vmul.f32 v62, v11;
	v23 =	vadd.f32 v23, v36;
	v44 =	vadd.f32 v47, v44  }
0x1a2: {  	v50 =	vld [tilespmem:s29+$0x7490];
	v45 =	vmul.f32 v63, v3;
	v56 =	vadd.f32 $0.0e+00, v48;
	v30 =	vadd.f32 v30, v34  }
0x1a3: {  	v63 =	vmul.f32 v52, v11;
	v32 =	vld [tilespmem:s29+$0x9480];
	v51 =	vadd.f32 $0.0e+00, v46;
	v52 =	vadd.f32 $0.0e+00, v62  }
0x1a4: {  	v5 =	vmul.f32 v5, v3;
	v36 =	vld [tilespmem:s29+$0x68E0];
	v29 =	vadd.f32 v40, v29;
	v23 =	vadd.f32 v28, v23  }
0x1a5: {  	v41 =	vmul.f32 v41, v6;
	v48 =	vld [tilespmem:s29+$0x6890];
	v59 =	vadd.f32 v57, v56;
	v44 =	vadd.f32 v45, v44  }
0x1a6: {  	v47 =	vmul.f32 v60, v6;
	v40 =	vld [tilespmem:s29+$0x94A0];
	v26 =	vadd.f32 v26, v30;
	v37 =	vadd.f32 v37, v51  }
0x1a7: {  	v56 =	vmul.f32 v53, v11;
	v57 =	vld [tilespmem:s29+$0x68A0];
	v42 =	vadd.f32 v42, v52;
	[tilespmem:s29+$0x168B0] =	vst v29;
	v29 =	vadd.f32 v41, v58  }
0x1a8: {  	v41 =	vld [tilespmem:s29+$0x8490];
	v50 =	vmul.f32 v50, v6;
	v43 =	vadd.f32 v61, v59;
	v32 =	vmul.f32 v4, v32  }
0x1a9: {  	v54 =	vld [tilespmem:s29+$0x94C0];
	v59 =	vadd.f32 $0.0e+00, v63;
	v61 =	vadd.f32 $0.0e+00, v56;
	v36 =	vmul.f32 v36, v11  }
0x1aa: {  	v63 =	vld [tilespmem:s29+$0x64D0];
	v24 =	vadd.f32 v24, v37;
	v20 =	vadd.f32 v20, v42;
	v53 =	vmul.f32 v48, v11  }
0x1ab: {  	v56 =	vld [tilespmem:s29+$0x68C0];
	v32 =	vadd.f32 v32, v43;
	v58 =	vmul.f32 v40, v4;
	v36 =	vadd.f32 $0.0e+00, v36  }
0x1ac: {  	v24 =	vadd.f32 v35, v24;
	v55 =	vmul.f32 v57, v11;
	v57 =	vadd.f32 $0.0e+00, v53  }
0x1ad: {  	v49 =	vld [tilespmem:s29+$0x94D0];
	v60 =	vadd.f32 v58, v44;
	[tilespmem:s29+$0x16480] =	vst v32;
	v41 =	vmul.f32 v41, v3;
	v32 =	vadd.f32 v47, v61  }
0x1ae: {  	v40 =	vld [tilespmem:s29+$0x84B0];
	v58 =	vadd.f32 v50, v59;
	v47 =	vmul.f32 v54, v4;
	v21 =	vadd.f32 v21, v36  }
0x1af: {  	v46 =	vld [tilespmem:s29+$0x94B0];
	v30 =	vadd.f32 $0.0e+00, v55;
	v61 =	vmul.f32 v63, v11;
	v22 =	vadd.f32 v22, v57  }
0x1b0: {  	v45 =	vmul.f32 v56, v11;
	v57 =	vadd.f32 v31, v29;
	[tilespmem:s29+$0x164A0] =	vst v60;
	v60 =	vld [tilespmem:s29+$0x68F0];
	v43 =	vadd.f32 v41, v58  }
0x1b1: {  	v55 =	vmul.f32 v25, v4;
	v20 =	vadd.f32 v47, v20;
	v19 =	vadd.f32 v19, v21  }
0x1b2: {  	[tilespmem:s29+$0x168D0] =	vst v26;
	v50 =	vmul.f32 v49, v4;
	v63 =	vld [tilespmem:s29+$0x9490];
	v26 =	vadd.f32 $0.0e+00, v61;
	v37 =	vadd.f32 $0.0e+00, v45  }
0x1b3: {  	v59 =	vmul.f32 v40, v3;
	v17 =	vadd.f32 v17, v30;
	v61 =	vadd.f32 v55, v57  }
0x1b4: {  	[tilespmem:s29+$0x16880] =	vst v23;
	v54 =	vmul.f32 v46, v4;
	v5 =	vadd.f32 v5, v22;
	v18 =	vadd.f32 v18, v19  }
0x1b5: {  	[tilespmem:s29+$0x164F0] =	vst v24;
	v62 =	vadd.f32 v59, v32;
	v26 =	vadd.f32 v27, v26;
	v48 =	vmul.f32 v60, v11  }
0x1b6: {  	v58 =	vmul.f32 v13, v6;
	[tilespmem:s29+$0x164C0] =	vst v20;
	v14 =	vadd.f32 v14, v37;
	v8 =	vadd.f32 v8, v17  }
0x1b7: {  	[tilespmem:s29+$0x164E0] =	vst v61;
	v5 =	vadd.f32 v12, v5;
	v51 =	vmul.f32 v63, v4;
	v11 =	vadd.f32 $0.0e+00, v48  }
0x1b8: {  	v3 =	vmul.f32 v7, v3;
	[tilespmem:s29+$0x168E0] =	vst v18;
	v52 =	vadd.f32 v33, v26;
	v56 =	vadd.f32 v54, v62  }
0x1b9: {  	v60 =	vmul.f32 v10, v4;
	[tilespmem:s29+$0x16890] =	vst v5;
	v53 =	vadd.f32 v51, v43;
	v6 =	vadd.f32 v58, v11  }
0x1ba: {  	v59 =	vadd.f32 v16, v14;
	[tilespmem:s29+$0x164B0] =	vst v56;
	v62 =	vadd.f32 v50, v52  }
0x1bb: {  	p2 =	sne.s32 s25, $0x2F;
	v4 =	vadd.f32 v60, v8;
	[tilespmem:s29+$0x16490] =	vst v53;
	v3 =	vadd.f32 v3, v6  }
.Ltmp5:
0x1bc: {  	v63 =	vadd.f32 v15, v59;
	[tilespmem:s29+$0x164D0] =	vst v62;
	(pc) =	sbr.rel @p2 .LBB2_14-.Ltmp5, $4  }
0x1bd: {  	s1 =	sshll.u32 s25, $0x10;
	[tilespmem:s29+$0x168A0] =	vst v4;
	v3 =	vadd.f32 v9, v3  }
0x1be: {  	s1 =	sor.u32 s15, s1;
	[tilespmem:s29+$0x168C0] =	vst v63  }
0x1bf: {  	s10 =	simm.s32 $0x16480;
	s1 =	sadd.s32 s2, s1;
	[tilespmem:s29+$0x168F0] =	vst v3  }
0x1c0: {  	[hbm4b:s1+s3] =	stream.linear.scatter [tilespmem:s10], [sflag:$0x5], $0x1000, $0x38;
	[tilespmem:$0x1A480] =	vst v63  }
.Ltmp6:
0x1c1: {  	(pc) =	sbr.rel .LBB2_15-.Ltmp6, $4  }
0x1c2: {  	_ = 	snop  }
0x1c3: {  	_ =	swait.ge [sflag:s18], $0x4000  }
0x1c4: {  	[sflag:s18] =	ssyncset.done $0x0  }
0x1c5: {  	[sflag:s18] =	ssyncadd.s32 $0xFFFFC000  }
.LBB2_14:
0x1c6: {  	s1 =	sadd.s32 $0x4, s28  }
0x1c7: {  	s10 =	sshll.u32 s1, $0x4;
	s1 =	sshll.u32 s1, $0x6  }
0x1c8: {  	s10 =	sand.u32 $0x40, s10;
	s20 =	sand.u32 $0x7E00, s1  }
0x1c9: {  	s20 =	sor.u32 s10, s20  }
0x1ca: {  	v3 =	vld [tilespmem:s20+$0x0];
	_ =	sdelay $0x4  }
0x1cb: {  	[tilespmem:$0x6280] =	vst v3  }
0x1cc: {  	v4 =	vld [tilespmem:s20+$0x80];
	_ =	sdelay $0x3  }
0x1cd: {  	s1 =	sor.u32 s1, s10  }
0x1ce: {  	s10 =	sor.u32 $0x100, s1;
	[tilespmem:$0x6290] =	vst v4  }
0x1cf: {  	v4 =	vld [tilespmem:s10+$0x0];
	_ =	sdelay $0x1  }
0x1d0: {  	v5 =	vshll.u32 v3, $0x1  }
0x1d1: {  	v3 =	vand.u32 $0x7, v3;
	v5 =	vand.u32 $0xFFFFFFF0, v5  }
0x1d2: {  	v3 =	vor.u32 v3, v5  }
0x1d3: {  	s1 =	sor.u32 $0x180, s1;
	v59 =	vperm.xlane v3, v0;
	[tilespmem:$0x62A0] =	vst v4  }
0x1d4: {  	v60 =	vld [tilespmem:s1+$0x0]  }
0x1d5: {  	v3 =	vperm.xlane v3, v2;
	v4 =	vadd.s32 v1, v59;
	_ =	sdelay $0x1  }
0x1d6: {  	v3 =	vadd.s32 v1, v3;
	_ =	sdelay $0x1  }
0x1d7: {  	s10 =	simm.s32 $0x6480;
	[tilespmem:$0x62B0] =	vst v60  }
0x1d8: {  	[tilespmem:s10], [sflag:$0x1] =	stream.indirect_vreg.gather [hbm4b:s4+s3], $0x80, v4, vm0, $0xb8;
	[tilespmem:$0x1A480] =	vst v63  }
0x1d9: {  	s13 =	simm.s32 $0x6C80  }
0x1da: {  	[tilespmem:s13], [sflag:$0x1] =	stream.indirect_vreg.gather [hbm4b:s4+s3], $0x80, v3, vm0, $0xb8;
	[tilespmem:$0x1A480] =	vst v63  }
0x1db: {  	v3 =	vld [tilespmem:$0x6290];
	_ =	sdelay $0x4  }
0x1dc: {  	v61 =	vshll.u32 v3, $0x1  }
0x1dd: {  	v3 =	vand.u32 $0x7, v3;
	v4 =	vand.u32 $0xFFFFFFF0, v61  }
0x1de: {  	v3 =	vor.u32 v3, v4  }
0x1df: {  	v4 =	vperm.xlane v3, v0;
	_ =	sdelay $0x1  }
0x1e0: {  	v3 =	vperm.xlane v3, v2;
	v4 =	vadd.s32 v1, v4;
	_ =	sdelay $0x1  }
0x1e1: {  	v3 =	vadd.s32 v1, v3;
	_ =	sdelay $0x1  }
0x1e2: {  	s14 =	simm.s32 $0x7480  }
0x1e3: {  	[tilespmem:s14], [sflag:$0x1] =	stream.indirect_vreg.gather [hbm4b:s4+s3], $0x80, v4, vm0, $0xb8;
	[tilespmem:$0x1A480] =	vst v63  }
0x1e4: {  	s20 =	simm.s32 $0x7C80  }
0x1e5: {  	[tilespmem:s20], [sflag:$0x1] =	stream.indirect_vreg.gather [hbm4b:s4+s3], $0x80, v3, vm0, $0xb8;
	[tilespmem:$0x1A480] =	vst v63  }
0x1e6: {  	v3 =	vld [tilespmem:$0x62A0];
	_ =	sdelay $0x4  }
0x1e7: {  	v62 =	vshll.u32 v3, $0x1  }
0x1e8: {  	v3 =	vand.u32 $0x7, v3;
	v4 =	vand.u32 $0xFFFFFFF0, v62  }
0x1e9: {  	v3 =	vor.u32 v3, v4  }
0x1ea: {  	v4 =	vperm.xlane v3, v0;
	_ =	sdelay $0x1  }
0x1eb: {  	v3 =	vperm.xlane v3, v2;
	v4 =	vadd.s32 v1, v4;
	_ =	sdelay $0x1  }
0x1ec: {  	v3 =	vadd.s32 v1, v3;
	_ =	sdelay $0x1  }
0x1ed: {  	s23 =	simm.s32 $0x8480  }
0x1ee: {  	[tilespmem:s23], [sflag:$0x1] =	stream.indirect_vreg.gather [hbm4b:s4+s3], $0x80, v4, vm0, $0xb8;
	[tilespmem:$0x1A480] =	vst v63  }
0x1ef: {  	s29 =	simm.s32 $0x8C80  }
0x1f0: {  	[tilespmem:s29], [sflag:$0x1] =	stream.indirect_vreg.gather [hbm4b:s4+s3], $0x80, v3, vm0, $0xb8;
	[tilespmem:$0x1A480] =	vst v63  }
0x1f1: {  	v3 =	vld [tilespmem:$0x62B0];
	_ =	sdelay $0x4  }
0x1f2: {  	v63 =	vshll.u32 v3, $0x1  }
0x1f3: {  	v3 =	vand.u32 $0x7, v3;
	v4 =	vand.u32 $0xFFFFFFF0, v63  }
0x1f4: {  	v3 =	vor.u32 v3, v4  }
0x1f5: {  	v4 =	vperm.xlane v3, v0;
	_ =	sdelay $0x1  }
0x1f6: {  	v3 =	vperm.xlane v3, v2;
	v4 =	vadd.s32 v1, v4;
	_ =	sdelay $0x1  }
0x1f7: {  	v3 =	vadd.s32 v1, v3;
	_ =	sdelay $0x1  }
0x1f8: {  	s30 =	simm.s32 $0x9480  }
0x1f9: {  	[tilespmem:s30], [sflag:$0x1] =	stream.indirect_vreg.gather [hbm4b:s4+s3], $0x80, v4, vm0, $0xb8;
	[tilespmem:$0x1A480] =	vst v63  }
.Ltmp7:
0x1fa: {  	s31 =	simm.s32 $0x9C80;
	(pc) =	sbr.rel @p1 .LBB2_16-.Ltmp7, $4  }
0x1fb: {  	[tilespmem:s31], [sflag:$0x1] =	stream.indirect_vreg.gather [hbm4b:s4+s3], $0x80, v3, vm0, $0xb8;
	[tilespmem:$0x1A480] =	vst v63  }
0x1fc: {  	_ =	swait.ge [sflag:s18], $0x4000  }
0x1fd: {  	[sflag:s18] =	ssyncset.done $0x0  }
0x1fe: {  	[sflag:s18] =	ssyncadd.s32 $0xFFFFC000  }
.LBB2_15:
0x1ff: {  	_ =	swait.ge [sflag:s19], $0x1000  }
0x200: {  	[sflag:s19] =	ssyncset.done $0x0  }
0x201: {  	[sflag:s19] =	ssyncadd.s32 $0xFFFFF000  }
.LBB2_16:
0x202: {  	v11 =	vld.msk [tilespmem:s17+$0xFFFFE800 ss:$0x0], $0xffff  }
0x203: {  	s31 =	simm.s32 $0x0;
	v3 =	vld.msk [tilespmem:s17+$0x0 ss:$0x0], $0xffff  }
0x204: {  	v4 =	vld.msk [tilespmem:s17+$0xC00 ss:$0x0], $0xffff;
	s14 =	sand.u32 $0x800, s31;
	s23 =	sand.u32 $0x380, s31  }
0x205: {  	v6 =	vld.msk [tilespmem:s17+$0xFFFFF400 ss:$0x0], $0xffff;
	s30 =	sor.u32 s23, s14  }
0x206: {  	v35 =	vld [tilespmem:s30+$0xD4F0]  }
0x207: {  	v24 =	vld [tilespmem:s30+$0xC4F0]  }
0x208: {  	v27 =	vld [tilespmem:s30+$0xB4D0]  }
0x209: {  	v25 =	vld [tilespmem:s30+$0xD4E0]  }
0x20a: {  	v31 =	vld [tilespmem:s30+$0xC4E0]  }
0x20b: {  	v20 =	vld [tilespmem:s30+$0xC4C0]  }
0x20c: {  	v33 =	vld [tilespmem:s30+$0xC4D0]  }
0x20d: {  	v39 =	vld [tilespmem:s30+$0xA880]  }
0x20e: {  	v42 =	vld [tilespmem:s30+$0xB4C0]  }
0x20f: {  	v37 =	vld [tilespmem:s30+$0xB4F0]  }
0x210: {  	s1 =	sand.u32 $0xFFFFF800, s31;
	v45 =	vld [tilespmem:s30+$0xA8B0]  }
0x211: {  	s1 =	sadd.s32 $0x0, s1;
	v43 =	vld [tilespmem:s30+$0xA4E0]  }
0x212: {  	s10 =	sor.u32 $0x2400, s1;
	v44 =	vld [tilespmem:s30+$0xA4A0]  }
0x213: {  	v7 =	vld [tilespmem:s10+$0xA4F0]  }
0x214: {  	v5 =	vld [tilespmem:s10+$0xA490]  }
0x215: {  	v8 =	vld [tilespmem:s10+$0xA4A0]  }
0x216: {  	v15 =	vld [tilespmem:s10+$0xA4E0]  }
0x217: {  	v30 =	vld [tilespmem:s10+$0xA4D0]  }
0x218: {  	v23 =	vld [tilespmem:s10+$0xA480]  }
0x219: {  	v29 =	vld [tilespmem:s10+$0xA4B0]  }
0x21a: {  	s20 =	sor.u32 $0x3400, s1;
	v16 =	vld [tilespmem:s10+$0xA4C0]  }
0x21b: {  	s1 =	sor.u32 $0x1400, s1;
	v9 =	vld [tilespmem:s20+$0xA4F0]  }
0x21c: {  	v32 =	vld [tilespmem:s1+$0xA4B0]  }
0x21d: {  	v40 =	vld [tilespmem:s20+$0xA4B0]  }
0x21e: {  	v12 =	vld [tilespmem:s20+$0xA490]  }
0x21f: {  	v26 =	vld [tilespmem:s20+$0xA480]  }
0x220: {  	v17 =	vld [tilespmem:s1+$0xA490]  }
0x221: {  	v21 =	vld [tilespmem:s1+$0xA4E0]  }
0x222: {  	v18 =	vld [tilespmem:s1+$0xA4A0]  }
0x223: {  	v38 =	vld [tilespmem:s20+$0xA4E0]  }
0x224: {  	v28 =	vld [tilespmem:s20+$0xA4C0]  }
0x225: {  	v41 =	vld [tilespmem:s20+$0xA4D0];
	v9 =	vmul.f32 v9, v4  }
0x226: {  	v36 =	vld [tilespmem:s1+$0xA480];
	v12 =	vmul.f32 v12, v4;
	v22 =	vmul.f32 v17, v6  }
0x227: {  	v34 =	vld [tilespmem:s1+$0xA4D0];
	v17 =	vmul.f32 v18, v6;
	v16 =	vmul.f32 v16, v3  }
0x228: {  	v10 =	vld [tilespmem:s20+$0xA4A0];
	v19 =	vmul.f32 v15, v3;
	v18 =	vmul.f32 v38, v4  }
0x229: {  	v13 =	vld [tilespmem:s1+$0xA4F0];
	v21 =	vmul.f32 v21, v6;
	v15 =	vmul.f32 v28, v4  }
0x22a: {  	v14 =	vld [tilespmem:s1+$0xA4C0];
	v28 =	vmul.f32 v26, v4;
	v26 =	vmul.f32 v41, v4  }
0x22b: {  	v38 =	vld [tilespmem:s30+$0xA8D0];
	v36 =	vmul.f32 v36, v6;
	v40 =	vmul.f32 v40, v4  }
0x22c: {  	s29 =	sor.u32 $0x1, s28;
	s23 =	smov.u32 s17;
	s1 =	simm.s32 $0x100;
	v41 =	vld [tilespmem:s30+$0xB4E0];
	v34 =	vmul.f32 v34, v6;
	v30 =	vmul.f32 v30, v3  }
.LBB2_17:
0x22d: {  	p3 =	sne.s32 s1, $0xF00;
	v46 =	vld [tilespmem:s30+$0xA4F0];
	v45 =	vmul.f32 v45, v11;
	v33 =	vmul.f32 v33, v3;
	s23 =	sadd.s32 $0x1, s23;
	s31 =	sadd.s32 $0x80, s31  }
0x22e: {  	v42 =	vmul.f32 v42, v6;
	v31 =	vmul.f32 v31, v3;
	s20 =	smov.u32 s1;
	s1 =	sadd.s32 $0x100, s1;
	v47 =	vld [tilespmem:s30+$0xB4A0]  }
0x22f: {  	v32 =	vmul.f32 v32, v6;
	v29 =	vmul.f32 v29, v3;
	v48 =	vld [tilespmem:s30+$0xA480];
	v45 =	vadd.f32 $0.0e+00, v45  }
0x230: {  	v43 =	vmul.f32 v43, v11;
	v44 =	vmul.f32 v44, v11;
	v49 =	vld [tilespmem:s30+$0xD4D0]  }
0x231: {  	v51 =	vmul.f32 v27, v6;
	v50 =	vld [tilespmem:s30+$0xB480];
	v27 =	vadd.f32 v32, v45;
	v32 =	vmul.f32 v35, v4  }
0x232: {  	v39 =	vmul.f32 v39, v11;
	v35 =	vadd.f32 $0.0e+00, v43;
	v41 =	vmul.f32 v41, v6;
	v43 =	vld [tilespmem:s30+$0xC480]  }
0x233: {  	v37 =	vmul.f32 v37, v6;
	v44 =	vadd.f32 $0.0e+00, v44;
	v45 =	vmul.f32 v47, v6;
	v47 =	vld [tilespmem:s30+$0xC4A0]  }
0x234: {  	v39 =	vadd.f32 $0.0e+00, v39;
	v29 =	vadd.f32 v29, v27;
	v48 =	vmul.f32 v11, v48;
	v52 =	vld [tilespmem:s30+$0xA490]  }
0x235: {  	v38 =	vmul.f32 v38, v11;
	v44 =	vadd.f32 v45, v44;
	v45 =	vld [tilespmem:s30+$0xD480];
	v27 =	vmul.f32 v49, v4  }
0x236: {  	v29 =	vadd.f32 v40, v29;
	v48 =	vadd.f32 $0.0e+00, v48;
	v49 =	vld [tilespmem:s30+$0xA4B0];
	v50 =	vmul.f32 v6, v50  }
0x237: {  	v25 =	vmul.f32 v25, v4;
	v40 =	vmul.f32 v3, v43;
	v43 =	vld [tilespmem:s30+$0xD4A0]  }
0x238: {  	v23 =	vmul.f32 v23, v3;
	v48 =	vadd.f32 v50, v48;
	v50 =	vld [tilespmem:s30+$0xB490];
	v47 =	vmul.f32 v47, v3;
	[tilespmem:s30+$0x178B0] =	vst v29  }
0x239: {  	v38 =	vadd.f32 $0.0e+00, v38;
	v36 =	vadd.f32 v36, v39;
	v29 =	vmul.f32 v52, v11;
	v52 =	vld [tilespmem:s30+$0xB4B0]  }
0x23a: {  	v35 =	vadd.f32 v41, v35;
	v39 =	vld [tilespmem:s30+$0xA4C0];
	v40 =	vadd.f32 v40, v48;
	v41 =	vmul.f32 v4, v45  }
0x23b: {  	v46 =	vmul.f32 v46, v11;
	v44 =	vadd.f32 v47, v44;
	v45 =	vmul.f32 v49, v11;
	v48 =	vld [tilespmem:s30+$0xC490]  }
0x23c: {  	v34 =	vadd.f32 v34, v38;
	v47 =	vld [tilespmem:s30+$0xA890];
	v38 =	vadd.f32 v41, v40;
	v40 =	vmul.f32 v43, v4  }
0x23d: {  	v23 =	vadd.f32 v23, v36;
	v29 =	vadd.f32 $0.0e+00, v29;
	v41 =	vld [tilespmem:s30+$0xA8A0];
	v43 =	vmul.f32 v50, v6  }
0x23e: {  	v30 =	vadd.f32 v30, v34;
	v36 =	vmul.f32 v52, v6;
	v49 =	vld [tilespmem:s30+$0xC4B0];
	v34 =	vadd.f32 v40, v44  }
0x23f: {  	v23 =	vadd.f32 v28, v23;
	v40 =	vadd.f32 $0.0e+00, v45;
	v39 =	vmul.f32 v39, v11;
	v44 =	vld [tilespmem:s30+$0xA8E0];
	[tilespmem:s30+$0x17480] =	vst v38  }
0x240: {  	v24 =	vmul.f32 v24, v3;
	v38 =	vadd.f32 $0.0e+00, v46;
	v28 =	vld [tilespmem:s30+$0xA4D0];
	v45 =	vmul.f32 v48, v3;
	[tilespmem:s30+$0x174A0] =	vst v34  }
0x241: {  	v26 =	vadd.f32 v26, v30;
	v34 =	vadd.f32 $0.0e+00, v39;
	v39 =	vmul.f32 v47, v11;
	v46 =	vld [tilespmem:s30+$0xD4C0]  }
0x242: {  	v36 =	vadd.f32 v36, v40;
	v37 =	vadd.f32 v37, v38;
	v30 =	vmul.f32 v41, v11;
	v41 =	vld [tilespmem:s30+$0xA8C0];
	[tilespmem:s30+$0x17880] =	vst v23  }
0x243: {  	v29 =	vadd.f32 v43, v29;
	v23 =	vadd.f32 $0.0e+00, v39;
	v38 =	vld [tilespmem:s30+$0xA8F0];
	v39 =	vmul.f32 v49, v3;
	[tilespmem:s30+$0x178D0] =	vst v26  }
0x244: {  	v24 =	vadd.f32 v24, v37;
	v26 =	vadd.f32 $0.0e+00, v30;
	v30 =	vmul.f32 v44, v11;
	v37 =	vld [tilespmem:s30+$0xD490]  }
0x245: {  	v28 =	vmul.f32 v28, v11;
	v22 =	vadd.f32 v22, v23;
	v23 =	vadd.f32 v39, v36;
	v36 =	vld [tilespmem:s30+$0xD4B0]  }
0x246: {  	v20 =	vmul.f32 v20, v3;
	v29 =	vadd.f32 v45, v29;
	v34 =	vadd.f32 v42, v34  }
0x247: {  	v24 =	vadd.f32 v32, v24;
	v30 =	vadd.f32 $0.0e+00, v30;
	v39 =	vmul.f32 v41, v11  }
0x248: {  	v20 =	vadd.f32 v20, v34;
	v32 =	vmul.f32 v46, v4;
	v28 =	vadd.f32 $0.0e+00, v28  }
0x249: {  	v11 =	vmul.f32 v38, v11;
	v21 =	vadd.f32 v21, v30;
	v34 =	vadd.f32 $0.0e+00, v39;
	[tilespmem:s30+$0x174F0] =	vst v24  }
0x24a: {  	v20 =	vadd.f32 v32, v20;
	v24 =	vadd.f32 v51, v28;
	v28 =	vmul.f32 v37, v4  }
0x24b: {  	v14 =	vmul.f32 v14, v6;
	v11 =	vadd.f32 $0.0e+00, v11;
	v19 =	vadd.f32 v19, v21  }
0x24c: {  	v21 =	vadd.f32 v33, v24;
	v24 =	vadd.f32 v28, v29;
	v28 =	vmul.f32 v36, v4;
	[tilespmem:s30+$0x174C0] =	vst v20  }
0x24d: {  	v8 =	vmul.f32 v8, v3;
	v17 =	vadd.f32 v17, v26;
	v18 =	vadd.f32 v18, v19  }
0x24e: {  	v7 =	vmul.f32 v7, v3;
	v14 =	vadd.f32 v14, v34;
	v19 =	vadd.f32 v28, v23  }
0x24f: {  	v6 =	vmul.f32 v13, v6;
	v13 =	vadd.f32 v31, v35;
	v8 =	vadd.f32 v8, v17;
	[tilespmem:s30+$0x17490] =	vst v24  }
0x250: {  	v4 =	vmul.f32 v10, v4;
	v14 =	vadd.f32 v16, v14;
	v16 =	vadd.f32 v27, v21;
	[tilespmem:s30+$0x174B0] =	vst v19  }
0x251: {  	v3 =	vmul.f32 v5, v3;
	v5 =	vadd.f32 v25, v13;
	v6 =	vadd.f32 v6, v11;
	[tilespmem:s30+$0x178E0] =	vst v18  }
0x252: {  	v4 =	vadd.f32 v4, v8;
	v8 =	vadd.f32 v15, v14  }
0x253: {  	v3 =	vadd.f32 v3, v22;
	v6 =	vadd.f32 v7, v6;
	[tilespmem:s30+$0x174E0] =	vst v5  }
0x254: {  	[tilespmem:s30+$0x174D0] =	vst v16  }
0x255: {  	v3 =	vadd.f32 v12, v3;
	v5 =	vadd.f32 v9, v6;
	[tilespmem:s30+$0x178A0] =	vst v4  }
0x256: {  	[tilespmem:s30+$0x178C0] =	vst v8  }
0x257: {  	[tilespmem:s30+$0x17890] =	vst v3  }
0x258: {  	[tilespmem:s30+$0x178F0] =	vst v5;
	_ =	sdelay $0x1  }
0x259: {  	v11 =	vld.msk [tilespmem:s23+$0xFFFFE800 ss:$0x0], $0xffff  }
0x25a: {  	s10 =	sand.u32 $0xFFFFF800, s20;
	v3 =	vld.msk [tilespmem:s23+$0x0 ss:$0x0], $0xffff  }
0x25b: {  	s10 =	sadd.s32 s10, s31;
	v4 =	vld.msk [tilespmem:s23+$0xC00 ss:$0x0], $0xffff  }
0x25c: {  	s30 =	sor.u32 $0x2400, s10;
	v6 =	vld.msk [tilespmem:s23+$0xFFFFF400 ss:$0x0], $0xffff  }
0x25d: {  	v7 =	vld [tilespmem:s30+$0xA4F0]  }
0x25e: {  	v5 =	vld [tilespmem:s30+$0xA490]  }
0x25f: {  	v8 =	vld [tilespmem:s30+$0xA4A0]  }
0x260: {  	v15 =	vld [tilespmem:s30+$0xA4E0]  }
0x261: {  	v30 =	vld [tilespmem:s30+$0xA4D0]  }
0x262: {  	s13 =	sor.u32 $0x3400, s10;
	v23 =	vld [tilespmem:s30+$0xA480]  }
0x263: {  	s10 =	sor.u32 $0x1400, s10;
	v29 =	vld [tilespmem:s30+$0xA4B0]  }
0x264: {  	v16 =	vld [tilespmem:s30+$0xA4C0]  }
0x265: {  	v9 =	vld [tilespmem:s13+$0xA4F0]  }
0x266: {  	v32 =	vld [tilespmem:s10+$0xA4B0]  }
0x267: {  	v10 =	vld [tilespmem:s13+$0xA4A0]  }
0x268: {  	v34 =	vld [tilespmem:s10+$0xA4D0]  }
0x269: {  	v40 =	vld [tilespmem:s13+$0xA4B0]  }
0x26a: {  	v12 =	vld [tilespmem:s13+$0xA490];
	v9 =	vmul.f32 v9, v4  }
0x26b: {  	v36 =	vld [tilespmem:s10+$0xA480]  }
0x26c: {  	v26 =	vld [tilespmem:s13+$0xA480]  }
0x26d: {  	v17 =	vld [tilespmem:s10+$0xA490]  }
0x26e: {  	v13 =	vld [tilespmem:s10+$0xA4F0]  }
0x26f: {  	v21 =	vld [tilespmem:s10+$0xA4E0];
	v12 =	vmul.f32 v12, v4  }
0x270: {  	v18 =	vld [tilespmem:s10+$0xA4A0]  }
0x271: {  	v41 =	vld [tilespmem:s13+$0xA4D0]  }
0x272: {  	v14 =	vld [tilespmem:s10+$0xA4C0]  }
0x273: {  	s10 =	sand.u32 $0x800, s20;
	s20 =	sand.u32 $0x380, s31;
	v28 =	vld [tilespmem:s13+$0xA4C0]  }
0x274: {  	s30 =	sor.u32 s20, s10;
	v38 =	vld [tilespmem:s13+$0xA4E0]  }
0x275: {  	v35 =	vld [tilespmem:s30+$0xD4F0]  }
0x276: {  	v24 =	vld [tilespmem:s30+$0xC4F0]  }
0x277: {  	v27 =	vld [tilespmem:s30+$0xB4D0]  }
0x278: {  	v22 =	vmul.f32 v17, v6;
	v17 =	vmul.f32 v18, v6;
	v25 =	vld [tilespmem:s30+$0xD4E0]  }
0x279: {  	v31 =	vld [tilespmem:s30+$0xC4E0]  }
0x27a: {  	v20 =	vld [tilespmem:s30+$0xC4C0]  }
0x27b: {  	v33 =	vld [tilespmem:s30+$0xC4D0]  }
0x27c: {  	v39 =	vld [tilespmem:s30+$0xA880]  }
0x27d: {  	v42 =	vld [tilespmem:s30+$0xB4C0]  }
0x27e: {  	v16 =	vmul.f32 v16, v3;
	v37 =	vld [tilespmem:s30+$0xB4F0]  }
.Ltmp8:
0x27f: {  	v19 =	vmul.f32 v15, v3;
	v18 =	vmul.f32 v38, v4;
	v45 =	vld [tilespmem:s30+$0xA8B0];
	(pc) =	sbr.rel @p3 .LBB2_17-.Ltmp8, $4  }
0x280: {  	v21 =	vmul.f32 v21, v6;
	v15 =	vmul.f32 v28, v4;
	v38 =	vld [tilespmem:s30+$0xA8D0]  }
0x281: {  	v28 =	vmul.f32 v26, v4;
	v26 =	vmul.f32 v41, v4;
	v43 =	vld [tilespmem:s30+$0xA4E0]  }
0x282: {  	v40 =	vmul.f32 v40, v4;
	v36 =	vmul.f32 v36, v6;
	v44 =	vld [tilespmem:s30+$0xA4A0]  }
0x283: {  	v30 =	vmul.f32 v30, v3;
	v34 =	vmul.f32 v34, v6;
	v41 =	vld [tilespmem:s30+$0xB4E0]  }
0x284: {  	v45 =	vmul.f32 v45, v11;
	v32 =	vmul.f32 v32, v6  }
0x285: {  	v33 =	vmul.f32 v33, v3;
	v29 =	vmul.f32 v29, v3  }
0x286: {  	v42 =	vmul.f32 v42, v6;
	v31 =	vmul.f32 v31, v3  }
0x287: {  	v47 =	vld [tilespmem:s30+$0xB4A0];
	v35 =	vmul.f32 v35, v4;
	v39 =	vmul.f32 v39, v11  }
0x288: {  	v48 =	vld [tilespmem:s30+$0xA480];
	v37 =	vmul.f32 v37, v6;
	v23 =	vmul.f32 v23, v3  }
0x289: {  	v50 =	vld [tilespmem:s30+$0xB480];
	v24 =	vmul.f32 v24, v3;
	v20 =	vmul.f32 v20, v3  }
0x28a: {  	v51 =	vld [tilespmem:s30+$0xC480];
	v27 =	vmul.f32 v27, v6;
	v38 =	vmul.f32 v38, v11  }
0x28b: {  	v46 =	vld [tilespmem:s30+$0xA4F0];
	v14 =	vmul.f32 v14, v6;
	v45 =	vadd.f32 $0.0e+00, v45;
	v43 =	vmul.f32 v43, v11  }
0x28c: {  	v62 =	vld [tilespmem:s30+$0xA4C0];
	v8 =	vmul.f32 v8, v3;
	v39 =	vadd.f32 $0.0e+00, v39;
	v38 =	vadd.f32 $0.0e+00, v38  }
0x28d: {  	v63 =	vld [tilespmem:s30+$0xC4A0];
	v44 =	vmul.f32 v44, v11;
	v32 =	vadd.f32 v32, v45;
	v58 =	vadd.f32 $0.0e+00, v43  }
0x28e: {  	v52 =	vld [tilespmem:s30+$0xA490];
	v36 =	vadd.f32 v36, v39;
	v47 =	vmul.f32 v47, v6;
	v48 =	vmul.f32 v11, v48  }
0x28f: {  	v44 =	vadd.f32 $0.0e+00, v44;
	v57 =	vmul.f32 v6, v50;
	v61 =	vmul.f32 v3, v51  }
0x290: {  	v53 =	vld [tilespmem:s30+$0xA4B0];
	v46 =	vmul.f32 v46, v11;
	v34 =	vadd.f32 v34, v38;
	v29 =	vadd.f32 v29, v32  }
0x291: {  	v60 =	vld [tilespmem:s30+$0xB4B0];
	v62 =	vmul.f32 v62, v11;
	v23 =	vadd.f32 v23, v36;
	v44 =	vadd.f32 v47, v44  }
0x292: {  	v50 =	vld [tilespmem:s30+$0xB490];
	v45 =	vmul.f32 v63, v3;
	v56 =	vadd.f32 $0.0e+00, v48;
	v30 =	vadd.f32 v30, v34  }
0x293: {  	v63 =	vmul.f32 v52, v11;
	v32 =	vld [tilespmem:s30+$0xD480];
	v51 =	vadd.f32 $0.0e+00, v46;
	v52 =	vadd.f32 $0.0e+00, v62  }
0x294: {  	v5 =	vmul.f32 v5, v3;
	v36 =	vld [tilespmem:s30+$0xA8E0];
	v29 =	vadd.f32 v40, v29;
	v23 =	vadd.f32 v28, v23  }
0x295: {  	v41 =	vmul.f32 v41, v6;
	v48 =	vld [tilespmem:s30+$0xA890];
	v59 =	vadd.f32 v57, v56;
	v44 =	vadd.f32 v45, v44  }
0x296: {  	v47 =	vmul.f32 v60, v6;
	v40 =	vld [tilespmem:s30+$0xD4A0];
	v26 =	vadd.f32 v26, v30;
	v37 =	vadd.f32 v37, v51  }
0x297: {  	v56 =	vmul.f32 v53, v11;
	v57 =	vld [tilespmem:s30+$0xA8A0];
	v42 =	vadd.f32 v42, v52;
	[tilespmem:s30+$0x178B0] =	vst v29;
	v29 =	vadd.f32 v41, v58  }
0x298: {  	v41 =	vld [tilespmem:s30+$0xC490];
	v50 =	vmul.f32 v50, v6;
	v43 =	vadd.f32 v61, v59;
	v32 =	vmul.f32 v4, v32  }
0x299: {  	v54 =	vld [tilespmem:s30+$0xD4C0];
	v59 =	vadd.f32 $0.0e+00, v63;
	v61 =	vadd.f32 $0.0e+00, v56;
	v36 =	vmul.f32 v36, v11  }
0x29a: {  	v63 =	vld [tilespmem:s30+$0xA4D0];
	v24 =	vadd.f32 v24, v37;
	v20 =	vadd.f32 v20, v42;
	v53 =	vmul.f32 v48, v11  }
0x29b: {  	v56 =	vld [tilespmem:s30+$0xA8C0];
	v32 =	vadd.f32 v32, v43;
	v58 =	vmul.f32 v40, v4;
	v36 =	vadd.f32 $0.0e+00, v36  }
0x29c: {  	v24 =	vadd.f32 v35, v24;
	v55 =	vmul.f32 v57, v11;
	v57 =	vadd.f32 $0.0e+00, v53  }
0x29d: {  	v49 =	vld [tilespmem:s30+$0xD4D0];
	v60 =	vadd.f32 v58, v44;
	[tilespmem:s30+$0x17480] =	vst v32;
	v41 =	vmul.f32 v41, v3;
	v32 =	vadd.f32 v47, v61  }
0x29e: {  	v40 =	vld [tilespmem:s30+$0xC4B0];
	v58 =	vadd.f32 v50, v59;
	v47 =	vmul.f32 v54, v4;
	v21 =	vadd.f32 v21, v36  }
0x29f: {  	v46 =	vld [tilespmem:s30+$0xD4B0];
	v30 =	vadd.f32 $0.0e+00, v55;
	v61 =	vmul.f32 v63, v11;
	v22 =	vadd.f32 v22, v57  }
0x2a0: {  	v45 =	vmul.f32 v56, v11;
	v57 =	vadd.f32 v31, v29;
	[tilespmem:s30+$0x174A0] =	vst v60;
	v60 =	vld [tilespmem:s30+$0xA8F0];
	v43 =	vadd.f32 v41, v58  }
0x2a1: {  	v55 =	vmul.f32 v25, v4;
	v20 =	vadd.f32 v47, v20;
	v19 =	vadd.f32 v19, v21  }
0x2a2: {  	[tilespmem:s30+$0x178D0] =	vst v26;
	v50 =	vmul.f32 v49, v4;
	v63 =	vld [tilespmem:s30+$0xD490];
	v26 =	vadd.f32 $0.0e+00, v61;
	v37 =	vadd.f32 $0.0e+00, v45  }
0x2a3: {  	v59 =	vmul.f32 v40, v3;
	v17 =	vadd.f32 v17, v30;
	v61 =	vadd.f32 v55, v57  }
0x2a4: {  	[tilespmem:s30+$0x17880] =	vst v23;
	v54 =	vmul.f32 v46, v4;
	v5 =	vadd.f32 v5, v22;
	v18 =	vadd.f32 v18, v19  }
0x2a5: {  	[tilespmem:s30+$0x174F0] =	vst v24;
	v62 =	vadd.f32 v59, v32;
	v26 =	vadd.f32 v27, v26;
	v48 =	vmul.f32 v60, v11  }
0x2a6: {  	v58 =	vmul.f32 v13, v6;
	[tilespmem:s30+$0x174C0] =	vst v20;
	v14 =	vadd.f32 v14, v37;
	v8 =	vadd.f32 v8, v17  }
0x2a7: {  	[tilespmem:s30+$0x174E0] =	vst v61;
	v5 =	vadd.f32 v12, v5;
	v51 =	vmul.f32 v63, v4;
	v11 =	vadd.f32 $0.0e+00, v48  }
0x2a8: {  	v3 =	vmul.f32 v7, v3;
	[tilespmem:s30+$0x178E0] =	vst v18;
	v52 =	vadd.f32 v33, v26;
	v56 =	vadd.f32 v54, v62  }
0x2a9: {  	v60 =	vmul.f32 v10, v4;
	[tilespmem:s30+$0x17890] =	vst v5;
	v53 =	vadd.f32 v51, v43;
	v6 =	vadd.f32 v58, v11  }
0x2aa: {  	v59 =	vadd.f32 v16, v14;
	[tilespmem:s30+$0x174B0] =	vst v56;
	v62 =	vadd.f32 v50, v52  }
0x2ab: {  	v4 =	vadd.f32 v60, v8;
	[tilespmem:s30+$0x17490] =	vst v53;
	v3 =	vadd.f32 v3, v6  }
.Ltmp9:
0x2ac: {  	v63 =	vadd.f32 v15, v59;
	[tilespmem:s30+$0x174D0] =	vst v62;
	(pc) =	sbr.rel @p2 .LBB2_20-.Ltmp9, $4  }
0x2ad: {  	s1 =	sshll.u32 s29, $0xE;
	[tilespmem:s30+$0x178A0] =	vst v4;
	v3 =	vadd.f32 v9, v3  }
0x2ae: {  	s1 =	sor.u32 s15, s1;
	[tilespmem:s30+$0x178C0] =	vst v63  }
0x2af: {  	s10 =	simm.s32 $0x17480;
	s1 =	sadd.s32 s2, s1;
	[tilespmem:s30+$0x178F0] =	vst v3  }
0x2b0: {  	[hbm4b:s1+s3] =	stream.linear.scatter [tilespmem:s10], [sflag:$0x6], $0x1000, $0x38;
	[tilespmem:$0x1A480] =	vst v63  }
.Ltmp10:
0x2b1: {  	(pc) =	sbr.rel .LBB2_21-.Ltmp10, $4  }
0x2b2: {  	_ = 	snop  }
0x2b3: {  	_ =	swait.ge [sflag:s6], $0x4000  }
0x2b4: {  	[sflag:s6] =	ssyncset.done $0x0  }
0x2b5: {  	[sflag:s6] =	ssyncadd.s32 $0xFFFFC000  }
.LBB2_20:
0x2b6: {  	s1 =	sadd.s32 $0x5, s28  }
0x2b7: {  	s10 =	sshll.u32 s1, $0x4;
	s1 =	sshll.u32 s1, $0x6  }
0x2b8: {  	s10 =	sand.u32 $0x50, s10;
	s1 =	sand.u32 $0x7E00, s1  }
0x2b9: {  	s1 =	sor.u32 s10, s1  }
0x2ba: {  	v3 =	vld [tilespmem:s1+$0x0];
	_ =	sdelay $0x4  }
0x2bb: {  	[tilespmem:$0x6300] =	vst v3  }
0x2bc: {  	v4 =	vld [tilespmem:s1+$0x80];
	_ =	sdelay $0x4  }
0x2bd: {  	[tilespmem:$0x6310] =	vst v4  }
0x2be: {  	v4 =	vld [tilespmem:s1+$0x100];
	_ =	sdelay $0x1  }
0x2bf: {  	v5 =	vshll.u32 v3, $0x1  }
0x2c0: {  	v3 =	vand.u32 $0x7, v3;
	v5 =	vand.u32 $0xFFFFFFF0, v5  }
0x2c1: {  	v3 =	vor.u32 v3, v5  }
0x2c2: {  	v59 =	vperm.xlane v3, v0;
	[tilespmem:$0x6320] =	vst v4  }
0x2c3: {  	v60 =	vld [tilespmem:s1+$0x180]  }
0x2c4: {  	v3 =	vperm.xlane v3, v2;
	v4 =	vadd.s32 v1, v59;
	_ =	sdelay $0x1  }
0x2c5: {  	v3 =	vadd.s32 v1, v3;
	_ =	sdelay $0x1  }
0x2c6: {  	s10 =	simm.s32 $0xA480;
	[tilespmem:$0x6330] =	vst v60  }
0x2c7: {  	[tilespmem:s10], [sflag:$0x2] =	stream.indirect_vreg.gather [hbm4b:s4+s3], $0x80, v4, vm0, $0xb8;
	[tilespmem:$0x1A480] =	vst v63  }
0x2c8: {  	s13 =	simm.s32 $0xAC80  }
0x2c9: {  	[tilespmem:s13], [sflag:$0x2] =	stream.indirect_vreg.gather [hbm4b:s4+s3], $0x80, v3, vm0, $0xb8;
	[tilespmem:$0x1A480] =	vst v63  }
0x2ca: {  	v3 =	vld [tilespmem:$0x6310];
	_ =	sdelay $0x4  }
0x2cb: {  	v61 =	vshll.u32 v3, $0x1  }
0x2cc: {  	v3 =	vand.u32 $0x7, v3;
	v4 =	vand.u32 $0xFFFFFFF0, v61  }
0x2cd: {  	v3 =	vor.u32 v3, v4  }
0x2ce: {  	v4 =	vperm.xlane v3, v0;
	_ =	sdelay $0x1  }
0x2cf: {  	v3 =	vperm.xlane v3, v2;
	v4 =	vadd.s32 v1, v4;
	_ =	sdelay $0x1  }
0x2d0: {  	v3 =	vadd.s32 v1, v3;
	_ =	sdelay $0x1  }
0x2d1: {  	s14 =	simm.s32 $0xB480  }
0x2d2: {  	[tilespmem:s14], [sflag:$0x2] =	stream.indirect_vreg.gather [hbm4b:s4+s3], $0x80, v4, vm0, $0xb8;
	[tilespmem:$0x1A480] =	vst v63  }
0x2d3: {  	s20 =	simm.s32 $0xBC80  }
0x2d4: {  	[tilespmem:s20], [sflag:$0x2] =	stream.indirect_vreg.gather [hbm4b:s4+s3], $0x80, v3, vm0, $0xb8;
	[tilespmem:$0x1A480] =	vst v63  }
0x2d5: {  	v3 =	vld [tilespmem:$0x6320];
	_ =	sdelay $0x4  }
0x2d6: {  	v62 =	vshll.u32 v3, $0x1  }
0x2d7: {  	v3 =	vand.u32 $0x7, v3;
	v4 =	vand.u32 $0xFFFFFFF0, v62  }
0x2d8: {  	v3 =	vor.u32 v3, v4  }
0x2d9: {  	v4 =	vperm.xlane v3, v0;
	_ =	sdelay $0x1  }
0x2da: {  	v3 =	vperm.xlane v3, v2;
	v4 =	vadd.s32 v1, v4;
	_ =	sdelay $0x1  }
0x2db: {  	v3 =	vadd.s32 v1, v3;
	_ =	sdelay $0x1  }
0x2dc: {  	s23 =	simm.s32 $0xC480  }
0x2dd: {  	[tilespmem:s23], [sflag:$0x2] =	stream.indirect_vreg.gather [hbm4b:s4+s3], $0x80, v4, vm0, $0xb8;
	[tilespmem:$0x1A480] =	vst v63  }
0x2de: {  	s29 =	simm.s32 $0xCC80  }
0x2df: {  	[tilespmem:s29], [sflag:$0x2] =	stream.indirect_vreg.gather [hbm4b:s4+s3], $0x80, v3, vm0, $0xb8;
	[tilespmem:$0x1A480] =	vst v63  }
0x2e0: {  	v3 =	vld [tilespmem:$0x6330];
	_ =	sdelay $0x4  }
0x2e1: {  	v63 =	vshll.u32 v3, $0x1  }
0x2e2: {  	v3 =	vand.u32 $0x7, v3;
	v4 =	vand.u32 $0xFFFFFFF0, v63  }
0x2e3: {  	v3 =	vor.u32 v3, v4  }
0x2e4: {  	v4 =	vperm.xlane v3, v0;
	_ =	sdelay $0x1  }
0x2e5: {  	v3 =	vperm.xlane v3, v2;
	v4 =	vadd.s32 v1, v4;
	_ =	sdelay $0x1  }
0x2e6: {  	v3 =	vadd.s32 v1, v3;
	_ =	sdelay $0x1  }
0x2e7: {  	s30 =	simm.s32 $0xD480  }
0x2e8: {  	[tilespmem:s30], [sflag:$0x2] =	stream.indirect_vreg.gather [hbm4b:s4+s3], $0x80, v4, vm0, $0xb8;
	[tilespmem:$0x1A480] =	vst v63  }
.Ltmp11:
0x2e9: {  	s31 =	simm.s32 $0xDC80;
	(pc) =	sbr.rel @p1 .LBB2_22-.Ltmp11, $4  }
0x2ea: {  	[tilespmem:s31], [sflag:$0x2] =	stream.indirect_vreg.gather [hbm4b:s4+s3], $0x80, v3, vm0, $0xb8;
	[tilespmem:$0x1A480] =	vst v63  }
0x2eb: {  	_ =	swait.ge [sflag:s6], $0x4000  }
0x2ec: {  	[sflag:s6] =	ssyncset.done $0x0  }
0x2ed: {  	[sflag:s6] =	ssyncadd.s32 $0xFFFFC000  }
.LBB2_21:
0x2ee: {  	_ =	swait.ge [sflag:s8], $0x1000  }
0x2ef: {  	[sflag:s8] =	ssyncset.done $0x0  }
0x2f0: {  	[sflag:s8] =	ssyncadd.s32 $0xFFFFF000  }
.LBB2_22:
0x2f1: {  	v11 =	vld.msk [tilespmem:s16+$0xFFFFE800 ss:$0x0], $0xffff  }
0x2f2: {  	s31 =	simm.s32 $0x0;
	v3 =	vld.msk [tilespmem:s16+$0x0 ss:$0x0], $0xffff  }
0x2f3: {  	v4 =	vld.msk [tilespmem:s16+$0xC00 ss:$0x0], $0xffff;
	s20 =	sand.u32 $0x800, s31;
	s23 =	sand.u32 $0x380, s31  }
0x2f4: {  	v6 =	vld.msk [tilespmem:s16+$0xFFFFF400 ss:$0x0], $0xffff;
	s30 =	sor.u32 s23, s20  }
0x2f5: {  	v35 =	vld [tilespmem:s30+$0x114F0]  }
0x2f6: {  	v24 =	vld [tilespmem:s30+$0x104F0]  }
0x2f7: {  	v27 =	vld [tilespmem:s30+$0xF4D0]  }
0x2f8: {  	v25 =	vld [tilespmem:s30+$0x114E0]  }
0x2f9: {  	v31 =	vld [tilespmem:s30+$0x104E0]  }
0x2fa: {  	v20 =	vld [tilespmem:s30+$0x104C0]  }
0x2fb: {  	v33 =	vld [tilespmem:s30+$0x104D0]  }
0x2fc: {  	v39 =	vld [tilespmem:s30+$0xE880]  }
0x2fd: {  	v42 =	vld [tilespmem:s30+$0xF4C0]  }
0x2fe: {  	v37 =	vld [tilespmem:s30+$0xF4F0]  }
0x2ff: {  	s1 =	sand.u32 $0xFFFFF800, s31;
	v45 =	vld [tilespmem:s30+$0xE8B0]  }
0x300: {  	s1 =	sadd.s32 $0x0, s1;
	v43 =	vld [tilespmem:s30+$0xE4E0]  }
0x301: {  	s10 =	sor.u32 $0x2400, s1;
	v44 =	vld [tilespmem:s30+$0xE4A0]  }
0x302: {  	v7 =	vld [tilespmem:s10+$0xE4F0]  }
0x303: {  	v5 =	vld [tilespmem:s10+$0xE490]  }
0x304: {  	v8 =	vld [tilespmem:s10+$0xE4A0]  }
0x305: {  	v15 =	vld [tilespmem:s10+$0xE4E0]  }
0x306: {  	v30 =	vld [tilespmem:s10+$0xE4D0]  }
0x307: {  	v23 =	vld [tilespmem:s10+$0xE480]  }
0x308: {  	v29 =	vld [tilespmem:s10+$0xE4B0]  }
0x309: {  	s13 =	sor.u32 $0x3400, s1;
	v16 =	vld [tilespmem:s10+$0xE4C0]  }
0x30a: {  	s1 =	sor.u32 $0x1400, s1;
	v9 =	vld [tilespmem:s13+$0xE4F0]  }
0x30b: {  	v32 =	vld [tilespmem:s1+$0xE4B0]  }
0x30c: {  	v40 =	vld [tilespmem:s13+$0xE4B0]  }
0x30d: {  	v12 =	vld [tilespmem:s13+$0xE490]  }
0x30e: {  	v26 =	vld [tilespmem:s13+$0xE480]  }
0x30f: {  	v17 =	vld [tilespmem:s1+$0xE490]  }
0x310: {  	v21 =	vld [tilespmem:s1+$0xE4E0]  }
0x311: {  	v18 =	vld [tilespmem:s1+$0xE4A0]  }
0x312: {  	v38 =	vld [tilespmem:s13+$0xE4E0]  }
0x313: {  	v28 =	vld [tilespmem:s13+$0xE4C0]  }
0x314: {  	v41 =	vld [tilespmem:s13+$0xE4D0];
	v9 =	vmul.f32 v9, v4  }
0x315: {  	v36 =	vld [tilespmem:s1+$0xE480];
	v12 =	vmul.f32 v12, v4;
	v22 =	vmul.f32 v17, v6  }
0x316: {  	v34 =	vld [tilespmem:s1+$0xE4D0];
	v17 =	vmul.f32 v18, v6;
	v16 =	vmul.f32 v16, v3  }
0x317: {  	v10 =	vld [tilespmem:s13+$0xE4A0];
	v19 =	vmul.f32 v15, v3;
	v18 =	vmul.f32 v38, v4  }
0x318: {  	v13 =	vld [tilespmem:s1+$0xE4F0];
	v21 =	vmul.f32 v21, v6;
	v15 =	vmul.f32 v28, v4  }
0x319: {  	v14 =	vld [tilespmem:s1+$0xE4C0];
	v28 =	vmul.f32 v26, v4;
	v26 =	vmul.f32 v41, v4  }
0x31a: {  	v38 =	vld [tilespmem:s30+$0xE8D0];
	v36 =	vmul.f32 v36, v6;
	v40 =	vmul.f32 v40, v4  }
0x31b: {  	s29 =	sor.u32 $0x2, s28;
	s23 =	smov.u32 s16;
	s1 =	simm.s32 $0x100;
	v41 =	vld [tilespmem:s30+$0xF4E0];
	v34 =	vmul.f32 v34, v6;
	v30 =	vmul.f32 v30, v3  }
.LBB2_23:
0x31c: {  	p3 =	sne.s32 s1, $0xF00;
	v46 =	vld [tilespmem:s30+$0xE4F0];
	v45 =	vmul.f32 v45, v11;
	v33 =	vmul.f32 v33, v3;
	s23 =	sadd.s32 $0x1, s23;
	s31 =	sadd.s32 $0x80, s31  }
0x31d: {  	v42 =	vmul.f32 v42, v6;
	v31 =	vmul.f32 v31, v3;
	s20 =	smov.u32 s1;
	s1 =	sadd.s32 $0x100, s1;
	v47 =	vld [tilespmem:s30+$0xF4A0]  }
0x31e: {  	v32 =	vmul.f32 v32, v6;
	v29 =	vmul.f32 v29, v3;
	v48 =	vld [tilespmem:s30+$0xE480];
	v45 =	vadd.f32 $0.0e+00, v45  }
0x31f: {  	v43 =	vmul.f32 v43, v11;
	v44 =	vmul.f32 v44, v11;
	v49 =	vld [tilespmem:s30+$0x114D0]  }
0x320: {  	v51 =	vmul.f32 v27, v6;
	v50 =	vld [tilespmem:s30+$0xF480];
	v27 =	vadd.f32 v32, v45;
	v32 =	vmul.f32 v35, v4  }
0x321: {  	v39 =	vmul.f32 v39, v11;
	v35 =	vadd.f32 $0.0e+00, v43;
	v41 =	vmul.f32 v41, v6;
	v43 =	vld [tilespmem:s30+$0x10480]  }
0x322: {  	v37 =	vmul.f32 v37, v6;
	v44 =	vadd.f32 $0.0e+00, v44;
	v45 =	vmul.f32 v47, v6;
	v47 =	vld [tilespmem:s30+$0x104A0]  }
0x323: {  	v39 =	vadd.f32 $0.0e+00, v39;
	v29 =	vadd.f32 v29, v27;
	v48 =	vmul.f32 v11, v48;
	v52 =	vld [tilespmem:s30+$0xE490]  }
0x324: {  	v38 =	vmul.f32 v38, v11;
	v44 =	vadd.f32 v45, v44;
	v45 =	vld [tilespmem:s30+$0x11480];
	v27 =	vmul.f32 v49, v4  }
0x325: {  	v29 =	vadd.f32 v40, v29;
	v48 =	vadd.f32 $0.0e+00, v48;
	v49 =	vld [tilespmem:s30+$0xE4B0];
	v50 =	vmul.f32 v6, v50  }
0x326: {  	v25 =	vmul.f32 v25, v4;
	v40 =	vmul.f32 v3, v43;
	v43 =	vld [tilespmem:s30+$0x114A0]  }
0x327: {  	v23 =	vmul.f32 v23, v3;
	v48 =	vadd.f32 v50, v48;
	v50 =	vld [tilespmem:s30+$0xF490];
	v47 =	vmul.f32 v47, v3;
	[tilespmem:s30+$0x188B0] =	vst v29  }
0x328: {  	v38 =	vadd.f32 $0.0e+00, v38;
	v36 =	vadd.f32 v36, v39;
	v29 =	vmul.f32 v52, v11;
	v52 =	vld [tilespmem:s30+$0xF4B0]  }
0x329: {  	v35 =	vadd.f32 v41, v35;
	v39 =	vld [tilespmem:s30+$0xE4C0];
	v40 =	vadd.f32 v40, v48;
	v41 =	vmul.f32 v4, v45  }
0x32a: {  	v46 =	vmul.f32 v46, v11;
	v44 =	vadd.f32 v47, v44;
	v45 =	vmul.f32 v49, v11;
	v48 =	vld [tilespmem:s30+$0x10490]  }
0x32b: {  	v34 =	vadd.f32 v34, v38;
	v47 =	vld [tilespmem:s30+$0xE890];
	v38 =	vadd.f32 v41, v40;
	v40 =	vmul.f32 v43, v4  }
0x32c: {  	v23 =	vadd.f32 v23, v36;
	v29 =	vadd.f32 $0.0e+00, v29;
	v41 =	vld [tilespmem:s30+$0xE8A0];
	v43 =	vmul.f32 v50, v6  }
0x32d: {  	v30 =	vadd.f32 v30, v34;
	v36 =	vmul.f32 v52, v6;
	v49 =	vld [tilespmem:s30+$0x104B0];
	v34 =	vadd.f32 v40, v44  }
0x32e: {  	v23 =	vadd.f32 v28, v23;
	v40 =	vadd.f32 $0.0e+00, v45;
	v39 =	vmul.f32 v39, v11;
	v44 =	vld [tilespmem:s30+$0xE8E0];
	[tilespmem:s30+$0x18480] =	vst v38  }
0x32f: {  	v24 =	vmul.f32 v24, v3;
	v38 =	vadd.f32 $0.0e+00, v46;
	v28 =	vld [tilespmem:s30+$0xE4D0];
	v45 =	vmul.f32 v48, v3;
	[tilespmem:s30+$0x184A0] =	vst v34  }
0x330: {  	v26 =	vadd.f32 v26, v30;
	v34 =	vadd.f32 $0.0e+00, v39;
	v39 =	vmul.f32 v47, v11;
	v46 =	vld [tilespmem:s30+$0x114C0]  }
0x331: {  	v36 =	vadd.f32 v36, v40;
	v37 =	vadd.f32 v37, v38;
	v30 =	vmul.f32 v41, v11;
	v41 =	vld [tilespmem:s30+$0xE8C0];
	[tilespmem:s30+$0x18880] =	vst v23  }
0x332: {  	v29 =	vadd.f32 v43, v29;
	v23 =	vadd.f32 $0.0e+00, v39;
	v38 =	vld [tilespmem:s30+$0xE8F0];
	v39 =	vmul.f32 v49, v3;
	[tilespmem:s30+$0x188D0] =	vst v26  }
0x333: {  	v24 =	vadd.f32 v24, v37;
	v26 =	vadd.f32 $0.0e+00, v30;
	v30 =	vmul.f32 v44, v11;
	v37 =	vld [tilespmem:s30+$0x11490]  }
0x334: {  	v28 =	vmul.f32 v28, v11;
	v22 =	vadd.f32 v22, v23;
	v23 =	vadd.f32 v39, v36;
	v36 =	vld [tilespmem:s30+$0x114B0]  }
0x335: {  	v20 =	vmul.f32 v20, v3;
	v29 =	vadd.f32 v45, v29;
	v34 =	vadd.f32 v42, v34  }
0x336: {  	v24 =	vadd.f32 v32, v24;
	v30 =	vadd.f32 $0.0e+00, v30;
	v39 =	vmul.f32 v41, v11  }
0x337: {  	v20 =	vadd.f32 v20, v34;
	v32 =	vmul.f32 v46, v4;
	v28 =	vadd.f32 $0.0e+00, v28  }
0x338: {  	v11 =	vmul.f32 v38, v11;
	v21 =	vadd.f32 v21, v30;
	v34 =	vadd.f32 $0.0e+00, v39;
	[tilespmem:s30+$0x184F0] =	vst v24  }
0x339: {  	v20 =	vadd.f32 v32, v20;
	v24 =	vadd.f32 v51, v28;
	v28 =	vmul.f32 v37, v4  }
0x33a: {  	v14 =	vmul.f32 v14, v6;
	v11 =	vadd.f32 $0.0e+00, v11;
	v19 =	vadd.f32 v19, v21  }
0x33b: {  	v21 =	vadd.f32 v33, v24;
	v24 =	vadd.f32 v28, v29;
	v28 =	vmul.f32 v36, v4;
	[tilespmem:s30+$0x184C0] =	vst v20  }
0x33c: {  	v8 =	vmul.f32 v8, v3;
	v17 =	vadd.f32 v17, v26;
	v18 =	vadd.f32 v18, v19  }
0x33d: {  	v7 =	vmul.f32 v7, v3;
	v14 =	vadd.f32 v14, v34;
	v19 =	vadd.f32 v28, v23  }
0x33e: {  	v6 =	vmul.f32 v13, v6;
	v13 =	vadd.f32 v31, v35;
	v8 =	vadd.f32 v8, v17;
	[tilespmem:s30+$0x18490] =	vst v24  }
0x33f: {  	v4 =	vmul.f32 v10, v4;
	v14 =	vadd.f32 v16, v14;
	v16 =	vadd.f32 v27, v21;
	[tilespmem:s30+$0x184B0] =	vst v19  }
0x340: {  	v3 =	vmul.f32 v5, v3;
	v5 =	vadd.f32 v25, v13;
	v6 =	vadd.f32 v6, v11;
	[tilespmem:s30+$0x188E0] =	vst v18  }
0x341: {  	v4 =	vadd.f32 v4, v8;
	v8 =	vadd.f32 v15, v14  }
0x342: {  	v3 =	vadd.f32 v3, v22;
	v6 =	vadd.f32 v7, v6;
	[tilespmem:s30+$0x184E0] =	vst v5  }
0x343: {  	[tilespmem:s30+$0x184D0] =	vst v16  }
0x344: {  	v3 =	vadd.f32 v12, v3;
	v5 =	vadd.f32 v9, v6;
	[tilespmem:s30+$0x188A0] =	vst v4  }
0x345: {  	[tilespmem:s30+$0x188C0] =	vst v8  }
0x346: {  	[tilespmem:s30+$0x18890] =	vst v3  }
0x347: {  	[tilespmem:s30+$0x188F0] =	vst v5;
	_ =	sdelay $0x1  }
0x348: {  	v11 =	vld.msk [tilespmem:s23+$0xFFFFE800 ss:$0x0], $0xffff  }
0x349: {  	s10 =	sand.u32 $0xFFFFF800, s20;
	v3 =	vld.msk [tilespmem:s23+$0x0 ss:$0x0], $0xffff  }
0x34a: {  	s10 =	sadd.s32 s10, s31;
	v4 =	vld.msk [tilespmem:s23+$0xC00 ss:$0x0], $0xffff  }
0x34b: {  	s13 =	sor.u32 $0x2400, s10;
	v6 =	vld.msk [tilespmem:s23+$0xFFFFF400 ss:$0x0], $0xffff  }
0x34c: {  	v7 =	vld [tilespmem:s13+$0xE4F0]  }
0x34d: {  	v5 =	vld [tilespmem:s13+$0xE490]  }
0x34e: {  	v8 =	vld [tilespmem:s13+$0xE4A0]  }
0x34f: {  	v15 =	vld [tilespmem:s13+$0xE4E0]  }
0x350: {  	v30 =	vld [tilespmem:s13+$0xE4D0]  }
0x351: {  	s14 =	sor.u32 $0x3400, s10;
	v23 =	vld [tilespmem:s13+$0xE480]  }
0x352: {  	s10 =	sor.u32 $0x1400, s10;
	v29 =	vld [tilespmem:s13+$0xE4B0]  }
0x353: {  	v16 =	vld [tilespmem:s13+$0xE4C0]  }
0x354: {  	v9 =	vld [tilespmem:s14+$0xE4F0]  }
0x355: {  	v32 =	vld [tilespmem:s10+$0xE4B0]  }
0x356: {  	v10 =	vld [tilespmem:s14+$0xE4A0]  }
0x357: {  	v34 =	vld [tilespmem:s10+$0xE4D0]  }
0x358: {  	v40 =	vld [tilespmem:s14+$0xE4B0]  }
0x359: {  	v12 =	vld [tilespmem:s14+$0xE490];
	v9 =	vmul.f32 v9, v4  }
0x35a: {  	v36 =	vld [tilespmem:s10+$0xE480]  }
0x35b: {  	v26 =	vld [tilespmem:s14+$0xE480]  }
0x35c: {  	v17 =	vld [tilespmem:s10+$0xE490]  }
0x35d: {  	v13 =	vld [tilespmem:s10+$0xE4F0]  }
0x35e: {  	v21 =	vld [tilespmem:s10+$0xE4E0];
	v12 =	vmul.f32 v12, v4  }
0x35f: {  	v18 =	vld [tilespmem:s10+$0xE4A0]  }
0x360: {  	v41 =	vld [tilespmem:s14+$0xE4D0]  }
0x361: {  	v14 =	vld [tilespmem:s10+$0xE4C0]  }
0x362: {  	s13 =	sand.u32 $0x380, s31;
	s10 =	sand.u32 $0x800, s20;
	v28 =	vld [tilespmem:s14+$0xE4C0]  }
0x363: {  	s30 =	sor.u32 s13, s10;
	v38 =	vld [tilespmem:s14+$0xE4E0]  }
0x364: {  	v35 =	vld [tilespmem:s30+$0x114F0]  }
0x365: {  	v24 =	vld [tilespmem:s30+$0x104F0]  }
0x366: {  	v27 =	vld [tilespmem:s30+$0xF4D0]  }
0x367: {  	v22 =	vmul.f32 v17, v6;
	v17 =	vmul.f32 v18, v6;
	v25 =	vld [tilespmem:s30+$0x114E0]  }
0x368: {  	v31 =	vld [tilespmem:s30+$0x104E0]  }
0x369: {  	v20 =	vld [tilespmem:s30+$0x104C0]  }
0x36a: {  	v33 =	vld [tilespmem:s30+$0x104D0]  }
0x36b: {  	v39 =	vld [tilespmem:s30+$0xE880]  }
0x36c: {  	v42 =	vld [tilespmem:s30+$0xF4C0]  }
0x36d: {  	v16 =	vmul.f32 v16, v3;
	v37 =	vld [tilespmem:s30+$0xF4F0]  }
.Ltmp12:
0x36e: {  	v19 =	vmul.f32 v15, v3;
	v18 =	vmul.f32 v38, v4;
	v45 =	vld [tilespmem:s30+$0xE8B0];
	(pc) =	sbr.rel @p3 .LBB2_23-.Ltmp12, $4  }
0x36f: {  	v21 =	vmul.f32 v21, v6;
	v15 =	vmul.f32 v28, v4;
	v38 =	vld [tilespmem:s30+$0xE8D0]  }
0x370: {  	v28 =	vmul.f32 v26, v4;
	v26 =	vmul.f32 v41, v4;
	v43 =	vld [tilespmem:s30+$0xE4E0]  }
0x371: {  	v40 =	vmul.f32 v40, v4;
	v36 =	vmul.f32 v36, v6;
	v44 =	vld [tilespmem:s30+$0xE4A0]  }
0x372: {  	v30 =	vmul.f32 v30, v3;
	v34 =	vmul.f32 v34, v6;
	v41 =	vld [tilespmem:s30+$0xF4E0]  }
0x373: {  	v45 =	vmul.f32 v45, v11;
	v32 =	vmul.f32 v32, v6  }
0x374: {  	v33 =	vmul.f32 v33, v3;
	v29 =	vmul.f32 v29, v3  }
0x375: {  	v42 =	vmul.f32 v42, v6;
	v31 =	vmul.f32 v31, v3  }
0x376: {  	v47 =	vld [tilespmem:s30+$0xF4A0];
	v35 =	vmul.f32 v35, v4;
	v39 =	vmul.f32 v39, v11  }
0x377: {  	v48 =	vld [tilespmem:s30+$0xE480];
	v37 =	vmul.f32 v37, v6;
	v23 =	vmul.f32 v23, v3  }
0x378: {  	v50 =	vld [tilespmem:s30+$0xF480];
	v24 =	vmul.f32 v24, v3;
	v20 =	vmul.f32 v20, v3  }
0x379: {  	v51 =	vld [tilespmem:s30+$0x10480];
	v27 =	vmul.f32 v27, v6;
	v38 =	vmul.f32 v38, v11  }
0x37a: {  	v46 =	vld [tilespmem:s30+$0xE4F0];
	v14 =	vmul.f32 v14, v6;
	v45 =	vadd.f32 $0.0e+00, v45;
	v43 =	vmul.f32 v43, v11  }
0x37b: {  	v62 =	vld [tilespmem:s30+$0xE4C0];
	v8 =	vmul.f32 v8, v3;
	v39 =	vadd.f32 $0.0e+00, v39;
	v38 =	vadd.f32 $0.0e+00, v38  }
0x37c: {  	v63 =	vld [tilespmem:s30+$0x104A0];
	v44 =	vmul.f32 v44, v11;
	v32 =	vadd.f32 v32, v45;
	v58 =	vadd.f32 $0.0e+00, v43  }
0x37d: {  	v52 =	vld [tilespmem:s30+$0xE490];
	v36 =	vadd.f32 v36, v39;
	v47 =	vmul.f32 v47, v6;
	v48 =	vmul.f32 v11, v48  }
0x37e: {  	v44 =	vadd.f32 $0.0e+00, v44;
	v57 =	vmul.f32 v6, v50;
	v61 =	vmul.f32 v3, v51  }
0x37f: {  	v53 =	vld [tilespmem:s30+$0xE4B0];
	v46 =	vmul.f32 v46, v11;
	v34 =	vadd.f32 v34, v38;
	v29 =	vadd.f32 v29, v32  }
0x380: {  	v60 =	vld [tilespmem:s30+$0xF4B0];
	v62 =	vmul.f32 v62, v11;
	v23 =	vadd.f32 v23, v36;
	v44 =	vadd.f32 v47, v44  }
0x381: {  	v50 =	vld [tilespmem:s30+$0xF490];
	v45 =	vmul.f32 v63, v3;
	v56 =	vadd.f32 $0.0e+00, v48;
	v30 =	vadd.f32 v30, v34  }
0x382: {  	v63 =	vmul.f32 v52, v11;
	v32 =	vld [tilespmem:s30+$0x11480];
	v51 =	vadd.f32 $0.0e+00, v46;
	v52 =	vadd.f32 $0.0e+00, v62  }
0x383: {  	v5 =	vmul.f32 v5, v3;
	v36 =	vld [tilespmem:s30+$0xE8E0];
	v29 =	vadd.f32 v40, v29;
	v23 =	vadd.f32 v28, v23  }
0x384: {  	v41 =	vmul.f32 v41, v6;
	v48 =	vld [tilespmem:s30+$0xE890];
	v59 =	vadd.f32 v57, v56;
	v44 =	vadd.f32 v45, v44  }
0x385: {  	v47 =	vmul.f32 v60, v6;
	v40 =	vld [tilespmem:s30+$0x114A0];
	v26 =	vadd.f32 v26, v30;
	v37 =	vadd.f32 v37, v51  }
0x386: {  	v56 =	vmul.f32 v53, v11;
	v57 =	vld [tilespmem:s30+$0xE8A0];
	v42 =	vadd.f32 v42, v52;
	[tilespmem:s30+$0x188B0] =	vst v29;
	v29 =	vadd.f32 v41, v58  }
0x387: {  	v41 =	vld [tilespmem:s30+$0x10490];
	v50 =	vmul.f32 v50, v6;
	v43 =	vadd.f32 v61, v59;
	v32 =	vmul.f32 v4, v32  }
0x388: {  	v54 =	vld [tilespmem:s30+$0x114C0];
	v59 =	vadd.f32 $0.0e+00, v63;
	v61 =	vadd.f32 $0.0e+00, v56;
	v36 =	vmul.f32 v36, v11  }
0x389: {  	v63 =	vld [tilespmem:s30+$0xE4D0];
	v24 =	vadd.f32 v24, v37;
	v20 =	vadd.f32 v20, v42;
	v53 =	vmul.f32 v48, v11  }
0x38a: {  	v56 =	vld [tilespmem:s30+$0xE8C0];
	v32 =	vadd.f32 v32, v43;
	v58 =	vmul.f32 v40, v4;
	v36 =	vadd.f32 $0.0e+00, v36  }
0x38b: {  	v24 =	vadd.f32 v35, v24;
	v55 =	vmul.f32 v57, v11;
	v57 =	vadd.f32 $0.0e+00, v53  }
0x38c: {  	v49 =	vld [tilespmem:s30+$0x114D0];
	v60 =	vadd.f32 v58, v44;
	[tilespmem:s30+$0x18480] =	vst v32;
	v41 =	vmul.f32 v41, v3;
	v32 =	vadd.f32 v47, v61  }
0x38d: {  	v40 =	vld [tilespmem:s30+$0x104B0];
	v58 =	vadd.f32 v50, v59;
	v47 =	vmul.f32 v54, v4;
	v21 =	vadd.f32 v21, v36  }
0x38e: {  	v46 =	vld [tilespmem:s30+$0x114B0];
	v30 =	vadd.f32 $0.0e+00, v55;
	v61 =	vmul.f32 v63, v11;
	v22 =	vadd.f32 v22, v57  }
0x38f: {  	v45 =	vmul.f32 v56, v11;
	v57 =	vadd.f32 v31, v29;
	[tilespmem:s30+$0x184A0] =	vst v60;
	v60 =	vld [tilespmem:s30+$0xE8F0];
	v43 =	vadd.f32 v41, v58  }
0x390: {  	v55 =	vmul.f32 v25, v4;
	v20 =	vadd.f32 v47, v20;
	v19 =	vadd.f32 v19, v21  }
0x391: {  	[tilespmem:s30+$0x188D0] =	vst v26;
	v50 =	vmul.f32 v49, v4;
	v63 =	vld [tilespmem:s30+$0x11490];
	v26 =	vadd.f32 $0.0e+00, v61;
	v37 =	vadd.f32 $0.0e+00, v45  }
0x392: {  	v59 =	vmul.f32 v40, v3;
	v17 =	vadd.f32 v17, v30;
	v61 =	vadd.f32 v55, v57  }
0x393: {  	[tilespmem:s30+$0x18880] =	vst v23;
	v54 =	vmul.f32 v46, v4;
	v5 =	vadd.f32 v5, v22;
	v18 =	vadd.f32 v18, v19  }
0x394: {  	[tilespmem:s30+$0x184F0] =	vst v24;
	v62 =	vadd.f32 v59, v32;
	v26 =	vadd.f32 v27, v26;
	v48 =	vmul.f32 v60, v11  }
0x395: {  	v58 =	vmul.f32 v13, v6;
	[tilespmem:s30+$0x184C0] =	vst v20;
	v14 =	vadd.f32 v14, v37;
	v8 =	vadd.f32 v8, v17  }
0x396: {  	[tilespmem:s30+$0x184E0] =	vst v61;
	v5 =	vadd.f32 v12, v5;
	v51 =	vmul.f32 v63, v4;
	v11 =	vadd.f32 $0.0e+00, v48  }
0x397: {  	v3 =	vmul.f32 v7, v3;
	[tilespmem:s30+$0x188E0] =	vst v18;
	v52 =	vadd.f32 v33, v26;
	v56 =	vadd.f32 v54, v62  }
0x398: {  	v60 =	vmul.f32 v10, v4;
	[tilespmem:s30+$0x18890] =	vst v5;
	v53 =	vadd.f32 v51, v43;
	v6 =	vadd.f32 v58, v11  }
0x399: {  	v59 =	vadd.f32 v16, v14;
	[tilespmem:s30+$0x184B0] =	vst v56;
	v62 =	vadd.f32 v50, v52  }
0x39a: {  	v4 =	vadd.f32 v60, v8;
	[tilespmem:s30+$0x18490] =	vst v53;
	v3 =	vadd.f32 v3, v6  }
.Ltmp13:
0x39b: {  	v63 =	vadd.f32 v15, v59;
	[tilespmem:s30+$0x184D0] =	vst v62;
	(pc) =	sbr.rel @p2 .LBB2_26-.Ltmp13, $4  }
0x39c: {  	s1 =	sshll.u32 s29, $0xE;
	[tilespmem:s30+$0x188A0] =	vst v4;
	v3 =	vadd.f32 v9, v3  }
0x39d: {  	s1 =	sor.u32 s15, s1;
	[tilespmem:s30+$0x188C0] =	vst v63  }
0x39e: {  	s10 =	simm.s32 $0x18480;
	s1 =	sadd.s32 s2, s1;
	[tilespmem:s30+$0x188F0] =	vst v3  }
0x39f: {  	[hbm4b:s1+s3] =	stream.linear.scatter [tilespmem:s10], [sflag:$0x7], $0x1000, $0x38;
	[tilespmem:$0x1A480] =	vst v63  }
.Ltmp14:
0x3a0: {  	(pc) =	sbr.rel .LBB2_27-.Ltmp14, $4  }
0x3a1: {  	_ = 	snop  }
0x3a2: {  	_ =	swait.ge [sflag:s12], $0x4000  }
0x3a3: {  	[sflag:s12] =	ssyncset.done $0x0  }
0x3a4: {  	[sflag:s12] =	ssyncadd.s32 $0xFFFFC000  }
.LBB2_26:
0x3a5: {  	s1 =	sadd.s32 $0x6, s28  }
0x3a6: {  	s10 =	sshll.u32 s1, $0x4;
	s1 =	sshll.u32 s1, $0x6  }
0x3a7: {  	s10 =	sand.u32 $0x60, s10;
	s13 =	sand.u32 $0x7E00, s1  }
0x3a8: {  	s13 =	sor.u32 s10, s13  }
0x3a9: {  	v3 =	vld [tilespmem:s13+$0x0];
	_ =	sdelay $0x4  }
0x3aa: {  	[tilespmem:$0x6380] =	vst v3  }
0x3ab: {  	v4 =	vld [tilespmem:s13+$0x80];
	_ =	sdelay $0x4  }
0x3ac: {  	[tilespmem:$0x6390] =	vst v4  }
0x3ad: {  	v4 =	vld [tilespmem:s13+$0x100];
	_ =	sdelay $0x1  }
0x3ae: {  	v5 =	vshll.u32 v3, $0x1  }
0x3af: {  	v3 =	vand.u32 $0x7, v3;
	v5 =	vand.u32 $0xFFFFFFF0, v5  }
0x3b0: {  	s1 =	sor.u32 s10, s1;
	v3 =	vor.u32 v3, v5  }
0x3b1: {  	s1 =	sor.u32 $0x180, s1;
	v59 =	vperm.xlane v3, v0;
	[tilespmem:$0x63A0] =	vst v4  }
0x3b2: {  	v60 =	vld [tilespmem:s1+$0x0]  }
0x3b3: {  	v3 =	vperm.xlane v3, v2;
	v4 =	vadd.s32 v1, v59;
	_ =	sdelay $0x1  }
0x3b4: {  	v3 =	vadd.s32 v1, v3;
	_ =	sdelay $0x1  }
0x3b5: {  	s13 =	simm.s32 $0xE480;
	[tilespmem:$0x63B0] =	vst v60  }
0x3b6: {  	[tilespmem:s13], [sflag:$0x3] =	stream.indirect_vreg.gather [hbm4b:s4+s3], $0x80, v4, vm0, $0xb8;
	[tilespmem:$0x1A480] =	vst v63  }
0x3b7: {  	s14 =	simm.s32 $0xEC80  }
0x3b8: {  	[tilespmem:s14], [sflag:$0x3] =	stream.indirect_vreg.gather [hbm4b:s4+s3], $0x80, v3, vm0, $0xb8;
	[tilespmem:$0x1A480] =	vst v63  }
0x3b9: {  	v3 =	vld [tilespmem:$0x6390];
	_ =	sdelay $0x4  }
0x3ba: {  	v61 =	vshll.u32 v3, $0x1  }
0x3bb: {  	v3 =	vand.u32 $0x7, v3;
	v4 =	vand.u32 $0xFFFFFFF0, v61  }
0x3bc: {  	v3 =	vor.u32 v3, v4  }
0x3bd: {  	v4 =	vperm.xlane v3, v0;
	_ =	sdelay $0x1  }
0x3be: {  	v3 =	vperm.xlane v3, v2;
	v4 =	vadd.s32 v1, v4;
	_ =	sdelay $0x1  }
0x3bf: {  	v3 =	vadd.s32 v1, v3;
	_ =	sdelay $0x1  }
0x3c0: {  	s20 =	simm.s32 $0xF480  }
0x3c1: {  	[tilespmem:s20], [sflag:$0x3] =	stream.indirect_vreg.gather [hbm4b:s4+s3], $0x80, v4, vm0, $0xb8;
	[tilespmem:$0x1A480] =	vst v63  }
0x3c2: {  	s23 =	simm.s32 $0xFC80  }
0x3c3: {  	[tilespmem:s23], [sflag:$0x3] =	stream.indirect_vreg.gather [hbm4b:s4+s3], $0x80, v3, vm0, $0xb8;
	[tilespmem:$0x1A480] =	vst v63  }
0x3c4: {  	v3 =	vld [tilespmem:$0x63A0];
	_ =	sdelay $0x4  }
0x3c5: {  	v62 =	vshll.u32 v3, $0x1  }
0x3c6: {  	v3 =	vand.u32 $0x7, v3;
	v4 =	vand.u32 $0xFFFFFFF0, v62  }
0x3c7: {  	v3 =	vor.u32 v3, v4  }
0x3c8: {  	v4 =	vperm.xlane v3, v0;
	_ =	sdelay $0x1  }
0x3c9: {  	v3 =	vperm.xlane v3, v2;
	v4 =	vadd.s32 v1, v4;
	_ =	sdelay $0x1  }
0x3ca: {  	v3 =	vadd.s32 v1, v3;
	_ =	sdelay $0x1  }
0x3cb: {  	s28 =	simm.s32 $0x10480  }
0x3cc: {  	[tilespmem:s28], [sflag:$0x3] =	stream.indirect_vreg.gather [hbm4b:s4+s3], $0x80, v4, vm0, $0xb8;
	[tilespmem:$0x1A480] =	vst v63  }
0x3cd: {  	s29 =	simm.s32 $0x10C80  }
0x3ce: {  	[tilespmem:s29], [sflag:$0x3] =	stream.indirect_vreg.gather [hbm4b:s4+s3], $0x80, v3, vm0, $0xb8;
	[tilespmem:$0x1A480] =	vst v63  }
0x3cf: {  	v3 =	vld [tilespmem:$0x63B0];
	_ =	sdelay $0x4  }
0x3d0: {  	v63 =	vshll.u32 v3, $0x1  }
0x3d1: {  	v3 =	vand.u32 $0x7, v3;
	v4 =	vand.u32 $0xFFFFFFF0, v63  }
0x3d2: {  	v3 =	vor.u32 v3, v4  }
0x3d3: {  	v4 =	vperm.xlane v3, v0;
	_ =	sdelay $0x1  }
0x3d4: {  	v3 =	vperm.xlane v3, v2;
	v4 =	vadd.s32 v1, v4;
	_ =	sdelay $0x1  }
0x3d5: {  	v3 =	vadd.s32 v1, v3;
	_ =	sdelay $0x1  }
0x3d6: {  	s30 =	simm.s32 $0x11480  }
0x3d7: {  	[tilespmem:s30], [sflag:$0x3] =	stream.indirect_vreg.gather [hbm4b:s4+s3], $0x80, v4, vm0, $0xb8;
	[tilespmem:$0x1A480] =	vst v63  }
.Ltmp15:
0x3d8: {  	s31 =	simm.s32 $0x11C80;
	(pc) =	sbr.rel @p1 .LBB2_28-.Ltmp15, $4  }
0x3d9: {  	[tilespmem:s31], [sflag:$0x3] =	stream.indirect_vreg.gather [hbm4b:s4+s3], $0x80, v3, vm0, $0xb8;
	[tilespmem:$0x1A480] =	vst v63  }
0x3da: {  	_ =	swait.ge [sflag:s12], $0x4000  }
0x3db: {  	[sflag:s12] =	ssyncset.done $0x0  }
0x3dc: {  	[sflag:s12] =	ssyncadd.s32 $0xFFFFC000  }
.LBB2_27:
0x3dd: {  	s1 =	simm.s32 $0x8  }
0x3de: {  	_ =	swait.ge [sflag:s1], $0x1000  }
0x3df: {  	[sflag:s1] =	ssyncset.done $0x0  }
0x3e0: {  	[sflag:s1] =	ssyncadd.s32 $0xFFFFF000  }
.LBB2_28:
0x3e1: {  	v11 =	vld.msk [tilespmem:s24+$0xFFFFE800 ss:$0x0], $0xffff  }
0x3e2: {  	s29 =	simm.s32 $0x0;
	v3 =	vld.msk [tilespmem:s24+$0x0 ss:$0x0], $0xffff  }
0x3e3: {  	v4 =	vld.msk [tilespmem:s24+$0xC00 ss:$0x0], $0xffff;
	s30 =	sand.u32 $0x800, s29;
	s31 =	sand.u32 $0x380, s29  }
0x3e4: {  	v6 =	vld.msk [tilespmem:s24+$0xFFFFF400 ss:$0x0], $0xffff;
	s28 =	sor.u32 s31, s30  }
0x3e5: {  	v35 =	vld [tilespmem:s28+$0x154F0]  }
0x3e6: {  	v24 =	vld [tilespmem:s28+$0x144F0]  }
0x3e7: {  	v27 =	vld [tilespmem:s28+$0x134D0]  }
0x3e8: {  	v25 =	vld [tilespmem:s28+$0x154E0]  }
0x3e9: {  	v31 =	vld [tilespmem:s28+$0x144E0]  }
0x3ea: {  	v20 =	vld [tilespmem:s28+$0x144C0]  }
0x3eb: {  	v32 =	vld [tilespmem:s28+$0x144D0]  }
0x3ec: {  	v39 =	vld [tilespmem:s28+$0x12880]  }
0x3ed: {  	v42 =	vld [tilespmem:s28+$0x134C0]  }
0x3ee: {  	v37 =	vld [tilespmem:s28+$0x134F0]  }
0x3ef: {  	s1 =	sand.u32 $0xFFFFF800, s29;
	v45 =	vld [tilespmem:s28+$0x128B0]  }
0x3f0: {  	s1 =	sadd.s32 $0x0, s1;
	v43 =	vld [tilespmem:s28+$0x124E0]  }
0x3f1: {  	s10 =	sor.u32 $0x2400, s1;
	v44 =	vld [tilespmem:s28+$0x124A0]  }
0x3f2: {  	v7 =	vld [tilespmem:s10+$0x124F0]  }
0x3f3: {  	v5 =	vld [tilespmem:s10+$0x12490]  }
0x3f4: {  	v9 =	vld [tilespmem:s10+$0x124A0]  }
0x3f5: {  	v15 =	vld [tilespmem:s10+$0x124E0]  }
0x3f6: {  	v30 =	vld [tilespmem:s10+$0x124D0]  }
0x3f7: {  	v23 =	vld [tilespmem:s10+$0x12480]  }
0x3f8: {  	v29 =	vld [tilespmem:s10+$0x124B0]  }
0x3f9: {  	s13 =	sor.u32 $0x3400, s1;
	v16 =	vld [tilespmem:s10+$0x124C0]  }
0x3fa: {  	s1 =	sor.u32 $0x1400, s1;
	v8 =	vld [tilespmem:s13+$0x124F0]  }
0x3fb: {  	v33 =	vld [tilespmem:s1+$0x124B0]  }
0x3fc: {  	v40 =	vld [tilespmem:s13+$0x124B0]  }
0x3fd: {  	v12 =	vld [tilespmem:s13+$0x12490]  }
0x3fe: {  	v26 =	vld [tilespmem:s13+$0x12480]  }
0x3ff: {  	v17 =	vld [tilespmem:s1+$0x12490]  }
0x400: {  	v21 =	vld [tilespmem:s1+$0x124E0]  }
0x401: {  	v18 =	vld [tilespmem:s1+$0x124A0]  }
0x402: {  	v38 =	vld [tilespmem:s13+$0x124E0]  }
0x403: {  	v28 =	vld [tilespmem:s13+$0x124C0]  }
0x404: {  	v41 =	vld [tilespmem:s13+$0x124D0];
	v8 =	vmul.f32 v8, v4  }
0x405: {  	v36 =	vld [tilespmem:s1+$0x12480];
	v12 =	vmul.f32 v12, v4;
	v22 =	vmul.f32 v17, v6  }
0x406: {  	v34 =	vld [tilespmem:s1+$0x124D0];
	v17 =	vmul.f32 v18, v6;
	v16 =	vmul.f32 v16, v3  }
0x407: {  	v10 =	vld [tilespmem:s13+$0x124A0];
	v19 =	vmul.f32 v15, v3;
	v18 =	vmul.f32 v38, v4  }
0x408: {  	v13 =	vld [tilespmem:s1+$0x124F0];
	v21 =	vmul.f32 v21, v6;
	v15 =	vmul.f32 v28, v4  }
0x409: {  	v14 =	vld [tilespmem:s1+$0x124C0];
	v28 =	vmul.f32 v26, v4;
	v26 =	vmul.f32 v41, v4  }
0x40a: {  	v38 =	vld [tilespmem:s28+$0x128D0];
	v36 =	vmul.f32 v36, v6;
	v40 =	vmul.f32 v40, v4  }
0x40b: {  	s23 =	smov.u32 s24;
	s1 =	simm.s32 $0x100;
	v41 =	vld [tilespmem:s28+$0x134E0];
	v34 =	vmul.f32 v34, v6;
	v30 =	vmul.f32 v30, v3  }
.LBB2_29:
0x40c: {  	p1 =	sne.s32 s1, $0xF00;
	v46 =	vld [tilespmem:s28+$0x124F0];
	v45 =	vmul.f32 v45, v11;
	v32 =	vmul.f32 v32, v3;
	s23 =	sadd.s32 $0x1, s23;
	s29 =	sadd.s32 $0x80, s29  }
0x40d: {  	v42 =	vmul.f32 v42, v6;
	v31 =	vmul.f32 v31, v3;
	s20 =	smov.u32 s1;
	s1 =	sadd.s32 $0x100, s1;
	v47 =	vld [tilespmem:s28+$0x134A0]  }
0x40e: {  	v33 =	vmul.f32 v33, v6;
	v29 =	vmul.f32 v29, v3;
	v48 =	vld [tilespmem:s28+$0x12480];
	v45 =	vadd.f32 $0.0e+00, v45  }
0x40f: {  	v43 =	vmul.f32 v43, v11;
	v44 =	vmul.f32 v44, v11;
	v49 =	vld [tilespmem:s28+$0x154D0]  }
0x410: {  	v51 =	vmul.f32 v27, v6;
	v50 =	vld [tilespmem:s28+$0x13480];
	v27 =	vadd.f32 v33, v45;
	v33 =	vmul.f32 v35, v4  }
0x411: {  	v39 =	vmul.f32 v39, v11;
	v35 =	vadd.f32 $0.0e+00, v43;
	v41 =	vmul.f32 v41, v6;
	v43 =	vld [tilespmem:s28+$0x14480]  }
0x412: {  	v37 =	vmul.f32 v37, v6;
	v44 =	vadd.f32 $0.0e+00, v44;
	v45 =	vmul.f32 v47, v6;
	v47 =	vld [tilespmem:s28+$0x144A0]  }
0x413: {  	v39 =	vadd.f32 $0.0e+00, v39;
	v29 =	vadd.f32 v29, v27;
	v48 =	vmul.f32 v11, v48;
	v52 =	vld [tilespmem:s28+$0x12490]  }
0x414: {  	v38 =	vmul.f32 v38, v11;
	v44 =	vadd.f32 v45, v44;
	v45 =	vld [tilespmem:s28+$0x15480];
	v27 =	vmul.f32 v49, v4  }
0x415: {  	v29 =	vadd.f32 v40, v29;
	v48 =	vadd.f32 $0.0e+00, v48;
	v49 =	vld [tilespmem:s28+$0x124B0];
	v50 =	vmul.f32 v6, v50  }
0x416: {  	v25 =	vmul.f32 v25, v4;
	v40 =	vmul.f32 v3, v43;
	v43 =	vld [tilespmem:s28+$0x154A0]  }
0x417: {  	v23 =	vmul.f32 v23, v3;
	v48 =	vadd.f32 v50, v48;
	v50 =	vld [tilespmem:s28+$0x13490];
	v47 =	vmul.f32 v47, v3;
	[tilespmem:s28+$0x198B0] =	vst v29  }
0x418: {  	v38 =	vadd.f32 $0.0e+00, v38;
	v36 =	vadd.f32 v36, v39;
	v29 =	vmul.f32 v52, v11;
	v52 =	vld [tilespmem:s28+$0x134B0]  }
0x419: {  	v35 =	vadd.f32 v41, v35;
	v39 =	vld [tilespmem:s28+$0x124C0];
	v40 =	vadd.f32 v40, v48;
	v41 =	vmul.f32 v4, v45  }
0x41a: {  	v46 =	vmul.f32 v46, v11;
	v44 =	vadd.f32 v47, v44;
	v45 =	vmul.f32 v49, v11;
	v48 =	vld [tilespmem:s28+$0x14490]  }
0x41b: {  	v34 =	vadd.f32 v34, v38;
	v47 =	vld [tilespmem:s28+$0x12890];
	v38 =	vadd.f32 v41, v40;
	v40 =	vmul.f32 v43, v4  }
0x41c: {  	v23 =	vadd.f32 v23, v36;
	v29 =	vadd.f32 $0.0e+00, v29;
	v41 =	vld [tilespmem:s28+$0x128A0];
	v43 =	vmul.f32 v50, v6  }
0x41d: {  	v30 =	vadd.f32 v30, v34;
	v36 =	vmul.f32 v52, v6;
	v49 =	vld [tilespmem:s28+$0x144B0];
	v34 =	vadd.f32 v40, v44  }
0x41e: {  	v23 =	vadd.f32 v28, v23;
	v40 =	vadd.f32 $0.0e+00, v45;
	v39 =	vmul.f32 v39, v11;
	v44 =	vld [tilespmem:s28+$0x128E0];
	[tilespmem:s28+$0x19480] =	vst v38  }
0x41f: {  	v24 =	vmul.f32 v24, v3;
	v38 =	vadd.f32 $0.0e+00, v46;
	v28 =	vld [tilespmem:s28+$0x124D0];
	v45 =	vmul.f32 v48, v3;
	[tilespmem:s28+$0x194A0] =	vst v34  }
0x420: {  	v26 =	vadd.f32 v26, v30;
	v34 =	vadd.f32 $0.0e+00, v39;
	v39 =	vmul.f32 v47, v11;
	v46 =	vld [tilespmem:s28+$0x154C0]  }
0x421: {  	v36 =	vadd.f32 v36, v40;
	v37 =	vadd.f32 v37, v38;
	v30 =	vmul.f32 v41, v11;
	v41 =	vld [tilespmem:s28+$0x128C0];
	[tilespmem:s28+$0x19880] =	vst v23  }
0x422: {  	v29 =	vadd.f32 v43, v29;
	v23 =	vadd.f32 $0.0e+00, v39;
	v38 =	vld [tilespmem:s28+$0x128F0];
	v39 =	vmul.f32 v49, v3;
	[tilespmem:s28+$0x198D0] =	vst v26  }
0x423: {  	v24 =	vadd.f32 v24, v37;
	v26 =	vadd.f32 $0.0e+00, v30;
	v30 =	vmul.f32 v44, v11;
	v37 =	vld [tilespmem:s28+$0x15490]  }
0x424: {  	v28 =	vmul.f32 v28, v11;
	v22 =	vadd.f32 v22, v23;
	v23 =	vadd.f32 v39, v36;
	v36 =	vld [tilespmem:s28+$0x154B0]  }
0x425: {  	v20 =	vmul.f32 v20, v3;
	v29 =	vadd.f32 v45, v29;
	v34 =	vadd.f32 v42, v34  }
0x426: {  	v24 =	vadd.f32 v33, v24;
	v30 =	vadd.f32 $0.0e+00, v30;
	v39 =	vmul.f32 v41, v11  }
0x427: {  	v20 =	vadd.f32 v20, v34;
	v33 =	vmul.f32 v46, v4;
	v28 =	vadd.f32 $0.0e+00, v28  }
0x428: {  	v11 =	vmul.f32 v38, v11;
	v21 =	vadd.f32 v21, v30;
	v34 =	vadd.f32 $0.0e+00, v39;
	[tilespmem:s28+$0x194F0] =	vst v24  }
0x429: {  	v20 =	vadd.f32 v33, v20;
	v24 =	vadd.f32 v51, v28;
	v28 =	vmul.f32 v37, v4  }
0x42a: {  	v14 =	vmul.f32 v14, v6;
	v11 =	vadd.f32 $0.0e+00, v11;
	v19 =	vadd.f32 v19, v21  }
0x42b: {  	v21 =	vadd.f32 v32, v24;
	v24 =	vadd.f32 v28, v29;
	v28 =	vmul.f32 v36, v4;
	[tilespmem:s28+$0x194C0] =	vst v20  }
0x42c: {  	v9 =	vmul.f32 v9, v3;
	v17 =	vadd.f32 v17, v26;
	v18 =	vadd.f32 v18, v19  }
0x42d: {  	v7 =	vmul.f32 v7, v3;
	v14 =	vadd.f32 v14, v34;
	v19 =	vadd.f32 v28, v23  }
0x42e: {  	v6 =	vmul.f32 v13, v6;
	v13 =	vadd.f32 v31, v35;
	v9 =	vadd.f32 v9, v17;
	[tilespmem:s28+$0x19490] =	vst v24  }
0x42f: {  	v4 =	vmul.f32 v10, v4;
	v14 =	vadd.f32 v16, v14;
	v16 =	vadd.f32 v27, v21;
	[tilespmem:s28+$0x194B0] =	vst v19  }
0x430: {  	v3 =	vmul.f32 v5, v3;
	v5 =	vadd.f32 v25, v13;
	v6 =	vadd.f32 v6, v11;
	[tilespmem:s28+$0x198E0] =	vst v18  }
0x431: {  	v4 =	vadd.f32 v4, v9;
	v9 =	vadd.f32 v15, v14  }
0x432: {  	v3 =	vadd.f32 v3, v22;
	v6 =	vadd.f32 v7, v6;
	[tilespmem:s28+$0x194E0] =	vst v5  }
0x433: {  	[tilespmem:s28+$0x194D0] =	vst v16  }
0x434: {  	v3 =	vadd.f32 v12, v3;
	v5 =	vadd.f32 v8, v6;
	[tilespmem:s28+$0x198A0] =	vst v4  }
0x435: {  	[tilespmem:s28+$0x198C0] =	vst v9  }
0x436: {  	[tilespmem:s28+$0x19890] =	vst v3  }
0x437: {  	[tilespmem:s28+$0x198F0] =	vst v5;
	_ =	sdelay $0x1  }
0x438: {  	v11 =	vld.msk [tilespmem:s23+$0xFFFFE800 ss:$0x0], $0xffff  }
0x439: {  	s10 =	sand.u32 $0xFFFFF800, s20;
	v3 =	vld.msk [tilespmem:s23+$0x0 ss:$0x0], $0xffff  }
0x43a: {  	s10 =	sadd.s32 s10, s29;
	v4 =	vld.msk [tilespmem:s23+$0xC00 ss:$0x0], $0xffff  }
0x43b: {  	s13 =	sor.u32 $0x2400, s10;
	v6 =	vld.msk [tilespmem:s23+$0xFFFFF400 ss:$0x0], $0xffff  }
0x43c: {  	v7 =	vld [tilespmem:s13+$0x124F0]  }
0x43d: {  	v5 =	vld [tilespmem:s13+$0x12490]  }
0x43e: {  	v9 =	vld [tilespmem:s13+$0x124A0]  }
0x43f: {  	v15 =	vld [tilespmem:s13+$0x124E0]  }
0x440: {  	v30 =	vld [tilespmem:s13+$0x124D0]  }
0x441: {  	s14 =	sor.u32 $0x3400, s10;
	v23 =	vld [tilespmem:s13+$0x12480]  }
0x442: {  	s10 =	sor.u32 $0x1400, s10;
	v29 =	vld [tilespmem:s13+$0x124B0]  }
0x443: {  	v16 =	vld [tilespmem:s13+$0x124C0]  }
0x444: {  	v8 =	vld [tilespmem:s14+$0x124F0]  }
0x445: {  	v33 =	vld [tilespmem:s10+$0x124B0]  }
0x446: {  	v10 =	vld [tilespmem:s14+$0x124A0]  }
0x447: {  	v34 =	vld [tilespmem:s10+$0x124D0]  }
0x448: {  	v40 =	vld [tilespmem:s14+$0x124B0]  }
0x449: {  	v12 =	vld [tilespmem:s14+$0x12490];
	v8 =	vmul.f32 v8, v4  }
0x44a: {  	v36 =	vld [tilespmem:s10+$0x12480]  }
0x44b: {  	v26 =	vld [tilespmem:s14+$0x12480]  }
0x44c: {  	v17 =	vld [tilespmem:s10+$0x12490]  }
0x44d: {  	v13 =	vld [tilespmem:s10+$0x124F0]  }
0x44e: {  	v21 =	vld [tilespmem:s10+$0x124E0];
	v12 =	vmul.f32 v12, v4  }
0x44f: {  	v18 =	vld [tilespmem:s10+$0x124A0]  }
0x450: {  	v41 =	vld [tilespmem:s14+$0x124D0]  }
0x451: {  	v14 =	vld [tilespmem:s10+$0x124C0]  }
0x452: {  	s13 =	sand.u32 $0x380, s29;
	s10 =	sand.u32 $0x800, s20;
	v28 =	vld [tilespmem:s14+$0x124C0]  }
0x453: {  	s28 =	sor.u32 s13, s10;
	v38 =	vld [tilespmem:s14+$0x124E0]  }
0x454: {  	v35 =	vld [tilespmem:s28+$0x154F0]  }
0x455: {  	v24 =	vld [tilespmem:s28+$0x144F0]  }
0x456: {  	v27 =	vld [tilespmem:s28+$0x134D0]  }
0x457: {  	v22 =	vmul.f32 v17, v6;
	v17 =	vmul.f32 v18, v6;
	v25 =	vld [tilespmem:s28+$0x154E0]  }
0x458: {  	v31 =	vld [tilespmem:s28+$0x144E0]  }
0x459: {  	v20 =	vld [tilespmem:s28+$0x144C0]  }
0x45a: {  	v32 =	vld [tilespmem:s28+$0x144D0]  }
0x45b: {  	v39 =	vld [tilespmem:s28+$0x12880]  }
0x45c: {  	v42 =	vld [tilespmem:s28+$0x134C0]  }
0x45d: {  	v16 =	vmul.f32 v16, v3;
	v37 =	vld [tilespmem:s28+$0x134F0]  }
.Ltmp16:
0x45e: {  	v19 =	vmul.f32 v15, v3;
	v18 =	vmul.f32 v38, v4;
	v45 =	vld [tilespmem:s28+$0x128B0];
	(pc) =	sbr.rel @p1 .LBB2_29-.Ltmp16, $4  }
0x45f: {  	v21 =	vmul.f32 v21, v6;
	v15 =	vmul.f32 v28, v4;
	v38 =	vld [tilespmem:s28+$0x128D0]  }
0x460: {  	v28 =	vmul.f32 v26, v4;
	v26 =	vmul.f32 v41, v4;
	v43 =	vld [tilespmem:s28+$0x124E0]  }
0x461: {  	v40 =	vmul.f32 v40, v4;
	v36 =	vmul.f32 v36, v6;
	v44 =	vld [tilespmem:s28+$0x124A0]  }
0x462: {  	v30 =	vmul.f32 v30, v3;
	v34 =	vmul.f32 v34, v6;
	v41 =	vld [tilespmem:s28+$0x134E0]  }
0x463: {  	v45 =	vmul.f32 v45, v11;
	v33 =	vmul.f32 v33, v6  }
0x464: {  	v32 =	vmul.f32 v32, v3;
	v29 =	vmul.f32 v29, v3  }
0x465: {  	v42 =	vmul.f32 v42, v6;
	v31 =	vmul.f32 v31, v3  }
0x466: {  	v47 =	vld [tilespmem:s28+$0x134A0];
	v35 =	vmul.f32 v35, v4;
	v39 =	vmul.f32 v39, v11  }
0x467: {  	v48 =	vld [tilespmem:s28+$0x12480];
	v37 =	vmul.f32 v37, v6;
	v23 =	vmul.f32 v23, v3  }
0x468: {  	v50 =	vld [tilespmem:s28+$0x13480];
	v24 =	vmul.f32 v24, v3;
	v20 =	vmul.f32 v20, v3  }
0x469: {  	v51 =	vld [tilespmem:s28+$0x14480];
	v27 =	vmul.f32 v27, v6;
	v38 =	vmul.f32 v38, v11  }
0x46a: {  	v46 =	vld [tilespmem:s28+$0x124F0];
	v14 =	vmul.f32 v14, v6;
	v45 =	vadd.f32 $0.0e+00, v45;
	v43 =	vmul.f32 v43, v11  }
0x46b: {  	v62 =	vld [tilespmem:s28+$0x124C0];
	v9 =	vmul.f32 v9, v3;
	v39 =	vadd.f32 $0.0e+00, v39;
	v38 =	vadd.f32 $0.0e+00, v38  }
0x46c: {  	v63 =	vld [tilespmem:s28+$0x144A0];
	v44 =	vmul.f32 v44, v11;
	v33 =	vadd.f32 v33, v45;
	v58 =	vadd.f32 $0.0e+00, v43  }
0x46d: {  	v52 =	vld [tilespmem:s28+$0x12490];
	v36 =	vadd.f32 v36, v39;
	v47 =	vmul.f32 v47, v6;
	v48 =	vmul.f32 v11, v48  }
0x46e: {  	v44 =	vadd.f32 $0.0e+00, v44;
	v57 =	vmul.f32 v6, v50;
	v61 =	vmul.f32 v3, v51  }
0x46f: {  	v53 =	vld [tilespmem:s28+$0x124B0];
	v46 =	vmul.f32 v46, v11;
	v34 =	vadd.f32 v34, v38;
	v29 =	vadd.f32 v29, v33  }
0x470: {  	v60 =	vld [tilespmem:s28+$0x134B0];
	v62 =	vmul.f32 v62, v11;
	v23 =	vadd.f32 v23, v36;
	v44 =	vadd.f32 v47, v44  }
0x471: {  	v50 =	vld [tilespmem:s28+$0x13490];
	v45 =	vmul.f32 v63, v3;
	v56 =	vadd.f32 $0.0e+00, v48;
	v30 =	vadd.f32 v30, v34  }
0x472: {  	v63 =	vmul.f32 v52, v11;
	v33 =	vld [tilespmem:s28+$0x15480];
	v51 =	vadd.f32 $0.0e+00, v46;
	v52 =	vadd.f32 $0.0e+00, v62  }
0x473: {  	v5 =	vmul.f32 v5, v3;
	v36 =	vld [tilespmem:s28+$0x128E0];
	v29 =	vadd.f32 v40, v29;
	v23 =	vadd.f32 v28, v23  }
0x474: {  	v41 =	vmul.f32 v41, v6;
	v48 =	vld [tilespmem:s28+$0x12890];
	v59 =	vadd.f32 v57, v56;
	v44 =	vadd.f32 v45, v44  }
0x475: {  	v47 =	vmul.f32 v60, v6;
	v40 =	vld [tilespmem:s28+$0x154A0];
	v26 =	vadd.f32 v26, v30;
	v37 =	vadd.f32 v37, v51  }
0x476: {  	v56 =	vmul.f32 v53, v11;
	v57 =	vld [tilespmem:s28+$0x128A0];
	v42 =	vadd.f32 v42, v52;
	[tilespmem:s28+$0x198B0] =	vst v29;
	v29 =	vadd.f32 v41, v58  }
0x477: {  	v41 =	vld [tilespmem:s28+$0x14490];
	v50 =	vmul.f32 v50, v6;
	v43 =	vadd.f32 v61, v59;
	v33 =	vmul.f32 v4, v33  }
0x478: {  	v54 =	vld [tilespmem:s28+$0x154C0];
	v59 =	vadd.f32 $0.0e+00, v63;
	v61 =	vadd.f32 $0.0e+00, v56;
	v36 =	vmul.f32 v36, v11  }
0x479: {  	v63 =	vld [tilespmem:s28+$0x124D0];
	v24 =	vadd.f32 v24, v37;
	v20 =	vadd.f32 v20, v42;
	v53 =	vmul.f32 v48, v11  }
0x47a: {  	v56 =	vld [tilespmem:s28+$0x128C0];
	v33 =	vadd.f32 v33, v43;
	v58 =	vmul.f32 v40, v4;
	v36 =	vadd.f32 $0.0e+00, v36  }
0x47b: {  	v24 =	vadd.f32 v35, v24;
	v55 =	vmul.f32 v57, v11;
	v57 =	vadd.f32 $0.0e+00, v53  }
0x47c: {  	v49 =	vld [tilespmem:s28+$0x154D0];
	v60 =	vadd.f32 v58, v44;
	[tilespmem:s28+$0x19480] =	vst v33;
	v41 =	vmul.f32 v41, v3;
	v33 =	vadd.f32 v47, v61  }
0x47d: {  	v40 =	vld [tilespmem:s28+$0x144B0];
	v58 =	vadd.f32 v50, v59;
	v47 =	vmul.f32 v54, v4;
	v21 =	vadd.f32 v21, v36  }
0x47e: {  	v46 =	vld [tilespmem:s28+$0x154B0];
	v30 =	vadd.f32 $0.0e+00, v55;
	v61 =	vmul.f32 v63, v11;
	v22 =	vadd.f32 v22, v57  }
0x47f: {  	v45 =	vmul.f32 v56, v11;
	v57 =	vadd.f32 v31, v29;
	[tilespmem:s28+$0x194A0] =	vst v60;
	v60 =	vld [tilespmem:s28+$0x128F0];
	v43 =	vadd.f32 v41, v58  }
0x480: {  	v55 =	vmul.f32 v25, v4;
	v20 =	vadd.f32 v47, v20;
	v19 =	vadd.f32 v19, v21  }
0x481: {  	[tilespmem:s28+$0x198D0] =	vst v26;
	v50 =	vmul.f32 v49, v4;
	v63 =	vld [tilespmem:s28+$0x15490];
	v26 =	vadd.f32 $0.0e+00, v61;
	v37 =	vadd.f32 $0.0e+00, v45  }
0x482: {  	v59 =	vmul.f32 v40, v3;
	v17 =	vadd.f32 v17, v30;
	v61 =	vadd.f32 v55, v57  }
0x483: {  	[tilespmem:s28+$0x19880] =	vst v23;
	v54 =	vmul.f32 v46, v4;
	v5 =	vadd.f32 v5, v22;
	v18 =	vadd.f32 v18, v19  }
0x484: {  	[tilespmem:s28+$0x194F0] =	vst v24;
	v62 =	vadd.f32 v59, v33;
	v26 =	vadd.f32 v27, v26;
	v48 =	vmul.f32 v60, v11  }
0x485: {  	v58 =	vmul.f32 v13, v6;
	[tilespmem:s28+$0x194C0] =	vst v20;
	v14 =	vadd.f32 v14, v37;
	v9 =	vadd.f32 v9, v17  }
0x486: {  	[tilespmem:s28+$0x194E0] =	vst v61;
	v5 =	vadd.f32 v12, v5;
	v51 =	vmul.f32 v63, v4;
	v11 =	vadd.f32 $0.0e+00, v48  }
0x487: {  	v3 =	vmul.f32 v7, v3;
	[tilespmem:s28+$0x198E0] =	vst v18;
	v52 =	vadd.f32 v32, v26;
	v56 =	vadd.f32 v54, v62  }
0x488: {  	v60 =	vmul.f32 v10, v4;
	[tilespmem:s28+$0x19890] =	vst v5;
	v53 =	vadd.f32 v51, v43;
	v6 =	vadd.f32 v58, v11  }
0x489: {  	v59 =	vadd.f32 v16, v14;
	[tilespmem:s28+$0x194B0] =	vst v56;
	v62 =	vadd.f32 v50, v52  }
0x48a: {  	s1 =	sshll.u32 s26, $0x9;
	s10 =	rddreg [dreg:$0x7];
	v4 =	vadd.f32 v60, v9;
	[tilespmem:s28+$0x19490] =	vst v53;
	v3 =	vadd.f32 v3, v6  }
0x48b: {  	s1 =	sor.u32 s10, s1;
	v63 =	vadd.f32 v15, v59;
	[tilespmem:s28+$0x194D0] =	vst v62  }
0x48c: {  	p1 =	sgt.u32 s1, $0x17ECF;
	[tilespmem:s28+$0x198A0] =	vst v4;
	v3 =	vadd.f32 v8, v3  }
0x48d: {  	s25 =	sadd.s32 $0x1, s25;
	s1 =	sshll.u32 @!p1 s1, $0x5;
	[tilespmem:s28+$0x198C0] =	vst v63  }
0x48e: {  	s10 =	simm.s32 @!p1 $0x0;
	s13 =	simm.s32 @!p1 $0x19480;
	s1 =	sadd.s32 @!p1 s2, s1;
	[tilespmem:s28+$0x198F0] =	vst v3  }
0x48f: {  	[hbm4b:s1+s10] =	stream.linear.scatter @!p1 [tilespmem:s13], [sflag:$0x8], $0x1000, $0x38;
	[tilespmem:$0x1A480] =	vst v63  }
0x490: {  	p1 =	sne.s32 s25, $0x30  }
.Ltmp17:
0x491: {  	_ = 	snop;
	(pc) =	sbr.rel @p1 .LBB2_10-.Ltmp17, $3  }
0x492: {  	_ =	sdelay $0x1  }
0x493: {  	s22 =	sadd.s32 $0x40, s22  }
0x494: {  	s17 =	sadd.s32 $0x40, s17;
	s16 =	sadd.s32 $0x40, s16;
	s24 =	sadd.s32 $0x40, s24  }
0x495: {  	s1 =	simm.s32 $0x5  }
0x496: {  	_ =	swait.ge [sflag:s1], $0x1000  }
0x497: {  	[sflag:s1] =	ssyncset.done $0x0  }
0x498: {  	[sflag:s1] =	ssyncadd.s32 $0xFFFFF000  }
0x499: {  	_ =	swait.ge [sflag:s19], $0x1000  }
0x49a: {  	[sflag:s19] =	ssyncset.done $0x0  }
0x49b: {  	[sflag:s19] =	ssyncadd.s32 $0xFFFFF000  }
0x49c: {  	_ =	swait.ge [sflag:s8], $0x1000  }
0x49d: {  	[sflag:s8] =	ssyncset.done $0x0  }
0x49e: {  	s1 =	simm.s32 @!p0 $0x8;
	[sflag:s8] =	ssyncadd.s32 $0xFFFFF000  }
0x49f: {  	_ =	swait.ge @!p0 [sflag:s1], $0x1000  }
0x4a0: {  	s14 =	rddreg [dreg:$0x9]  }
0x4a1: {  	s10 =	rddreg [dreg:$0x8];
	s14 =	sadd.s32 $0x1, s14  }
0x4a2: {  	p1 =	sne.s32 s14, s10  }
.Ltmp18:
0x4a3: {  	_ = 	snop;
	(pc) =	sbr.rel @p1 .LBB2_1-.Ltmp18, $3  }
0x4a4: {  	_ =	sdelay $0x1  }
0x4a5: {  	[sflag:s1] =	ssyncset.done @!p0 $0x0  }
0x4a6: {  	s13 =	simm.s32 $0x9;
	[sflag:s1] =	ssyncadd.s32 @!p0 $0xFFFFF000  }
0x4a7: {  	_ =	sfence.sel $0x180000  }
0x4a8: {  	[bflag:$0x0] =	sbarrier.arrive $0xFFFF  }
0x4a9: {  	_ =	strace $0x90000047  }
0x4aa: {  	s0 =	stileid.u32;
	[bflag:$0x2] =	sbarrier.arrive $0xFFFF  }
0x4ab: {  	p0 =	sne.s32 s0, $0x0;
	s0 =	rddreg [dreg:$0x2]  }
0x4ac: {  	s0 =	sadd.s32 @!p0 $0x100000, s0  }
0x4ad: {  	[sflag:s0] =	ssyncadd.tile.s32 @!p0 $0x1;
	_ =	shalt  }
.Lfunc_end2:
_tile_overlayer_lowered:
.L_overlay_start_2:
0x4ae: {  	(tag) =	ssettag $0x2  }
0x4af: {  	s0 =	rddreg [dreg:$0x0];
	s2 =	stileid.u32  }
0x4b0: {  	s1 =	rddreg [dreg:$0x1];
	p0 =	sne.s32 s2, $0x0  }
0x4b1: {  	s3 =	rddreg [dreg:$0x2];
	[bflag:$0x3] =	sbarrier.arrive $0xFFFF;
	s2 =	simm.s32 @!p0 $0x1C09  }
0x4b2: {  	[timem:s3], [sflag:s2] =	dma.local @!p0 [hbm:s0], s1  }
0x4b3: {  	s0 =	simm.s32 @!p0 $0x9  }
0x4b4: {  	_ =	swait.ge @!p0 [sflag:s0], s1  }
0x4b5: {  	s1 =	ssub.s32 @!p0 $0x0, s1;
	[sflag:s0] =	ssyncset.done @!p0 $0x0  }
0x4b6: {  	[sflag:s0] =	ssyncadd.s32 @!p0 s1  }
0x4b7: {  	[bflag:$0x3] =	sbarrier.arrive $0xFFFF  }
0x4b8: {  	_ =	shalt  }

</sc_bundles>
